<compile_context>
chip_gen: v7x
topology: tpu7x:2x2x1
jax: 0.10.2.dev20260603
libtpu: 0.0.44.dev20260713+nightly
codegen_flags: <defaults>
</compile_context>

<pallas_src>
import functools

import numpy as np
import jax
import jax.numpy as jnp
from jax import lax
from jax.experimental import pallas as pl
from jax.experimental.pallas import tpu as pltpu
from jax.experimental.pallas import tpu_sc as plsc

_POS_DIM = 3
_NR_LEVELS = 16
_NR_FEAT = 2
_LOG2_HASH = 19
_CAPACITY = 2 ** _LOG2_HASH
_N_POINTS = 262144
_SCALES = np.geomspace(1.0, 1e-4, num=_NR_LEVELS).astype(np.float32)

_NC, _NS = 2, 16
_NW = _NC * _NS
_NPT = _N_POINTS // _NW
_C = 1024
_NCHUNK = _NPT // _C
_NSUB = 4
_SUBC = _C // _NSUB
_NGS = _SUBC // 16
_STRIPE = _CAPACITY // _NS

_P1 = np.int32(np.uint32(2654435761))
_P2 = np.int32(805459861)


def _f(v):
    return jnp.full((16,), v, jnp.float32)


def _i(v):
    return jnp.full((16,), v, jnp.int32)


def _bc(s):
    return jnp.broadcast_to(s, (16,))


def _sc_body(px, py, pz, feats, af_hbm, bf_hbm, out_hbm,
             x_v, y_v, z_v, af_v, bf_v,
             idx_0, idx_1, idx_2, idx_3,
             bary_0, bary_1, bary_2, bary_3,
             rows_0, rows_1, rows_2, rows_3,
             f0_v, f1_v, slab, sem_0, sem_1, sem_2, sem_3):
    idx_b = (idx_0, idx_1, idx_2, idx_3)
    bary_b = (bary_0, bary_1, bary_2, bary_3)
    rows_b = (rows_0, rows_1, rows_2, rows_3)
    sem_b = (sem_0, sem_1, sem_2, sem_3)
    cid = lax.axis_index("c")
    sid = lax.axis_index("s")
    wid = sid * _NC + cid
    pbase = wid * _NPT

    pltpu.sync_copy(af_hbm, af_v)
    pltpu.sync_copy(bf_hbm, bf_v)
    pltpu.sync_copy(px.at[pl.ds(pbase, _NPT)], x_v)
    pltpu.sync_copy(py.at[pl.ds(pbase, _NPT)], y_v)
    pltpu.sync_copy(pz.at[pl.ds(pbase, _NPT)], z_v)

    ZERO, ONE, QUARTER, FOUR = _f(0.0), _f(1.0), _f(0.25), _f(4.0)
    TWO = _f(2.0)
    IZERO, IONE = _i(0), _i(1)
    ISH16 = _i(16)
    IMASKHI = _i(np.int32(np.uint32(0xFFFF0000)))
    I3, I4, IM4 = _i(3), _i(4), _i(-4)
    MASK = _i(_CAPACITY - 1)
    P1V, P2V = _i(_P1), _i(_P2)
    lane = lax.iota(jnp.int32, 16)

    def level_body(l, carry):
        s0 = l * _CAPACITY + sid * _STRIPE
        d0 = sid * _STRIPE
        pltpu.sync_copy(feats.at[pl.ds(s0, _STRIPE)], slab.at[pl.ds(d0, _STRIPE)])
        plsc.subcore_barrier()

        lvec = _bc(l)
        a0 = plsc.load_gather(af_v, [lvec])
        a1 = plsc.load_gather(af_v, [lvec + _i(16)])
        a2 = plsc.load_gather(af_v, [lvec + _i(32)])
        b0 = plsc.load_gather(bf_v, [lvec])
        b1 = plsc.load_gather(bf_v, [lvec + _i(16)])
        b2 = plsc.load_gather(bf_v, [lvec + _i(32)])

        def grp_pass(cbase, sub):
            idx_v, bary_v = idx_b[sub], bary_b[sub]
            sbase = cbase + sub * _SUBC

            @plsc.parallel_loop(0, _NGS, 1, unroll=2)
            def grp_body(i):
                o = i * 16
                x = x_v[pl.ds(sbase + o, 16)]
                y = y_v[pl.ds(sbase + o, 16)]
                z = z_v[pl.ds(sbase + o, 16)]
                cf0 = x * a0 + b0
                cf1 = y * a1 + b1
                cf2 = z * a2 + b2
                e = [cf0 + cf1 + cf2,
                     cf1 + cf2 - cf0,
                     cf2 - (cf1 + cf1),
                     -(cf2 + cf2 + cf2)]
                rem0 = []
                for j in range(4):
                    v = e[j] * QUARTER
                    tf = v.astype(jnp.int32).astype(jnp.float32)
                    fl = tf - jnp.where(tf > v, ONE, ZERO)
                    down = fl * FOUR
                    rem0.append(down + jnp.where(e[j] - down > TWO, FOUR, ZERO))
                sum_i = ((rem0[0] + rem0[1] + rem0[2] + rem0[3])
                         * QUARTER).astype(jnp.int32)
                d0_ = [e[j] - rem0[j] for j in range(4)]
                rank = [sum_i, sum_i, sum_i, sum_i]
                for a in range(4):
                    for b in range(a + 1, 4):
                        less = d0_[a] < d0_[b]
                        rank[a] = rank[a] + jnp.where(less, IONE, IZERO)
                        rank[b] = rank[b] + jnp.where(less, IZERO, IONE)
                rem0i = [rem0[j].astype(jnp.int32) for j in range(4)]
                for j in range(4):
                    adj = jnp.where(rank[j] < 0, I4,
                                    jnp.where(rank[j] > I3, IM4, IZERO))
                    rank[j] = rank[j] + adj
                    rem0i[j] = rem0i[j] + adj
                delta = [(e[j] - rem0i[j].astype(jnp.float32)) * QUARTER
                         for j in range(4)]
                s = []
                for c in range(4):
                    cc = _i(c)
                    acc = jnp.where(rank[0] == cc, delta[0], ZERO)
                    for j in range(1, 4):
                        acc = acc + jnp.where(rank[j] == cc, delta[j], ZERO)
                    s.append(acc)
                bary = [ONE + s[3] - s[0], s[2] - s[3], s[1] - s[2],
                        s[0] - s[1]]
                for rem in range(4):
                    if rem == 0:
                        k0, k1, k2 = rem0i[0], rem0i[1], rem0i[2]
                    else:
                        thr = _i(3 - rem)
                        radd, rsub = _i(rem), _i(rem - 4)
                        k0 = rem0i[0] + jnp.where(rank[0] > thr, rsub, radd)
                        k1 = rem0i[1] + jnp.where(rank[1] > thr, rsub, radd)
                        k2 = rem0i[2] + jnp.where(rank[2] > thr, rsub, radd)
                    h = (k0 ^ (k1 * P1V) ^ (k2 * P2V)) & MASK
                    idx_v[pl.ds(rem * _SUBC + o, 16)] = h
                    bary_v[pl.ds(rem * _SUBC + o, 16)] = bary[rem]

        def acc_pass(sub):
            bary_v, rows_v = bary_b[sub], rows_b[sub]

            @plsc.parallel_loop(0, _NGS, 1, unroll=2)
            def acc_body(i):
                o = i * 16
                out0 = ZERO
                out1 = ZERO
                for rem in range(4):
                    w = bary_v[pl.ds(rem * _SUBC + o, 16)]
                    v = rows_v[pl.ds(rem * _SUBC + o, 16)]
                    f0 = plsc.bitcast(jnp.left_shift(v, ISH16), jnp.float32)
                    f1 = plsc.bitcast(v & IMASKHI, jnp.float32)
                    out0 = out0 + w * f0
                    out1 = out1 + w * f1
                f0_v[pl.ds(sub * _SUBC + o, 16)] = out0
                f1_v[pl.ds(sub * _SUBC + o, 16)] = out1

        def chunk_body(ci, carry2):
            cbase = ci * _C
            handles = []
            for sub in range(_NSUB):
                grp_pass(cbase, sub)
                handles.append(pltpu.async_copy(slab.at[idx_b[sub]],
                                                rows_b[sub], sem_b[sub]))
            for sub in range(_NSUB):
                handles[sub].wait()
                acc_pass(sub)

            obase = pbase + cbase
            pltpu.sync_copy(f0_v, out_hbm.at[pl.ds((2 * l) * _N_POINTS
                                                   + obase, _C)])
            pltpu.sync_copy(f1_v, out_hbm.at[pl.ds((2 * l + 1) * _N_POINTS
                                                   + obase, _C)])
            return carry2

        lax.fori_loop(0, _NCHUNK, chunk_body, 0, unroll=False)
        plsc.subcore_barrier()
        return carry

    lax.fori_loop(0, _NR_LEVELS, level_body, 0, unroll=False)


@jax.jit
def _encode(px, py, pz, feats, af, bf):
    mesh = plsc.VectorSubcoreMesh(core_axis_name="c", subcore_axis_name="s")
    fn = functools.partial(
        pl.kernel, mesh=mesh,
        compiler_params=pltpu.CompilerParams(
            needs_layout_passes=False, use_tc_tiling_on_sc=False),
        out_type=jax.ShapeDtypeStruct((32 * _N_POINTS,), jnp.float32),
        scratch_types=[
            pltpu.VMEM((_NPT,), jnp.float32),
            pltpu.VMEM((_NPT,), jnp.float32),
            pltpu.VMEM((_NPT,), jnp.float32),
            pltpu.VMEM((_POS_DIM * _NR_LEVELS,), jnp.float32),
            pltpu.VMEM((_POS_DIM * _NR_LEVELS,), jnp.float32),
            pltpu.VMEM((4 * _SUBC,), jnp.int32),
            pltpu.VMEM((4 * _SUBC,), jnp.int32),
            pltpu.VMEM((4 * _SUBC,), jnp.int32),
            pltpu.VMEM((4 * _SUBC,), jnp.int32),
            pltpu.VMEM((4 * _SUBC,), jnp.float32),
            pltpu.VMEM((4 * _SUBC,), jnp.float32),
            pltpu.VMEM((4 * _SUBC,), jnp.float32),
            pltpu.VMEM((4 * _SUBC,), jnp.float32),
            pltpu.VMEM((4 * _SUBC,), jnp.int32),
            pltpu.VMEM((4 * _SUBC,), jnp.int32),
            pltpu.VMEM((4 * _SUBC,), jnp.int32),
            pltpu.VMEM((4 * _SUBC,), jnp.int32),
            pltpu.VMEM((_C,), jnp.float32),
            pltpu.VMEM((_C,), jnp.float32),
            pltpu.VMEM_SHARED((_CAPACITY,), jnp.int32),
            pltpu.SemaphoreType.DMA,
            pltpu.SemaphoreType.DMA,
            pltpu.SemaphoreType.DMA,
            pltpu.SemaphoreType.DMA,
        ],
    )(_sc_body)
    return fn(px, py, pz, feats, af, bf)


def kernel(points, features, random_shift):
    sf = (1.0 / np.sqrt((np.arange(_POS_DIM) + 1.0)
                        * (np.arange(_POS_DIM) + 2.0))).astype(np.float32)
    af = jnp.asarray((sf[None, :] / _SCALES[:, None]).T.reshape(-1),
                     dtype=jnp.float32)
    bf = (random_shift * sf[None, :]).astype(jnp.float32).T.reshape(-1)
    px = points[:, 0]
    py = points[:, 1]
    pz = points[:, 2]
    f0b = jax.lax.bitcast_convert_type(
        features[:, :, 0].reshape(-1).astype(jnp.bfloat16), jnp.uint16)
    f1b = jax.lax.bitcast_convert_type(
        features[:, :, 1].reshape(-1).astype(jnp.bfloat16), jnp.uint16)
    feats = jax.lax.bitcast_convert_type(
        f0b.astype(jnp.uint32) | (f1b.astype(jnp.uint32) << 16), jnp.int32)
    out = _encode(px, py, pz, feats, af, bf)
    return out.reshape(32, _N_POINTS).T

# --- scband reference (transcript-rebuilt; emitter-appended) ---
"""Pipeline reference for scband-permutohedral-encoding-18605798326297 (READ-ONLY COPY).

The authoritative reference and input builder live on the scoring server;
editing this copy changes nothing except your own understanding.
"""

import jax, jax.numpy as jnp
import numpy as np

POS_DIM = 3
NR_LEVELS = 16
NR_FEAT = 2
LOG2_HASH = 19
CAPACITY = 2 ** LOG2_HASH
N_POINTS = 262144
SCALES = np.geomspace(1.0, 1e-4, num=NR_LEVELS).astype(np.float32)
PRIMES = np.array([1, 2654435761, 805459861], dtype=np.int64).astype(np.int32)


def setup_inputs(seed: int = 0):
    key = jax.random.key(seed)
    k1, k2, k3 = jax.random.split(key, 3)
    points = jax.random.uniform(k1, (N_POINTS, POS_DIM), dtype=jnp.float32)
    features = jax.random.uniform(k2, (NR_LEVELS, CAPACITY, NR_FEAT), minval=-1e-5, maxval=1e-5, dtype=jnp.float32)
    random_shift = jax.random.normal(k3, (NR_LEVELS, POS_DIM), dtype=jnp.float32) * 10.0
    return {"points": points, "features": features, "random_shift": random_shift}


def _encode_level(points, feats_l, shift_l, scale):
    d = POS_DIM
    dp1 = d + 1
    # scale positions to this level's lattice resolution, apply per-level random shift
    pos = points / scale + shift_l[None, :]
    # elevate into the hyperplane H_d in R^{d+1} (permutohedral lattice embedding)
    sf = (1.0 / np.sqrt((np.arange(d) + 1.0) * (np.arange(d) + 2.0))).astype(np.float32)
    cf = pos * sf[None, :]  # [N, d]
    csum = jnp.cumsum(cf[:, ::-1], axis=1)[:, ::-1]  # csum[:, j] = sum_{k>=j} cf[:, k]
    csum_shift = jnp.concatenate([csum[:, 1:], jnp.zeros((cf.shape[0], 1), cf.dtype)], axis=1)
    i_arr = jnp.arange(1, dp1, dtype=cf.dtype)
    elev_rest = csum_shift - i_arr[None, :] * cf
    elevated = jnp.concatenate([csum[:, :1], elev_rest], axis=1)  # [N, d+1]
    # round to nearest zero-colored lattice point
    v = elevated / dp1
    up = jnp.ceil(v) * dp1
    down = jnp.floor(v) * dp1
    rem0 = jnp.where(up - elevated < elevated - down, up, down)  # [N, d+1]
    sum_i = jnp.round(jnp.sum(rem0, axis=1) / dp1).astype(jnp.int32)  # [N]
    # rank of each coordinate (pairwise comparisons, ties broken by index)
    delta0 = elevated - rem0
    di = delta0[:, :, None]
    dj = delta0[:, None, :]
    idx = jnp.arange(dp1)
    i_lt_j = (idx[:, None] < idx[None, :])[None, :, :]
    less = di < dj
    rank = (jnp.sum((i_lt_j & less).astype(jnp.int32), axis=2)
            + jnp.sum((i_lt_j & jnp.logical_not(less)).astype(jnp.int32), axis=1))
    rank = rank + sum_i[:, None]
    lo = rank < 0
    hi = rank > d
    rem0 = jnp.where(lo, rem0 + dp1, jnp.where(hi, rem0 - dp1, rem0))
    rank = jnp.where(lo, rank + dp1, jnp.where(hi, rank - dp1, rank))
    # barycentric coordinates of the containing simplex
    delta = (elevated - rem0) / dp1  # [N, d+1]
    b1 = jax.nn.one_hot(d - rank, d + 2, dtype=delta.dtype)
    b2 = jax.nn.one_hot(d + 1 - rank, d + 2, dtype=delta.dtype)
    bary = jnp.sum((b1 - b2) * delta[:, :, None], axis=1)  # [N, d+2]
    bary = bary.at[:, 0].add(1.0 + bary[:, d + 1])
    # hash the d+1 simplex vertices and gather features
    rem0_i = rem0.astype(jnp.int32)
    primes = jnp.asarray(PRIMES)
    out = jnp.zeros((points.shape[0], NR_FEAT), dtype=feats_l.dtype)
    for rem in range(dp1):
        key_pts = rem0_i[:, :d] + rem - dp1 * (rank[:, :d] > d - rem).astype(jnp.int32)  # [N, d]
        ku = key_pts * primes[None, :]  # int32 wrap-around multiply (matches uint32 hash)
        h = ku[:, 0]
        for j in range(1, d):
            h = h ^ ku[:, j]
        h = h & (CAPACITY - 1)  # capacity is a power of two
        out = out + bary[:, rem:rem + 1] * jnp.take(feats_l, h, axis=0)
    return out


def reference(points, features, random_shift):
    outs = []
    for l in range(NR_LEVELS):
        outs.append(_encode_level(points, features[l], random_shift[l], float(SCALES[l])))
    return jnp.concatenate(outs, axis=1)  # [N, NR_LEVELS * NR_FEAT]

if __name__ == "__main__":
    import jax
    _d = setup_inputs()
    print(jax.jit(kernel)(*tuple(_d.values())))

</pallas_src>

<mosaic_0001>
#map = affine_map<(d0, d1) -> (0)>
module attributes {stable_mosaic.version = 14 : i64} {
  func.func @_sc_body(%arg0: i32, %arg1: i32, %arg2: memref<262144xf32, #tpu.memory_space<hbm>>, %arg3: memref<262144xf32, #tpu.memory_space<hbm>>, %arg4: memref<262144xf32, #tpu.memory_space<hbm>>, %arg5: memref<8388608xi32, #tpu.memory_space<hbm>>, %arg6: memref<48xf32, #tpu.memory_space<hbm>>, %arg7: memref<48xf32, #tpu.memory_space<hbm>>, %arg8: memref<8388608xf32, #tpu.memory_space<hbm>>, %arg9: memref<8192xf32, #tpu.memory_space<vmem>>, %arg10: memref<8192xf32, #tpu.memory_space<vmem>>, %arg11: memref<8192xf32, #tpu.memory_space<vmem>>, %arg12: memref<48xf32, #tpu.memory_space<vmem>>, %arg13: memref<48xf32, #tpu.memory_space<vmem>>, %arg14: memref<1024xi32, #tpu.memory_space<vmem>>, %arg15: memref<1024xi32, #tpu.memory_space<vmem>>, %arg16: memref<1024xi32, #tpu.memory_space<vmem>>, %arg17: memref<1024xi32, #tpu.memory_space<vmem>>, %arg18: memref<1024xf32, #tpu.memory_space<vmem>>, %arg19: memref<1024xf32, #tpu.memory_space<vmem>>, %arg20: memref<1024xf32, #tpu.memory_space<vmem>>, %arg21: memref<1024xf32, #tpu.memory_space<vmem>>, %arg22: memref<1024xi32, #tpu.memory_space<vmem>>, %arg23: memref<1024xi32, #tpu.memory_space<vmem>>, %arg24: memref<1024xi32, #tpu.memory_space<vmem>>, %arg25: memref<1024xi32, #tpu.memory_space<vmem>>, %arg26: memref<1024xf32, #tpu.memory_space<vmem>>, %arg27: memref<1024xf32, #tpu.memory_space<vmem>>, %arg28: memref<524288xi32, #tpu.memory_space<vmem_shared>>, %arg29: memref<!tpu.dma_semaphore, #tpu.memory_space<semaphore_mem>>, %arg30: memref<!tpu.dma_semaphore, #tpu.memory_space<semaphore_mem>>, %arg31: memref<!tpu.dma_semaphore, #tpu.memory_space<semaphore_mem>>, %arg32: memref<!tpu.dma_semaphore, #tpu.memory_space<semaphore_mem>>) attributes {dimension_semantics = [#tpu.dimension_semantics<core_parallel>, #tpu.dimension_semantics<subcore_parallel>], iteration_bounds = array<i64: 2, 16>, scalar_prefetch = 0 : i64, scratch_operands = 24 : i64, tpu.core_type = #tpu.core_type<sc_vector_subcore>, window_params = [{transform_indices = #map}, {transform_indices = #map}, {transform_indices = #map}, {transform_indices = #map}, {transform_indices = #map}, {transform_indices = #map}, {transform_indices = #map}]} {
    %mul3A = arith.constant 2 : i32
    %mul3A_0 = arith.muli %arg1, %mul3A : i32
    %add3A = arith.addi %mul3A_0, %arg0 : i32
    %mul3A_1 = arith.constant 8192 : i32
    %mul3A_2 = arith.muli %add3A, %mul3A_1 : i32
    "tpu.region"() ({
      %run_scoped3A = tpu.sem_alloc : memref<!tpu.dma_semaphore, #tpu.memory_space<semaphore_mem>>
      tpu.enqueue_dma source(%arg6 : memref<48xf32, #tpu.memory_space<hbm>>) target(%arg12 : memref<48xf32, #tpu.memory_space<vmem>>) target_semaphore(%run_scoped3A : memref<!tpu.dma_semaphore, #tpu.memory_space<semaphore_mem>>)
      tpu.wait_dma2 semaphore(%run_scoped3A : memref<!tpu.dma_semaphore, #tpu.memory_space<semaphore_mem>>) src(%arg6 : memref<48xf32, #tpu.memory_space<hbm>>) dst(%arg12 : memref<48xf32, #tpu.memory_space<vmem>>)
      tpu.yield
    }) : () -> ()
    "tpu.region"() ({
      %run_scoped3A = tpu.sem_alloc : memref<!tpu.dma_semaphore, #tpu.memory_space<semaphore_mem>>
      tpu.enqueue_dma source(%arg7 : memref<48xf32, #tpu.memory_space<hbm>>) target(%arg13 : memref<48xf32, #tpu.memory_space<vmem>>) target_semaphore(%run_scoped3A : memref<!tpu.dma_semaphore, #tpu.memory_space<semaphore_mem>>)
      tpu.wait_dma2 semaphore(%run_scoped3A : memref<!tpu.dma_semaphore, #tpu.memory_space<semaphore_mem>>) src(%arg7 : memref<48xf32, #tpu.memory_space<hbm>>) dst(%arg13 : memref<48xf32, #tpu.memory_space<vmem>>)
      tpu.yield
    }) : () -> ()
    "tpu.region"() ({
      %run_scoped3A = tpu.sem_alloc : memref<!tpu.dma_semaphore, #tpu.memory_space<semaphore_mem>>
      %dma_start3A = tpu.memref_slice %arg2[%mul3A_2] : memref<262144xf32, #tpu.memory_space<hbm>> -> memref<8192xf32, #tpu.memory_space<hbm>>
      %dma_start3A_37 = tpu.memref_slice %arg2[%mul3A_2] : memref<262144xf32, #tpu.memory_space<hbm>> -> memref<8192xf32, #tpu.memory_space<hbm>>
      tpu.enqueue_dma source(%dma_start3A_37 : memref<8192xf32, #tpu.memory_space<hbm>>) target(%arg9 : memref<8192xf32, #tpu.memory_space<vmem>>) target_semaphore(%run_scoped3A : memref<!tpu.dma_semaphore, #tpu.memory_space<semaphore_mem>>)
      %dma_wait3A = tpu.memref_slice %arg2[%mul3A_2] : memref<262144xf32, #tpu.memory_space<hbm>> -> memref<8192xf32, #tpu.memory_space<hbm>>
      %dma_wait3A_38 = tpu.memref_slice %arg2[%mul3A_2] : memref<262144xf32, #tpu.memory_space<hbm>> -> memref<8192xf32, #tpu.memory_space<hbm>>
      tpu.wait_dma2 semaphore(%run_scoped3A : memref<!tpu.dma_semaphore, #tpu.memory_space<semaphore_mem>>) src(%dma_wait3A_38 : memref<8192xf32, #tpu.memory_space<hbm>>) dst(%arg9 : memref<8192xf32, #tpu.memory_space<vmem>>)
      tpu.yield
    }) : () -> ()
    "tpu.region"() ({
      %run_scoped3A = tpu.sem_alloc : memref<!tpu.dma_semaphore, #tpu.memory_space<semaphore_mem>>
      %dma_start3A = tpu.memref_slice %arg3[%mul3A_2] : memref<262144xf32, #tpu.memory_space<hbm>> -> memref<8192xf32, #tpu.memory_space<hbm>>
      %dma_start3A_37 = tpu.memref_slice %arg3[%mul3A_2] : memref<262144xf32, #tpu.memory_space<hbm>> -> memref<8192xf32, #tpu.memory_space<hbm>>
      tpu.enqueue_dma source(%dma_start3A_37 : memref<8192xf32, #tpu.memory_space<hbm>>) target(%arg10 : memref<8192xf32, #tpu.memory_space<vmem>>) target_semaphore(%run_scoped3A : memref<!tpu.dma_semaphore, #tpu.memory_space<semaphore_mem>>)
      %dma_wait3A = tpu.memref_slice %arg3[%mul3A_2] : memref<262144xf32, #tpu.memory_space<hbm>> -> memref<8192xf32, #tpu.memory_space<hbm>>
      %dma_wait3A_38 = tpu.memref_slice %arg3[%mul3A_2] : memref<262144xf32, #tpu.memory_space<hbm>> -> memref<8192xf32, #tpu.memory_space<hbm>>
      tpu.wait_dma2 semaphore(%run_scoped3A : memref<!tpu.dma_semaphore, #tpu.memory_space<semaphore_mem>>) src(%dma_wait3A_38 : memref<8192xf32, #tpu.memory_space<hbm>>) dst(%arg10 : memref<8192xf32, #tpu.memory_space<vmem>>)
      tpu.yield
    }) : () -> ()
    "tpu.region"() ({
      %run_scoped3A = tpu.sem_alloc : memref<!tpu.dma_semaphore, #tpu.memory_space<semaphore_mem>>
      %dma_start3A = tpu.memref_slice %arg4[%mul3A_2] : memref<262144xf32, #tpu.memory_space<hbm>> -> memref<8192xf32, #tpu.memory_space<hbm>>
      %dma_start3A_37 = tpu.memref_slice %arg4[%mul3A_2] : memref<262144xf32, #tpu.memory_space<hbm>> -> memref<8192xf32, #tpu.memory_space<hbm>>
      tpu.enqueue_dma source(%dma_start3A_37 : memref<8192xf32, #tpu.memory_space<hbm>>) target(%arg11 : memref<8192xf32, #tpu.memory_space<vmem>>) target_semaphore(%run_scoped3A : memref<!tpu.dma_semaphore, #tpu.memory_space<semaphore_mem>>)
      %dma_wait3A = tpu.memref_slice %arg4[%mul3A_2] : memref<262144xf32, #tpu.memory_space<hbm>> -> memref<8192xf32, #tpu.memory_space<hbm>>
      %dma_wait3A_38 = tpu.memref_slice %arg4[%mul3A_2] : memref<262144xf32, #tpu.memory_space<hbm>> -> memref<8192xf32, #tpu.memory_space<hbm>>
      tpu.wait_dma2 semaphore(%run_scoped3A : memref<!tpu.dma_semaphore, #tpu.memory_space<semaphore_mem>>) src(%dma_wait3A_38 : memref<8192xf32, #tpu.memory_space<hbm>>) dst(%arg11 : memref<8192xf32, #tpu.memory_space<vmem>>)
      tpu.yield
    }) : () -> ()
    %broadcast_in_dim3A = arith.constant 0.000000e+00 : f32
    %broadcast_in_dim3A_3 = vector.broadcast %broadcast_in_dim3A : f32 to vector<16xf32>
    %broadcast_in_dim3A_4 = arith.constant 1.000000e+00 : f32
    %broadcast_in_dim3A_5 = vector.broadcast %broadcast_in_dim3A_4 : f32 to vector<16xf32>
    %broadcast_in_dim3A_6 = arith.constant 2.500000e-01 : f32
    %broadcast_in_dim3A_7 = vector.broadcast %broadcast_in_dim3A_6 : f32 to vector<16xf32>
    %broadcast_in_dim3A_8 = arith.constant 4.000000e+00 : f32
    %broadcast_in_dim3A_9 = vector.broadcast %broadcast_in_dim3A_8 : f32 to vector<16xf32>
    %broadcast_in_dim3A_10 = arith.constant 2.000000e+00 : f32
    %broadcast_in_dim3A_11 = vector.broadcast %broadcast_in_dim3A_10 : f32 to vector<16xf32>
    %broadcast_in_dim3A_12 = arith.constant 0 : i32
    %broadcast_in_dim3A_13 = vector.broadcast %broadcast_in_dim3A_12 : i32 to vector<16xi32>
    %broadcast_in_dim3A_14 = arith.constant 1 : i32
    %broadcast_in_dim3A_15 = vector.broadcast %broadcast_in_dim3A_14 : i32 to vector<16xi32>
    %broadcast_in_dim3A_16 = arith.constant 16 : i32
    %broadcast_in_dim3A_17 = vector.broadcast %broadcast_in_dim3A_16 : i32 to vector<16xi32>
    %broadcast_in_dim3A_18 = arith.constant -65536 : i32
    %broadcast_in_dim3A_19 = vector.broadcast %broadcast_in_dim3A_18 : i32 to vector<16xi32>
    %broadcast_in_dim3A_20 = arith.constant 3 : i32
    %broadcast_in_dim3A_21 = vector.broadcast %broadcast_in_dim3A_20 : i32 to vector<16xi32>
    %broadcast_in_dim3A_22 = arith.constant 4 : i32
    %broadcast_in_dim3A_23 = vector.broadcast %broadcast_in_dim3A_22 : i32 to vector<16xi32>
    %broadcast_in_dim3A_24 = arith.constant -4 : i32
    %broadcast_in_dim3A_25 = vector.broadcast %broadcast_in_dim3A_24 : i32 to vector<16xi32>
    %broadcast_in_dim3A_26 = arith.constant 524287 : i32
    %broadcast_in_dim3A_27 = vector.broadcast %broadcast_in_dim3A_26 : i32 to vector<16xi32>
    %broadcast_in_dim3A_28 = arith.constant -1640531535 : i32
    %broadcast_in_dim3A_29 = vector.broadcast %broadcast_in_dim3A_28 : i32 to vector<16xi32>
    %broadcast_in_dim3A_30 = arith.constant 805459861 : i32
    %broadcast_in_dim3A_31 = vector.broadcast %broadcast_in_dim3A_30 : i32 to vector<16xi32>
    %iota3A = tpu.iota {dimensions = array<i32: 0>} : vector<16xi32>
    %scan3A = arith.constant 0 : i32
    %scan3A_32 = arith.constant 0 : i32
    %scan3A_33 = arith.constant 16 : i32
    %scan3A_34 = arith.addi %scan3A_32, %scan3A_33 : i32
    %scan3A_35 = arith.constant 1 : i32
    scf.for %scan3A_37 = %scan3A_32 to %scan3A_34 step %scan3A_35  : i32 {
      %mul3A_38 = arith.constant 524288 : i32
      %mul3A_39 = arith.muli %scan3A_37, %mul3A_38 : i32
      %mul3A_40 = arith.constant 32768 : i32
      %mul3A_41 = arith.muli %arg1, %mul3A_40 : i32
      %add3A_42 = arith.addi %mul3A_39, %mul3A_41 : i32
      %mul3A_43 = arith.constant 32768 : i32
      %mul3A_44 = arith.muli %arg1, %mul3A_43 : i32
      "tpu.region"() ({
        %run_scoped3A = tpu.sem_alloc : memref<!tpu.dma_semaphore, #tpu.memory_space<semaphore_mem>>
        %dma_start3A = tpu.memref_slice %arg28[%mul3A_44] : memref<524288xi32, #tpu.memory_space<vmem_shared>> -> memref<32768xi32, #tpu.memory_space<vmem_shared>>
        %dma_start3A_70 = tpu.memref_slice %arg5[%add3A_42] : memref<8388608xi32, #tpu.memory_space<hbm>> -> memref<32768xi32, #tpu.memory_space<hbm>>
        tpu.enqueue_dma source(%dma_start3A_70 : memref<32768xi32, #tpu.memory_space<hbm>>) target(%dma_start3A : memref<32768xi32, #tpu.memory_space<vmem_shared>>) target_semaphore(%run_scoped3A : memref<!tpu.dma_semaphore, #tpu.memory_space<semaphore_mem>>)
        %dma_wait3A = tpu.memref_slice %arg28[%mul3A_44] : memref<524288xi32, #tpu.memory_space<vmem_shared>> -> memref<32768xi32, #tpu.memory_space<vmem_shared>>
        %dma_wait3A_71 = tpu.memref_slice %arg5[%add3A_42] : memref<8388608xi32, #tpu.memory_space<hbm>> -> memref<32768xi32, #tpu.memory_space<hbm>>
        tpu.wait_dma2 semaphore(%run_scoped3A : memref<!tpu.dma_semaphore, #tpu.memory_space<semaphore_mem>>) src(%dma_wait3A_71 : memref<32768xi32, #tpu.memory_space<hbm>>) dst(%dma_wait3A : memref<32768xi32, #tpu.memory_space<vmem_shared>>)
        tpu.yield
      }) : () -> ()
      %barrier3A = arith.constant 0 : index
      tpu.barrier barrier_id(%barrier3A)
      %broadcast_in_dim3A_45 = vector.broadcast %scan3A_37 : i32 to vector<16xi32>
      %gather3A = tpu.vector_load_idx %arg12[%broadcast_in_dim3A_45] : memref<48xf32, #tpu.memory_space<vmem>>[vector<16xi32>], vector<16xf32>,
      %broadcast_in_dim3A_46 = arith.constant 16 : i32
      %broadcast_in_dim3A_47 = vector.broadcast %broadcast_in_dim3A_46 : i32 to vector<16xi32>
      %add3A_48 = arith.addi %broadcast_in_dim3A_45, %broadcast_in_dim3A_47 : vector<16xi32>
      %gather3A_49 = tpu.vector_load_idx %arg12[%add3A_48] : memref<48xf32, #tpu.memory_space<vmem>>[vector<16xi32>], vector<16xf32>,
      %broadcast_in_dim3A_50 = arith.constant 32 : i32
      %broadcast_in_dim3A_51 = vector.broadcast %broadcast_in_dim3A_50 : i32 to vector<16xi32>
      %add3A_52 = arith.addi %broadcast_in_dim3A_45, %broadcast_in_dim3A_51 : vector<16xi32>
      %gather3A_53 = tpu.vector_load_idx %arg12[%add3A_52] : memref<48xf32, #tpu.memory_space<vmem>>[vector<16xi32>], vector<16xf32>,
      %gather3A_54 = tpu.vector_load_idx %arg13[%broadcast_in_dim3A_45] : memref<48xf32, #tpu.memory_space<vmem>>[vector<16xi32>], vector<16xf32>,
      %broadcast_in_dim3A_55 = arith.constant 16 : i32
      %broadcast_in_dim3A_56 = vector.broadcast %broadcast_in_dim3A_55 : i32 to vector<16xi32>
      %add3A_57 = arith.addi %broadcast_in_dim3A_45, %broadcast_in_dim3A_56 : vector<16xi32>
      %gather3A_58 = tpu.vector_load_idx %arg13[%add3A_57] : memref<48xf32, #tpu.memory_space<vmem>>[vector<16xi32>], vector<16xf32>,
      %broadcast_in_dim3A_59 = arith.constant 32 : i32
      %broadcast_in_dim3A_60 = vector.broadcast %broadcast_in_dim3A_59 : i32 to vector<16xi32>
      %add3A_61 = arith.addi %broadcast_in_dim3A_45, %broadcast_in_dim3A_60 : vector<16xi32>
      %gather3A_62 = tpu.vector_load_idx %arg13[%add3A_61] : memref<48xf32, #tpu.memory_space<vmem>>[vector<16xi32>], vector<16xf32>,
      %scan3A_63 = arith.constant 0 : i32
      %scan3A_64 = arith.constant 0 : i32
      %scan3A_65 = arith.constant 8 : i32
      %scan3A_66 = arith.addi %scan3A_64, %scan3A_65 : i32
      %scan3A_67 = arith.constant 1 : i32
      scf.for %scan3A_70 = %scan3A_64 to %scan3A_66 step %scan3A_67  : i32 {
        %mul3A_71 = arith.constant 1024 : i32
        %mul3A_72 = arith.muli %scan3A_70, %mul3A_71 : i32
        %add3A_73 = arith.constant 0 : i32
        %add3A_74 = arith.addi %mul3A_72, %add3A_73 : i32
        %parallel_loop3A = arith.constant 0 : i32
        %parallel_loop3A_75 = arith.constant 16 : i32
        %parallel_loop3A_76 = arith.constant 1 : i32
        scf.for %parallel_loop3A_131 = %parallel_loop3A to %parallel_loop3A_75 step %parallel_loop3A_76  : i32 {
          %parallel_loop3A_132 = arith.constant 16 : i32
          %parallel_loop3A_133 = arith.muli %parallel_loop3A_131, %parallel_loop3A_132 : i32
          %parallel_loop3A_134 = arith.addi %add3A_74, %parallel_loop3A_133 : i32
          %parallel_loop3A_135 = arith.index_cast %parallel_loop3A_134 : i32 to index
          %parallel_loop3A_136 = tpu.vector_load %arg9[%parallel_loop3A_135] {strides = array<i32>} : memref<8192xf32, #tpu.memory_space<vmem>>, vector<16xf32>,
          %parallel_loop3A_137 = arith.addi %add3A_74, %parallel_loop3A_133 : i32
          %parallel_loop3A_138 = arith.index_cast %parallel_loop3A_137 : i32 to index
          %parallel_loop3A_139 = tpu.vector_load %arg10[%parallel_loop3A_138] {strides = array<i32>} : memref<8192xf32, #tpu.memory_space<vmem>>, vector<16xf32>,
          %parallel_loop3A_140 = arith.addi %add3A_74, %parallel_loop3A_133 : i32
          %parallel_loop3A_141 = arith.index_cast %parallel_loop3A_140 : i32 to index
          %parallel_loop3A_142 = tpu.vector_load %arg11[%parallel_loop3A_141] {strides = array<i32>} : memref<8192xf32, #tpu.memory_space<vmem>>, vector<16xf32>,
          %parallel_loop3A_143 = arith.mulf %parallel_loop3A_136, %gather3A : vector<16xf32>
          %parallel_loop3A_144 = arith.addf %parallel_loop3A_143, %gather3A_54 : vector<16xf32>
          %parallel_loop3A_145 = arith.mulf %parallel_loop3A_139, %gather3A_49 : vector<16xf32>
          %parallel_loop3A_146 = arith.addf %parallel_loop3A_145, %gather3A_58 : vector<16xf32>
          %parallel_loop3A_147 = arith.mulf %parallel_loop3A_142, %gather3A_53 : vector<16xf32>
          %parallel_loop3A_148 = arith.addf %parallel_loop3A_147, %gather3A_62 : vector<16xf32>
          %parallel_loop3A_149 = arith.addf %parallel_loop3A_144, %parallel_loop3A_146 : vector<16xf32>
          %parallel_loop3A_150 = arith.addf %parallel_loop3A_149, %parallel_loop3A_148 : vector<16xf32>
          %parallel_loop3A_151 = arith.addf %parallel_loop3A_146, %parallel_loop3A_148 : vector<16xf32>
          %parallel_loop3A_152 = arith.subf %parallel_loop3A_151, %parallel_loop3A_144 : vector<16xf32>
          %parallel_loop3A_153 = arith.addf %parallel_loop3A_146, %parallel_loop3A_146 : vector<16xf32>
          %parallel_loop3A_154 = arith.subf %parallel_loop3A_148, %parallel_loop3A_153 : vector<16xf32>
          %parallel_loop3A_155 = arith.addf %parallel_loop3A_148, %parallel_loop3A_148 : vector<16xf32>
          %parallel_loop3A_156 = arith.addf %parallel_loop3A_155, %parallel_loop3A_148 : vector<16xf32>
          %parallel_loop3A_157 = arith.constant 0.000000e+00 : f32
          %parallel_loop3A_158 = vector.broadcast %parallel_loop3A_157 : f32 to vector<16xf32>
          %parallel_loop3A_159 = arith.subf %parallel_loop3A_158, %parallel_loop3A_156 : vector<16xf32>
          %parallel_loop3A_160 = arith.mulf %parallel_loop3A_150, %broadcast_in_dim3A_7 : vector<16xf32>
          %parallel_loop3A_161 = arith.fptosi %parallel_loop3A_160 : vector<16xf32> to vector<16xi32>
          %parallel_loop3A_162 = arith.sitofp %parallel_loop3A_161 : vector<16xi32> to vector<16xf32>
          %parallel_loop3A_163 = arith.cmpf ogt, %parallel_loop3A_162, %parallel_loop3A_160 : vector<16xf32>
          %parallel_loop3A_164 = arith.select %parallel_loop3A_163, %broadcast_in_dim3A_5, %broadcast_in_dim3A_3 : vector<16xi1>, vector<16xf32>
          %parallel_loop3A_165 = arith.subf %parallel_loop3A_162, %parallel_loop3A_164 : vector<16xf32>
          %parallel_loop3A_166 = arith.mulf %parallel_loop3A_165, %broadcast_in_dim3A_9 : vector<16xf32>
          %parallel_loop3A_167 = arith.subf %parallel_loop3A_150, %parallel_loop3A_166 : vector<16xf32>
          %parallel_loop3A_168 = arith.cmpf ogt, %parallel_loop3A_167, %broadcast_in_dim3A_11 : vector<16xf32>
          %parallel_loop3A_169 = arith.select %parallel_loop3A_168, %broadcast_in_dim3A_9, %broadcast_in_dim3A_3 : vector<16xi1>, vector<16xf32>
          %parallel_loop3A_170 = arith.addf %parallel_loop3A_166, %parallel_loop3A_169 : vector<16xf32>
          %parallel_loop3A_171 = arith.mulf %parallel_loop3A_152, %broadcast_in_dim3A_7 : vector<16xf32>
          %parallel_loop3A_172 = arith.fptosi %parallel_loop3A_171 : vector<16xf32> to vector<16xi32>
          %parallel_loop3A_173 = arith.sitofp %parallel_loop3A_172 : vector<16xi32> to vector<16xf32>
          %parallel_loop3A_174 = arith.cmpf ogt, %parallel_loop3A_173, %parallel_loop3A_171 : vector<16xf32>
          %parallel_loop3A_175 = arith.select %parallel_loop3A_174, %broadcast_in_dim3A_5, %broadcast_in_dim3A_3 : vector<16xi1>, vector<16xf32>
          %parallel_loop3A_176 = arith.subf %parallel_loop3A_173, %parallel_loop3A_175 : vector<16xf32>
          %parallel_loop3A_177 = arith.mulf %parallel_loop3A_176, %broadcast_in_dim3A_9 : vector<16xf32>
          %parallel_loop3A_178 = arith.subf %parallel_loop3A_152, %parallel_loop3A_177 : vector<16xf32>
          %parallel_loop3A_179 = arith.cmpf ogt, %parallel_loop3A_178, %broadcast_in_dim3A_11 : vector<16xf32>
          %parallel_loop3A_180 = arith.select %parallel_loop3A_179, %broadcast_in_dim3A_9, %broadcast_in_dim3A_3 : vector<16xi1>, vector<16xf32>
          %parallel_loop3A_181 = arith.addf %parallel_loop3A_177, %parallel_loop3A_180 : vector<16xf32>
          %parallel_loop3A_182 = arith.mulf %parallel_loop3A_154, %broadcast_in_dim3A_7 : vector<16xf32>
          %parallel_loop3A_183 = arith.fptosi %parallel_loop3A_182 : vector<16xf32> to vector<16xi32>
          %parallel_loop3A_184 = arith.sitofp %parallel_loop3A_183 : vector<16xi32> to vector<16xf32>
          %parallel_loop3A_185 = arith.cmpf ogt, %parallel_loop3A_184, %parallel_loop3A_182 : vector<16xf32>
          %parallel_loop3A_186 = arith.select %parallel_loop3A_185, %broadcast_in_dim3A_5, %broadcast_in_dim3A_3 : vector<16xi1>, vector<16xf32>
          %parallel_loop3A_187 = arith.subf %parallel_loop3A_184, %parallel_loop3A_186 : vector<16xf32>
          %parallel_loop3A_188 = arith.mulf %parallel_loop3A_187, %broadcast_in_dim3A_9 : vector<16xf32>
          %parallel_loop3A_189 = arith.subf %parallel_loop3A_154, %parallel_loop3A_188 : vector<16xf32>
          %parallel_loop3A_190 = arith.cmpf ogt, %parallel_loop3A_189, %broadcast_in_dim3A_11 : vector<16xf32>
          %parallel_loop3A_191 = arith.select %parallel_loop3A_190, %broadcast_in_dim3A_9, %broadcast_in_dim3A_3 : vector<16xi1>, vector<16xf32>
          %parallel_loop3A_192 = arith.addf %parallel_loop3A_188, %parallel_loop3A_191 : vector<16xf32>
          %parallel_loop3A_193 = arith.mulf %parallel_loop3A_159, %broadcast_in_dim3A_7 : vector<16xf32>
          %parallel_loop3A_194 = arith.fptosi %parallel_loop3A_193 : vector<16xf32> to vector<16xi32>
          %parallel_loop3A_195 = arith.sitofp %parallel_loop3A_194 : vector<16xi32> to vector<16xf32>
          %parallel_loop3A_196 = arith.cmpf ogt, %parallel_loop3A_195, %parallel_loop3A_193 : vector<16xf32>
          %parallel_loop3A_197 = arith.select %parallel_loop3A_196, %broadcast_in_dim3A_5, %broadcast_in_dim3A_3 : vector<16xi1>, vector<16xf32>
          %parallel_loop3A_198 = arith.subf %parallel_loop3A_195, %parallel_loop3A_197 : vector<16xf32>
          %parallel_loop3A_199 = arith.mulf %parallel_loop3A_198, %broadcast_in_dim3A_9 : vector<16xf32>
          %parallel_loop3A_200 = arith.subf %parallel_loop3A_159, %parallel_loop3A_199 : vector<16xf32>
          %parallel_loop3A_201 = arith.cmpf ogt, %parallel_loop3A_200, %broadcast_in_dim3A_11 : vector<16xf32>
          %parallel_loop3A_202 = arith.select %parallel_loop3A_201, %broadcast_in_dim3A_9, %broadcast_in_dim3A_3 : vector<16xi1>, vector<16xf32>
          %parallel_loop3A_203 = arith.addf %parallel_loop3A_199, %parallel_loop3A_202 : vector<16xf32>
          %parallel_loop3A_204 = arith.addf %parallel_loop3A_170, %parallel_loop3A_181 : vector<16xf32>
          %parallel_loop3A_205 = arith.addf %parallel_loop3A_204, %parallel_loop3A_192 : vector<16xf32>
          %parallel_loop3A_206 = arith.addf %parallel_loop3A_205, %parallel_loop3A_203 : vector<16xf32>
          %parallel_loop3A_207 = arith.mulf %parallel_loop3A_206, %broadcast_in_dim3A_7 : vector<16xf32>
          %parallel_loop3A_208 = arith.fptosi %parallel_loop3A_207 : vector<16xf32> to vector<16xi32>
          %parallel_loop3A_209 = arith.subf %parallel_loop3A_150, %parallel_loop3A_170 : vector<16xf32>
          %parallel_loop3A_210 = arith.subf %parallel_loop3A_152, %parallel_loop3A_181 : vector<16xf32>
          %parallel_loop3A_211 = arith.subf %parallel_loop3A_154, %parallel_loop3A_192 : vector<16xf32>
          %parallel_loop3A_212 = arith.subf %parallel_loop3A_159, %parallel_loop3A_203 : vector<16xf32>
          %parallel_loop3A_213 = arith.cmpf olt, %parallel_loop3A_209, %parallel_loop3A_210 : vector<16xf32>
          %parallel_loop3A_214 = arith.select %parallel_loop3A_213, %broadcast_in_dim3A_15, %broadcast_in_dim3A_13 : vector<16xi1>, vector<16xi32>
          %parallel_loop3A_215 = arith.addi %parallel_loop3A_208, %parallel_loop3A_214 : vector<16xi32>
          %parallel_loop3A_216 = arith.select %parallel_loop3A_213, %broadcast_in_dim3A_13, %broadcast_in_dim3A_15 : vector<16xi1>, vector<16xi32>
          %parallel_loop3A_217 = arith.addi %parallel_loop3A_208, %parallel_loop3A_216 : vector<16xi32>
          %parallel_loop3A_218 = arith.cmpf olt, %parallel_loop3A_209, %parallel_loop3A_211 : vector<16xf32>
          %parallel_loop3A_219 = arith.select %parallel_loop3A_218, %broadcast_in_dim3A_15, %broadcast_in_dim3A_13 : vector<16xi1>, vector<16xi32>
          %parallel_loop3A_220 = arith.addi %parallel_loop3A_215, %parallel_loop3A_219 : vector<16xi32>
          %parallel_loop3A_221 = arith.select %parallel_loop3A_218, %broadcast_in_dim3A_13, %broadcast_in_dim3A_15 : vector<16xi1>, vector<16xi32>
          %parallel_loop3A_222 = arith.addi %parallel_loop3A_208, %parallel_loop3A_221 : vector<16xi32>
          %parallel_loop3A_223 = arith.cmpf olt, %parallel_loop3A_209, %parallel_loop3A_212 : vector<16xf32>
          %parallel_loop3A_224 = arith.select %parallel_loop3A_223, %broadcast_in_dim3A_15, %broadcast_in_dim3A_13 : vector<16xi1>, vector<16xi32>
          %parallel_loop3A_225 = arith.addi %parallel_loop3A_220, %parallel_loop3A_224 : vector<16xi32>
          %parallel_loop3A_226 = arith.select %parallel_loop3A_223, %broadcast_in_dim3A_13, %broadcast_in_dim3A_15 : vector<16xi1>, vector<16xi32>
          %parallel_loop3A_227 = arith.addi %parallel_loop3A_208, %parallel_loop3A_226 : vector<16xi32>
          %parallel_loop3A_228 = arith.cmpf olt, %parallel_loop3A_210, %parallel_loop3A_211 : vector<16xf32>
          %parallel_loop3A_229 = arith.select %parallel_loop3A_228, %broadcast_in_dim3A_15, %broadcast_in_dim3A_13 : vector<16xi1>, vector<16xi32>
          %parallel_loop3A_230 = arith.addi %parallel_loop3A_217, %parallel_loop3A_229 : vector<16xi32>
          %parallel_loop3A_231 = arith.select %parallel_loop3A_228, %broadcast_in_dim3A_13, %broadcast_in_dim3A_15 : vector<16xi1>, vector<16xi32>
          %parallel_loop3A_232 = arith.addi %parallel_loop3A_222, %parallel_loop3A_231 : vector<16xi32>
          %parallel_loop3A_233 = arith.cmpf olt, %parallel_loop3A_210, %parallel_loop3A_212 : vector<16xf32>
          %parallel_loop3A_234 = arith.select %parallel_loop3A_233, %broadcast_in_dim3A_15, %broadcast_in_dim3A_13 : vector<16xi1>, vector<16xi32>
          %parallel_loop3A_235 = arith.addi %parallel_loop3A_230, %parallel_loop3A_234 : vector<16xi32>
          %parallel_loop3A_236 = arith.select %parallel_loop3A_233, %broadcast_in_dim3A_13, %broadcast_in_dim3A_15 : vector<16xi1>, vector<16xi32>
          %parallel_loop3A_237 = arith.addi %parallel_loop3A_227, %parallel_loop3A_236 : vector<16xi32>
          %parallel_loop3A_238 = arith.cmpf olt, %parallel_loop3A_211, %parallel_loop3A_212 : vector<16xf32>
          %parallel_loop3A_239 = arith.select %parallel_loop3A_238, %broadcast_in_dim3A_15, %broadcast_in_dim3A_13 : vector<16xi1>, vector<16xi32>
          %parallel_loop3A_240 = arith.addi %parallel_loop3A_232, %parallel_loop3A_239 : vector<16xi32>
          %parallel_loop3A_241 = arith.select %parallel_loop3A_238, %broadcast_in_dim3A_13, %broadcast_in_dim3A_15 : vector<16xi1>, vector<16xi32>
          %parallel_loop3A_242 = arith.addi %parallel_loop3A_237, %parallel_loop3A_241 : vector<16xi32>
          %parallel_loop3A_243 = arith.fptosi %parallel_loop3A_170 : vector<16xf32> to vector<16xi32>
          %parallel_loop3A_244 = arith.fptosi %parallel_loop3A_181 : vector<16xf32> to vector<16xi32>
          %parallel_loop3A_245 = arith.fptosi %parallel_loop3A_192 : vector<16xf32> to vector<16xi32>
          %parallel_loop3A_246 = arith.fptosi %parallel_loop3A_203 : vector<16xf32> to vector<16xi32>
          %parallel_loop3A_247 = arith.constant 0 : i32
          %parallel_loop3A_248 = vector.broadcast %parallel_loop3A_247 : i32 to vector<16xi32>
          %parallel_loop3A_249 = arith.cmpi slt, %parallel_loop3A_225, %parallel_loop3A_248 : vector<16xi32>
          %parallel_loop3A_250 = arith.cmpi sgt, %parallel_loop3A_225, %broadcast_in_dim3A_21 : vector<16xi32>
          %parallel_loop3A_251 = arith.select %parallel_loop3A_250, %broadcast_in_dim3A_25, %broadcast_in_dim3A_13 : vector<16xi1>, vector<16xi32>
          %parallel_loop3A_252 = arith.select %parallel_loop3A_249, %broadcast_in_dim3A_23, %parallel_loop3A_251 : vector<16xi1>, vector<16xi32>
          %parallel_loop3A_253 = arith.addi %parallel_loop3A_225, %parallel_loop3A_252 : vector<16xi32>
          %parallel_loop3A_254 = arith.addi %parallel_loop3A_243, %parallel_loop3A_252 : vector<16xi32>
          %parallel_loop3A_255 = arith.constant 0 : i32
          %parallel_loop3A_256 = vector.broadcast %parallel_loop3A_255 : i32 to vector<16xi32>
          %parallel_loop3A_257 = arith.cmpi slt, %parallel_loop3A_235, %parallel_loop3A_256 : vector<16xi32>
          %parallel_loop3A_258 = arith.cmpi sgt, %parallel_loop3A_235, %broadcast_in_dim3A_21 : vector<16xi32>
          %parallel_loop3A_259 = arith.select %parallel_loop3A_258, %broadcast_in_dim3A_25, %broadcast_in_dim3A_13 : vector<16xi1>, vector<16xi32>
          %parallel_loop3A_260 = arith.select %parallel_loop3A_257, %broadcast_in_dim3A_23, %parallel_loop3A_259 : vector<16xi1>, vector<16xi32>
          %parallel_loop3A_261 = arith.addi %parallel_loop3A_235, %parallel_loop3A_260 : vector<16xi32>
          %parallel_loop3A_262 = arith.addi %parallel_loop3A_244, %parallel_loop3A_260 : vector<16xi32>
          %parallel_loop3A_263 = arith.constant 0 : i32
          %parallel_loop3A_264 = vector.broadcast %parallel_loop3A_263 : i32 to vector<16xi32>
          %parallel_loop3A_265 = arith.cmpi slt, %parallel_loop3A_240, %parallel_loop3A_264 : vector<16xi32>
          %parallel_loop3A_266 = arith.cmpi sgt, %parallel_loop3A_240, %broadcast_in_dim3A_21 : vector<16xi32>
          %parallel_loop3A_267 = arith.select %parallel_loop3A_266, %broadcast_in_dim3A_25, %broadcast_in_dim3A_13 : vector<16xi1>, vector<16xi32>
          %parallel_loop3A_268 = arith.select %parallel_loop3A_265, %broadcast_in_dim3A_23, %parallel_loop3A_267 : vector<16xi1>, vector<16xi32>
          %parallel_loop3A_269 = arith.addi %parallel_loop3A_240, %parallel_loop3A_268 : vector<16xi32>
          %parallel_loop3A_270 = arith.addi %parallel_loop3A_245, %parallel_loop3A_268 : vector<16xi32>
          %parallel_loop3A_271 = arith.constant 0 : i32
          %parallel_loop3A_272 = vector.broadcast %parallel_loop3A_271 : i32 to vector<16xi32>
          %parallel_loop3A_273 = arith.cmpi slt, %parallel_loop3A_242, %parallel_loop3A_272 : vector<16xi32>
          %parallel_loop3A_274 = arith.cmpi sgt, %parallel_loop3A_242, %broadcast_in_dim3A_21 : vector<16xi32>
          %parallel_loop3A_275 = arith.select %parallel_loop3A_274, %broadcast_in_dim3A_25, %broadcast_in_dim3A_13 : vector<16xi1>, vector<16xi32>
          %parallel_loop3A_276 = arith.select %parallel_loop3A_273, %broadcast_in_dim3A_23, %parallel_loop3A_275 : vector<16xi1>, vector<16xi32>
          %parallel_loop3A_277 = arith.addi %parallel_loop3A_242, %parallel_loop3A_276 : vector<16xi32>
          %parallel_loop3A_278 = arith.addi %parallel_loop3A_246, %parallel_loop3A_276 : vector<16xi32>
          %parallel_loop3A_279 = arith.sitofp %parallel_loop3A_254 : vector<16xi32> to vector<16xf32>
          %parallel_loop3A_280 = arith.subf %parallel_loop3A_150, %parallel_loop3A_279 : vector<16xf32>
          %parallel_loop3A_281 = arith.mulf %parallel_loop3A_280, %broadcast_in_dim3A_7 : vector<16xf32>
          %parallel_loop3A_282 = arith.sitofp %parallel_loop3A_262 : vector<16xi32> to vector<16xf32>
          %parallel_loop3A_283 = arith.subf %parallel_loop3A_152, %parallel_loop3A_282 : vector<16xf32>
          %parallel_loop3A_284 = arith.mulf %parallel_loop3A_283, %broadcast_in_dim3A_7 : vector<16xf32>
          %parallel_loop3A_285 = arith.sitofp %parallel_loop3A_270 : vector<16xi32> to vector<16xf32>
          %parallel_loop3A_286 = arith.subf %parallel_loop3A_154, %parallel_loop3A_285 : vector<16xf32>
          %parallel_loop3A_287 = arith.mulf %parallel_loop3A_286, %broadcast_in_dim3A_7 : vector<16xf32>
          %parallel_loop3A_288 = arith.sitofp %parallel_loop3A_278 : vector<16xi32> to vector<16xf32>
          %parallel_loop3A_289 = arith.subf %parallel_loop3A_159, %parallel_loop3A_288 : vector<16xf32>
          %parallel_loop3A_290 = arith.mulf %parallel_loop3A_289, %broadcast_in_dim3A_7 : vector<16xf32>
          %parallel_loop3A_291 = arith.constant 0 : i32
          %parallel_loop3A_292 = vector.broadcast %parallel_loop3A_291 : i32 to vector<16xi32>
          %parallel_loop3A_293 = arith.cmpi eq, %parallel_loop3A_253, %parallel_loop3A_292 : vector<16xi32>
          %parallel_loop3A_294 = arith.select %parallel_loop3A_293, %parallel_loop3A_281, %broadcast_in_dim3A_3 : vector<16xi1>, vector<16xf32>
          %parallel_loop3A_295 = arith.cmpi eq, %parallel_loop3A_261, %parallel_loop3A_292 : vector<16xi32>
          %parallel_loop3A_296 = arith.select %parallel_loop3A_295, %parallel_loop3A_284, %broadcast_in_dim3A_3 : vector<16xi1>, vector<16xf32>
          %parallel_loop3A_297 = arith.addf %parallel_loop3A_294, %parallel_loop3A_296 : vector<16xf32>
          %parallel_loop3A_298 = arith.cmpi eq, %parallel_loop3A_269, %parallel_loop3A_292 : vector<16xi32>
          %parallel_loop3A_299 = arith.select %parallel_loop3A_298, %parallel_loop3A_287, %broadcast_in_dim3A_3 : vector<16xi1>, vector<16xf32>
          %parallel_loop3A_300 = arith.addf %parallel_loop3A_297, %parallel_loop3A_299 : vector<16xf32>
          %parallel_loop3A_301 = arith.cmpi eq, %parallel_loop3A_277, %parallel_loop3A_292 : vector<16xi32>
          %parallel_loop3A_302 = arith.select %parallel_loop3A_301, %parallel_loop3A_290, %broadcast_in_dim3A_3 : vector<16xi1>, vector<16xf32>
          %parallel_loop3A_303 = arith.addf %parallel_loop3A_300, %parallel_loop3A_302 : vector<16xf32>
          %parallel_loop3A_304 = arith.constant 1 : i32
          %parallel_loop3A_305 = vector.broadcast %parallel_loop3A_304 : i32 to vector<16xi32>
          %parallel_loop3A_306 = arith.cmpi eq, %parallel_loop3A_253, %parallel_loop3A_305 : vector<16xi32>
          %parallel_loop3A_307 = arith.select %parallel_loop3A_306, %parallel_loop3A_281, %broadcast_in_dim3A_3 : vector<16xi1>, vector<16xf32>
          %parallel_loop3A_308 = arith.cmpi eq, %parallel_loop3A_261, %parallel_loop3A_305 : vector<16xi32>
          %parallel_loop3A_309 = arith.select %parallel_loop3A_308, %parallel_loop3A_284, %broadcast_in_dim3A_3 : vector<16xi1>, vector<16xf32>
          %parallel_loop3A_310 = arith.addf %parallel_loop3A_307, %parallel_loop3A_309 : vector<16xf32>
          %parallel_loop3A_311 = arith.cmpi eq, %parallel_loop3A_269, %parallel_loop3A_305 : vector<16xi32>
          %parallel_loop3A_312 = arith.select %parallel_loop3A_311, %parallel_loop3A_287, %broadcast_in_dim3A_3 : vector<16xi1>, vector<16xf32>
          %parallel_loop3A_313 = arith.addf %parallel_loop3A_310, %parallel_loop3A_312 : vector<16xf32>
          %parallel_loop3A_314 = arith.cmpi eq, %parallel_loop3A_277, %parallel_loop3A_305 : vector<16xi32>
          %parallel_loop3A_315 = arith.select %parallel_loop3A_314, %parallel_loop3A_290, %broadcast_in_dim3A_3 : vector<16xi1>, vector<16xf32>
          %parallel_loop3A_316 = arith.addf %parallel_loop3A_313, %parallel_loop3A_315 : vector<16xf32>
          %parallel_loop3A_317 = arith.constant 2 : i32
          %parallel_loop3A_318 = vector.broadcast %parallel_loop3A_317 : i32 to vector<16xi32>
          %parallel_loop3A_319 = arith.cmpi eq, %parallel_loop3A_253, %parallel_loop3A_318 : vector<16xi32>
          %parallel_loop3A_320 = arith.select %parallel_loop3A_319, %parallel_loop3A_281, %broadcast_in_dim3A_3 : vector<16xi1>, vector<16xf32>
          %parallel_loop3A_321 = arith.cmpi eq, %parallel_loop3A_261, %parallel_loop3A_318 : vector<16xi32>
          %parallel_loop3A_322 = arith.select %parallel_loop3A_321, %parallel_loop3A_284, %broadcast_in_dim3A_3 : vector<16xi1>, vector<16xf32>
          %parallel_loop3A_323 = arith.addf %parallel_loop3A_320, %parallel_loop3A_322 : vector<16xf32>
          %parallel_loop3A_324 = arith.cmpi eq, %parallel_loop3A_269, %parallel_loop3A_318 : vector<16xi32>
          %parallel_loop3A_325 = arith.select %parallel_loop3A_324, %parallel_loop3A_287, %broadcast_in_dim3A_3 : vector<16xi1>, vector<16xf32>
          %parallel_loop3A_326 = arith.addf %parallel_loop3A_323, %parallel_loop3A_325 : vector<16xf32>
          %parallel_loop3A_327 = arith.cmpi eq, %parallel_loop3A_277, %parallel_loop3A_318 : vector<16xi32>
          %parallel_loop3A_328 = arith.select %parallel_loop3A_327, %parallel_loop3A_290, %broadcast_in_dim3A_3 : vector<16xi1>, vector<16xf32>
          %parallel_loop3A_329 = arith.addf %parallel_loop3A_326, %parallel_loop3A_328 : vector<16xf32>
          %parallel_loop3A_330 = arith.constant 3 : i32
          %parallel_loop3A_331 = vector.broadcast %parallel_loop3A_330 : i32 to vector<16xi32>
          %parallel_loop3A_332 = arith.cmpi eq, %parallel_loop3A_253, %parallel_loop3A_331 : vector<16xi32>
          %parallel_loop3A_333 = arith.select %parallel_loop3A_332, %parallel_loop3A_281, %broadcast_in_dim3A_3 : vector<16xi1>, vector<16xf32>
          %parallel_loop3A_334 = arith.cmpi eq, %parallel_loop3A_261, %parallel_loop3A_331 : vector<16xi32>
          %parallel_loop3A_335 = arith.select %parallel_loop3A_334, %parallel_loop3A_284, %broadcast_in_dim3A_3 : vector<16xi1>, vector<16xf32>
          %parallel_loop3A_336 = arith.addf %parallel_loop3A_333, %parallel_loop3A_335 : vector<16xf32>
          %parallel_loop3A_337 = arith.cmpi eq, %parallel_loop3A_269, %parallel_loop3A_331 : vector<16xi32>
          %parallel_loop3A_338 = arith.select %parallel_loop3A_337, %parallel_loop3A_287, %broadcast_in_dim3A_3 : vector<16xi1>, vector<16xf32>
          %parallel_loop3A_339 = arith.addf %parallel_loop3A_336, %parallel_loop3A_338 : vector<16xf32>
          %parallel_loop3A_340 = arith.cmpi eq, %parallel_loop3A_277, %parallel_loop3A_331 : vector<16xi32>
          %parallel_loop3A_341 = arith.select %parallel_loop3A_340, %parallel_loop3A_290, %broadcast_in_dim3A_3 : vector<16xi1>, vector<16xf32>
          %parallel_loop3A_342 = arith.addf %parallel_loop3A_339, %parallel_loop3A_341 : vector<16xf32>
          %parallel_loop3A_343 = arith.addf %broadcast_in_dim3A_5, %parallel_loop3A_342 : vector<16xf32>
          %parallel_loop3A_344 = arith.subf %parallel_loop3A_343, %parallel_loop3A_303 : vector<16xf32>
          %parallel_loop3A_345 = arith.subf %parallel_loop3A_329, %parallel_loop3A_342 : vector<16xf32>
          %parallel_loop3A_346 = arith.subf %parallel_loop3A_316, %parallel_loop3A_329 : vector<16xf32>
          %parallel_loop3A_347 = arith.subf %parallel_loop3A_303, %parallel_loop3A_316 : vector<16xf32>
          %parallel_loop3A_348 = arith.muli %parallel_loop3A_262, %broadcast_in_dim3A_29 : vector<16xi32>
          %parallel_loop3A_349 = arith.xori %parallel_loop3A_254, %parallel_loop3A_348 : vector<16xi32>
          %parallel_loop3A_350 = arith.muli %parallel_loop3A_270, %broadcast_in_dim3A_31 : vector<16xi32>
          %parallel_loop3A_351 = arith.xori %parallel_loop3A_349, %parallel_loop3A_350 : vector<16xi32>
          %parallel_loop3A_352 = arith.andi %parallel_loop3A_351, %broadcast_in_dim3A_27 : vector<16xi32>
          %parallel_loop3A_353 = arith.constant 0 : i32
          %parallel_loop3A_354 = arith.addi %parallel_loop3A_353, %parallel_loop3A_133 : i32
          %parallel_loop3A_355 = arith.index_cast %parallel_loop3A_354 : i32 to index
          %parallel_loop3A_356 = tpu.vector_load %arg14[%parallel_loop3A_355] {strides = array<i32>} : memref<1024xi32, #tpu.memory_space<vmem>>, vector<16xi32>,
          tpu.vector_store %arg14[%parallel_loop3A_355], %parallel_loop3A_352 {strides = array<i32>} : memref<1024xi32, #tpu.memory_space<vmem>>, vector<16xi32>,
          %parallel_loop3A_357 = arith.constant 0 : i32
          %parallel_loop3A_358 = arith.addi %parallel_loop3A_357, %parallel_loop3A_133 : i32
          %parallel_loop3A_359 = arith.index_cast %parallel_loop3A_358 : i32 to index
          %parallel_loop3A_360 = tpu.vector_load %arg18[%parallel_loop3A_359] {strides = array<i32>} : memref<1024xf32, #tpu.memory_space<vmem>>, vector<16xf32>,
          tpu.vector_store %arg18[%parallel_loop3A_359], %parallel_loop3A_344 {strides = array<i32>} : memref<1024xf32, #tpu.memory_space<vmem>>, vector<16xf32>,
          %parallel_loop3A_361 = arith.constant 2 : i32
          %parallel_loop3A_362 = vector.broadcast %parallel_loop3A_361 : i32 to vector<16xi32>
          %parallel_loop3A_363 = arith.constant 1 : i32
          %parallel_loop3A_364 = vector.broadcast %parallel_loop3A_363 : i32 to vector<16xi32>
          %parallel_loop3A_365 = arith.constant -3 : i32
          %parallel_loop3A_366 = vector.broadcast %parallel_loop3A_365 : i32 to vector<16xi32>
          %parallel_loop3A_367 = arith.cmpi sgt, %parallel_loop3A_253, %parallel_loop3A_362 : vector<16xi32>
          %parallel_loop3A_368 = arith.select %parallel_loop3A_367, %parallel_loop3A_366, %parallel_loop3A_364 : vector<16xi1>, vector<16xi32>
          %parallel_loop3A_369 = arith.addi %parallel_loop3A_254, %parallel_loop3A_368 : vector<16xi32>
          %parallel_loop3A_370 = arith.cmpi sgt, %parallel_loop3A_261, %parallel_loop3A_362 : vector<16xi32>
          %parallel_loop3A_371 = arith.select %parallel_loop3A_370, %parallel_loop3A_366, %parallel_loop3A_364 : vector<16xi1>, vector<16xi32>
          %parallel_loop3A_372 = arith.addi %parallel_loop3A_262, %parallel_loop3A_371 : vector<16xi32>
          %parallel_loop3A_373 = arith.cmpi sgt, %parallel_loop3A_269, %parallel_loop3A_362 : vector<16xi32>
          %parallel_loop3A_374 = arith.select %parallel_loop3A_373, %parallel_loop3A_366, %parallel_loop3A_364 : vector<16xi1>, vector<16xi32>
          %parallel_loop3A_375 = arith.addi %parallel_loop3A_270, %parallel_loop3A_374 : vector<16xi32>
          %parallel_loop3A_376 = arith.muli %parallel_loop3A_372, %broadcast_in_dim3A_29 : vector<16xi32>
          %parallel_loop3A_377 = arith.xori %parallel_loop3A_369, %parallel_loop3A_376 : vector<16xi32>
          %parallel_loop3A_378 = arith.muli %parallel_loop3A_375, %broadcast_in_dim3A_31 : vector<16xi32>
          %parallel_loop3A_379 = arith.xori %parallel_loop3A_377, %parallel_loop3A_378 : vector<16xi32>
          %parallel_loop3A_380 = arith.andi %parallel_loop3A_379, %broadcast_in_dim3A_27 : vector<16xi32>
          %parallel_loop3A_381 = arith.constant 256 : i32
          %parallel_loop3A_382 = arith.addi %parallel_loop3A_381, %parallel_loop3A_133 : i32
          %parallel_loop3A_383 = arith.index_cast %parallel_loop3A_382 : i32 to index
          %parallel_loop3A_384 = tpu.vector_load %arg14[%parallel_loop3A_383] {strides = array<i32>} : memref<1024xi32, #tpu.memory_space<vmem>>, vector<16xi32>,
          tpu.vector_store %arg14[%parallel_loop3A_383], %parallel_loop3A_380 {strides = array<i32>} : memref<1024xi32, #tpu.memory_space<vmem>>, vector<16xi32>,
          %parallel_loop3A_385 = arith.constant 256 : i32
          %parallel_loop3A_386 = arith.addi %parallel_loop3A_385, %parallel_loop3A_133 : i32
          %parallel_loop3A_387 = arith.index_cast %parallel_loop3A_386 : i32 to index
          %parallel_loop3A_388 = tpu.vector_load %arg18[%parallel_loop3A_387] {strides = array<i32>} : memref<1024xf32, #tpu.memory_space<vmem>>, vector<16xf32>,
          tpu.vector_store %arg18[%parallel_loop3A_387], %parallel_loop3A_345 {strides = array<i32>} : memref<1024xf32, #tpu.memory_space<vmem>>, vector<16xf32>,
          %parallel_loop3A_389 = arith.constant 1 : i32
          %parallel_loop3A_390 = vector.broadcast %parallel_loop3A_389 : i32 to vector<16xi32>
          %parallel_loop3A_391 = arith.constant 2 : i32
          %parallel_loop3A_392 = vector.broadcast %parallel_loop3A_391 : i32 to vector<16xi32>
          %parallel_loop3A_393 = arith.constant -2 : i32
          %parallel_loop3A_394 = vector.broadcast %parallel_loop3A_393 : i32 to vector<16xi32>
          %parallel_loop3A_395 = arith.cmpi sgt, %parallel_loop3A_253, %parallel_loop3A_390 : vector<16xi32>
          %parallel_loop3A_396 = arith.select %parallel_loop3A_395, %parallel_loop3A_394, %parallel_loop3A_392 : vector<16xi1>, vector<16xi32>
          %parallel_loop3A_397 = arith.addi %parallel_loop3A_254, %parallel_loop3A_396 : vector<16xi32>
          %parallel_loop3A_398 = arith.cmpi sgt, %parallel_loop3A_261, %parallel_loop3A_390 : vector<16xi32>
          %parallel_loop3A_399 = arith.select %parallel_loop3A_398, %parallel_loop3A_394, %parallel_loop3A_392 : vector<16xi1>, vector<16xi32>
          %parallel_loop3A_400 = arith.addi %parallel_loop3A_262, %parallel_loop3A_399 : vector<16xi32>
          %parallel_loop3A_401 = arith.cmpi sgt, %parallel_loop3A_269, %parallel_loop3A_390 : vector<16xi32>
          %parallel_loop3A_402 = arith.select %parallel_loop3A_401, %parallel_loop3A_394, %parallel_loop3A_392 : vector<16xi1>, vector<16xi32>
          %parallel_loop3A_403 = arith.addi %parallel_loop3A_270, %parallel_loop3A_402 : vector<16xi32>
          %parallel_loop3A_404 = arith.muli %parallel_loop3A_400, %broadcast_in_dim3A_29 : vector<16xi32>
          %parallel_loop3A_405 = arith.xori %parallel_loop3A_397, %parallel_loop3A_404 : vector<16xi32>
          %parallel_loop3A_406 = arith.muli %parallel_loop3A_403, %broadcast_in_dim3A_31 : vector<16xi32>
          %parallel_loop3A_407 = arith.xori %parallel_loop3A_405, %parallel_loop3A_406 : vector<16xi32>
          %parallel_loop3A_408 = arith.andi %parallel_loop3A_407, %broadcast_in_dim3A_27 : vector<16xi32>
          %parallel_loop3A_409 = arith.constant 512 : i32
          %parallel_loop3A_410 = arith.addi %parallel_loop3A_409, %parallel_loop3A_133 : i32
          %parallel_loop3A_411 = arith.index_cast %parallel_loop3A_410 : i32 to index
          %parallel_loop3A_412 = tpu.vector_load %arg14[%parallel_loop3A_411] {strides = array<i32>} : memref<1024xi32, #tpu.memory_space<vmem>>, vector<16xi32>,
          tpu.vector_store %arg14[%parallel_loop3A_411], %parallel_loop3A_408 {strides = array<i32>} : memref<1024xi32, #tpu.memory_space<vmem>>, vector<16xi32>,
          %parallel_loop3A_413 = arith.constant 512 : i32
          %parallel_loop3A_414 = arith.addi %parallel_loop3A_413, %parallel_loop3A_133 : i32
          %parallel_loop3A_415 = arith.index_cast %parallel_loop3A_414 : i32 to index
          %parallel_loop3A_416 = tpu.vector_load %arg18[%parallel_loop3A_415] {strides = array<i32>} : memref<1024xf32, #tpu.memory_space<vmem>>, vector<16xf32>,
          tpu.vector_store %arg18[%parallel_loop3A_415], %parallel_loop3A_346 {strides = array<i32>} : memref<1024xf32, #tpu.memory_space<vmem>>, vector<16xf32>,
          %parallel_loop3A_417 = arith.constant 0 : i32
          %parallel_loop3A_418 = vector.broadcast %parallel_loop3A_417 : i32 to vector<16xi32>
          %parallel_loop3A_419 = arith.constant 3 : i32
          %parallel_loop3A_420 = vector.broadcast %parallel_loop3A_419 : i32 to vector<16xi32>
          %parallel_loop3A_421 = arith.constant -1 : i32
          %parallel_loop3A_422 = vector.broadcast %parallel_loop3A_421 : i32 to vector<16xi32>
          %parallel_loop3A_423 = arith.cmpi sgt, %parallel_loop3A_253, %parallel_loop3A_418 : vector<16xi32>
          %parallel_loop3A_424 = arith.select %parallel_loop3A_423, %parallel_loop3A_422, %parallel_loop3A_420 : vector<16xi1>, vector<16xi32>
          %parallel_loop3A_425 = arith.addi %parallel_loop3A_254, %parallel_loop3A_424 : vector<16xi32>
          %parallel_loop3A_426 = arith.cmpi sgt, %parallel_loop3A_261, %parallel_loop3A_418 : vector<16xi32>
          %parallel_loop3A_427 = arith.select %parallel_loop3A_426, %parallel_loop3A_422, %parallel_loop3A_420 : vector<16xi1>, vector<16xi32>
          %parallel_loop3A_428 = arith.addi %parallel_loop3A_262, %parallel_loop3A_427 : vector<16xi32>
          %parallel_loop3A_429 = arith.cmpi sgt, %parallel_loop3A_269, %parallel_loop3A_418 : vector<16xi32>
          %parallel_loop3A_430 = arith.select %parallel_loop3A_429, %parallel_loop3A_422, %parallel_loop3A_420 : vector<16xi1>, vector<16xi32>
          %parallel_loop3A_431 = arith.addi %parallel_loop3A_270, %parallel_loop3A_430 : vector<16xi32>
          %parallel_loop3A_432 = arith.muli %parallel_loop3A_428, %broadcast_in_dim3A_29 : vector<16xi32>
          %parallel_loop3A_433 = arith.xori %parallel_loop3A_425, %parallel_loop3A_432 : vector<16xi32>
          %parallel_loop3A_434 = arith.muli %parallel_loop3A_431, %broadcast_in_dim3A_31 : vector<16xi32>
          %parallel_loop3A_435 = arith.xori %parallel_loop3A_433, %parallel_loop3A_434 : vector<16xi32>
          %parallel_loop3A_436 = arith.andi %parallel_loop3A_435, %broadcast_in_dim3A_27 : vector<16xi32>
          %parallel_loop3A_437 = arith.constant 768 : i32
          %parallel_loop3A_438 = arith.addi %parallel_loop3A_437, %parallel_loop3A_133 : i32
          %parallel_loop3A_439 = arith.index_cast %parallel_loop3A_438 : i32 to index
          %parallel_loop3A_440 = tpu.vector_load %arg14[%parallel_loop3A_439] {strides = array<i32>} : memref<1024xi32, #tpu.memory_space<vmem>>, vector<16xi32>,
          tpu.vector_store %arg14[%parallel_loop3A_439], %parallel_loop3A_436 {strides = array<i32>} : memref<1024xi32, #tpu.memory_space<vmem>>, vector<16xi32>,
          %parallel_loop3A_441 = arith.constant 768 : i32
          %parallel_loop3A_442 = arith.addi %parallel_loop3A_441, %parallel_loop3A_133 : i32
          %parallel_loop3A_443 = arith.index_cast %parallel_loop3A_442 : i32 to index
          %parallel_loop3A_444 = tpu.vector_load %arg18[%parallel_loop3A_443] {strides = array<i32>} : memref<1024xf32, #tpu.memory_space<vmem>>, vector<16xf32>,
          tpu.vector_store %arg18[%parallel_loop3A_443], %parallel_loop3A_347 {strides = array<i32>} : memref<1024xf32, #tpu.memory_space<vmem>>, vector<16xf32>,
        } {sc.loop_unroll_factor = 2 : i64, sc.parallel_access}
        %dma_start3A = arith.constant 0 : i32
        %dma_start3A_77 = tpu.memref_slice %arg28[%dma_start3A] : memref<524288xi32, #tpu.memory_space<vmem_shared>> -> memref<524288xi32, #tpu.memory_space<vmem_shared>>
        tpu.enqueue_indirect_dma source(%dma_start3A_77 : memref<524288xi32, #tpu.memory_space<vmem_shared>>) target(%arg22 : memref<1024xi32, #tpu.memory_space<vmem>>) offsets(%arg14 : memref<1024xi32, #tpu.memory_space<vmem>>) semaphore(%arg29 : memref<!tpu.dma_semaphore, #tpu.memory_space<semaphore_mem>>)
        %add3A_78 = arith.constant 256 : i32
        %add3A_79 = arith.addi %mul3A_72, %add3A_78 : i32
        %parallel_loop3A_80 = arith.constant 0 : i32
        %parallel_loop3A_81 = arith.constant 16 : i32
        %parallel_loop3A_82 = arith.constant 1 : i32
        scf.for %parallel_loop3A_131 = %parallel_loop3A_80 to %parallel_loop3A_81 step %parallel_loop3A_82  : i32 {
          %parallel_loop3A_132 = arith.constant 16 : i32
          %parallel_loop3A_133 = arith.muli %parallel_loop3A_131, %parallel_loop3A_132 : i32
          %parallel_loop3A_134 = arith.addi %add3A_79, %parallel_loop3A_133 : i32
          %parallel_loop3A_135 = arith.index_cast %parallel_loop3A_134 : i32 to index
          %parallel_loop3A_136 = tpu.vector_load %arg9[%parallel_loop3A_135] {strides = array<i32>} : memref<8192xf32, #tpu.memory_space<vmem>>, vector<16xf32>,
          %parallel_loop3A_137 = arith.addi %add3A_79, %parallel_loop3A_133 : i32
          %parallel_loop3A_138 = arith.index_cast %parallel_loop3A_137 : i32 to index
          %parallel_loop3A_139 = tpu.vector_load %arg10[%parallel_loop3A_138] {strides = array<i32>} : memref<8192xf32, #tpu.memory_space<vmem>>, vector<16xf32>,
          %parallel_loop3A_140 = arith.addi %add3A_79, %parallel_loop3A_133 : i32
          %parallel_loop3A_141 = arith.index_cast %parallel_loop3A_140 : i32 to index
          %parallel_loop3A_142 = tpu.vector_load %arg11[%parallel_loop3A_141] {strides = array<i32>} : memref<8192xf32, #tpu.memory_space<vmem>>, vector<16xf32>,
          %parallel_loop3A_143 = arith.mulf %parallel_loop3A_136, %gather3A : vector<16xf32>
          %parallel_loop3A_144 = arith.addf %parallel_loop3A_143, %gather3A_54 : vector<16xf32>
          %parallel_loop3A_145 = arith.mulf %parallel_loop3A_139, %gather3A_49 : vector<16xf32>
          %parallel_loop3A_146 = arith.addf %parallel_loop3A_145, %gather3A_58 : vector<16xf32>
          %parallel_loop3A_147 = arith.mulf %parallel_loop3A_142, %gather3A_53 : vector<16xf32>
          %parallel_loop3A_148 = arith.addf %parallel_loop3A_147, %gather3A_62 : vector<16xf32>
          %parallel_loop3A_149 = arith.addf %parallel_loop3A_144, %parallel_loop3A_146 : vector<16xf32>
          %parallel_loop3A_150 = arith.addf %parallel_loop3A_149, %parallel_loop3A_148 : vector<16xf32>
          %parallel_loop3A_151 = arith.addf %parallel_loop3A_146, %parallel_loop3A_148 : vector<16xf32>
          %parallel_loop3A_152 = arith.subf %parallel_loop3A_151, %parallel_loop3A_144 : vector<16xf32>
          %parallel_loop3A_153 = arith.addf %parallel_loop3A_146, %parallel_loop3A_146 : vector<16xf32>
          %parallel_loop3A_154 = arith.subf %parallel_loop3A_148, %parallel_loop3A_153 : vector<16xf32>
          %parallel_loop3A_155 = arith.addf %parallel_loop3A_148, %parallel_loop3A_148 : vector<16xf32>
          %parallel_loop3A_156 = arith.addf %parallel_loop3A_155, %parallel_loop3A_148 : vector<16xf32>
          %parallel_loop3A_157 = arith.constant 0.000000e+00 : f32
          %parallel_loop3A_158 = vector.broadcast %parallel_loop3A_157 : f32 to vector<16xf32>
          %parallel_loop3A_159 = arith.subf %parallel_loop3A_158, %parallel_loop3A_156 : vector<16xf32>
          %parallel_loop3A_160 = arith.mulf %parallel_loop3A_150, %broadcast_in_dim3A_7 : vector<16xf32>
          %parallel_loop3A_161 = arith.fptosi %parallel_loop3A_160 : vector<16xf32> to vector<16xi32>
          %parallel_loop3A_162 = arith.sitofp %parallel_loop3A_161 : vector<16xi32> to vector<16xf32>
          %parallel_loop3A_163 = arith.cmpf ogt, %parallel_loop3A_162, %parallel_loop3A_160 : vector<16xf32>
          %parallel_loop3A_164 = arith.select %parallel_loop3A_163, %broadcast_in_dim3A_5, %broadcast_in_dim3A_3 : vector<16xi1>, vector<16xf32>
          %parallel_loop3A_165 = arith.subf %parallel_loop3A_162, %parallel_loop3A_164 : vector<16xf32>
          %parallel_loop3A_166 = arith.mulf %parallel_loop3A_165, %broadcast_in_dim3A_9 : vector<16xf32>
          %parallel_loop3A_167 = arith.subf %parallel_loop3A_150, %parallel_loop3A_166 : vector<16xf32>
          %parallel_loop3A_168 = arith.cmpf ogt, %parallel_loop3A_167, %broadcast_in_dim3A_11 : vector<16xf32>
          %parallel_loop3A_169 = arith.select %parallel_loop3A_168, %broadcast_in_dim3A_9, %broadcast_in_dim3A_3 : vector<16xi1>, vector<16xf32>
          %parallel_loop3A_170 = arith.addf %parallel_loop3A_166, %parallel_loop3A_169 : vector<16xf32>
          %parallel_loop3A_171 = arith.mulf %parallel_loop3A_152, %broadcast_in_dim3A_7 : vector<16xf32>
          %parallel_loop3A_172 = arith.fptosi %parallel_loop3A_171 : vector<16xf32> to vector<16xi32>
          %parallel_loop3A_173 = arith.sitofp %parallel_loop3A_172 : vector<16xi32> to vector<16xf32>
          %parallel_loop3A_174 = arith.cmpf ogt, %parallel_loop3A_173, %parallel_loop3A_171 : vector<16xf32>
          %parallel_loop3A_175 = arith.select %parallel_loop3A_174, %broadcast_in_dim3A_5, %broadcast_in_dim3A_3 : vector<16xi1>, vector<16xf32>
          %parallel_loop3A_176 = arith.subf %parallel_loop3A_173, %parallel_loop3A_175 : vector<16xf32>
          %parallel_loop3A_177 = arith.mulf %parallel_loop3A_176, %broadcast_in_dim3A_9 : vector<16xf32>
          %parallel_loop3A_178 = arith.subf %parallel_loop3A_152, %parallel_loop3A_177 : vector<16xf32>
          %parallel_loop3A_179 = arith.cmpf ogt, %parallel_loop3A_178, %broadcast_in_dim3A_11 : vector<16xf32>
          %parallel_loop3A_180 = arith.select %parallel_loop3A_179, %broadcast_in_dim3A_9, %broadcast_in_dim3A_3 : vector<16xi1>, vector<16xf32>
          %parallel_loop3A_181 = arith.addf %parallel_loop3A_177, %parallel_loop3A_180 : vector<16xf32>
          %parallel_loop3A_182 = arith.mulf %parallel_loop3A_154, %broadcast_in_dim3A_7 : vector<16xf32>
          %parallel_loop3A_183 = arith.fptosi %parallel_loop3A_182 : vector<16xf32> to vector<16xi32>
          %parallel_loop3A_184 = arith.sitofp %parallel_loop3A_183 : vector<16xi32> to vector<16xf32>
          %parallel_loop3A_185 = arith.cmpf ogt, %parallel_loop3A_184, %parallel_loop3A_182 : vector<16xf32>
          %parallel_loop3A_186 = arith.select %parallel_loop3A_185, %broadcast_in_dim3A_5, %broadcast_in_dim3A_3 : vector<16xi1>, vector<16xf32>
          %parallel_loop3A_187 = arith.subf %parallel_loop3A_184, %parallel_loop3A_186 : vector<16xf32>
          %parallel_loop3A_188 = arith.mulf %parallel_loop3A_187, %broadcast_in_dim3A_9 : vector<16xf32>
          %parallel_loop3A_189 = arith.subf %parallel_loop3A_154, %parallel_loop3A_188 : vector<16xf32>
          %parallel_loop3A_190 = arith.cmpf ogt, %parallel_loop3A_189, %broadcast_in_dim3A_11 : vector<16xf32>
          %parallel_loop3A_191 = arith.select %parallel_loop3A_190, %broadcast_in_dim3A_9, %broadcast_in_dim3A_3 : vector<16xi1>, vector<16xf32>
          %parallel_loop3A_192 = arith.addf %parallel_loop3A_188, %parallel_loop3A_191 : vector<16xf32>
          %parallel_loop3A_193 = arith.mulf %parallel_loop3A_159, %broadcast_in_dim3A_7 : vector<16xf32>
          %parallel_loop3A_194 = arith.fptosi %parallel_loop3A_193 : vector<16xf32> to vector<16xi32>
          %parallel_loop3A_195 = arith.sitofp %parallel_loop3A_194 : vector<16xi32> to vector<16xf32>
          %parallel_loop3A_196 = arith.cmpf ogt, %parallel_loop3A_195, %parallel_loop3A_193 : vector<16xf32>
          %parallel_loop3A_197 = arith.select %parallel_loop3A_196, %broadcast_in_dim3A_5, %broadcast_in_dim3A_3 : vector<16xi1>, vector<16xf32>
          %parallel_loop3A_198 = arith.subf %parallel_loop3A_195, %parallel_loop3A_197 : vector<16xf32>
          %parallel_loop3A_199 = arith.mulf %parallel_loop3A_198, %broadcast_in_dim3A_9 : vector<16xf32>
          %parallel_loop3A_200 = arith.subf %parallel_loop3A_159, %parallel_loop3A_199 : vector<16xf32>
          %parallel_loop3A_201 = arith.cmpf ogt, %parallel_loop3A_200, %broadcast_in_dim3A_11 : vector<16xf32>
          %parallel_loop3A_202 = arith.select %parallel_loop3A_201, %broadcast_in_dim3A_9, %broadcast_in_dim3A_3 : vector<16xi1>, vector<16xf32>
          %parallel_loop3A_203 = arith.addf %parallel_loop3A_199, %parallel_loop3A_202 : vector<16xf32>
          %parallel_loop3A_204 = arith.addf %parallel_loop3A_170, %parallel_loop3A_181 : vector<16xf32>
          %parallel_loop3A_205 = arith.addf %parallel_loop3A_204, %parallel_loop3A_192 : vector<16xf32>
          %parallel_loop3A_206 = arith.addf %parallel_loop3A_205, %parallel_loop3A_203 : vector<16xf32>
          %parallel_loop3A_207 = arith.mulf %parallel_loop3A_206, %broadcast_in_dim3A_7 : vector<16xf32>
          %parallel_loop3A_208 = arith.fptosi %parallel_loop3A_207 : vector<16xf32> to vector<16xi32>
          %parallel_loop3A_209 = arith.subf %parallel_loop3A_150, %parallel_loop3A_170 : vector<16xf32>
          %parallel_loop3A_210 = arith.subf %parallel_loop3A_152, %parallel_loop3A_181 : vector<16xf32>
          %parallel_loop3A_211 = arith.subf %parallel_loop3A_154, %parallel_loop3A_192 : vector<16xf32>
          %parallel_loop3A_212 = arith.subf %parallel_loop3A_159, %parallel_loop3A_203 : vector<16xf32>
          %parallel_loop3A_213 = arith.cmpf olt, %parallel_loop3A_209, %parallel_loop3A_210 : vector<16xf32>
          %parallel_loop3A_214 = arith.select %parallel_loop3A_213, %broadcast_in_dim3A_15, %broadcast_in_dim3A_13 : vector<16xi1>, vector<16xi32>
          %parallel_loop3A_215 = arith.addi %parallel_loop3A_208, %parallel_loop3A_214 : vector<16xi32>
          %parallel_loop3A_216 = arith.select %parallel_loop3A_213, %broadcast_in_dim3A_13, %broadcast_in_dim3A_15 : vector<16xi1>, vector<16xi32>
          %parallel_loop3A_217 = arith.addi %parallel_loop3A_208, %parallel_loop3A_216 : vector<16xi32>
          %parallel_loop3A_218 = arith.cmpf olt, %parallel_loop3A_209, %parallel_loop3A_211 : vector<16xf32>
          %parallel_loop3A_219 = arith.select %parallel_loop3A_218, %broadcast_in_dim3A_15, %broadcast_in_dim3A_13 : vector<16xi1>, vector<16xi32>
          %parallel_loop3A_220 = arith.addi %parallel_loop3A_215, %parallel_loop3A_219 : vector<16xi32>
          %parallel_loop3A_221 = arith.select %parallel_loop3A_218, %broadcast_in_dim3A_13, %broadcast_in_dim3A_15 : vector<16xi1>, vector<16xi32>
          %parallel_loop3A_222 = arith.addi %parallel_loop3A_208, %parallel_loop3A_221 : vector<16xi32>
          %parallel_loop3A_223 = arith.cmpf olt, %parallel_loop3A_209, %parallel_loop3A_212 : vector<16xf32>
          %parallel_loop3A_224 = arith.select %parallel_loop3A_223, %broadcast_in_dim3A_15, %broadcast_in_dim3A_13 : vector<16xi1>, vector<16xi32>
          %parallel_loop3A_225 = arith.addi %parallel_loop3A_220, %parallel_loop3A_224 : vector<16xi32>
          %parallel_loop3A_226 = arith.select %parallel_loop3A_223, %broadcast_in_dim3A_13, %broadcast_in_dim3A_15 : vector<16xi1>, vector<16xi32>
          %parallel_loop3A_227 = arith.addi %parallel_loop3A_208, %parallel_loop3A_226 : vector<16xi32>
          %parallel_loop3A_228 = arith.cmpf olt, %parallel_loop3A_210, %parallel_loop3A_211 : vector<16xf32>
          %parallel_loop3A_229 = arith.select %parallel_loop3A_228, %broadcast_in_dim3A_15, %broadcast_in_dim3A_13 : vector<16xi1>, vector<16xi32>
          %parallel_loop3A_230 = arith.addi %parallel_loop3A_217, %parallel_loop3A_229 : vector<16xi32>
          %parallel_loop3A_231 = arith.select %parallel_loop3A_228, %broadcast_in_dim3A_13, %broadcast_in_dim3A_15 : vector<16xi1>, vector<16xi32>
          %parallel_loop3A_232 = arith.addi %parallel_loop3A_222, %parallel_loop3A_231 : vector<16xi32>
          %parallel_loop3A_233 = arith.cmpf olt, %parallel_loop3A_210, %parallel_loop3A_212 : vector<16xf32>
          %parallel_loop3A_234 = arith.select %parallel_loop3A_233, %broadcast_in_dim3A_15, %broadcast_in_dim3A_13 : vector<16xi1>, vector<16xi32>
          %parallel_loop3A_235 = arith.addi %parallel_loop3A_230, %parallel_loop3A_234 : vector<16xi32>
          %parallel_loop3A_236 = arith.select %parallel_loop3A_233, %broadcast_in_dim3A_13, %broadcast_in_dim3A_15 : vector<16xi1>, vector<16xi32>
          %parallel_loop3A_237 = arith.addi %parallel_loop3A_227, %parallel_loop3A_236 : vector<16xi32>
          %parallel_loop3A_238 = arith.cmpf olt, %parallel_loop3A_211, %parallel_loop3A_212 : vector<16xf32>
          %parallel_loop3A_239 = arith.select %parallel_loop3A_238, %broadcast_in_dim3A_15, %broadcast_in_dim3A_13 : vector<16xi1>, vector<16xi32>
          %parallel_loop3A_240 = arith.addi %parallel_loop3A_232, %parallel_loop3A_239 : vector<16xi32>
          %parallel_loop3A_241 = arith.select %parallel_loop3A_238, %broadcast_in_dim3A_13, %broadcast_in_dim3A_15 : vector<16xi1>, vector<16xi32>
          %parallel_loop3A_242 = arith.addi %parallel_loop3A_237, %parallel_loop3A_241 : vector<16xi32>
          %parallel_loop3A_243 = arith.fptosi %parallel_loop3A_170 : vector<16xf32> to vector<16xi32>
          %parallel_loop3A_244 = arith.fptosi %parallel_loop3A_181 : vector<16xf32> to vector<16xi32>
          %parallel_loop3A_245 = arith.fptosi %parallel_loop3A_192 : vector<16xf32> to vector<16xi32>
          %parallel_loop3A_246 = arith.fptosi %parallel_loop3A_203 : vector<16xf32> to vector<16xi32>
          %parallel_loop3A_247 = arith.constant 0 : i32
          %parallel_loop3A_248 = vector.broadcast %parallel_loop3A_247 : i32 to vector<16xi32>
          %parallel_loop3A_249 = arith.cmpi slt, %parallel_loop3A_225, %parallel_loop3A_248 : vector<16xi32>
          %parallel_loop3A_250 = arith.cmpi sgt, %parallel_loop3A_225, %broadcast_in_dim3A_21 : vector<16xi32>
          %parallel_loop3A_251 = arith.select %parallel_loop3A_250, %broadcast_in_dim3A_25, %broadcast_in_dim3A_13 : vector<16xi1>, vector<16xi32>
          %parallel_loop3A_252 = arith.select %parallel_loop3A_249, %broadcast_in_dim3A_23, %parallel_loop3A_251 : vector<16xi1>, vector<16xi32>
          %parallel_loop3A_253 = arith.addi %parallel_loop3A_225, %parallel_loop3A_252 : vector<16xi32>
          %parallel_loop3A_254 = arith.addi %parallel_loop3A_243, %parallel_loop3A_252 : vector<16xi32>
          %parallel_loop3A_255 = arith.constant 0 : i32
          %parallel_loop3A_256 = vector.broadcast %parallel_loop3A_255 : i32 to vector<16xi32>
          %parallel_loop3A_257 = arith.cmpi slt, %parallel_loop3A_235, %parallel_loop3A_256 : vector<16xi32>
          %parallel_loop3A_258 = arith.cmpi sgt, %parallel_loop3A_235, %broadcast_in_dim3A_21 : vector<16xi32>
          %parallel_loop3A_259 = arith.select %parallel_loop3A_258, %broadcast_in_dim3A_25, %broadcast_in_dim3A_13 : vector<16xi1>, vector<16xi32>
          %parallel_loop3A_260 = arith.select %parallel_loop3A_257, %broadcast_in_dim3A_23, %parallel_loop3A_259 : vector<16xi1>, vector<16xi32>
          %parallel_loop3A_261 = arith.addi %parallel_loop3A_235, %parallel_loop3A_260 : vector<16xi32>
          %parallel_loop3A_262 = arith.addi %parallel_loop3A_244, %parallel_loop3A_260 : vector<16xi32>
          %parallel_loop3A_263 = arith.constant 0 : i32
          %parallel_loop3A_264 = vector.broadcast %parallel_loop3A_263 : i32 to vector<16xi32>
          %parallel_loop3A_265 = arith.cmpi slt, %parallel_loop3A_240, %parallel_loop3A_264 : vector<16xi32>
          %parallel_loop3A_266 = arith.cmpi sgt, %parallel_loop3A_240, %broadcast_in_dim3A_21 : vector<16xi32>
          %parallel_loop3A_267 = arith.select %parallel_loop3A_266, %broadcast_in_dim3A_25, %broadcast_in_dim3A_13 : vector<16xi1>, vector<16xi32>
          %parallel_loop3A_268 = arith.select %parallel_loop3A_265, %broadcast_in_dim3A_23, %parallel_loop3A_267 : vector<16xi1>, vector<16xi32>
          %parallel_loop3A_269 = arith.addi %parallel_loop3A_240, %parallel_loop3A_268 : vector<16xi32>
          %parallel_loop3A_270 = arith.addi %parallel_loop3A_245, %parallel_loop3A_268 : vector<16xi32>
          %parallel_loop3A_271 = arith.constant 0 : i32
          %parallel_loop3A_272 = vector.broadcast %parallel_loop3A_271 : i32 to vector<16xi32>
          %parallel_loop3A_273 = arith.cmpi slt, %parallel_loop3A_242, %parallel_loop3A_272 : vector<16xi32>
          %parallel_loop3A_274 = arith.cmpi sgt, %parallel_loop3A_242, %broadcast_in_dim3A_21 : vector<16xi32>
          %parallel_loop3A_275 = arith.select %parallel_loop3A_274, %broadcast_in_dim3A_25, %broadcast_in_dim3A_13 : vector<16xi1>, vector<16xi32>
          %parallel_loop3A_276 = arith.select %parallel_loop3A_273, %broadcast_in_dim3A_23, %parallel_loop3A_275 : vector<16xi1>, vector<16xi32>
          %parallel_loop3A_277 = arith.addi %parallel_loop3A_242, %parallel_loop3A_276 : vector<16xi32>
          %parallel_loop3A_278 = arith.addi %parallel_loop3A_246, %parallel_loop3A_276 : vector<16xi32>
          %parallel_loop3A_279 = arith.sitofp %parallel_loop3A_254 : vector<16xi32> to vector<16xf32>
          %parallel_loop3A_280 = arith.subf %parallel_loop3A_150, %parallel_loop3A_279 : vector<16xf32>
          %parallel_loop3A_281 = arith.mulf %parallel_loop3A_280, %broadcast_in_dim3A_7 : vector<16xf32>
          %parallel_loop3A_282 = arith.sitofp %parallel_loop3A_262 : vector<16xi32> to vector<16xf32>
          %parallel_loop3A_283 = arith.subf %parallel_loop3A_152, %parallel_loop3A_282 : vector<16xf32>
          %parallel_loop3A_284 = arith.mulf %parallel_loop3A_283, %broadcast_in_dim3A_7 : vector<16xf32>
          %parallel_loop3A_285 = arith.sitofp %parallel_loop3A_270 : vector<16xi32> to vector<16xf32>
          %parallel_loop3A_286 = arith.subf %parallel_loop3A_154, %parallel_loop3A_285 : vector<16xf32>
          %parallel_loop3A_287 = arith.mulf %parallel_loop3A_286, %broadcast_in_dim3A_7 : vector<16xf32>
          %parallel_loop3A_288 = arith.sitofp %parallel_loop3A_278 : vector<16xi32> to vector<16xf32>
          %parallel_loop3A_289 = arith.subf %parallel_loop3A_159, %parallel_loop3A_288 : vector<16xf32>
          %parallel_loop3A_290 = arith.mulf %parallel_loop3A_289, %broadcast_in_dim3A_7 : vector<16xf32>
          %parallel_loop3A_291 = arith.constant 0 : i32
          %parallel_loop3A_292 = vector.broadcast %parallel_loop3A_291 : i32 to vector<16xi32>
          %parallel_loop3A_293 = arith.cmpi eq, %parallel_loop3A_253, %parallel_loop3A_292 : vector<16xi32>
          %parallel_loop3A_294 = arith.select %parallel_loop3A_293, %parallel_loop3A_281, %broadcast_in_dim3A_3 : vector<16xi1>, vector<16xf32>
          %parallel_loop3A_295 = arith.cmpi eq, %parallel_loop3A_261, %parallel_loop3A_292 : vector<16xi32>
          %parallel_loop3A_296 = arith.select %parallel_loop3A_295, %parallel_loop3A_284, %broadcast_in_dim3A_3 : vector<16xi1>, vector<16xf32>
          %parallel_loop3A_297 = arith.addf %parallel_loop3A_294, %parallel_loop3A_296 : vector<16xf32>
          %parallel_loop3A_298 = arith.cmpi eq, %parallel_loop3A_269, %parallel_loop3A_292 : vector<16xi32>
          %parallel_loop3A_299 = arith.select %parallel_loop3A_298, %parallel_loop3A_287, %broadcast_in_dim3A_3 : vector<16xi1>, vector<16xf32>
          %parallel_loop3A_300 = arith.addf %parallel_loop3A_297, %parallel_loop3A_299 : vector<16xf32>
          %parallel_loop3A_301 = arith.cmpi eq, %parallel_loop3A_277, %parallel_loop3A_292 : vector<16xi32>
          %parallel_loop3A_302 = arith.select %parallel_loop3A_301, %parallel_loop3A_290, %broadcast_in_dim3A_3 : vector<16xi1>, vector<16xf32>
          %parallel_loop3A_303 = arith.addf %parallel_loop3A_300, %parallel_loop3A_302 : vector<16xf32>
          %parallel_loop3A_304 = arith.constant 1 : i32
          %parallel_loop3A_305 = vector.broadcast %parallel_loop3A_304 : i32 to vector<16xi32>
          %parallel_loop3A_306 = arith.cmpi eq, %parallel_loop3A_253, %parallel_loop3A_305 : vector<16xi32>
          %parallel_loop3A_307 = arith.select %parallel_loop3A_306, %parallel_loop3A_281, %broadcast_in_dim3A_3 : vector<16xi1>, vector<16xf32>
          %parallel_loop3A_308 = arith.cmpi eq, %parallel_loop3A_261, %parallel_loop3A_305 : vector<16xi32>
          %parallel_loop3A_309 = arith.select %parallel_loop3A_308, %parallel_loop3A_284, %broadcast_in_dim3A_3 : vector<16xi1>, vector<16xf32>
          %parallel_loop3A_310 = arith.addf %parallel_loop3A_307, %parallel_loop3A_309 : vector<16xf32>
          %parallel_loop3A_311 = arith.cmpi eq, %parallel_loop3A_269, %parallel_loop3A_305 : vector<16xi32>
          %parallel_loop3A_312 = arith.select %parallel_loop3A_311, %parallel_loop3A_287, %broadcast_in_dim3A_3 : vector<16xi1>, vector<16xf32>
          %parallel_loop3A_313 = arith.addf %parallel_loop3A_310, %parallel_loop3A_312 : vector<16xf32>
          %parallel_loop3A_314 = arith.cmpi eq, %parallel_loop3A_277, %parallel_loop3A_305 : vector<16xi32>
          %parallel_loop3A_315 = arith.select %parallel_loop3A_314, %parallel_loop3A_290, %broadcast_in_dim3A_3 : vector<16xi1>, vector<16xf32>
          %parallel_loop3A_316 = arith.addf %parallel_loop3A_313, %parallel_loop3A_315 : vector<16xf32>
          %parallel_loop3A_317 = arith.constant 2 : i32
          %parallel_loop3A_318 = vector.broadcast %parallel_loop3A_317 : i32 to vector<16xi32>
          %parallel_loop3A_319 = arith.cmpi eq, %parallel_loop3A_253, %parallel_loop3A_318 : vector<16xi32>
          %parallel_loop3A_320 = arith.select %parallel_loop3A_319, %parallel_loop3A_281, %broadcast_in_dim3A_3 : vector<16xi1>, vector<16xf32>
          %parallel_loop3A_321 = arith.cmpi eq, %parallel_loop3A_261, %parallel_loop3A_318 : vector<16xi32>
          %parallel_loop3A_322 = arith.select %parallel_loop3A_321, %parallel_loop3A_284, %broadcast_in_dim3A_3 : vector<16xi1>, vector<16xf32>
          %parallel_loop3A_323 = arith.addf %parallel_loop3A_320, %parallel_loop3A_322 : vector<16xf32>
          %parallel_loop3A_324 = arith.cmpi eq, %parallel_loop3A_269, %parallel_loop3A_318 : vector<16xi32>
          %parallel_loop3A_325 = arith.select %parallel_loop3A_324, %parallel_loop3A_287, %broadcast_in_dim3A_3 : vector<16xi1>, vector<16xf32>
          %parallel_loop3A_326 = arith.addf %parallel_loop3A_323, %parallel_loop3A_325 : vector<16xf32>
          %parallel_loop3A_327 = arith.cmpi eq, %parallel_loop3A_277, %parallel_loop3A_318 : vector<16xi32>
          %parallel_loop3A_328 = arith.select %parallel_loop3A_327, %parallel_loop3A_290, %broadcast_in_dim3A_3 : vector<16xi1>, vector<16xf32>
          %parallel_loop3A_329 = arith.addf %parallel_loop3A_326, %parallel_loop3A_328 : vector<16xf32>
          %parallel_loop3A_330 = arith.constant 3 : i32
          %parallel_loop3A_331 = vector.broadcast %parallel_loop3A_330 : i32 to vector<16xi32>
          %parallel_loop3A_332 = arith.cmpi eq, %parallel_loop3A_253, %parallel_loop3A_331 : vector<16xi32>
          %parallel_loop3A_333 = arith.select %parallel_loop3A_332, %parallel_loop3A_281, %broadcast_in_dim3A_3 : vector<16xi1>, vector<16xf32>
          %parallel_loop3A_334 = arith.cmpi eq, %parallel_loop3A_261, %parallel_loop3A_331 : vector<16xi32>
          %parallel_loop3A_335 = arith.select %parallel_loop3A_334, %parallel_loop3A_284, %broadcast_in_dim3A_3 : vector<16xi1>, vector<16xf32>
          %parallel_loop3A_336 = arith.addf %parallel_loop3A_333, %parallel_loop3A_335 : vector<16xf32>
          %parallel_loop3A_337 = arith.cmpi eq, %parallel_loop3A_269, %parallel_loop3A_331 : vector<16xi32>
          %parallel_loop3A_338 = arith.select %parallel_loop3A_337, %parallel_loop3A_287, %broadcast_in_dim3A_3 : vector<16xi1>, vector<16xf32>
          %parallel_loop3A_339 = arith.addf %parallel_loop3A_336, %parallel_loop3A_338 : vector<16xf32>
          %parallel_loop3A_340 = arith.cmpi eq, %parallel_loop3A_277, %parallel_loop3A_331 : vector<16xi32>
          %parallel_loop3A_341 = arith.select %parallel_loop3A_340, %parallel_loop3A_290, %broadcast_in_dim3A_3 : vector<16xi1>, vector<16xf32>
          %parallel_loop3A_342 = arith.addf %parallel_loop3A_339, %parallel_loop3A_341 : vector<16xf32>
          %parallel_loop3A_343 = arith.addf %broadcast_in_dim3A_5, %parallel_loop3A_342 : vector<16xf32>
          %parallel_loop3A_344 = arith.subf %parallel_loop3A_343, %parallel_loop3A_303 : vector<16xf32>
          %parallel_loop3A_345 = arith.subf %parallel_loop3A_329, %parallel_loop3A_342 : vector<16xf32>
          %parallel_loop3A_346 = arith.subf %parallel_loop3A_316, %parallel_loop3A_329 : vector<16xf32>
          %parallel_loop3A_347 = arith.subf %parallel_loop3A_303, %parallel_loop3A_316 : vector<16xf32>
          %parallel_loop3A_348 = arith.muli %parallel_loop3A_262, %broadcast_in_dim3A_29 : vector<16xi32>
          %parallel_loop3A_349 = arith.xori %parallel_loop3A_254, %parallel_loop3A_348 : vector<16xi32>
          %parallel_loop3A_350 = arith.muli %parallel_loop3A_270, %broadcast_in_dim3A_31 : vector<16xi32>
          %parallel_loop3A_351 = arith.xori %parallel_loop3A_349, %parallel_loop3A_350 : vector<16xi32>
          %parallel_loop3A_352 = arith.andi %parallel_loop3A_351, %broadcast_in_dim3A_27 : vector<16xi32>
          %parallel_loop3A_353 = arith.constant 0 : i32
          %parallel_loop3A_354 = arith.addi %parallel_loop3A_353, %parallel_loop3A_133 : i32
          %parallel_loop3A_355 = arith.index_cast %parallel_loop3A_354 : i32 to index
          %parallel_loop3A_356 = tpu.vector_load %arg15[%parallel_loop3A_355] {strides = array<i32>} : memref<1024xi32, #tpu.memory_space<vmem>>, vector<16xi32>,
          tpu.vector_store %arg15[%parallel_loop3A_355], %parallel_loop3A_352 {strides = array<i32>} : memref<1024xi32, #tpu.memory_space<vmem>>, vector<16xi32>,
          %parallel_loop3A_357 = arith.constant 0 : i32
          %parallel_loop3A_358 = arith.addi %parallel_loop3A_357, %parallel_loop3A_133 : i32
          %parallel_loop3A_359 = arith.index_cast %parallel_loop3A_358 : i32 to index
          %parallel_loop3A_360 = tpu.vector_load %arg19[%parallel_loop3A_359] {strides = array<i32>} : memref<1024xf32, #tpu.memory_space<vmem>>, vector<16xf32>,
          tpu.vector_store %arg19[%parallel_loop3A_359], %parallel_loop3A_344 {strides = array<i32>} : memref<1024xf32, #tpu.memory_space<vmem>>, vector<16xf32>,
          %parallel_loop3A_361 = arith.constant 2 : i32
          %parallel_loop3A_362 = vector.broadcast %parallel_loop3A_361 : i32 to vector<16xi32>
          %parallel_loop3A_363 = arith.constant 1 : i32
          %parallel_loop3A_364 = vector.broadcast %parallel_loop3A_363 : i32 to vector<16xi32>
          %parallel_loop3A_365 = arith.constant -3 : i32
          %parallel_loop3A_366 = vector.broadcast %parallel_loop3A_365 : i32 to vector<16xi32>
          %parallel_loop3A_367 = arith.cmpi sgt, %parallel_loop3A_253, %parallel_loop3A_362 : vector<16xi32>
          %parallel_loop3A_368 = arith.select %parallel_loop3A_367, %parallel_loop3A_366, %parallel_loop3A_364 : vector<16xi1>, vector<16xi32>
          %parallel_loop3A_369 = arith.addi %parallel_loop3A_254, %parallel_loop3A_368 : vector<16xi32>
          %parallel_loop3A_370 = arith.cmpi sgt, %parallel_loop3A_261, %parallel_loop3A_362 : vector<16xi32>
          %parallel_loop3A_371 = arith.select %parallel_loop3A_370, %parallel_loop3A_366, %parallel_loop3A_364 : vector<16xi1>, vector<16xi32>
          %parallel_loop3A_372 = arith.addi %parallel_loop3A_262, %parallel_loop3A_371 : vector<16xi32>
          %parallel_loop3A_373 = arith.cmpi sgt, %parallel_loop3A_269, %parallel_loop3A_362 : vector<16xi32>
          %parallel_loop3A_374 = arith.select %parallel_loop3A_373, %parallel_loop3A_366, %parallel_loop3A_364 : vector<16xi1>, vector<16xi32>
          %parallel_loop3A_375 = arith.addi %parallel_loop3A_270, %parallel_loop3A_374 : vector<16xi32>
          %parallel_loop3A_376 = arith.muli %parallel_loop3A_372, %broadcast_in_dim3A_29 : vector<16xi32>
          %parallel_loop3A_377 = arith.xori %parallel_loop3A_369, %parallel_loop3A_376 : vector<16xi32>
          %parallel_loop3A_378 = arith.muli %parallel_loop3A_375, %broadcast_in_dim3A_31 : vector<16xi32>
          %parallel_loop3A_379 = arith.xori %parallel_loop3A_377, %parallel_loop3A_378 : vector<16xi32>
          %parallel_loop3A_380 = arith.andi %parallel_loop3A_379, %broadcast_in_dim3A_27 : vector<16xi32>
          %parallel_loop3A_381 = arith.constant 256 : i32
          %parallel_loop3A_382 = arith.addi %parallel_loop3A_381, %parallel_loop3A_133 : i32
          %parallel_loop3A_383 = arith.index_cast %parallel_loop3A_382 : i32 to index
          %parallel_loop3A_384 = tpu.vector_load %arg15[%parallel_loop3A_383] {strides = array<i32>} : memref<1024xi32, #tpu.memory_space<vmem>>, vector<16xi32>,
          tpu.vector_store %arg15[%parallel_loop3A_383], %parallel_loop3A_380 {strides = array<i32>} : memref<1024xi32, #tpu.memory_space<vmem>>, vector<16xi32>,
          %parallel_loop3A_385 = arith.constant 256 : i32
          %parallel_loop3A_386 = arith.addi %parallel_loop3A_385, %parallel_loop3A_133 : i32
          %parallel_loop3A_387 = arith.index_cast %parallel_loop3A_386 : i32 to index
          %parallel_loop3A_388 = tpu.vector_load %arg19[%parallel_loop3A_387] {strides = array<i32>} : memref<1024xf32, #tpu.memory_space<vmem>>, vector<16xf32>,
          tpu.vector_store %arg19[%parallel_loop3A_387], %parallel_loop3A_345 {strides = array<i32>} : memref<1024xf32, #tpu.memory_space<vmem>>, vector<16xf32>,
          %parallel_loop3A_389 = arith.constant 1 : i32
          %parallel_loop3A_390 = vector.broadcast %parallel_loop3A_389 : i32 to vector<16xi32>
          %parallel_loop3A_391 = arith.constant 2 : i32
          %parallel_loop3A_392 = vector.broadcast %parallel_loop3A_391 : i32 to vector<16xi32>
          %parallel_loop3A_393 = arith.constant -2 : i32
          %parallel_loop3A_394 = vector.broadcast %parallel_loop3A_393 : i32 to vector<16xi32>
          %parallel_loop3A_395 = arith.cmpi sgt, %parallel_loop3A_253, %parallel_loop3A_390 : vector<16xi32>
          %parallel_loop3A_396 = arith.select %parallel_loop3A_395, %parallel_loop3A_394, %parallel_loop3A_392 : vector<16xi1>, vector<16xi32>
          %parallel_loop3A_397 = arith.addi %parallel_loop3A_254, %parallel_loop3A_396 : vector<16xi32>
          %parallel_loop3A_398 = arith.cmpi sgt, %parallel_loop3A_261, %parallel_loop3A_390 : vector<16xi32>
          %parallel_loop3A_399 = arith.select %parallel_loop3A_398, %parallel_loop3A_394, %parallel_loop3A_392 : vector<16xi1>, vector<16xi32>
          %parallel_loop3A_400 = arith.addi %parallel_loop3A_262, %parallel_loop3A_399 : vector<16xi32>
          %parallel_loop3A_401 = arith.cmpi sgt, %parallel_loop3A_269, %parallel_loop3A_390 : vector<16xi32>
          %parallel_loop3A_402 = arith.select %parallel_loop3A_401, %parallel_loop3A_394, %parallel_loop3A_392 : vector<16xi1>, vector<16xi32>
          %parallel_loop3A_403 = arith.addi %parallel_loop3A_270, %parallel_loop3A_402 : vector<16xi32>
          %parallel_loop3A_404 = arith.muli %parallel_loop3A_400, %broadcast_in_dim3A_29 : vector<16xi32>
          %parallel_loop3A_405 = arith.xori %parallel_loop3A_397, %parallel_loop3A_404 : vector<16xi32>
          %parallel_loop3A_406 = arith.muli %parallel_loop3A_403, %broadcast_in_dim3A_31 : vector<16xi32>
          %parallel_loop3A_407 = arith.xori %parallel_loop3A_405, %parallel_loop3A_406 : vector<16xi32>
          %parallel_loop3A_408 = arith.andi %parallel_loop3A_407, %broadcast_in_dim3A_27 : vector<16xi32>
          %parallel_loop3A_409 = arith.constant 512 : i32
          %parallel_loop3A_410 = arith.addi %parallel_loop3A_409, %parallel_loop3A_133 : i32
          %parallel_loop3A_411 = arith.index_cast %parallel_loop3A_410 : i32 to index
          %parallel_loop3A_412 = tpu.vector_load %arg15[%parallel_loop3A_411] {strides = array<i32>} : memref<1024xi32, #tpu.memory_space<vmem>>, vector<16xi32>,
          tpu.vector_store %arg15[%parallel_loop3A_411], %parallel_loop3A_408 {strides = array<i32>} : memref<1024xi32, #tpu.memory_space<vmem>>, vector<16xi32>,
          %parallel_loop3A_413 = arith.constant 512 : i32
          %parallel_loop3A_414 = arith.addi %parallel_loop3A_413, %parallel_loop3A_133 : i32
          %parallel_loop3A_415 = arith.index_cast %parallel_loop3A_414 : i32 to index
          %parallel_loop3A_416 = tpu.vector_load %arg19[%parallel_loop3A_415] {strides = array<i32>} : memref<1024xf32, #tpu.memory_space<vmem>>, vector<16xf32>,
          tpu.vector_store %arg19[%parallel_loop3A_415], %parallel_loop3A_346 {strides = array<i32>} : memref<1024xf32, #tpu.memory_space<vmem>>, vector<16xf32>,
          %parallel_loop3A_417 = arith.constant 0 : i32
          %parallel_loop3A_418 = vector.broadcast %parallel_loop3A_417 : i32 to vector<16xi32>
          %parallel_loop3A_419 = arith.constant 3 : i32
          %parallel_loop3A_420 = vector.broadcast %parallel_loop3A_419 : i32 to vector<16xi32>
          %parallel_loop3A_421 = arith.constant -1 : i32
          %parallel_loop3A_422 = vector.broadcast %parallel_loop3A_421 : i32 to vector<16xi32>
          %parallel_loop3A_423 = arith.cmpi sgt, %parallel_loop3A_253, %parallel_loop3A_418 : vector<16xi32>
          %parallel_loop3A_424 = arith.select %parallel_loop3A_423, %parallel_loop3A_422, %parallel_loop3A_420 : vector<16xi1>, vector<16xi32>
          %parallel_loop3A_425 = arith.addi %parallel_loop3A_254, %parallel_loop3A_424 : vector<16xi32>
          %parallel_loop3A_426 = arith.cmpi sgt, %parallel_loop3A_261, %parallel_loop3A_418 : vector<16xi32>
          %parallel_loop3A_427 = arith.select %parallel_loop3A_426, %parallel_loop3A_422, %parallel_loop3A_420 : vector<16xi1>, vector<16xi32>
          %parallel_loop3A_428 = arith.addi %parallel_loop3A_262, %parallel_loop3A_427 : vector<16xi32>
          %parallel_loop3A_429 = arith.cmpi sgt, %parallel_loop3A_269, %parallel_loop3A_418 : vector<16xi32>
          %parallel_loop3A_430 = arith.select %parallel_loop3A_429, %parallel_loop3A_422, %parallel_loop3A_420 : vector<16xi1>, vector<16xi32>
          %parallel_loop3A_431 = arith.addi %parallel_loop3A_270, %parallel_loop3A_430 : vector<16xi32>
          %parallel_loop3A_432 = arith.muli %parallel_loop3A_428, %broadcast_in_dim3A_29 : vector<16xi32>
          %parallel_loop3A_433 = arith.xori %parallel_loop3A_425, %parallel_loop3A_432 : vector<16xi32>
          %parallel_loop3A_434 = arith.muli %parallel_loop3A_431, %broadcast_in_dim3A_31 : vector<16xi32>
          %parallel_loop3A_435 = arith.xori %parallel_loop3A_433, %parallel_loop3A_434 : vector<16xi32>
          %parallel_loop3A_436 = arith.andi %parallel_loop3A_435, %broadcast_in_dim3A_27 : vector<16xi32>
          %parallel_loop3A_437 = arith.constant 768 : i32
          %parallel_loop3A_438 = arith.addi %parallel_loop3A_437, %parallel_loop3A_133 : i32
          %parallel_loop3A_439 = arith.index_cast %parallel_loop3A_438 : i32 to index
          %parallel_loop3A_440 = tpu.vector_load %arg15[%parallel_loop3A_439] {strides = array<i32>} : memref<1024xi32, #tpu.memory_space<vmem>>, vector<16xi32>,
          tpu.vector_store %arg15[%parallel_loop3A_439], %parallel_loop3A_436 {strides = array<i32>} : memref<1024xi32, #tpu.memory_space<vmem>>, vector<16xi32>,
          %parallel_loop3A_441 = arith.constant 768 : i32
          %parallel_loop3A_442 = arith.addi %parallel_loop3A_441, %parallel_loop3A_133 : i32
          %parallel_loop3A_443 = arith.index_cast %parallel_loop3A_442 : i32 to index
          %parallel_loop3A_444 = tpu.vector_load %arg19[%parallel_loop3A_443] {strides = array<i32>} : memref<1024xf32, #tpu.memory_space<vmem>>, vector<16xf32>,
          tpu.vector_store %arg19[%parallel_loop3A_443], %parallel_loop3A_347 {strides = array<i32>} : memref<1024xf32, #tpu.memory_space<vmem>>, vector<16xf32>,
        } {sc.loop_unroll_factor = 2 : i64, sc.parallel_access}
        %dma_start3A_83 = arith.constant 0 : i32
        %dma_start3A_84 = tpu.memref_slice %arg28[%dma_start3A_83] : memref<524288xi32, #tpu.memory_space<vmem_shared>> -> memref<524288xi32, #tpu.memory_space<vmem_shared>>
        tpu.enqueue_indirect_dma source(%dma_start3A_84 : memref<524288xi32, #tpu.memory_space<vmem_shared>>) target(%arg23 : memref<1024xi32, #tpu.memory_space<vmem>>) offsets(%arg15 : memref<1024xi32, #tpu.memory_space<vmem>>) semaphore(%arg30 : memref<!tpu.dma_semaphore, #tpu.memory_space<semaphore_mem>>)
        %add3A_85 = arith.constant 512 : i32
        %add3A_86 = arith.addi %mul3A_72, %add3A_85 : i32
        %parallel_loop3A_87 = arith.constant 0 : i32
        %parallel_loop3A_88 = arith.constant 16 : i32
        %parallel_loop3A_89 = arith.constant 1 : i32
        scf.for %parallel_loop3A_131 = %parallel_loop3A_87 to %parallel_loop3A_88 step %parallel_loop3A_89  : i32 {
          %parallel_loop3A_132 = arith.constant 16 : i32
          %parallel_loop3A_133 = arith.muli %parallel_loop3A_131, %parallel_loop3A_132 : i32
          %parallel_loop3A_134 = arith.addi %add3A_86, %parallel_loop3A_133 : i32
          %parallel_loop3A_135 = arith.index_cast %parallel_loop3A_134 : i32 to index
          %parallel_loop3A_136 = tpu.vector_load %arg9[%parallel_loop3A_135] {strides = array<i32>} : memref<8192xf32, #tpu.memory_space<vmem>>, vector<16xf32>,
          %parallel_loop3A_137 = arith.addi %add3A_86, %parallel_loop3A_133 : i32
          %parallel_loop3A_138 = arith.index_cast %parallel_loop3A_137 : i32 to index
          %parallel_loop3A_139 = tpu.vector_load %arg10[%parallel_loop3A_138] {strides = array<i32>} : memref<8192xf32, #tpu.memory_space<vmem>>, vector<16xf32>,
          %parallel_loop3A_140 = arith.addi %add3A_86, %parallel_loop3A_133 : i32
          %parallel_loop3A_141 = arith.index_cast %parallel_loop3A_140 : i32 to index
          %parallel_loop3A_142 = tpu.vector_load %arg11[%parallel_loop3A_141] {strides = array<i32>} : memref<8192xf32, #tpu.memory_space<vmem>>, vector<16xf32>,
          %parallel_loop3A_143 = arith.mulf %parallel_loop3A_136, %gather3A : vector<16xf32>
          %parallel_loop3A_144 = arith.addf %parallel_loop3A_143, %gather3A_54 : vector<16xf32>
          %parallel_loop3A_145 = arith.mulf %parallel_loop3A_139, %gather3A_49 : vector<16xf32>
          %parallel_loop3A_146 = arith.addf %parallel_loop3A_145, %gather3A_58 : vector<16xf32>
          %parallel_loop3A_147 = arith.mulf %parallel_loop3A_142, %gather3A_53 : vector<16xf32>
          %parallel_loop3A_148 = arith.addf %parallel_loop3A_147, %gather3A_62 : vector<16xf32>
          %parallel_loop3A_149 = arith.addf %parallel_loop3A_144, %parallel_loop3A_146 : vector<16xf32>
          %parallel_loop3A_150 = arith.addf %parallel_loop3A_149, %parallel_loop3A_148 : vector<16xf32>
          %parallel_loop3A_151 = arith.addf %parallel_loop3A_146, %parallel_loop3A_148 : vector<16xf32>
          %parallel_loop3A_152 = arith.subf %parallel_loop3A_151, %parallel_loop3A_144 : vector<16xf32>
          %parallel_loop3A_153 = arith.addf %parallel_loop3A_146, %parallel_loop3A_146 : vector<16xf32>
          %parallel_loop3A_154 = arith.subf %parallel_loop3A_148, %parallel_loop3A_153 : vector<16xf32>
          %parallel_loop3A_155 = arith.addf %parallel_loop3A_148, %parallel_loop3A_148 : vector<16xf32>
          %parallel_loop3A_156 = arith.addf %parallel_loop3A_155, %parallel_loop3A_148 : vector<16xf32>
          %parallel_loop3A_157 = arith.constant 0.000000e+00 : f32
          %parallel_loop3A_158 = vector.broadcast %parallel_loop3A_157 : f32 to vector<16xf32>
          %parallel_loop3A_159 = arith.subf %parallel_loop3A_158, %parallel_loop3A_156 : vector<16xf32>
          %parallel_loop3A_160 = arith.mulf %parallel_loop3A_150, %broadcast_in_dim3A_7 : vector<16xf32>
          %parallel_loop3A_161 = arith.fptosi %parallel_loop3A_160 : vector<16xf32> to vector<16xi32>
          %parallel_loop3A_162 = arith.sitofp %parallel_loop3A_161 : vector<16xi32> to vector<16xf32>
          %parallel_loop3A_163 = arith.cmpf ogt, %parallel_loop3A_162, %parallel_loop3A_160 : vector<16xf32>
          %parallel_loop3A_164 = arith.select %parallel_loop3A_163, %broadcast_in_dim3A_5, %broadcast_in_dim3A_3 : vector<16xi1>, vector<16xf32>
          %parallel_loop3A_165 = arith.subf %parallel_loop3A_162, %parallel_loop3A_164 : vector<16xf32>
          %parallel_loop3A_166 = arith.mulf %parallel_loop3A_165, %broadcast_in_dim3A_9 : vector<16xf32>
          %parallel_loop3A_167 = arith.subf %parallel_loop3A_150, %parallel_loop3A_166 : vector<16xf32>
          %parallel_loop3A_168 = arith.cmpf ogt, %parallel_loop3A_167, %broadcast_in_dim3A_11 : vector<16xf32>
          %parallel_loop3A_169 = arith.select %parallel_loop3A_168, %broadcast_in_dim3A_9, %broadcast_in_dim3A_3 : vector<16xi1>, vector<16xf32>
          %parallel_loop3A_170 = arith.addf %parallel_loop3A_166, %parallel_loop3A_169 : vector<16xf32>
          %parallel_loop3A_171 = arith.mulf %parallel_loop3A_152, %broadcast_in_dim3A_7 : vector<16xf32>
          %parallel_loop3A_172 = arith.fptosi %parallel_loop3A_171 : vector<16xf32> to vector<16xi32>
          %parallel_loop3A_173 = arith.sitofp %parallel_loop3A_172 : vector<16xi32> to vector<16xf32>
          %parallel_loop3A_174 = arith.cmpf ogt, %parallel_loop3A_173, %parallel_loop3A_171 : vector<16xf32>
          %parallel_loop3A_175 = arith.select %parallel_loop3A_174, %broadcast_in_dim3A_5, %broadcast_in_dim3A_3 : vector<16xi1>, vector<16xf32>
          %parallel_loop3A_176 = arith.subf %parallel_loop3A_173, %parallel_loop3A_175 : vector<16xf32>
          %parallel_loop3A_177 = arith.mulf %parallel_loop3A_176, %broadcast_in_dim3A_9 : vector<16xf32>
          %parallel_loop3A_178 = arith.subf %parallel_loop3A_152, %parallel_loop3A_177 : vector<16xf32>
          %parallel_loop3A_179 = arith.cmpf ogt, %parallel_loop3A_178, %broadcast_in_dim3A_11 : vector<16xf32>
          %parallel_loop3A_180 = arith.select %parallel_loop3A_179, %broadcast_in_dim3A_9, %broadcast_in_dim3A_3 : vector<16xi1>, vector<16xf32>
          %parallel_loop3A_181 = arith.addf %parallel_loop3A_177, %parallel_loop3A_180 : vector<16xf32>
          %parallel_loop3A_182 = arith.mulf %parallel_loop3A_154, %broadcast_in_dim3A_7 : vector<16xf32>
          %parallel_loop3A_183 = arith.fptosi %parallel_loop3A_182 : vector<16xf32> to vector<16xi32>
          %parallel_loop3A_184 = arith.sitofp %parallel_loop3A_183 : vector<16xi32> to vector<16xf32>
          %parallel_loop3A_185 = arith.cmpf ogt, %parallel_loop3A_184, %parallel_loop3A_182 : vector<16xf32>
          %parallel_loop3A_186 = arith.select %parallel_loop3A_185, %broadcast_in_dim3A_5, %broadcast_in_dim3A_3 : vector<16xi1>, vector<16xf32>
          %parallel_loop3A_187 = arith.subf %parallel_loop3A_184, %parallel_loop3A_186 : vector<16xf32>
          %parallel_loop3A_188 = arith.mulf %parallel_loop3A_187, %broadcast_in_dim3A_9 : vector<16xf32>
          %parallel_loop3A_189 = arith.subf %parallel_loop3A_154, %parallel_loop3A_188 : vector<16xf32>
          %parallel_loop3A_190 = arith.cmpf ogt, %parallel_loop3A_189, %broadcast_in_dim3A_11 : vector<16xf32>
          %parallel_loop3A_191 = arith.select %parallel_loop3A_190, %broadcast_in_dim3A_9, %broadcast_in_dim3A_3 : vector<16xi1>, vector<16xf32>
          %parallel_loop3A_192 = arith.addf %parallel_loop3A_188, %parallel_loop3A_191 : vector<16xf32>
          %parallel_loop3A_193 = arith.mulf %parallel_loop3A_159, %broadcast_in_dim3A_7 : vector<16xf32>
          %parallel_loop3A_194 = arith.fptosi %parallel_loop3A_193 : vector<16xf32> to vector<16xi32>
          %parallel_loop3A_195 = arith.sitofp %parallel_loop3A_194 : vector<16xi32> to vector<16xf32>
          %parallel_loop3A_196 = arith.cmpf ogt, %parallel_loop3A_195, %parallel_loop3A_193 : vector<16xf32>
          %parallel_loop3A_197 = arith.select %parallel_loop3A_196, %broadcast_in_dim3A_5, %broadcast_in_dim3A_3 : vector<16xi1>, vector<16xf32>
          %parallel_loop3A_198 = arith.subf %parallel_loop3A_195, %parallel_loop3A_197 : vector<16xf32>
          %parallel_loop3A_199 = arith.mulf %parallel_loop3A_198, %broadcast_in_dim3A_9 : vector<16xf32>
          %parallel_loop3A_200 = arith.subf %parallel_loop3A_159, %parallel_loop3A_199 : vector<16xf32>
          %parallel_loop3A_201 = arith.cmpf ogt, %parallel_loop3A_200, %broadcast_in_dim3A_11 : vector<16xf32>
          %parallel_loop3A_202 = arith.select %parallel_loop3A_201, %broadcast_in_dim3A_9, %broadcast_in_dim3A_3 : vector<16xi1>, vector<16xf32>
          %parallel_loop3A_203 = arith.addf %parallel_loop3A_199, %parallel_loop3A_202 : vector<16xf32>
          %parallel_loop3A_204 = arith.addf %parallel_loop3A_170, %parallel_loop3A_181 : vector<16xf32>
          %parallel_loop3A_205 = arith.addf %parallel_loop3A_204, %parallel_loop3A_192 : vector<16xf32>
          %parallel_loop3A_206 = arith.addf %parallel_loop3A_205, %parallel_loop3A_203 : vector<16xf32>
          %parallel_loop3A_207 = arith.mulf %parallel_loop3A_206, %broadcast_in_dim3A_7 : vector<16xf32>
          %parallel_loop3A_208 = arith.fptosi %parallel_loop3A_207 : vector<16xf32> to vector<16xi32>
          %parallel_loop3A_209 = arith.subf %parallel_loop3A_150, %parallel_loop3A_170 : vector<16xf32>
          %parallel_loop3A_210 = arith.subf %parallel_loop3A_152, %parallel_loop3A_181 : vector<16xf32>
          %parallel_loop3A_211 = arith.subf %parallel_loop3A_154, %parallel_loop3A_192 : vector<16xf32>
          %parallel_loop3A_212 = arith.subf %parallel_loop3A_159, %parallel_loop3A_203 : vector<16xf32>
          %parallel_loop3A_213 = arith.cmpf olt, %parallel_loop3A_209, %parallel_loop3A_210 : vector<16xf32>
          %parallel_loop3A_214 = arith.select %parallel_loop3A_213, %broadcast_in_dim3A_15, %broadcast_in_dim3A_13 : vector<16xi1>, vector<16xi32>
          %parallel_loop3A_215 = arith.addi %parallel_loop3A_208, %parallel_loop3A_214 : vector<16xi32>
          %parallel_loop3A_216 = arith.select %parallel_loop3A_213, %broadcast_in_dim3A_13, %broadcast_in_dim3A_15 : vector<16xi1>, vector<16xi32>
          %parallel_loop3A_217 = arith.addi %parallel_loop3A_208, %parallel_loop3A_216 : vector<16xi32>
          %parallel_loop3A_218 = arith.cmpf olt, %parallel_loop3A_209, %parallel_loop3A_211 : vector<16xf32>
          %parallel_loop3A_219 = arith.select %parallel_loop3A_218, %broadcast_in_dim3A_15, %broadcast_in_dim3A_13 : vector<16xi1>, vector<16xi32>
          %parallel_loop3A_220 = arith.addi %parallel_loop3A_215, %parallel_loop3A_219 : vector<16xi32>
          %parallel_loop3A_221 = arith.select %parallel_loop3A_218, %broadcast_in_dim3A_13, %broadcast_in_dim3A_15 : vector<16xi1>, vector<16xi32>
          %parallel_loop3A_222 = arith.addi %parallel_loop3A_208, %parallel_loop3A_221 : vector<16xi32>
          %parallel_loop3A_223 = arith.cmpf olt, %parallel_loop3A_209, %parallel_loop3A_212 : vector<16xf32>
          %parallel_loop3A_224 = arith.select %parallel_loop3A_223, %broadcast_in_dim3A_15, %broadcast_in_dim3A_13 : vector<16xi1>, vector<16xi32>
          %parallel_loop3A_225 = arith.addi %parallel_loop3A_220, %parallel_loop3A_224 : vector<16xi32>
          %parallel_loop3A_226 = arith.select %parallel_loop3A_223, %broadcast_in_dim3A_13, %broadcast_in_dim3A_15 : vector<16xi1>, vector<16xi32>
          %parallel_loop3A_227 = arith.addi %parallel_loop3A_208, %parallel_loop3A_226 : vector<16xi32>
          %parallel_loop3A_228 = arith.cmpf olt, %parallel_loop3A_210, %parallel_loop3A_211 : vector<16xf32>
          %parallel_loop3A_229 = arith.select %parallel_loop3A_228, %broadcast_in_dim3A_15, %broadcast_in_dim3A_13 : vector<16xi1>, vector<16xi32>
          %parallel_loop3A_230 = arith.addi %parallel_loop3A_217, %parallel_loop3A_229 : vector<16xi32>
          %parallel_loop3A_231 = arith.select %parallel_loop3A_228, %broadcast_in_dim3A_13, %broadcast_in_dim3A_15 : vector<16xi1>, vector<16xi32>
          %parallel_loop3A_232 = arith.addi %parallel_loop3A_222, %parallel_loop3A_231 : vector<16xi32>
          %parallel_loop3A_233 = arith.cmpf olt, %parallel_loop3A_210, %parallel_loop3A_212 : vector<16xf32>
          %parallel_loop3A_234 = arith.select %parallel_loop3A_233, %broadcast_in_dim3A_15, %broadcast_in_dim3A_13 : vector<16xi1>, vector<16xi32>
          %parallel_loop3A_235 = arith.addi %parallel_loop3A_230, %parallel_loop3A_234 : vector<16xi32>
          %parallel_loop3A_236 = arith.select %parallel_loop3A_233, %broadcast_in_dim3A_13, %broadcast_in_dim3A_15 : vector<16xi1>, vector<16xi32>
          %parallel_loop3A_237 = arith.addi %parallel_loop3A_227, %parallel_loop3A_236 : vector<16xi32>
          %parallel_loop3A_238 = arith.cmpf olt, %parallel_loop3A_211, %parallel_loop3A_212 : vector<16xf32>
          %parallel_loop3A_239 = arith.select %parallel_loop3A_238, %broadcast_in_dim3A_15, %broadcast_in_dim3A_13 : vector<16xi1>, vector<16xi32>
          %parallel_loop3A_240 = arith.addi %parallel_loop3A_232, %parallel_loop3A_239 : vector<16xi32>
          %parallel_loop3A_241 = arith.select %parallel_loop3A_238, %broadcast_in_dim3A_13, %broadcast_in_dim3A_15 : vector<16xi1>, vector<16xi32>
          %parallel_loop3A_242 = arith.addi %parallel_loop3A_237, %parallel_loop3A_241 : vector<16xi32>
          %parallel_loop3A_243 = arith.fptosi %parallel_loop3A_170 : vector<16xf32> to vector<16xi32>
          %parallel_loop3A_244 = arith.fptosi %parallel_loop3A_181 : vector<16xf32> to vector<16xi32>
          %parallel_loop3A_245 = arith.fptosi %parallel_loop3A_192 : vector<16xf32> to vector<16xi32>
          %parallel_loop3A_246 = arith.fptosi %parallel_loop3A_203 : vector<16xf32> to vector<16xi32>
          %parallel_loop3A_247 = arith.constant 0 : i32
          %parallel_loop3A_248 = vector.broadcast %parallel_loop3A_247 : i32 to vector<16xi32>
          %parallel_loop3A_249 = arith.cmpi slt, %parallel_loop3A_225, %parallel_loop3A_248 : vector<16xi32>
          %parallel_loop3A_250 = arith.cmpi sgt, %parallel_loop3A_225, %broadcast_in_dim3A_21 : vector<16xi32>
          %parallel_loop3A_251 = arith.select %parallel_loop3A_250, %broadcast_in_dim3A_25, %broadcast_in_dim3A_13 : vector<16xi1>, vector<16xi32>
          %parallel_loop3A_252 = arith.select %parallel_loop3A_249, %broadcast_in_dim3A_23, %parallel_loop3A_251 : vector<16xi1>, vector<16xi32>
          %parallel_loop3A_253 = arith.addi %parallel_loop3A_225, %parallel_loop3A_252 : vector<16xi32>
          %parallel_loop3A_254 = arith.addi %parallel_loop3A_243, %parallel_loop3A_252 : vector<16xi32>
          %parallel_loop3A_255 = arith.constant 0 : i32
          %parallel_loop3A_256 = vector.broadcast %parallel_loop3A_255 : i32 to vector<16xi32>
          %parallel_loop3A_257 = arith.cmpi slt, %parallel_loop3A_235, %parallel_loop3A_256 : vector<16xi32>
          %parallel_loop3A_258 = arith.cmpi sgt, %parallel_loop3A_235, %broadcast_in_dim3A_21 : vector<16xi32>
          %parallel_loop3A_259 = arith.select %parallel_loop3A_258, %broadcast_in_dim3A_25, %broadcast_in_dim3A_13 : vector<16xi1>, vector<16xi32>
          %parallel_loop3A_260 = arith.select %parallel_loop3A_257, %broadcast_in_dim3A_23, %parallel_loop3A_259 : vector<16xi1>, vector<16xi32>
          %parallel_loop3A_261 = arith.addi %parallel_loop3A_235, %parallel_loop3A_260 : vector<16xi32>
          %parallel_loop3A_262 = arith.addi %parallel_loop3A_244, %parallel_loop3A_260 : vector<16xi32>
          %parallel_loop3A_263 = arith.constant 0 : i32
          %parallel_loop3A_264 = vector.broadcast %parallel_loop3A_263 : i32 to vector<16xi32>
          %parallel_loop3A_265 = arith.cmpi slt, %parallel_loop3A_240, %parallel_loop3A_264 : vector<16xi32>
          %parallel_loop3A_266 = arith.cmpi sgt, %parallel_loop3A_240, %broadcast_in_dim3A_21 : vector<16xi32>
          %parallel_loop3A_267 = arith.select %parallel_loop3A_266, %broadcast_in_dim3A_25, %broadcast_in_dim3A_13 : vector<16xi1>, vector<16xi32>
          %parallel_loop3A_268 = arith.select %parallel_loop3A_265, %broadcast_in_dim3A_23, %parallel_loop3A_267 : vector<16xi1>, vector<16xi32>
          %parallel_loop3A_269 = arith.addi %parallel_loop3A_240, %parallel_loop3A_268 : vector<16xi32>
          %parallel_loop3A_270 = arith.addi %parallel_loop3A_245, %parallel_loop3A_268 : vector<16xi32>
          %parallel_loop3A_271 = arith.constant 0 : i32
          %parallel_loop3A_272 = vector.broadcast %parallel_loop3A_271 : i32 to vector<16xi32>
          %parallel_loop3A_273 = arith.cmpi slt, %parallel_loop3A_242, %parallel_loop3A_272 : vector<16xi32>
          %parallel_loop3A_274 = arith.cmpi sgt, %parallel_loop3A_242, %broadcast_in_dim3A_21 : vector<16xi32>
          %parallel_loop3A_275 = arith.select %parallel_loop3A_274, %broadcast_in_dim3A_25, %broadcast_in_dim3A_13 : vector<16xi1>, vector<16xi32>
          %parallel_loop3A_276 = arith.select %parallel_loop3A_273, %broadcast_in_dim3A_23, %parallel_loop3A_275 : vector<16xi1>, vector<16xi32>
          %parallel_loop3A_277 = arith.addi %parallel_loop3A_242, %parallel_loop3A_276 : vector<16xi32>
          %parallel_loop3A_278 = arith.addi %parallel_loop3A_246, %parallel_loop3A_276 : vector<16xi32>
          %parallel_loop3A_279 = arith.sitofp %parallel_loop3A_254 : vector<16xi32> to vector<16xf32>
          %parallel_loop3A_280 = arith.subf %parallel_loop3A_150, %parallel_loop3A_279 : vector<16xf32>
          %parallel_loop3A_281 = arith.mulf %parallel_loop3A_280, %broadcast_in_dim3A_7 : vector<16xf32>
          %parallel_loop3A_282 = arith.sitofp %parallel_loop3A_262 : vector<16xi32> to vector<16xf32>
          %parallel_loop3A_283 = arith.subf %parallel_loop3A_152, %parallel_loop3A_282 : vector<16xf32>
          %parallel_loop3A_284 = arith.mulf %parallel_loop3A_283, %broadcast_in_dim3A_7 : vector<16xf32>
          %parallel_loop3A_285 = arith.sitofp %parallel_loop3A_270 : vector<16xi32> to vector<16xf32>
          %parallel_loop3A_286 = arith.subf %parallel_loop3A_154, %parallel_loop3A_285 : vector<16xf32>
          %parallel_loop3A_287 = arith.mulf %parallel_loop3A_286, %broadcast_in_dim3A_7 : vector<16xf32>
          %parallel_loop3A_288 = arith.sitofp %parallel_loop3A_278 : vector<16xi32> to vector<16xf32>
          %parallel_loop3A_289 = arith.subf %parallel_loop3A_159, %parallel_loop3A_288 : vector<16xf32>
          %parallel_loop3A_290 = arith.mulf %parallel_loop3A_289, %broadcast_in_dim3A_7 : vector<16xf32>
          %parallel_loop3A_291 = arith.constant 0 : i32
          %parallel_loop3A_292 = vector.broadcast %parallel_loop3A_291 : i32 to vector<16xi32>
          %parallel_loop3A_293 = arith.cmpi eq, %parallel_loop3A_253, %parallel_loop3A_292 : vector<16xi32>
          %parallel_loop3A_294 = arith.select %parallel_loop3A_293, %parallel_loop3A_281, %broadcast_in_dim3A_3 : vector<16xi1>, vector<16xf32>
          %parallel_loop3A_295 = arith.cmpi eq, %parallel_loop3A_261, %parallel_loop3A_292 : vector<16xi32>
          %parallel_loop3A_296 = arith.select %parallel_loop3A_295, %parallel_loop3A_284, %broadcast_in_dim3A_3 : vector<16xi1>, vector<16xf32>
          %parallel_loop3A_297 = arith.addf %parallel_loop3A_294, %parallel_loop3A_296 : vector<16xf32>
          %parallel_loop3A_298 = arith.cmpi eq, %parallel_loop3A_269, %parallel_loop3A_292 : vector<16xi32>
          %parallel_loop3A_299 = arith.select %parallel_loop3A_298, %parallel_loop3A_287, %broadcast_in_dim3A_3 : vector<16xi1>, vector<16xf32>
          %parallel_loop3A_300 = arith.addf %parallel_loop3A_297, %parallel_loop3A_299 : vector<16xf32>
          %parallel_loop3A_301 = arith.cmpi eq, %parallel_loop3A_277, %parallel_loop3A_292 : vector<16xi32>
          %parallel_loop3A_302 = arith.select %parallel_loop3A_301, %parallel_loop3A_290, %broadcast_in_dim3A_3 : vector<16xi1>, vector<16xf32>
          %parallel_loop3A_303 = arith.addf %parallel_loop3A_300, %parallel_loop3A_302 : vector<16xf32>
          %parallel_loop3A_304 = arith.constant 1 : i32
          %parallel_loop3A_305 = vector.broadcast %parallel_loop3A_304 : i32 to vector<16xi32>
          %parallel_loop3A_306 = arith.cmpi eq, %parallel_loop3A_253, %parallel_loop3A_305 : vector<16xi32>
          %parallel_loop3A_307 = arith.select %parallel_loop3A_306, %parallel_loop3A_281, %broadcast_in_dim3A_3 : vector<16xi1>, vector<16xf32>
          %parallel_loop3A_308 = arith.cmpi eq, %parallel_loop3A_261, %parallel_loop3A_305 : vector<16xi32>
          %parallel_loop3A_309 = arith.select %parallel_loop3A_308, %parallel_loop3A_284, %broadcast_in_dim3A_3 : vector<16xi1>, vector<16xf32>
          %parallel_loop3A_310 = arith.addf %parallel_loop3A_307, %parallel_loop3A_309 : vector<16xf32>
          %parallel_loop3A_311 = arith.cmpi eq, %parallel_loop3A_269, %parallel_loop3A_305 : vector<16xi32>
          %parallel_loop3A_312 = arith.select %parallel_loop3A_311, %parallel_loop3A_287, %broadcast_in_dim3A_3 : vector<16xi1>, vector<16xf32>
          %parallel_loop3A_313 = arith.addf %parallel_loop3A_310, %parallel_loop3A_312 : vector<16xf32>
          %parallel_loop3A_314 = arith.cmpi eq, %parallel_loop3A_277, %parallel_loop3A_305 : vector<16xi32>
          %parallel_loop3A_315 = arith.select %parallel_loop3A_314, %parallel_loop3A_290, %broadcast_in_dim3A_3 : vector<16xi1>, vector<16xf32>
          %parallel_loop3A_316 = arith.addf %parallel_loop3A_313, %parallel_loop3A_315 : vector<16xf32>
          %parallel_loop3A_317 = arith.constant 2 : i32
          %parallel_loop3A_318 = vector.broadcast %parallel_loop3A_317 : i32 to vector<16xi32>
          %parallel_loop3A_319 = arith.cmpi eq, %parallel_loop3A_253, %parallel_loop3A_318 : vector<16xi32>
          %parallel_loop3A_320 = arith.select %parallel_loop3A_319, %parallel_loop3A_281, %broadcast_in_dim3A_3 : vector<16xi1>, vector<16xf32>
          %parallel_loop3A_321 = arith.cmpi eq, %parallel_loop3A_261, %parallel_loop3A_318 : vector<16xi32>
          %parallel_loop3A_322 = arith.select %parallel_loop3A_321, %parallel_loop3A_284, %broadcast_in_dim3A_3 : vector<16xi1>, vector<16xf32>
          %parallel_loop3A_323 = arith.addf %parallel_loop3A_320, %parallel_loop3A_322 : vector<16xf32>
          %parallel_loop3A_324 = arith.cmpi eq, %parallel_loop3A_269, %parallel_loop3A_318 : vector<16xi32>
          %parallel_loop3A_325 = arith.select %parallel_loop3A_324, %parallel_loop3A_287, %broadcast_in_dim3A_3 : vector<16xi1>, vector<16xf32>
          %parallel_loop3A_326 = arith.addf %parallel_loop3A_323, %parallel_loop3A_325 : vector<16xf32>
          %parallel_loop3A_327 = arith.cmpi eq, %parallel_loop3A_277, %parallel_loop3A_318 : vector<16xi32>
          %parallel_loop3A_328 = arith.select %parallel_loop3A_327, %parallel_loop3A_290, %broadcast_in_dim3A_3 : vector<16xi1>, vector<16xf32>
          %parallel_loop3A_329 = arith.addf %parallel_loop3A_326, %parallel_loop3A_328 : vector<16xf32>
          %parallel_loop3A_330 = arith.constant 3 : i32
          %parallel_loop3A_331 = vector.broadcast %parallel_loop3A_330 : i32 to vector<16xi32>
          %parallel_loop3A_332 = arith.cmpi eq, %parallel_loop3A_253, %parallel_loop3A_331 : vector<16xi32>
          %parallel_loop3A_333 = arith.select %parallel_loop3A_332, %parallel_loop3A_281, %broadcast_in_dim3A_3 : vector<16xi1>, vector<16xf32>
          %parallel_loop3A_334 = arith.cmpi eq, %parallel_loop3A_261, %parallel_loop3A_331 : vector<16xi32>
          %parallel_loop3A_335 = arith.select %parallel_loop3A_334, %parallel_loop3A_284, %broadcast_in_dim3A_3 : vector<16xi1>, vector<16xf32>
          %parallel_loop3A_336 = arith.addf %parallel_loop3A_333, %parallel_loop3A_335 : vector<16xf32>
          %parallel_loop3A_337 = arith.cmpi eq, %parallel_loop3A_269, %parallel_loop3A_331 : vector<16xi32>
          %parallel_loop3A_338 = arith.select %parallel_loop3A_337, %parallel_loop3A_287, %broadcast_in_dim3A_3 : vector<16xi1>, vector<16xf32>
          %parallel_loop3A_339 = arith.addf %parallel_loop3A_336, %parallel_loop3A_338 : vector<16xf32>
          %parallel_loop3A_340 = arith.cmpi eq, %parallel_loop3A_277, %parallel_loop3A_331 : vector<16xi32>
          %parallel_loop3A_341 = arith.select %parallel_loop3A_340, %parallel_loop3A_290, %broadcast_in_dim3A_3 : vector<16xi1>, vector<16xf32>
          %parallel_loop3A_342 = arith.addf %parallel_loop3A_339, %parallel_loop3A_341 : vector<16xf32>
          %parallel_loop3A_343 = arith.addf %broadcast_in_dim3A_5, %parallel_loop3A_342 : vector<16xf32>
          %parallel_loop3A_344 = arith.subf %parallel_loop3A_343, %parallel_loop3A_303 : vector<16xf32>
          %parallel_loop3A_345 = arith.subf %parallel_loop3A_329, %parallel_loop3A_342 : vector<16xf32>
          %parallel_loop3A_346 = arith.subf %parallel_loop3A_316, %parallel_loop3A_329 : vector<16xf32>
          %parallel_loop3A_347 = arith.subf %parallel_loop3A_303, %parallel_loop3A_316 : vector<16xf32>
          %parallel_loop3A_348 = arith.muli %parallel_loop3A_262, %broadcast_in_dim3A_29 : vector<16xi32>
          %parallel_loop3A_349 = arith.xori %parallel_loop3A_254, %parallel_loop3A_348 : vector<16xi32>
          %parallel_loop3A_350 = arith.muli %parallel_loop3A_270, %broadcast_in_dim3A_31 : vector<16xi32>
          %parallel_loop3A_351 = arith.xori %parallel_loop3A_349, %parallel_loop3A_350 : vector<16xi32>
          %parallel_loop3A_352 = arith.andi %parallel_loop3A_351, %broadcast_in_dim3A_27 : vector<16xi32>
          %parallel_loop3A_353 = arith.constant 0 : i32
          %parallel_loop3A_354 = arith.addi %parallel_loop3A_353, %parallel_loop3A_133 : i32
          %parallel_loop3A_355 = arith.index_cast %parallel_loop3A_354 : i32 to index
          %parallel_loop3A_356 = tpu.vector_load %arg16[%parallel_loop3A_355] {strides = array<i32>} : memref<1024xi32, #tpu.memory_space<vmem>>, vector<16xi32>,
          tpu.vector_store %arg16[%parallel_loop3A_355], %parallel_loop3A_352 {strides = array<i32>} : memref<1024xi32, #tpu.memory_space<vmem>>, vector<16xi32>,
          %parallel_loop3A_357 = arith.constant 0 : i32
          %parallel_loop3A_358 = arith.addi %parallel_loop3A_357, %parallel_loop3A_133 : i32
          %parallel_loop3A_359 = arith.index_cast %parallel_loop3A_358 : i32 to index
          %parallel_loop3A_360 = tpu.vector_load %arg20[%parallel_loop3A_359] {strides = array<i32>} : memref<1024xf32, #tpu.memory_space<vmem>>, vector<16xf32>,
          tpu.vector_store %arg20[%parallel_loop3A_359], %parallel_loop3A_344 {strides = array<i32>} : memref<1024xf32, #tpu.memory_space<vmem>>, vector<16xf32>,
          %parallel_loop3A_361 = arith.constant 2 : i32
          %parallel_loop3A_362 = vector.broadcast %parallel_loop3A_361 : i32 to vector<16xi32>
          %parallel_loop3A_363 = arith.constant 1 : i32
          %parallel_loop3A_364 = vector.broadcast %parallel_loop3A_363 : i32 to vector<16xi32>
          %parallel_loop3A_365 = arith.constant -3 : i32
          %parallel_loop3A_366 = vector.broadcast %parallel_loop3A_365 : i32 to vector<16xi32>
          %parallel_loop3A_367 = arith.cmpi sgt, %parallel_loop3A_253, %parallel_loop3A_362 : vector<16xi32>
          %parallel_loop3A_368 = arith.select %parallel_loop3A_367, %parallel_loop3A_366, %parallel_loop3A_364 : vector<16xi1>, vector<16xi32>
          %parallel_loop3A_369 = arith.addi %parallel_loop3A_254, %parallel_loop3A_368 : vector<16xi32>
          %parallel_loop3A_370 = arith.cmpi sgt, %parallel_loop3A_261, %parallel_loop3A_362 : vector<16xi32>
          %parallel_loop3A_371 = arith.select %parallel_loop3A_370, %parallel_loop3A_366, %parallel_loop3A_364 : vector<16xi1>, vector<16xi32>
          %parallel_loop3A_372 = arith.addi %parallel_loop3A_262, %parallel_loop3A_371 : vector<16xi32>
          %parallel_loop3A_373 = arith.cmpi sgt, %parallel_loop3A_269, %parallel_loop3A_362 : vector<16xi32>
          %parallel_loop3A_374 = arith.select %parallel_loop3A_373, %parallel_loop3A_366, %parallel_loop3A_364 : vector<16xi1>, vector<16xi32>
          %parallel_loop3A_375 = arith.addi %parallel_loop3A_270, %parallel_loop3A_374 : vector<16xi32>
          %parallel_loop3A_376 = arith.muli %parallel_loop3A_372, %broadcast_in_dim3A_29 : vector<16xi32>
          %parallel_loop3A_377 = arith.xori %parallel_loop3A_369, %parallel_loop3A_376 : vector<16xi32>
          %parallel_loop3A_378 = arith.muli %parallel_loop3A_375, %broadcast_in_dim3A_31 : vector<16xi32>
          %parallel_loop3A_379 = arith.xori %parallel_loop3A_377, %parallel_loop3A_378 : vector<16xi32>
          %parallel_loop3A_380 = arith.andi %parallel_loop3A_379, %broadcast_in_dim3A_27 : vector<16xi32>
          %parallel_loop3A_381 = arith.constant 256 : i32
          %parallel_loop3A_382 = arith.addi %parallel_loop3A_381, %parallel_loop3A_133 : i32
          %parallel_loop3A_383 = arith.index_cast %parallel_loop3A_382 : i32 to index
          %parallel_loop3A_384 = tpu.vector_load %arg16[%parallel_loop3A_383] {strides = array<i32>} : memref<1024xi32, #tpu.memory_space<vmem>>, vector<16xi32>,
          tpu.vector_store %arg16[%parallel_loop3A_383], %parallel_loop3A_380 {strides = array<i32>} : memref<1024xi32, #tpu.memory_space<vmem>>, vector<16xi32>,
          %parallel_loop3A_385 = arith.constant 256 : i32
          %parallel_loop3A_386 = arith.addi %parallel_loop3A_385, %parallel_loop3A_133 : i32
          %parallel_loop3A_387 = arith.index_cast %parallel_loop3A_386 : i32 to index
          %parallel_loop3A_388 = tpu.vector_load %arg20[%parallel_loop3A_387] {strides = array<i32>} : memref<1024xf32, #tpu.memory_space<vmem>>, vector<16xf32>,
          tpu.vector_store %arg20[%parallel_loop3A_387], %parallel_loop3A_345 {strides = array<i32>} : memref<1024xf32, #tpu.memory_space<vmem>>, vector<16xf32>,
          %parallel_loop3A_389 = arith.constant 1 : i32
          %parallel_loop3A_390 = vector.broadcast %parallel_loop3A_389 : i32 to vector<16xi32>
          %parallel_loop3A_391 = arith.constant 2 : i32
          %parallel_loop3A_392 = vector.broadcast %parallel_loop3A_391 : i32 to vector<16xi32>
          %parallel_loop3A_393 = arith.constant -2 : i32
          %parallel_loop3A_394 = vector.broadcast %parallel_loop3A_393 : i32 to vector<16xi32>
          %parallel_loop3A_395 = arith.cmpi sgt, %parallel_loop3A_253, %parallel_loop3A_390 : vector<16xi32>
          %parallel_loop3A_396 = arith.select %parallel_loop3A_395, %parallel_loop3A_394, %parallel_loop3A_392 : vector<16xi1>, vector<16xi32>
          %parallel_loop3A_397 = arith.addi %parallel_loop3A_254, %parallel_loop3A_396 : vector<16xi32>
          %parallel_loop3A_398 = arith.cmpi sgt, %parallel_loop3A_261, %parallel_loop3A_390 : vector<16xi32>
          %parallel_loop3A_399 = arith.select %parallel_loop3A_398, %parallel_loop3A_394, %parallel_loop3A_392 : vector<16xi1>, vector<16xi32>
          %parallel_loop3A_400 = arith.addi %parallel_loop3A_262, %parallel_loop3A_399 : vector<16xi32>
          %parallel_loop3A_401 = arith.cmpi sgt, %parallel_loop3A_269, %parallel_loop3A_390 : vector<16xi32>
          %parallel_loop3A_402 = arith.select %parallel_loop3A_401, %parallel_loop3A_394, %parallel_loop3A_392 : vector<16xi1>, vector<16xi32>
          %parallel_loop3A_403 = arith.addi %parallel_loop3A_270, %parallel_loop3A_402 : vector<16xi32>
          %parallel_loop3A_404 = arith.muli %parallel_loop3A_400, %broadcast_in_dim3A_29 : vector<16xi32>
          %parallel_loop3A_405 = arith.xori %parallel_loop3A_397, %parallel_loop3A_404 : vector<16xi32>
          %parallel_loop3A_406 = arith.muli %parallel_loop3A_403, %broadcast_in_dim3A_31 : vector<16xi32>
          %parallel_loop3A_407 = arith.xori %parallel_loop3A_405, %parallel_loop3A_406 : vector<16xi32>
          %parallel_loop3A_408 = arith.andi %parallel_loop3A_407, %broadcast_in_dim3A_27 : vector<16xi32>
          %parallel_loop3A_409 = arith.constant 512 : i32
          %parallel_loop3A_410 = arith.addi %parallel_loop3A_409, %parallel_loop3A_133 : i32
          %parallel_loop3A_411 = arith.index_cast %parallel_loop3A_410 : i32 to index
          %parallel_loop3A_412 = tpu.vector_load %arg16[%parallel_loop3A_411] {strides = array<i32>} : memref<1024xi32, #tpu.memory_space<vmem>>, vector<16xi32>,
          tpu.vector_store %arg16[%parallel_loop3A_411], %parallel_loop3A_408 {strides = array<i32>} : memref<1024xi32, #tpu.memory_space<vmem>>, vector<16xi32>,
          %parallel_loop3A_413 = arith.constant 512 : i32
          %parallel_loop3A_414 = arith.addi %parallel_loop3A_413, %parallel_loop3A_133 : i32
          %parallel_loop3A_415 = arith.index_cast %parallel_loop3A_414 : i32 to index
          %parallel_loop3A_416 = tpu.vector_load %arg20[%parallel_loop3A_415] {strides = array<i32>} : memref<1024xf32, #tpu.memory_space<vmem>>, vector<16xf32>,
          tpu.vector_store %arg20[%parallel_loop3A_415], %parallel_loop3A_346 {strides = array<i32>} : memref<1024xf32, #tpu.memory_space<vmem>>, vector<16xf32>,
          %parallel_loop3A_417 = arith.constant 0 : i32
          %parallel_loop3A_418 = vector.broadcast %parallel_loop3A_417 : i32 to vector<16xi32>
          %parallel_loop3A_419 = arith.constant 3 : i32
          %parallel_loop3A_420 = vector.broadcast %parallel_loop3A_419 : i32 to vector<16xi32>
          %parallel_loop3A_421 = arith.constant -1 : i32
          %parallel_loop3A_422 = vector.broadcast %parallel_loop3A_421 : i32 to vector<16xi32>
          %parallel_loop3A_423 = arith.cmpi sgt, %parallel_loop3A_253, %parallel_loop3A_418 : vector<16xi32>
          %parallel_loop3A_424 = arith.select %parallel_loop3A_423, %parallel_loop3A_422, %parallel_loop3A_420 : vector<16xi1>, vector<16xi32>
          %parallel_loop3A_425 = arith.addi %parallel_loop3A_254, %parallel_loop3A_424 : vector<16xi32>
          %parallel_loop3A_426 = arith.cmpi sgt, %parallel_loop3A_261, %parallel_loop3A_418 : vector<16xi32>
          %parallel_loop3A_427 = arith.select %parallel_loop3A_426, %parallel_loop3A_422, %parallel_loop3A_420 : vector<16xi1>, vector<16xi32>
          %parallel_loop3A_428 = arith.addi %parallel_loop3A_262, %parallel_loop3A_427 : vector<16xi32>
          %parallel_loop3A_429 = arith.cmpi sgt, %parallel_loop3A_269, %parallel_loop3A_418 : vector<16xi32>
          %parallel_loop3A_430 = arith.select %parallel_loop3A_429, %parallel_loop3A_422, %parallel_loop3A_420 : vector<16xi1>, vector<16xi32>
          %parallel_loop3A_431 = arith.addi %parallel_loop3A_270, %parallel_loop3A_430 : vector<16xi32>
          %parallel_loop3A_432 = arith.muli %parallel_loop3A_428, %broadcast_in_dim3A_29 : vector<16xi32>
          %parallel_loop3A_433 = arith.xori %parallel_loop3A_425, %parallel_loop3A_432 : vector<16xi32>
          %parallel_loop3A_434 = arith.muli %parallel_loop3A_431, %broadcast_in_dim3A_31 : vector<16xi32>
          %parallel_loop3A_435 = arith.xori %parallel_loop3A_433, %parallel_loop3A_434 : vector<16xi32>
          %parallel_loop3A_436 = arith.andi %parallel_loop3A_435, %broadcast_in_dim3A_27 : vector<16xi32>
          %parallel_loop3A_437 = arith.constant 768 : i32
          %parallel_loop3A_438 = arith.addi %parallel_loop3A_437, %parallel_loop3A_133 : i32
          %parallel_loop3A_439 = arith.index_cast %parallel_loop3A_438 : i32 to index
          %parallel_loop3A_440 = tpu.vector_load %arg16[%parallel_loop3A_439] {strides = array<i32>} : memref<1024xi32, #tpu.memory_space<vmem>>, vector<16xi32>,
          tpu.vector_store %arg16[%parallel_loop3A_439], %parallel_loop3A_436 {strides = array<i32>} : memref<1024xi32, #tpu.memory_space<vmem>>, vector<16xi32>,
          %parallel_loop3A_441 = arith.constant 768 : i32
          %parallel_loop3A_442 = arith.addi %parallel_loop3A_441, %parallel_loop3A_133 : i32
          %parallel_loop3A_443 = arith.index_cast %parallel_loop3A_442 : i32 to index
          %parallel_loop3A_444 = tpu.vector_load %arg20[%parallel_loop3A_443] {strides = array<i32>} : memref<1024xf32, #tpu.memory_space<vmem>>, vector<16xf32>,
          tpu.vector_store %arg20[%parallel_loop3A_443], %parallel_loop3A_347 {strides = array<i32>} : memref<1024xf32, #tpu.memory_space<vmem>>, vector<16xf32>,
        } {sc.loop_unroll_factor = 2 : i64, sc.parallel_access}
        %dma_start3A_90 = arith.constant 0 : i32
        %dma_start3A_91 = tpu.memref_slice %arg28[%dma_start3A_90] : memref<524288xi32, #tpu.memory_space<vmem_shared>> -> memref<524288xi32, #tpu.memory_space<vmem_shared>>
        tpu.enqueue_indirect_dma source(%dma_start3A_91 : memref<524288xi32, #tpu.memory_space<vmem_shared>>) target(%arg24 : memref<1024xi32, #tpu.memory_space<vmem>>) offsets(%arg16 : memref<1024xi32, #tpu.memory_space<vmem>>) semaphore(%arg31 : memref<!tpu.dma_semaphore, #tpu.memory_space<semaphore_mem>>)
        %add3A_92 = arith.constant 768 : i32
        %add3A_93 = arith.addi %mul3A_72, %add3A_92 : i32
        %parallel_loop3A_94 = arith.constant 0 : i32
        %parallel_loop3A_95 = arith.constant 16 : i32
        %parallel_loop3A_96 = arith.constant 1 : i32
        scf.for %parallel_loop3A_131 = %parallel_loop3A_94 to %parallel_loop3A_95 step %parallel_loop3A_96  : i32 {
          %parallel_loop3A_132 = arith.constant 16 : i32
          %parallel_loop3A_133 = arith.muli %parallel_loop3A_131, %parallel_loop3A_132 : i32
          %parallel_loop3A_134 = arith.addi %add3A_93, %parallel_loop3A_133 : i32
          %parallel_loop3A_135 = arith.index_cast %parallel_loop3A_134 : i32 to index
          %parallel_loop3A_136 = tpu.vector_load %arg9[%parallel_loop3A_135] {strides = array<i32>} : memref<8192xf32, #tpu.memory_space<vmem>>, vector<16xf32>,
          %parallel_loop3A_137 = arith.addi %add3A_93, %parallel_loop3A_133 : i32
          %parallel_loop3A_138 = arith.index_cast %parallel_loop3A_137 : i32 to index
          %parallel_loop3A_139 = tpu.vector_load %arg10[%parallel_loop3A_138] {strides = array<i32>} : memref<8192xf32, #tpu.memory_space<vmem>>, vector<16xf32>,
          %parallel_loop3A_140 = arith.addi %add3A_93, %parallel_loop3A_133 : i32
          %parallel_loop3A_141 = arith.index_cast %parallel_loop3A_140 : i32 to index
          %parallel_loop3A_142 = tpu.vector_load %arg11[%parallel_loop3A_141] {strides = array<i32>} : memref<8192xf32, #tpu.memory_space<vmem>>, vector<16xf32>,
          %parallel_loop3A_143 = arith.mulf %parallel_loop3A_136, %gather3A : vector<16xf32>
          %parallel_loop3A_144 = arith.addf %parallel_loop3A_143, %gather3A_54 : vector<16xf32>
          %parallel_loop3A_145 = arith.mulf %parallel_loop3A_139, %gather3A_49 : vector<16xf32>
          %parallel_loop3A_146 = arith.addf %parallel_loop3A_145, %gather3A_58 : vector<16xf32>
          %parallel_loop3A_147 = arith.mulf %parallel_loop3A_142, %gather3A_53 : vector<16xf32>
          %parallel_loop3A_148 = arith.addf %parallel_loop3A_147, %gather3A_62 : vector<16xf32>
          %parallel_loop3A_149 = arith.addf %parallel_loop3A_144, %parallel_loop3A_146 : vector<16xf32>
          %parallel_loop3A_150 = arith.addf %parallel_loop3A_149, %parallel_loop3A_148 : vector<16xf32>
          %parallel_loop3A_151 = arith.addf %parallel_loop3A_146, %parallel_loop3A_148 : vector<16xf32>
          %parallel_loop3A_152 = arith.subf %parallel_loop3A_151, %parallel_loop3A_144 : vector<16xf32>
          %parallel_loop3A_153 = arith.addf %parallel_loop3A_146, %parallel_loop3A_146 : vector<16xf32>
          %parallel_loop3A_154 = arith.subf %parallel_loop3A_148, %parallel_loop3A_153 : vector<16xf32>
          %parallel_loop3A_155 = arith.addf %parallel_loop3A_148, %parallel_loop3A_148 : vector<16xf32>
          %parallel_loop3A_156 = arith.addf %parallel_loop3A_155, %parallel_loop3A_148 : vector<16xf32>
          %parallel_loop3A_157 = arith.constant 0.000000e+00 : f32
          %parallel_loop3A_158 = vector.broadcast %parallel_loop3A_157 : f32 to vector<16xf32>
          %parallel_loop3A_159 = arith.subf %parallel_loop3A_158, %parallel_loop3A_156 : vector<16xf32>
          %parallel_loop3A_160 = arith.mulf %parallel_loop3A_150, %broadcast_in_dim3A_7 : vector<16xf32>
          %parallel_loop3A_161 = arith.fptosi %parallel_loop3A_160 : vector<16xf32> to vector<16xi32>
          %parallel_loop3A_162 = arith.sitofp %parallel_loop3A_161 : vector<16xi32> to vector<16xf32>
          %parallel_loop3A_163 = arith.cmpf ogt, %parallel_loop3A_162, %parallel_loop3A_160 : vector<16xf32>
          %parallel_loop3A_164 = arith.select %parallel_loop3A_163, %broadcast_in_dim3A_5, %broadcast_in_dim3A_3 : vector<16xi1>, vector<16xf32>
          %parallel_loop3A_165 = arith.subf %parallel_loop3A_162, %parallel_loop3A_164 : vector<16xf32>
          %parallel_loop3A_166 = arith.mulf %parallel_loop3A_165, %broadcast_in_dim3A_9 : vector<16xf32>
          %parallel_loop3A_167 = arith.subf %parallel_loop3A_150, %parallel_loop3A_166 : vector<16xf32>
          %parallel_loop3A_168 = arith.cmpf ogt, %parallel_loop3A_167, %broadcast_in_dim3A_11 : vector<16xf32>
          %parallel_loop3A_169 = arith.select %parallel_loop3A_168, %broadcast_in_dim3A_9, %broadcast_in_dim3A_3 : vector<16xi1>, vector<16xf32>
          %parallel_loop3A_170 = arith.addf %parallel_loop3A_166, %parallel_loop3A_169 : vector<16xf32>
          %parallel_loop3A_171 = arith.mulf %parallel_loop3A_152, %broadcast_in_dim3A_7 : vector<16xf32>
          %parallel_loop3A_172 = arith.fptosi %parallel_loop3A_171 : vector<16xf32> to vector<16xi32>
          %parallel_loop3A_173 = arith.sitofp %parallel_loop3A_172 : vector<16xi32> to vector<16xf32>
          %parallel_loop3A_174 = arith.cmpf ogt, %parallel_loop3A_173, %parallel_loop3A_171 : vector<16xf32>
          %parallel_loop3A_175 = arith.select %parallel_loop3A_174, %broadcast_in_dim3A_5, %broadcast_in_dim3A_3 : vector<16xi1>, vector<16xf32>
          %parallel_loop3A_176 = arith.subf %parallel_loop3A_173, %parallel_loop3A_175 : vector<16xf32>
          %parallel_loop3A_177 = arith.mulf %parallel_loop3A_176, %broadcast_in_dim3A_9 : vector<16xf32>
          %parallel_loop3A_178 = arith.subf %parallel_loop3A_152, %parallel_loop3A_177 : vector<16xf32>
          %parallel_loop3A_179 = arith.cmpf ogt, %parallel_loop3A_178, %broadcast_in_dim3A_11 : vector<16xf32>
          %parallel_loop3A_180 = arith.select %parallel_loop3A_179, %broadcast_in_dim3A_9, %broadcast_in_dim3A_3 : vector<16xi1>, vector<16xf32>
          %parallel_loop3A_181 = arith.addf %parallel_loop3A_177, %parallel_loop3A_180 : vector<16xf32>
          %parallel_loop3A_182 = arith.mulf %parallel_loop3A_154, %broadcast_in_dim3A_7 : vector<16xf32>
          %parallel_loop3A_183 = arith.fptosi %parallel_loop3A_182 : vector<16xf32> to vector<16xi32>
          %parallel_loop3A_184 = arith.sitofp %parallel_loop3A_183 : vector<16xi32> to vector<16xf32>
          %parallel_loop3A_185 = arith.cmpf ogt, %parallel_loop3A_184, %parallel_loop3A_182 : vector<16xf32>
          %parallel_loop3A_186 = arith.select %parallel_loop3A_185, %broadcast_in_dim3A_5, %broadcast_in_dim3A_3 : vector<16xi1>, vector<16xf32>
          %parallel_loop3A_187 = arith.subf %parallel_loop3A_184, %parallel_loop3A_186 : vector<16xf32>
          %parallel_loop3A_188 = arith.mulf %parallel_loop3A_187, %broadcast_in_dim3A_9 : vector<16xf32>
          %parallel_loop3A_189 = arith.subf %parallel_loop3A_154, %parallel_loop3A_188 : vector<16xf32>
          %parallel_loop3A_190 = arith.cmpf ogt, %parallel_loop3A_189, %broadcast_in_dim3A_11 : vector<16xf32>
          %parallel_loop3A_191 = arith.select %parallel_loop3A_190, %broadcast_in_dim3A_9, %broadcast_in_dim3A_3 : vector<16xi1>, vector<16xf32>
          %parallel_loop3A_192 = arith.addf %parallel_loop3A_188, %parallel_loop3A_191 : vector<16xf32>
          %parallel_loop3A_193 = arith.mulf %parallel_loop3A_159, %broadcast_in_dim3A_7 : vector<16xf32>
          %parallel_loop3A_194 = arith.fptosi %parallel_loop3A_193 : vector<16xf32> to vector<16xi32>
          %parallel_loop3A_195 = arith.sitofp %parallel_loop3A_194 : vector<16xi32> to vector<16xf32>
          %parallel_loop3A_196 = arith.cmpf ogt, %parallel_loop3A_195, %parallel_loop3A_193 : vector<16xf32>
          %parallel_loop3A_197 = arith.select %parallel_loop3A_196, %broadcast_in_dim3A_5, %broadcast_in_dim3A_3 : vector<16xi1>, vector<16xf32>
          %parallel_loop3A_198 = arith.subf %parallel_loop3A_195, %parallel_loop3A_197 : vector<16xf32>
          %parallel_loop3A_199 = arith.mulf %parallel_loop3A_198, %broadcast_in_dim3A_9 : vector<16xf32>
          %parallel_loop3A_200 = arith.subf %parallel_loop3A_159, %parallel_loop3A_199 : vector<16xf32>
          %parallel_loop3A_201 = arith.cmpf ogt, %parallel_loop3A_200, %broadcast_in_dim3A_11 : vector<16xf32>
          %parallel_loop3A_202 = arith.select %parallel_loop3A_201, %broadcast_in_dim3A_9, %broadcast_in_dim3A_3 : vector<16xi1>, vector<16xf32>
          %parallel_loop3A_203 = arith.addf %parallel_loop3A_199, %parallel_loop3A_202 : vector<16xf32>
          %parallel_loop3A_204 = arith.addf %parallel_loop3A_170, %parallel_loop3A_181 : vector<16xf32>
          %parallel_loop3A_205 = arith.addf %parallel_loop3A_204, %parallel_loop3A_192 : vector<16xf32>
          %parallel_loop3A_206 = arith.addf %parallel_loop3A_205, %parallel_loop3A_203 : vector<16xf32>
          %parallel_loop3A_207 = arith.mulf %parallel_loop3A_206, %broadcast_in_dim3A_7 : vector<16xf32>
          %parallel_loop3A_208 = arith.fptosi %parallel_loop3A_207 : vector<16xf32> to vector<16xi32>
          %parallel_loop3A_209 = arith.subf %parallel_loop3A_150, %parallel_loop3A_170 : vector<16xf32>
          %parallel_loop3A_210 = arith.subf %parallel_loop3A_152, %parallel_loop3A_181 : vector<16xf32>
          %parallel_loop3A_211 = arith.subf %parallel_loop3A_154, %parallel_loop3A_192 : vector<16xf32>
          %parallel_loop3A_212 = arith.subf %parallel_loop3A_159, %parallel_loop3A_203 : vector<16xf32>
          %parallel_loop3A_213 = arith.cmpf olt, %parallel_loop3A_209, %parallel_loop3A_210 : vector<16xf32>
          %parallel_loop3A_214 = arith.select %parallel_loop3A_213, %broadcast_in_dim3A_15, %broadcast_in_dim3A_13 : vector<16xi1>, vector<16xi32>
          %parallel_loop3A_215 = arith.addi %parallel_loop3A_208, %parallel_loop3A_214 : vector<16xi32>
          %parallel_loop3A_216 = arith.select %parallel_loop3A_213, %broadcast_in_dim3A_13, %broadcast_in_dim3A_15 : vector<16xi1>, vector<16xi32>
          %parallel_loop3A_217 = arith.addi %parallel_loop3A_208, %parallel_loop3A_216 : vector<16xi32>
          %parallel_loop3A_218 = arith.cmpf olt, %parallel_loop3A_209, %parallel_loop3A_211 : vector<16xf32>
          %parallel_loop3A_219 = arith.select %parallel_loop3A_218, %broadcast_in_dim3A_15, %broadcast_in_dim3A_13 : vector<16xi1>, vector<16xi32>
          %parallel_loop3A_220 = arith.addi %parallel_loop3A_215, %parallel_loop3A_219 : vector<16xi32>
          %parallel_loop3A_221 = arith.select %parallel_loop3A_218, %broadcast_in_dim3A_13, %broadcast_in_dim3A_15 : vector<16xi1>, vector<16xi32>
          %parallel_loop3A_222 = arith.addi %parallel_loop3A_208, %parallel_loop3A_221 : vector<16xi32>
          %parallel_loop3A_223 = arith.cmpf olt, %parallel_loop3A_209, %parallel_loop3A_212 : vector<16xf32>
          %parallel_loop3A_224 = arith.select %parallel_loop3A_223, %broadcast_in_dim3A_15, %broadcast_in_dim3A_13 : vector<16xi1>, vector<16xi32>
          %parallel_loop3A_225 = arith.addi %parallel_loop3A_220, %parallel_loop3A_224 : vector<16xi32>
          %parallel_loop3A_226 = arith.select %parallel_loop3A_223, %broadcast_in_dim3A_13, %broadcast_in_dim3A_15 : vector<16xi1>, vector<16xi32>
          %parallel_loop3A_227 = arith.addi %parallel_loop3A_208, %parallel_loop3A_226 : vector<16xi32>
          %parallel_loop3A_228 = arith.cmpf olt, %parallel_loop3A_210, %parallel_loop3A_211 : vector<16xf32>
          %parallel_loop3A_229 = arith.select %parallel_loop3A_228, %broadcast_in_dim3A_15, %broadcast_in_dim3A_13 : vector<16xi1>, vector<16xi32>
          %parallel_loop3A_230 = arith.addi %parallel_loop3A_217, %parallel_loop3A_229 : vector<16xi32>
          %parallel_loop3A_231 = arith.select %parallel_loop3A_228, %broadcast_in_dim3A_13, %broadcast_in_dim3A_15 : vector<16xi1>, vector<16xi32>
          %parallel_loop3A_232 = arith.addi %parallel_loop3A_222, %parallel_loop3A_231 : vector<16xi32>
          %parallel_loop3A_233 = arith.cmpf olt, %parallel_loop3A_210, %parallel_loop3A_212 : vector<16xf32>
          %parallel_loop3A_234 = arith.select %parallel_loop3A_233, %broadcast_in_dim3A_15, %broadcast_in_dim3A_13 : vector<16xi1>, vector<16xi32>
          %parallel_loop3A_235 = arith.addi %parallel_loop3A_230, %parallel_loop3A_234 : vector<16xi32>
          %parallel_loop3A_236 = arith.select %parallel_loop3A_233, %broadcast_in_dim3A_13, %broadcast_in_dim3A_15 : vector<16xi1>, vector<16xi32>
          %parallel_loop3A_237 = arith.addi %parallel_loop3A_227, %parallel_loop3A_236 : vector<16xi32>
          %parallel_loop3A_238 = arith.cmpf olt, %parallel_loop3A_211, %parallel_loop3A_212 : vector<16xf32>
          %parallel_loop3A_239 = arith.select %parallel_loop3A_238, %broadcast_in_dim3A_15, %broadcast_in_dim3A_13 : vector<16xi1>, vector<16xi32>
          %parallel_loop3A_240 = arith.addi %parallel_loop3A_232, %parallel_loop3A_239 : vector<16xi32>
          %parallel_loop3A_241 = arith.select %parallel_loop3A_238, %broadcast_in_dim3A_13, %broadcast_in_dim3A_15 : vector<16xi1>, vector<16xi32>
          %parallel_loop3A_242 = arith.addi %parallel_loop3A_237, %parallel_loop3A_241 : vector<16xi32>
          %parallel_loop3A_243 = arith.fptosi %parallel_loop3A_170 : vector<16xf32> to vector<16xi32>
          %parallel_loop3A_244 = arith.fptosi %parallel_loop3A_181 : vector<16xf32> to vector<16xi32>
          %parallel_loop3A_245 = arith.fptosi %parallel_loop3A_192 : vector<16xf32> to vector<16xi32>
          %parallel_loop3A_246 = arith.fptosi %parallel_loop3A_203 : vector<16xf32> to vector<16xi32>
          %parallel_loop3A_247 = arith.constant 0 : i32
          %parallel_loop3A_248 = vector.broadcast %parallel_loop3A_247 : i32 to vector<16xi32>
          %parallel_loop3A_249 = arith.cmpi slt, %parallel_loop3A_225, %parallel_loop3A_248 : vector<16xi32>
          %parallel_loop3A_250 = arith.cmpi sgt, %parallel_loop3A_225, %broadcast_in_dim3A_21 : vector<16xi32>
          %parallel_loop3A_251 = arith.select %parallel_loop3A_250, %broadcast_in_dim3A_25, %broadcast_in_dim3A_13 : vector<16xi1>, vector<16xi32>
          %parallel_loop3A_252 = arith.select %parallel_loop3A_249, %broadcast_in_dim3A_23, %parallel_loop3A_251 : vector<16xi1>, vector<16xi32>
          %parallel_loop3A_253 = arith.addi %parallel_loop3A_225, %parallel_loop3A_252 : vector<16xi32>
          %parallel_loop3A_254 = arith.addi %parallel_loop3A_243, %parallel_loop3A_252 : vector<16xi32>
          %parallel_loop3A_255 = arith.constant 0 : i32
          %parallel_loop3A_256 = vector.broadcast %parallel_loop3A_255 : i32 to vector<16xi32>
          %parallel_loop3A_257 = arith.cmpi slt, %parallel_loop3A_235, %parallel_loop3A_256 : vector<16xi32>
          %parallel_loop3A_258 = arith.cmpi sgt, %parallel_loop3A_235, %broadcast_in_dim3A_21 : vector<16xi32>
          %parallel_loop3A_259 = arith.select %parallel_loop3A_258, %broadcast_in_dim3A_25, %broadcast_in_dim3A_13 : vector<16xi1>, vector<16xi32>
          %parallel_loop3A_260 = arith.select %parallel_loop3A_257, %broadcast_in_dim3A_23, %parallel_loop3A_259 : vector<16xi1>, vector<16xi32>
          %parallel_loop3A_261 = arith.addi %parallel_loop3A_235, %parallel_loop3A_260 : vector<16xi32>
          %parallel_loop3A_262 = arith.addi %parallel_loop3A_244, %parallel_loop3A_260 : vector<16xi32>
          %parallel_loop3A_263 = arith.constant 0 : i32
          %parallel_loop3A_264 = vector.broadcast %parallel_loop3A_263 : i32 to vector<16xi32>
          %parallel_loop3A_265 = arith.cmpi slt, %parallel_loop3A_240, %parallel_loop3A_264 : vector<16xi32>
          %parallel_loop3A_266 = arith.cmpi sgt, %parallel_loop3A_240, %broadcast_in_dim3A_21 : vector<16xi32>
          %parallel_loop3A_267 = arith.select %parallel_loop3A_266, %broadcast_in_dim3A_25, %broadcast_in_dim3A_13 : vector<16xi1>, vector<16xi32>
          %parallel_loop3A_268 = arith.select %parallel_loop3A_265, %broadcast_in_dim3A_23, %parallel_loop3A_267 : vector<16xi1>, vector<16xi32>
          %parallel_loop3A_269 = arith.addi %parallel_loop3A_240, %parallel_loop3A_268 : vector<16xi32>
          %parallel_loop3A_270 = arith.addi %parallel_loop3A_245, %parallel_loop3A_268 : vector<16xi32>
          %parallel_loop3A_271 = arith.constant 0 : i32
          %parallel_loop3A_272 = vector.broadcast %parallel_loop3A_271 : i32 to vector<16xi32>
          %parallel_loop3A_273 = arith.cmpi slt, %parallel_loop3A_242, %parallel_loop3A_272 : vector<16xi32>
          %parallel_loop3A_274 = arith.cmpi sgt, %parallel_loop3A_242, %broadcast_in_dim3A_21 : vector<16xi32>
          %parallel_loop3A_275 = arith.select %parallel_loop3A_274, %broadcast_in_dim3A_25, %broadcast_in_dim3A_13 : vector<16xi1>, vector<16xi32>
          %parallel_loop3A_276 = arith.select %parallel_loop3A_273, %broadcast_in_dim3A_23, %parallel_loop3A_275 : vector<16xi1>, vector<16xi32>
          %parallel_loop3A_277 = arith.addi %parallel_loop3A_242, %parallel_loop3A_276 : vector<16xi32>
          %parallel_loop3A_278 = arith.addi %parallel_loop3A_246, %parallel_loop3A_276 : vector<16xi32>
          %parallel_loop3A_279 = arith.sitofp %parallel_loop3A_254 : vector<16xi32> to vector<16xf32>
          %parallel_loop3A_280 = arith.subf %parallel_loop3A_150, %parallel_loop3A_279 : vector<16xf32>
          %parallel_loop3A_281 = arith.mulf %parallel_loop3A_280, %broadcast_in_dim3A_7 : vector<16xf32>
          %parallel_loop3A_282 = arith.sitofp %parallel_loop3A_262 : vector<16xi32> to vector<16xf32>
          %parallel_loop3A_283 = arith.subf %parallel_loop3A_152, %parallel_loop3A_282 : vector<16xf32>
          %parallel_loop3A_284 = arith.mulf %parallel_loop3A_283, %broadcast_in_dim3A_7 : vector<16xf32>
          %parallel_loop3A_285 = arith.sitofp %parallel_loop3A_270 : vector<16xi32> to vector<16xf32>
          %parallel_loop3A_286 = arith.subf %parallel_loop3A_154, %parallel_loop3A_285 : vector<16xf32>
          %parallel_loop3A_287 = arith.mulf %parallel_loop3A_286, %broadcast_in_dim3A_7 : vector<16xf32>
          %parallel_loop3A_288 = arith.sitofp %parallel_loop3A_278 : vector<16xi32> to vector<16xf32>
          %parallel_loop3A_289 = arith.subf %parallel_loop3A_159, %parallel_loop3A_288 : vector<16xf32>
          %parallel_loop3A_290 = arith.mulf %parallel_loop3A_289, %broadcast_in_dim3A_7 : vector<16xf32>
          %parallel_loop3A_291 = arith.constant 0 : i32
          %parallel_loop3A_292 = vector.broadcast %parallel_loop3A_291 : i32 to vector<16xi32>
          %parallel_loop3A_293 = arith.cmpi eq, %parallel_loop3A_253, %parallel_loop3A_292 : vector<16xi32>
          %parallel_loop3A_294 = arith.select %parallel_loop3A_293, %parallel_loop3A_281, %broadcast_in_dim3A_3 : vector<16xi1>, vector<16xf32>
          %parallel_loop3A_295 = arith.cmpi eq, %parallel_loop3A_261, %parallel_loop3A_292 : vector<16xi32>
          %parallel_loop3A_296 = arith.select %parallel_loop3A_295, %parallel_loop3A_284, %broadcast_in_dim3A_3 : vector<16xi1>, vector<16xf32>
          %parallel_loop3A_297 = arith.addf %parallel_loop3A_294, %parallel_loop3A_296 : vector<16xf32>
          %parallel_loop3A_298 = arith.cmpi eq, %parallel_loop3A_269, %parallel_loop3A_292 : vector<16xi32>
          %parallel_loop3A_299 = arith.select %parallel_loop3A_298, %parallel_loop3A_287, %broadcast_in_dim3A_3 : vector<16xi1>, vector<16xf32>
          %parallel_loop3A_300 = arith.addf %parallel_loop3A_297, %parallel_loop3A_299 : vector<16xf32>
          %parallel_loop3A_301 = arith.cmpi eq, %parallel_loop3A_277, %parallel_loop3A_292 : vector<16xi32>
          %parallel_loop3A_302 = arith.select %parallel_loop3A_301, %parallel_loop3A_290, %broadcast_in_dim3A_3 : vector<16xi1>, vector<16xf32>
          %parallel_loop3A_303 = arith.addf %parallel_loop3A_300, %parallel_loop3A_302 : vector<16xf32>
          %parallel_loop3A_304 = arith.constant 1 : i32
          %parallel_loop3A_305 = vector.broadcast %parallel_loop3A_304 : i32 to vector<16xi32>
          %parallel_loop3A_306 = arith.cmpi eq, %parallel_loop3A_253, %parallel_loop3A_305 : vector<16xi32>
          %parallel_loop3A_307 = arith.select %parallel_loop3A_306, %parallel_loop3A_281, %broadcast_in_dim3A_3 : vector<16xi1>, vector<16xf32>
          %parallel_loop3A_308 = arith.cmpi eq, %parallel_loop3A_261, %parallel_loop3A_305 : vector<16xi32>
          %parallel_loop3A_309 = arith.select %parallel_loop3A_308, %parallel_loop3A_284, %broadcast_in_dim3A_3 : vector<16xi1>, vector<16xf32>
          %parallel_loop3A_310 = arith.addf %parallel_loop3A_307, %parallel_loop3A_309 : vector<16xf32>
          %parallel_loop3A_311 = arith.cmpi eq, %parallel_loop3A_269, %parallel_loop3A_305 : vector<16xi32>
          %parallel_loop3A_312 = arith.select %parallel_loop3A_311, %parallel_loop3A_287, %broadcast_in_dim3A_3 : vector<16xi1>, vector<16xf32>
          %parallel_loop3A_313 = arith.addf %parallel_loop3A_310, %parallel_loop3A_312 : vector<16xf32>
          %parallel_loop3A_314 = arith.cmpi eq, %parallel_loop3A_277, %parallel_loop3A_305 : vector<16xi32>
          %parallel_loop3A_315 = arith.select %parallel_loop3A_314, %parallel_loop3A_290, %broadcast_in_dim3A_3 : vector<16xi1>, vector<16xf32>
          %parallel_loop3A_316 = arith.addf %parallel_loop3A_313, %parallel_loop3A_315 : vector<16xf32>
          %parallel_loop3A_317 = arith.constant 2 : i32
          %parallel_loop3A_318 = vector.broadcast %parallel_loop3A_317 : i32 to vector<16xi32>
          %parallel_loop3A_319 = arith.cmpi eq, %parallel_loop3A_253, %parallel_loop3A_318 : vector<16xi32>
          %parallel_loop3A_320 = arith.select %parallel_loop3A_319, %parallel_loop3A_281, %broadcast_in_dim3A_3 : vector<16xi1>, vector<16xf32>
          %parallel_loop3A_321 = arith.cmpi eq, %parallel_loop3A_261, %parallel_loop3A_318 : vector<16xi32>
          %parallel_loop3A_322 = arith.select %parallel_loop3A_321, %parallel_loop3A_284, %broadcast_in_dim3A_3 : vector<16xi1>, vector<16xf32>
          %parallel_loop3A_323 = arith.addf %parallel_loop3A_320, %parallel_loop3A_322 : vector<16xf32>
          %parallel_loop3A_324 = arith.cmpi eq, %parallel_loop3A_269, %parallel_loop3A_318 : vector<16xi32>
          %parallel_loop3A_325 = arith.select %parallel_loop3A_324, %parallel_loop3A_287, %broadcast_in_dim3A_3 : vector<16xi1>, vector<16xf32>
          %parallel_loop3A_326 = arith.addf %parallel_loop3A_323, %parallel_loop3A_325 : vector<16xf32>
          %parallel_loop3A_327 = arith.cmpi eq, %parallel_loop3A_277, %parallel_loop3A_318 : vector<16xi32>
          %parallel_loop3A_328 = arith.select %parallel_loop3A_327, %parallel_loop3A_290, %broadcast_in_dim3A_3 : vector<16xi1>, vector<16xf32>
          %parallel_loop3A_329 = arith.addf %parallel_loop3A_326, %parallel_loop3A_328 : vector<16xf32>
          %parallel_loop3A_330 = arith.constant 3 : i32
          %parallel_loop3A_331 = vector.broadcast %parallel_loop3A_330 : i32 to vector<16xi32>
          %parallel_loop3A_332 = arith.cmpi eq, %parallel_loop3A_253, %parallel_loop3A_331 : vector<16xi32>
          %parallel_loop3A_333 = arith.select %parallel_loop3A_332, %parallel_loop3A_281, %broadcast_in_dim3A_3 : vector<16xi1>, vector<16xf32>
          %parallel_loop3A_334 = arith.cmpi eq, %parallel_loop3A_261, %parallel_loop3A_331 : vector<16xi32>
          %parallel_loop3A_335 = arith.select %parallel_loop3A_334, %parallel_loop3A_284, %broadcast_in_dim3A_3 : vector<16xi1>, vector<16xf32>
          %parallel_loop3A_336 = arith.addf %parallel_loop3A_333, %parallel_loop3A_335 : vector<16xf32>
          %parallel_loop3A_337 = arith.cmpi eq, %parallel_loop3A_269, %parallel_loop3A_331 : vector<16xi32>
          %parallel_loop3A_338 = arith.select %parallel_loop3A_337, %parallel_loop3A_287, %broadcast_in_dim3A_3 : vector<16xi1>, vector<16xf32>
          %parallel_loop3A_339 = arith.addf %parallel_loop3A_336, %parallel_loop3A_338 : vector<16xf32>
          %parallel_loop3A_340 = arith.cmpi eq, %parallel_loop3A_277, %parallel_loop3A_331 : vector<16xi32>
          %parallel_loop3A_341 = arith.select %parallel_loop3A_340, %parallel_loop3A_290, %broadcast_in_dim3A_3 : vector<16xi1>, vector<16xf32>
          %parallel_loop3A_342 = arith.addf %parallel_loop3A_339, %parallel_loop3A_341 : vector<16xf32>
          %parallel_loop3A_343 = arith.addf %broadcast_in_dim3A_5, %parallel_loop3A_342 : vector<16xf32>
          %parallel_loop3A_344 = arith.subf %parallel_loop3A_343, %parallel_loop3A_303 : vector<16xf32>
          %parallel_loop3A_345 = arith.subf %parallel_loop3A_329, %parallel_loop3A_342 : vector<16xf32>
          %parallel_loop3A_346 = arith.subf %parallel_loop3A_316, %parallel_loop3A_329 : vector<16xf32>
          %parallel_loop3A_347 = arith.subf %parallel_loop3A_303, %parallel_loop3A_316 : vector<16xf32>
          %parallel_loop3A_348 = arith.muli %parallel_loop3A_262, %broadcast_in_dim3A_29 : vector<16xi32>
          %parallel_loop3A_349 = arith.xori %parallel_loop3A_254, %parallel_loop3A_348 : vector<16xi32>
          %parallel_loop3A_350 = arith.muli %parallel_loop3A_270, %broadcast_in_dim3A_31 : vector<16xi32>
          %parallel_loop3A_351 = arith.xori %parallel_loop3A_349, %parallel_loop3A_350 : vector<16xi32>
          %parallel_loop3A_352 = arith.andi %parallel_loop3A_351, %broadcast_in_dim3A_27 : vector<16xi32>
          %parallel_loop3A_353 = arith.constant 0 : i32
          %parallel_loop3A_354 = arith.addi %parallel_loop3A_353, %parallel_loop3A_133 : i32
          %parallel_loop3A_355 = arith.index_cast %parallel_loop3A_354 : i32 to index
          %parallel_loop3A_356 = tpu.vector_load %arg17[%parallel_loop3A_355] {strides = array<i32>} : memref<1024xi32, #tpu.memory_space<vmem>>, vector<16xi32>,
          tpu.vector_store %arg17[%parallel_loop3A_355], %parallel_loop3A_352 {strides = array<i32>} : memref<1024xi32, #tpu.memory_space<vmem>>, vector<16xi32>,
          %parallel_loop3A_357 = arith.constant 0 : i32
          %parallel_loop3A_358 = arith.addi %parallel_loop3A_357, %parallel_loop3A_133 : i32
          %parallel_loop3A_359 = arith.index_cast %parallel_loop3A_358 : i32 to index
          %parallel_loop3A_360 = tpu.vector_load %arg21[%parallel_loop3A_359] {strides = array<i32>} : memref<1024xf32, #tpu.memory_space<vmem>>, vector<16xf32>,
          tpu.vector_store %arg21[%parallel_loop3A_359], %parallel_loop3A_344 {strides = array<i32>} : memref<1024xf32, #tpu.memory_space<vmem>>, vector<16xf32>,
          %parallel_loop3A_361 = arith.constant 2 : i32
          %parallel_loop3A_362 = vector.broadcast %parallel_loop3A_361 : i32 to vector<16xi32>
          %parallel_loop3A_363 = arith.constant 1 : i32
          %parallel_loop3A_364 = vector.broadcast %parallel_loop3A_363 : i32 to vector<16xi32>
          %parallel_loop3A_365 = arith.constant -3 : i32
          %parallel_loop3A_366 = vector.broadcast %parallel_loop3A_365 : i32 to vector<16xi32>
          %parallel_loop3A_367 = arith.cmpi sgt, %parallel_loop3A_253, %parallel_loop3A_362 : vector<16xi32>
          %parallel_loop3A_368 = arith.select %parallel_loop3A_367, %parallel_loop3A_366, %parallel_loop3A_364 : vector<16xi1>, vector<16xi32>
          %parallel_loop3A_369 = arith.addi %parallel_loop3A_254, %parallel_loop3A_368 : vector<16xi32>
          %parallel_loop3A_370 = arith.cmpi sgt, %parallel_loop3A_261, %parallel_loop3A_362 : vector<16xi32>
          %parallel_loop3A_371 = arith.select %parallel_loop3A_370, %parallel_loop3A_366, %parallel_loop3A_364 : vector<16xi1>, vector<16xi32>
          %parallel_loop3A_372 = arith.addi %parallel_loop3A_262, %parallel_loop3A_371 : vector<16xi32>
          %parallel_loop3A_373 = arith.cmpi sgt, %parallel_loop3A_269, %parallel_loop3A_362 : vector<16xi32>
          %parallel_loop3A_374 = arith.select %parallel_loop3A_373, %parallel_loop3A_366, %parallel_loop3A_364 : vector<16xi1>, vector<16xi32>
          %parallel_loop3A_375 = arith.addi %parallel_loop3A_270, %parallel_loop3A_374 : vector<16xi32>
          %parallel_loop3A_376 = arith.muli %parallel_loop3A_372, %broadcast_in_dim3A_29 : vector<16xi32>
          %parallel_loop3A_377 = arith.xori %parallel_loop3A_369, %parallel_loop3A_376 : vector<16xi32>
          %parallel_loop3A_378 = arith.muli %parallel_loop3A_375, %broadcast_in_dim3A_31 : vector<16xi32>
          %parallel_loop3A_379 = arith.xori %parallel_loop3A_377, %parallel_loop3A_378 : vector<16xi32>
          %parallel_loop3A_380 = arith.andi %parallel_loop3A_379, %broadcast_in_dim3A_27 : vector<16xi32>
          %parallel_loop3A_381 = arith.constant 256 : i32
          %parallel_loop3A_382 = arith.addi %parallel_loop3A_381, %parallel_loop3A_133 : i32
          %parallel_loop3A_383 = arith.index_cast %parallel_loop3A_382 : i32 to index
          %parallel_loop3A_384 = tpu.vector_load %arg17[%parallel_loop3A_383] {strides = array<i32>} : memref<1024xi32, #tpu.memory_space<vmem>>, vector<16xi32>,
          tpu.vector_store %arg17[%parallel_loop3A_383], %parallel_loop3A_380 {strides = array<i32>} : memref<1024xi32, #tpu.memory_space<vmem>>, vector<16xi32>,
          %parallel_loop3A_385 = arith.constant 256 : i32
          %parallel_loop3A_386 = arith.addi %parallel_loop3A_385, %parallel_loop3A_133 : i32
          %parallel_loop3A_387 = arith.index_cast %parallel_loop3A_386 : i32 to index
          %parallel_loop3A_388 = tpu.vector_load %arg21[%parallel_loop3A_387] {strides = array<i32>} : memref<1024xf32, #tpu.memory_space<vmem>>, vector<16xf32>,
          tpu.vector_store %arg21[%parallel_loop3A_387], %parallel_loop3A_345 {strides = array<i32>} : memref<1024xf32, #tpu.memory_space<vmem>>, vector<16xf32>,
          %parallel_loop3A_389 = arith.constant 1 : i32
          %parallel_loop3A_390 = vector.broadcast %parallel_loop3A_389 : i32 to vector<16xi32>
          %parallel_loop3A_391 = arith.constant 2 : i32
          %parallel_loop3A_392 = vector.broadcast %parallel_loop3A_391 : i32 to vector<16xi32>
          %parallel_loop3A_393 = arith.constant -2 : i32
          %parallel_loop3A_394 = vector.broadcast %parallel_loop3A_393 : i32 to vector<16xi32>
          %parallel_loop3A_395 = arith.cmpi sgt, %parallel_loop3A_253, %parallel_loop3A_390 : vector<16xi32>
          %parallel_loop3A_396 = arith.select %parallel_loop3A_395, %parallel_loop3A_394, %parallel_loop3A_392 : vector<16xi1>, vector<16xi32>
          %parallel_loop3A_397 = arith.addi %parallel_loop3A_254, %parallel_loop3A_396 : vector<16xi32>
          %parallel_loop3A_398 = arith.cmpi sgt, %parallel_loop3A_261, %parallel_loop3A_390 : vector<16xi32>
          %parallel_loop3A_399 = arith.select %parallel_loop3A_398, %parallel_loop3A_394, %parallel_loop3A_392 : vector<16xi1>, vector<16xi32>
          %parallel_loop3A_400 = arith.addi %parallel_loop3A_262, %parallel_loop3A_399 : vector<16xi32>
          %parallel_loop3A_401 = arith.cmpi sgt, %parallel_loop3A_269, %parallel_loop3A_390 : vector<16xi32>
          %parallel_loop3A_402 = arith.select %parallel_loop3A_401, %parallel_loop3A_394, %parallel_loop3A_392 : vector<16xi1>, vector<16xi32>
          %parallel_loop3A_403 = arith.addi %parallel_loop3A_270, %parallel_loop3A_402 : vector<16xi32>
          %parallel_loop3A_404 = arith.muli %parallel_loop3A_400, %broadcast_in_dim3A_29 : vector<16xi32>
          %parallel_loop3A_405 = arith.xori %parallel_loop3A_397, %parallel_loop3A_404 : vector<16xi32>
          %parallel_loop3A_406 = arith.muli %parallel_loop3A_403, %broadcast_in_dim3A_31 : vector<16xi32>
          %parallel_loop3A_407 = arith.xori %parallel_loop3A_405, %parallel_loop3A_406 : vector<16xi32>
          %parallel_loop3A_408 = arith.andi %parallel_loop3A_407, %broadcast_in_dim3A_27 : vector<16xi32>
          %parallel_loop3A_409 = arith.constant 512 : i32
          %parallel_loop3A_410 = arith.addi %parallel_loop3A_409, %parallel_loop3A_133 : i32
          %parallel_loop3A_411 = arith.index_cast %parallel_loop3A_410 : i32 to index
          %parallel_loop3A_412 = tpu.vector_load %arg17[%parallel_loop3A_411] {strides = array<i32>} : memref<1024xi32, #tpu.memory_space<vmem>>, vector<16xi32>,
          tpu.vector_store %arg17[%parallel_loop3A_411], %parallel_loop3A_408 {strides = array<i32>} : memref<1024xi32, #tpu.memory_space<vmem>>, vector<16xi32>,
          %parallel_loop3A_413 = arith.constant 512 : i32
          %parallel_loop3A_414 = arith.addi %parallel_loop3A_413, %parallel_loop3A_133 : i32
          %parallel_loop3A_415 = arith.index_cast %parallel_loop3A_414 : i32 to index
          %parallel_loop3A_416 = tpu.vector_load %arg21[%parallel_loop3A_415] {strides = array<i32>} : memref<1024xf32, #tpu.memory_space<vmem>>, vector<16xf32>,
          tpu.vector_store %arg21[%parallel_loop3A_415], %parallel_loop3A_346 {strides = array<i32>} : memref<1024xf32, #tpu.memory_space<vmem>>, vector<16xf32>,
          %parallel_loop3A_417 = arith.constant 0 : i32
          %parallel_loop3A_418 = vector.broadcast %parallel_loop3A_417 : i32 to vector<16xi32>
          %parallel_loop3A_419 = arith.constant 3 : i32
          %parallel_loop3A_420 = vector.broadcast %parallel_loop3A_419 : i32 to vector<16xi32>
          %parallel_loop3A_421 = arith.constant -1 : i32
          %parallel_loop3A_422 = vector.broadcast %parallel_loop3A_421 : i32 to vector<16xi32>
          %parallel_loop3A_423 = arith.cmpi sgt, %parallel_loop3A_253, %parallel_loop3A_418 : vector<16xi32>
          %parallel_loop3A_424 = arith.select %parallel_loop3A_423, %parallel_loop3A_422, %parallel_loop3A_420 : vector<16xi1>, vector<16xi32>
          %parallel_loop3A_425 = arith.addi %parallel_loop3A_254, %parallel_loop3A_424 : vector<16xi32>
          %parallel_loop3A_426 = arith.cmpi sgt, %parallel_loop3A_261, %parallel_loop3A_418 : vector<16xi32>
          %parallel_loop3A_427 = arith.select %parallel_loop3A_426, %parallel_loop3A_422, %parallel_loop3A_420 : vector<16xi1>, vector<16xi32>
          %parallel_loop3A_428 = arith.addi %parallel_loop3A_262, %parallel_loop3A_427 : vector<16xi32>
          %parallel_loop3A_429 = arith.cmpi sgt, %parallel_loop3A_269, %parallel_loop3A_418 : vector<16xi32>
          %parallel_loop3A_430 = arith.select %parallel_loop3A_429, %parallel_loop3A_422, %parallel_loop3A_420 : vector<16xi1>, vector<16xi32>
          %parallel_loop3A_431 = arith.addi %parallel_loop3A_270, %parallel_loop3A_430 : vector<16xi32>
          %parallel_loop3A_432 = arith.muli %parallel_loop3A_428, %broadcast_in_dim3A_29 : vector<16xi32>
          %parallel_loop3A_433 = arith.xori %parallel_loop3A_425, %parallel_loop3A_432 : vector<16xi32>
          %parallel_loop3A_434 = arith.muli %parallel_loop3A_431, %broadcast_in_dim3A_31 : vector<16xi32>
          %parallel_loop3A_435 = arith.xori %parallel_loop3A_433, %parallel_loop3A_434 : vector<16xi32>
          %parallel_loop3A_436 = arith.andi %parallel_loop3A_435, %broadcast_in_dim3A_27 : vector<16xi32>
          %parallel_loop3A_437 = arith.constant 768 : i32
          %parallel_loop3A_438 = arith.addi %parallel_loop3A_437, %parallel_loop3A_133 : i32
          %parallel_loop3A_439 = arith.index_cast %parallel_loop3A_438 : i32 to index
          %parallel_loop3A_440 = tpu.vector_load %arg17[%parallel_loop3A_439] {strides = array<i32>} : memref<1024xi32, #tpu.memory_space<vmem>>, vector<16xi32>,
          tpu.vector_store %arg17[%parallel_loop3A_439], %parallel_loop3A_436 {strides = array<i32>} : memref<1024xi32, #tpu.memory_space<vmem>>, vector<16xi32>,
          %parallel_loop3A_441 = arith.constant 768 : i32
          %parallel_loop3A_442 = arith.addi %parallel_loop3A_441, %parallel_loop3A_133 : i32
          %parallel_loop3A_443 = arith.index_cast %parallel_loop3A_442 : i32 to index
          %parallel_loop3A_444 = tpu.vector_load %arg21[%parallel_loop3A_443] {strides = array<i32>} : memref<1024xf32, #tpu.memory_space<vmem>>, vector<16xf32>,
          tpu.vector_store %arg21[%parallel_loop3A_443], %parallel_loop3A_347 {strides = array<i32>} : memref<1024xf32, #tpu.memory_space<vmem>>, vector<16xf32>,
        } {sc.loop_unroll_factor = 2 : i64, sc.parallel_access}
        %dma_start3A_97 = arith.constant 0 : i32
        %dma_start3A_98 = tpu.memref_slice %arg28[%dma_start3A_97] : memref<524288xi32, #tpu.memory_space<vmem_shared>> -> memref<524288xi32, #tpu.memory_space<vmem_shared>>
        tpu.enqueue_indirect_dma source(%dma_start3A_98 : memref<524288xi32, #tpu.memory_space<vmem_shared>>) target(%arg25 : memref<1024xi32, #tpu.memory_space<vmem>>) offsets(%arg17 : memref<1024xi32, #tpu.memory_space<vmem>>) semaphore(%arg32 : memref<!tpu.dma_semaphore, #tpu.memory_space<semaphore_mem>>)
        %dma_wait3A = arith.constant 0 : i32
        %dma_wait3A_99 = tpu.memref_slice %arg28[%dma_wait3A] : memref<524288xi32, #tpu.memory_space<vmem_shared>> -> memref<524288xi32, #tpu.memory_space<vmem_shared>>
        tpu.wait_indirect_dma semaphore(%arg29 : memref<!tpu.dma_semaphore, #tpu.memory_space<semaphore_mem>>) src(%dma_wait3A_99 : memref<524288xi32, #tpu.memory_space<vmem_shared>>) dst(%arg22 : memref<1024xi32, #tpu.memory_space<vmem>>)
        %parallel_loop3A_100 = arith.constant 0 : i32
        %parallel_loop3A_101 = arith.constant 16 : i32
        %parallel_loop3A_102 = arith.constant 1 : i32
        scf.for %parallel_loop3A_131 = %parallel_loop3A_100 to %parallel_loop3A_101 step %parallel_loop3A_102  : i32 {
          %parallel_loop3A_132 = arith.constant 16 : i32
          %parallel_loop3A_133 = arith.muli %parallel_loop3A_131, %parallel_loop3A_132 : i32
          %parallel_loop3A_134 = arith.constant 0 : i32
          %parallel_loop3A_135 = arith.addi %parallel_loop3A_134, %parallel_loop3A_133 : i32
          %parallel_loop3A_136 = arith.index_cast %parallel_loop3A_135 : i32 to index
          %parallel_loop3A_137 = tpu.vector_load %arg18[%parallel_loop3A_136] {strides = array<i32>} : memref<1024xf32, #tpu.memory_space<vmem>>, vector<16xf32>,
          %parallel_loop3A_138 = arith.constant 0 : i32
          %parallel_loop3A_139 = arith.addi %parallel_loop3A_138, %parallel_loop3A_133 : i32
          %parallel_loop3A_140 = arith.index_cast %parallel_loop3A_139 : i32 to index
          %parallel_loop3A_141 = tpu.vector_load %arg22[%parallel_loop3A_140] {strides = array<i32>} : memref<1024xi32, #tpu.memory_space<vmem>>, vector<16xi32>,
          %parallel_loop3A_142 = arith.shli %parallel_loop3A_141, %broadcast_in_dim3A_17 : vector<16xi32>
          %parallel_loop3A_143 = vector.bitcast %parallel_loop3A_142 : vector<16xi32> to vector<16xf32>
          %parallel_loop3A_144 = arith.andi %parallel_loop3A_141, %broadcast_in_dim3A_19 : vector<16xi32>
          %parallel_loop3A_145 = vector.bitcast %parallel_loop3A_144 : vector<16xi32> to vector<16xf32>
          %parallel_loop3A_146 = arith.mulf %parallel_loop3A_137, %parallel_loop3A_143 : vector<16xf32>
          %parallel_loop3A_147 = arith.addf %broadcast_in_dim3A_3, %parallel_loop3A_146 : vector<16xf32>
          %parallel_loop3A_148 = arith.mulf %parallel_loop3A_137, %parallel_loop3A_145 : vector<16xf32>
          %parallel_loop3A_149 = arith.addf %broadcast_in_dim3A_3, %parallel_loop3A_148 : vector<16xf32>
          %parallel_loop3A_150 = arith.constant 256 : i32
          %parallel_loop3A_151 = arith.addi %parallel_loop3A_150, %parallel_loop3A_133 : i32
          %parallel_loop3A_152 = arith.index_cast %parallel_loop3A_151 : i32 to index
          %parallel_loop3A_153 = tpu.vector_load %arg18[%parallel_loop3A_152] {strides = array<i32>} : memref<1024xf32, #tpu.memory_space<vmem>>, vector<16xf32>,
          %parallel_loop3A_154 = arith.constant 256 : i32
          %parallel_loop3A_155 = arith.addi %parallel_loop3A_154, %parallel_loop3A_133 : i32
          %parallel_loop3A_156 = arith.index_cast %parallel_loop3A_155 : i32 to index
          %parallel_loop3A_157 = tpu.vector_load %arg22[%parallel_loop3A_156] {strides = array<i32>} : memref<1024xi32, #tpu.memory_space<vmem>>, vector<16xi32>,
          %parallel_loop3A_158 = arith.shli %parallel_loop3A_157, %broadcast_in_dim3A_17 : vector<16xi32>
          %parallel_loop3A_159 = vector.bitcast %parallel_loop3A_158 : vector<16xi32> to vector<16xf32>
          %parallel_loop3A_160 = arith.andi %parallel_loop3A_157, %broadcast_in_dim3A_19 : vector<16xi32>
          %parallel_loop3A_161 = vector.bitcast %parallel_loop3A_160 : vector<16xi32> to vector<16xf32>
          %parallel_loop3A_162 = arith.mulf %parallel_loop3A_153, %parallel_loop3A_159 : vector<16xf32>
          %parallel_loop3A_163 = arith.addf %parallel_loop3A_147, %parallel_loop3A_162 : vector<16xf32>
          %parallel_loop3A_164 = arith.mulf %parallel_loop3A_153, %parallel_loop3A_161 : vector<16xf32>
          %parallel_loop3A_165 = arith.addf %parallel_loop3A_149, %parallel_loop3A_164 : vector<16xf32>
          %parallel_loop3A_166 = arith.constant 512 : i32
          %parallel_loop3A_167 = arith.addi %parallel_loop3A_166, %parallel_loop3A_133 : i32
          %parallel_loop3A_168 = arith.index_cast %parallel_loop3A_167 : i32 to index
          %parallel_loop3A_169 = tpu.vector_load %arg18[%parallel_loop3A_168] {strides = array<i32>} : memref<1024xf32, #tpu.memory_space<vmem>>, vector<16xf32>,
          %parallel_loop3A_170 = arith.constant 512 : i32
          %parallel_loop3A_171 = arith.addi %parallel_loop3A_170, %parallel_loop3A_133 : i32
          %parallel_loop3A_172 = arith.index_cast %parallel_loop3A_171 : i32 to index
          %parallel_loop3A_173 = tpu.vector_load %arg22[%parallel_loop3A_172] {strides = array<i32>} : memref<1024xi32, #tpu.memory_space<vmem>>, vector<16xi32>,
          %parallel_loop3A_174 = arith.shli %parallel_loop3A_173, %broadcast_in_dim3A_17 : vector<16xi32>
          %parallel_loop3A_175 = vector.bitcast %parallel_loop3A_174 : vector<16xi32> to vector<16xf32>
          %parallel_loop3A_176 = arith.andi %parallel_loop3A_173, %broadcast_in_dim3A_19 : vector<16xi32>
          %parallel_loop3A_177 = vector.bitcast %parallel_loop3A_176 : vector<16xi32> to vector<16xf32>
          %parallel_loop3A_178 = arith.mulf %parallel_loop3A_169, %parallel_loop3A_175 : vector<16xf32>
          %parallel_loop3A_179 = arith.addf %parallel_loop3A_163, %parallel_loop3A_178 : vector<16xf32>
          %parallel_loop3A_180 = arith.mulf %parallel_loop3A_169, %parallel_loop3A_177 : vector<16xf32>
          %parallel_loop3A_181 = arith.addf %parallel_loop3A_165, %parallel_loop3A_180 : vector<16xf32>
          %parallel_loop3A_182 = arith.constant 768 : i32
          %parallel_loop3A_183 = arith.addi %parallel_loop3A_182, %parallel_loop3A_133 : i32
          %parallel_loop3A_184 = arith.index_cast %parallel_loop3A_183 : i32 to index
          %parallel_loop3A_185 = tpu.vector_load %arg18[%parallel_loop3A_184] {strides = array<i32>} : memref<1024xf32, #tpu.memory_space<vmem>>, vector<16xf32>,
          %parallel_loop3A_186 = arith.constant 768 : i32
          %parallel_loop3A_187 = arith.addi %parallel_loop3A_186, %parallel_loop3A_133 : i32
          %parallel_loop3A_188 = arith.index_cast %parallel_loop3A_187 : i32 to index
          %parallel_loop3A_189 = tpu.vector_load %arg22[%parallel_loop3A_188] {strides = array<i32>} : memref<1024xi32, #tpu.memory_space<vmem>>, vector<16xi32>,
          %parallel_loop3A_190 = arith.shli %parallel_loop3A_189, %broadcast_in_dim3A_17 : vector<16xi32>
          %parallel_loop3A_191 = vector.bitcast %parallel_loop3A_190 : vector<16xi32> to vector<16xf32>
          %parallel_loop3A_192 = arith.andi %parallel_loop3A_189, %broadcast_in_dim3A_19 : vector<16xi32>
          %parallel_loop3A_193 = vector.bitcast %parallel_loop3A_192 : vector<16xi32> to vector<16xf32>
          %parallel_loop3A_194 = arith.mulf %parallel_loop3A_185, %parallel_loop3A_191 : vector<16xf32>
          %parallel_loop3A_195 = arith.addf %parallel_loop3A_179, %parallel_loop3A_194 : vector<16xf32>
          %parallel_loop3A_196 = arith.mulf %parallel_loop3A_185, %parallel_loop3A_193 : vector<16xf32>
          %parallel_loop3A_197 = arith.addf %parallel_loop3A_181, %parallel_loop3A_196 : vector<16xf32>
          %parallel_loop3A_198 = arith.constant 0 : i32
          %parallel_loop3A_199 = arith.addi %parallel_loop3A_198, %parallel_loop3A_133 : i32
          %parallel_loop3A_200 = arith.index_cast %parallel_loop3A_199 : i32 to index
          %parallel_loop3A_201 = tpu.vector_load %arg26[%parallel_loop3A_200] {strides = array<i32>} : memref<1024xf32, #tpu.memory_space<vmem>>, vector<16xf32>,
          tpu.vector_store %arg26[%parallel_loop3A_200], %parallel_loop3A_195 {strides = array<i32>} : memref<1024xf32, #tpu.memory_space<vmem>>, vector<16xf32>,
          %parallel_loop3A_202 = arith.constant 0 : i32
          %parallel_loop3A_203 = arith.addi %parallel_loop3A_202, %parallel_loop3A_133 : i32
          %parallel_loop3A_204 = arith.index_cast %parallel_loop3A_203 : i32 to index
          %parallel_loop3A_205 = tpu.vector_load %arg27[%parallel_loop3A_204] {strides = array<i32>} : memref<1024xf32, #tpu.memory_space<vmem>>, vector<16xf32>,
          tpu.vector_store %arg27[%parallel_loop3A_204], %parallel_loop3A_197 {strides = array<i32>} : memref<1024xf32, #tpu.memory_space<vmem>>, vector<16xf32>,
        } {sc.loop_unroll_factor = 2 : i64, sc.parallel_access}
        %dma_wait3A_103 = arith.constant 0 : i32
        %dma_wait3A_104 = tpu.memref_slice %arg28[%dma_wait3A_103] : memref<524288xi32, #tpu.memory_space<vmem_shared>> -> memref<524288xi32, #tpu.memory_space<vmem_shared>>
        tpu.wait_indirect_dma semaphore(%arg30 : memref<!tpu.dma_semaphore, #tpu.memory_space<semaphore_mem>>) src(%dma_wait3A_104 : memref<524288xi32, #tpu.memory_space<vmem_shared>>) dst(%arg23 : memref<1024xi32, #tpu.memory_space<vmem>>)
        %parallel_loop3A_105 = arith.constant 0 : i32
        %parallel_loop3A_106 = arith.constant 16 : i32
        %parallel_loop3A_107 = arith.constant 1 : i32
        scf.for %parallel_loop3A_131 = %parallel_loop3A_105 to %parallel_loop3A_106 step %parallel_loop3A_107  : i32 {
          %parallel_loop3A_132 = arith.constant 16 : i32
          %parallel_loop3A_133 = arith.muli %parallel_loop3A_131, %parallel_loop3A_132 : i32
          %parallel_loop3A_134 = arith.constant 0 : i32
          %parallel_loop3A_135 = arith.addi %parallel_loop3A_134, %parallel_loop3A_133 : i32
          %parallel_loop3A_136 = arith.index_cast %parallel_loop3A_135 : i32 to index
          %parallel_loop3A_137 = tpu.vector_load %arg19[%parallel_loop3A_136] {strides = array<i32>} : memref<1024xf32, #tpu.memory_space<vmem>>, vector<16xf32>,
          %parallel_loop3A_138 = arith.constant 0 : i32
          %parallel_loop3A_139 = arith.addi %parallel_loop3A_138, %parallel_loop3A_133 : i32
          %parallel_loop3A_140 = arith.index_cast %parallel_loop3A_139 : i32 to index
          %parallel_loop3A_141 = tpu.vector_load %arg23[%parallel_loop3A_140] {strides = array<i32>} : memref<1024xi32, #tpu.memory_space<vmem>>, vector<16xi32>,
          %parallel_loop3A_142 = arith.shli %parallel_loop3A_141, %broadcast_in_dim3A_17 : vector<16xi32>
          %parallel_loop3A_143 = vector.bitcast %parallel_loop3A_142 : vector<16xi32> to vector<16xf32>
          %parallel_loop3A_144 = arith.andi %parallel_loop3A_141, %broadcast_in_dim3A_19 : vector<16xi32>
          %parallel_loop3A_145 = vector.bitcast %parallel_loop3A_144 : vector<16xi32> to vector<16xf32>
          %parallel_loop3A_146 = arith.mulf %parallel_loop3A_137, %parallel_loop3A_143 : vector<16xf32>
          %parallel_loop3A_147 = arith.addf %broadcast_in_dim3A_3, %parallel_loop3A_146 : vector<16xf32>
          %parallel_loop3A_148 = arith.mulf %parallel_loop3A_137, %parallel_loop3A_145 : vector<16xf32>
          %parallel_loop3A_149 = arith.addf %broadcast_in_dim3A_3, %parallel_loop3A_148 : vector<16xf32>
          %parallel_loop3A_150 = arith.constant 256 : i32
          %parallel_loop3A_151 = arith.addi %parallel_loop3A_150, %parallel_loop3A_133 : i32
          %parallel_loop3A_152 = arith.index_cast %parallel_loop3A_151 : i32 to index
          %parallel_loop3A_153 = tpu.vector_load %arg19[%parallel_loop3A_152] {strides = array<i32>} : memref<1024xf32, #tpu.memory_space<vmem>>, vector<16xf32>,
          %parallel_loop3A_154 = arith.constant 256 : i32
          %parallel_loop3A_155 = arith.addi %parallel_loop3A_154, %parallel_loop3A_133 : i32
          %parallel_loop3A_156 = arith.index_cast %parallel_loop3A_155 : i32 to index
          %parallel_loop3A_157 = tpu.vector_load %arg23[%parallel_loop3A_156] {strides = array<i32>} : memref<1024xi32, #tpu.memory_space<vmem>>, vector<16xi32>,
          %parallel_loop3A_158 = arith.shli %parallel_loop3A_157, %broadcast_in_dim3A_17 : vector<16xi32>
          %parallel_loop3A_159 = vector.bitcast %parallel_loop3A_158 : vector<16xi32> to vector<16xf32>
          %parallel_loop3A_160 = arith.andi %parallel_loop3A_157, %broadcast_in_dim3A_19 : vector<16xi32>
          %parallel_loop3A_161 = vector.bitcast %parallel_loop3A_160 : vector<16xi32> to vector<16xf32>
          %parallel_loop3A_162 = arith.mulf %parallel_loop3A_153, %parallel_loop3A_159 : vector<16xf32>
          %parallel_loop3A_163 = arith.addf %parallel_loop3A_147, %parallel_loop3A_162 : vector<16xf32>
          %parallel_loop3A_164 = arith.mulf %parallel_loop3A_153, %parallel_loop3A_161 : vector<16xf32>
          %parallel_loop3A_165 = arith.addf %parallel_loop3A_149, %parallel_loop3A_164 : vector<16xf32>
          %parallel_loop3A_166 = arith.constant 512 : i32
          %parallel_loop3A_167 = arith.addi %parallel_loop3A_166, %parallel_loop3A_133 : i32
          %parallel_loop3A_168 = arith.index_cast %parallel_loop3A_167 : i32 to index
          %parallel_loop3A_169 = tpu.vector_load %arg19[%parallel_loop3A_168] {strides = array<i32>} : memref<1024xf32, #tpu.memory_space<vmem>>, vector<16xf32>,
          %parallel_loop3A_170 = arith.constant 512 : i32
          %parallel_loop3A_171 = arith.addi %parallel_loop3A_170, %parallel_loop3A_133 : i32
          %parallel_loop3A_172 = arith.index_cast %parallel_loop3A_171 : i32 to index
          %parallel_loop3A_173 = tpu.vector_load %arg23[%parallel_loop3A_172] {strides = array<i32>} : memref<1024xi32, #tpu.memory_space<vmem>>, vector<16xi32>,
          %parallel_loop3A_174 = arith.shli %parallel_loop3A_173, %broadcast_in_dim3A_17 : vector<16xi32>
          %parallel_loop3A_175 = vector.bitcast %parallel_loop3A_174 : vector<16xi32> to vector<16xf32>
          %parallel_loop3A_176 = arith.andi %parallel_loop3A_173, %broadcast_in_dim3A_19 : vector<16xi32>
          %parallel_loop3A_177 = vector.bitcast %parallel_loop3A_176 : vector<16xi32> to vector<16xf32>
          %parallel_loop3A_178 = arith.mulf %parallel_loop3A_169, %parallel_loop3A_175 : vector<16xf32>
          %parallel_loop3A_179 = arith.addf %parallel_loop3A_163, %parallel_loop3A_178 : vector<16xf32>
          %parallel_loop3A_180 = arith.mulf %parallel_loop3A_169, %parallel_loop3A_177 : vector<16xf32>
          %parallel_loop3A_181 = arith.addf %parallel_loop3A_165, %parallel_loop3A_180 : vector<16xf32>
          %parallel_loop3A_182 = arith.constant 768 : i32
          %parallel_loop3A_183 = arith.addi %parallel_loop3A_182, %parallel_loop3A_133 : i32
          %parallel_loop3A_184 = arith.index_cast %parallel_loop3A_183 : i32 to index
          %parallel_loop3A_185 = tpu.vector_load %arg19[%parallel_loop3A_184] {strides = array<i32>} : memref<1024xf32, #tpu.memory_space<vmem>>, vector<16xf32>,
          %parallel_loop3A_186 = arith.constant 768 : i32
          %parallel_loop3A_187 = arith.addi %parallel_loop3A_186, %parallel_loop3A_133 : i32
          %parallel_loop3A_188 = arith.index_cast %parallel_loop3A_187 : i32 to index
          %parallel_loop3A_189 = tpu.vector_load %arg23[%parallel_loop3A_188] {strides = array<i32>} : memref<1024xi32, #tpu.memory_space<vmem>>, vector<16xi32>,
          %parallel_loop3A_190 = arith.shli %parallel_loop3A_189, %broadcast_in_dim3A_17 : vector<16xi32>
          %parallel_loop3A_191 = vector.bitcast %parallel_loop3A_190 : vector<16xi32> to vector<16xf32>
          %parallel_loop3A_192 = arith.andi %parallel_loop3A_189, %broadcast_in_dim3A_19 : vector<16xi32>
          %parallel_loop3A_193 = vector.bitcast %parallel_loop3A_192 : vector<16xi32> to vector<16xf32>
          %parallel_loop3A_194 = arith.mulf %parallel_loop3A_185, %parallel_loop3A_191 : vector<16xf32>
          %parallel_loop3A_195 = arith.addf %parallel_loop3A_179, %parallel_loop3A_194 : vector<16xf32>
          %parallel_loop3A_196 = arith.mulf %parallel_loop3A_185, %parallel_loop3A_193 : vector<16xf32>
          %parallel_loop3A_197 = arith.addf %parallel_loop3A_181, %parallel_loop3A_196 : vector<16xf32>
          %parallel_loop3A_198 = arith.constant 256 : i32
          %parallel_loop3A_199 = arith.addi %parallel_loop3A_198, %parallel_loop3A_133 : i32
          %parallel_loop3A_200 = arith.index_cast %parallel_loop3A_199 : i32 to index
          %parallel_loop3A_201 = tpu.vector_load %arg26[%parallel_loop3A_200] {strides = array<i32>} : memref<1024xf32, #tpu.memory_space<vmem>>, vector<16xf32>,
          tpu.vector_store %arg26[%parallel_loop3A_200], %parallel_loop3A_195 {strides = array<i32>} : memref<1024xf32, #tpu.memory_space<vmem>>, vector<16xf32>,
          %parallel_loop3A_202 = arith.constant 256 : i32
          %parallel_loop3A_203 = arith.addi %parallel_loop3A_202, %parallel_loop3A_133 : i32
          %parallel_loop3A_204 = arith.index_cast %parallel_loop3A_203 : i32 to index
          %parallel_loop3A_205 = tpu.vector_load %arg27[%parallel_loop3A_204] {strides = array<i32>} : memref<1024xf32, #tpu.memory_space<vmem>>, vector<16xf32>,
          tpu.vector_store %arg27[%parallel_loop3A_204], %parallel_loop3A_197 {strides = array<i32>} : memref<1024xf32, #tpu.memory_space<vmem>>, vector<16xf32>,
        } {sc.loop_unroll_factor = 2 : i64, sc.parallel_access}
        %dma_wait3A_108 = arith.constant 0 : i32
        %dma_wait3A_109 = tpu.memref_slice %arg28[%dma_wait3A_108] : memref<524288xi32, #tpu.memory_space<vmem_shared>> -> memref<524288xi32, #tpu.memory_space<vmem_shared>>
        tpu.wait_indirect_dma semaphore(%arg31 : memref<!tpu.dma_semaphore, #tpu.memory_space<semaphore_mem>>) src(%dma_wait3A_109 : memref<524288xi32, #tpu.memory_space<vmem_shared>>) dst(%arg24 : memref<1024xi32, #tpu.memory_space<vmem>>)
        %parallel_loop3A_110 = arith.constant 0 : i32
        %parallel_loop3A_111 = arith.constant 16 : i32
        %parallel_loop3A_112 = arith.constant 1 : i32
        scf.for %parallel_loop3A_131 = %parallel_loop3A_110 to %parallel_loop3A_111 step %parallel_loop3A_112  : i32 {
          %parallel_loop3A_132 = arith.constant 16 : i32
          %parallel_loop3A_133 = arith.muli %parallel_loop3A_131, %parallel_loop3A_132 : i32
          %parallel_loop3A_134 = arith.constant 0 : i32
          %parallel_loop3A_135 = arith.addi %parallel_loop3A_134, %parallel_loop3A_133 : i32
          %parallel_loop3A_136 = arith.index_cast %parallel_loop3A_135 : i32 to index
          %parallel_loop3A_137 = tpu.vector_load %arg20[%parallel_loop3A_136] {strides = array<i32>} : memref<1024xf32, #tpu.memory_space<vmem>>, vector<16xf32>,
          %parallel_loop3A_138 = arith.constant 0 : i32
          %parallel_loop3A_139 = arith.addi %parallel_loop3A_138, %parallel_loop3A_133 : i32
          %parallel_loop3A_140 = arith.index_cast %parallel_loop3A_139 : i32 to index
          %parallel_loop3A_141 = tpu.vector_load %arg24[%parallel_loop3A_140] {strides = array<i32>} : memref<1024xi32, #tpu.memory_space<vmem>>, vector<16xi32>,
          %parallel_loop3A_142 = arith.shli %parallel_loop3A_141, %broadcast_in_dim3A_17 : vector<16xi32>
          %parallel_loop3A_143 = vector.bitcast %parallel_loop3A_142 : vector<16xi32> to vector<16xf32>
          %parallel_loop3A_144 = arith.andi %parallel_loop3A_141, %broadcast_in_dim3A_19 : vector<16xi32>
          %parallel_loop3A_145 = vector.bitcast %parallel_loop3A_144 : vector<16xi32> to vector<16xf32>
          %parallel_loop3A_146 = arith.mulf %parallel_loop3A_137, %parallel_loop3A_143 : vector<16xf32>
          %parallel_loop3A_147 = arith.addf %broadcast_in_dim3A_3, %parallel_loop3A_146 : vector<16xf32>
          %parallel_loop3A_148 = arith.mulf %parallel_loop3A_137, %parallel_loop3A_145 : vector<16xf32>
          %parallel_loop3A_149 = arith.addf %broadcast_in_dim3A_3, %parallel_loop3A_148 : vector<16xf32>
          %parallel_loop3A_150 = arith.constant 256 : i32
          %parallel_loop3A_151 = arith.addi %parallel_loop3A_150, %parallel_loop3A_133 : i32
          %parallel_loop3A_152 = arith.index_cast %parallel_loop3A_151 : i32 to index
          %parallel_loop3A_153 = tpu.vector_load %arg20[%parallel_loop3A_152] {strides = array<i32>} : memref<1024xf32, #tpu.memory_space<vmem>>, vector<16xf32>,
          %parallel_loop3A_154 = arith.constant 256 : i32
          %parallel_loop3A_155 = arith.addi %parallel_loop3A_154, %parallel_loop3A_133 : i32
          %parallel_loop3A_156 = arith.index_cast %parallel_loop3A_155 : i32 to index
          %parallel_loop3A_157 = tpu.vector_load %arg24[%parallel_loop3A_156] {strides = array<i32>} : memref<1024xi32, #tpu.memory_space<vmem>>, vector<16xi32>,
          %parallel_loop3A_158 = arith.shli %parallel_loop3A_157, %broadcast_in_dim3A_17 : vector<16xi32>
          %parallel_loop3A_159 = vector.bitcast %parallel_loop3A_158 : vector<16xi32> to vector<16xf32>
          %parallel_loop3A_160 = arith.andi %parallel_loop3A_157, %broadcast_in_dim3A_19 : vector<16xi32>
          %parallel_loop3A_161 = vector.bitcast %parallel_loop3A_160 : vector<16xi32> to vector<16xf32>
          %parallel_loop3A_162 = arith.mulf %parallel_loop3A_153, %parallel_loop3A_159 : vector<16xf32>
          %parallel_loop3A_163 = arith.addf %parallel_loop3A_147, %parallel_loop3A_162 : vector<16xf32>
          %parallel_loop3A_164 = arith.mulf %parallel_loop3A_153, %parallel_loop3A_161 : vector<16xf32>
          %parallel_loop3A_165 = arith.addf %parallel_loop3A_149, %parallel_loop3A_164 : vector<16xf32>
          %parallel_loop3A_166 = arith.constant 512 : i32
          %parallel_loop3A_167 = arith.addi %parallel_loop3A_166, %parallel_loop3A_133 : i32
          %parallel_loop3A_168 = arith.index_cast %parallel_loop3A_167 : i32 to index
          %parallel_loop3A_169 = tpu.vector_load %arg20[%parallel_loop3A_168] {strides = array<i32>} : memref<1024xf32, #tpu.memory_space<vmem>>, vector<16xf32>,
          %parallel_loop3A_170 = arith.constant 512 : i32
          %parallel_loop3A_171 = arith.addi %parallel_loop3A_170, %parallel_loop3A_133 : i32
          %parallel_loop3A_172 = arith.index_cast %parallel_loop3A_171 : i32 to index
          %parallel_loop3A_173 = tpu.vector_load %arg24[%parallel_loop3A_172] {strides = array<i32>} : memref<1024xi32, #tpu.memory_space<vmem>>, vector<16xi32>,
          %parallel_loop3A_174 = arith.shli %parallel_loop3A_173, %broadcast_in_dim3A_17 : vector<16xi32>
          %parallel_loop3A_175 = vector.bitcast %parallel_loop3A_174 : vector<16xi32> to vector<16xf32>
          %parallel_loop3A_176 = arith.andi %parallel_loop3A_173, %broadcast_in_dim3A_19 : vector<16xi32>
          %parallel_loop3A_177 = vector.bitcast %parallel_loop3A_176 : vector<16xi32> to vector<16xf32>
          %parallel_loop3A_178 = arith.mulf %parallel_loop3A_169, %parallel_loop3A_175 : vector<16xf32>
          %parallel_loop3A_179 = arith.addf %parallel_loop3A_163, %parallel_loop3A_178 : vector<16xf32>
          %parallel_loop3A_180 = arith.mulf %parallel_loop3A_169, %parallel_loop3A_177 : vector<16xf32>
          %parallel_loop3A_181 = arith.addf %parallel_loop3A_165, %parallel_loop3A_180 : vector<16xf32>
          %parallel_loop3A_182 = arith.constant 768 : i32
          %parallel_loop3A_183 = arith.addi %parallel_loop3A_182, %parallel_loop3A_133 : i32
          %parallel_loop3A_184 = arith.index_cast %parallel_loop3A_183 : i32 to index
          %parallel_loop3A_185 = tpu.vector_load %arg20[%parallel_loop3A_184] {strides = array<i32>} : memref<1024xf32, #tpu.memory_space<vmem>>, vector<16xf32>,
          %parallel_loop3A_186 = arith.constant 768 : i32
          %parallel_loop3A_187 = arith.addi %parallel_loop3A_186, %parallel_loop3A_133 : i32
          %parallel_loop3A_188 = arith.index_cast %parallel_loop3A_187 : i32 to index
          %parallel_loop3A_189 = tpu.vector_load %arg24[%parallel_loop3A_188] {strides = array<i32>} : memref<1024xi32, #tpu.memory_space<vmem>>, vector<16xi32>,
          %parallel_loop3A_190 = arith.shli %parallel_loop3A_189, %broadcast_in_dim3A_17 : vector<16xi32>
          %parallel_loop3A_191 = vector.bitcast %parallel_loop3A_190 : vector<16xi32> to vector<16xf32>
          %parallel_loop3A_192 = arith.andi %parallel_loop3A_189, %broadcast_in_dim3A_19 : vector<16xi32>
          %parallel_loop3A_193 = vector.bitcast %parallel_loop3A_192 : vector<16xi32> to vector<16xf32>
          %parallel_loop3A_194 = arith.mulf %parallel_loop3A_185, %parallel_loop3A_191 : vector<16xf32>
          %parallel_loop3A_195 = arith.addf %parallel_loop3A_179, %parallel_loop3A_194 : vector<16xf32>
          %parallel_loop3A_196 = arith.mulf %parallel_loop3A_185, %parallel_loop3A_193 : vector<16xf32>
          %parallel_loop3A_197 = arith.addf %parallel_loop3A_181, %parallel_loop3A_196 : vector<16xf32>
          %parallel_loop3A_198 = arith.constant 512 : i32
          %parallel_loop3A_199 = arith.addi %parallel_loop3A_198, %parallel_loop3A_133 : i32
          %parallel_loop3A_200 = arith.index_cast %parallel_loop3A_199 : i32 to index
          %parallel_loop3A_201 = tpu.vector_load %arg26[%parallel_loop3A_200] {strides = array<i32>} : memref<1024xf32, #tpu.memory_space<vmem>>, vector<16xf32>,
          tpu.vector_store %arg26[%parallel_loop3A_200], %parallel_loop3A_195 {strides = array<i32>} : memref<1024xf32, #tpu.memory_space<vmem>>, vector<16xf32>,
          %parallel_loop3A_202 = arith.constant 512 : i32
          %parallel_loop3A_203 = arith.addi %parallel_loop3A_202, %parallel_loop3A_133 : i32
          %parallel_loop3A_204 = arith.index_cast %parallel_loop3A_203 : i32 to index
          %parallel_loop3A_205 = tpu.vector_load %arg27[%parallel_loop3A_204] {strides = array<i32>} : memref<1024xf32, #tpu.memory_space<vmem>>, vector<16xf32>,
          tpu.vector_store %arg27[%parallel_loop3A_204], %parallel_loop3A_197 {strides = array<i32>} : memref<1024xf32, #tpu.memory_space<vmem>>, vector<16xf32>,
        } {sc.loop_unroll_factor = 2 : i64, sc.parallel_access}
        %dma_wait3A_113 = arith.constant 0 : i32
        %dma_wait3A_114 = tpu.memref_slice %arg28[%dma_wait3A_113] : memref<524288xi32, #tpu.memory_space<vmem_shared>> -> memref<524288xi32, #tpu.memory_space<vmem_shared>>
        tpu.wait_indirect_dma semaphore(%arg32 : memref<!tpu.dma_semaphore, #tpu.memory_space<semaphore_mem>>) src(%dma_wait3A_114 : memref<524288xi32, #tpu.memory_space<vmem_shared>>) dst(%arg25 : memref<1024xi32, #tpu.memory_space<vmem>>)
        %parallel_loop3A_115 = arith.constant 0 : i32
        %parallel_loop3A_116 = arith.constant 16 : i32
        %parallel_loop3A_117 = arith.constant 1 : i32
        scf.for %parallel_loop3A_131 = %parallel_loop3A_115 to %parallel_loop3A_116 step %parallel_loop3A_117  : i32 {
          %parallel_loop3A_132 = arith.constant 16 : i32
          %parallel_loop3A_133 = arith.muli %parallel_loop3A_131, %parallel_loop3A_132 : i32
          %parallel_loop3A_134 = arith.constant 0 : i32
          %parallel_loop3A_135 = arith.addi %parallel_loop3A_134, %parallel_loop3A_133 : i32
          %parallel_loop3A_136 = arith.index_cast %parallel_loop3A_135 : i32 to index
          %parallel_loop3A_137 = tpu.vector_load %arg21[%parallel_loop3A_136] {strides = array<i32>} : memref<1024xf32, #tpu.memory_space<vmem>>, vector<16xf32>,
          %parallel_loop3A_138 = arith.constant 0 : i32
          %parallel_loop3A_139 = arith.addi %parallel_loop3A_138, %parallel_loop3A_133 : i32
          %parallel_loop3A_140 = arith.index_cast %parallel_loop3A_139 : i32 to index
          %parallel_loop3A_141 = tpu.vector_load %arg25[%parallel_loop3A_140] {strides = array<i32>} : memref<1024xi32, #tpu.memory_space<vmem>>, vector<16xi32>,
          %parallel_loop3A_142 = arith.shli %parallel_loop3A_141, %broadcast_in_dim3A_17 : vector<16xi32>
          %parallel_loop3A_143 = vector.bitcast %parallel_loop3A_142 : vector<16xi32> to vector<16xf32>
          %parallel_loop3A_144 = arith.andi %parallel_loop3A_141, %broadcast_in_dim3A_19 : vector<16xi32>
          %parallel_loop3A_145 = vector.bitcast %parallel_loop3A_144 : vector<16xi32> to vector<16xf32>
          %parallel_loop3A_146 = arith.mulf %parallel_loop3A_137, %parallel_loop3A_143 : vector<16xf32>
          %parallel_loop3A_147 = arith.addf %broadcast_in_dim3A_3, %parallel_loop3A_146 : vector<16xf32>
          %parallel_loop3A_148 = arith.mulf %parallel_loop3A_137, %parallel_loop3A_145 : vector<16xf32>
          %parallel_loop3A_149 = arith.addf %broadcast_in_dim3A_3, %parallel_loop3A_148 : vector<16xf32>
          %parallel_loop3A_150 = arith.constant 256 : i32
          %parallel_loop3A_151 = arith.addi %parallel_loop3A_150, %parallel_loop3A_133 : i32
          %parallel_loop3A_152 = arith.index_cast %parallel_loop3A_151 : i32 to index
          %parallel_loop3A_153 = tpu.vector_load %arg21[%parallel_loop3A_152] {strides = array<i32>} : memref<1024xf32, #tpu.memory_space<vmem>>, vector<16xf32>,
          %parallel_loop3A_154 = arith.constant 256 : i32
          %parallel_loop3A_155 = arith.addi %parallel_loop3A_154, %parallel_loop3A_133 : i32
          %parallel_loop3A_156 = arith.index_cast %parallel_loop3A_155 : i32 to index
          %parallel_loop3A_157 = tpu.vector_load %arg25[%parallel_loop3A_156] {strides = array<i32>} : memref<1024xi32, #tpu.memory_space<vmem>>, vector<16xi32>,
          %parallel_loop3A_158 = arith.shli %parallel_loop3A_157, %broadcast_in_dim3A_17 : vector<16xi32>
          %parallel_loop3A_159 = vector.bitcast %parallel_loop3A_158 : vector<16xi32> to vector<16xf32>
          %parallel_loop3A_160 = arith.andi %parallel_loop3A_157, %broadcast_in_dim3A_19 : vector<16xi32>
          %parallel_loop3A_161 = vector.bitcast %parallel_loop3A_160 : vector<16xi32> to vector<16xf32>
          %parallel_loop3A_162 = arith.mulf %parallel_loop3A_153, %parallel_loop3A_159 : vector<16xf32>
          %parallel_loop3A_163 = arith.addf %parallel_loop3A_147, %parallel_loop3A_162 : vector<16xf32>
          %parallel_loop3A_164 = arith.mulf %parallel_loop3A_153, %parallel_loop3A_161 : vector<16xf32>
          %parallel_loop3A_165 = arith.addf %parallel_loop3A_149, %parallel_loop3A_164 : vector<16xf32>
          %parallel_loop3A_166 = arith.constant 512 : i32
          %parallel_loop3A_167 = arith.addi %parallel_loop3A_166, %parallel_loop3A_133 : i32
          %parallel_loop3A_168 = arith.index_cast %parallel_loop3A_167 : i32 to index
          %parallel_loop3A_169 = tpu.vector_load %arg21[%parallel_loop3A_168] {strides = array<i32>} : memref<1024xf32, #tpu.memory_space<vmem>>, vector<16xf32>,
          %parallel_loop3A_170 = arith.constant 512 : i32
          %parallel_loop3A_171 = arith.addi %parallel_loop3A_170, %parallel_loop3A_133 : i32
          %parallel_loop3A_172 = arith.index_cast %parallel_loop3A_171 : i32 to index
          %parallel_loop3A_173 = tpu.vector_load %arg25[%parallel_loop3A_172] {strides = array<i32>} : memref<1024xi32, #tpu.memory_space<vmem>>, vector<16xi32>,
          %parallel_loop3A_174 = arith.shli %parallel_loop3A_173, %broadcast_in_dim3A_17 : vector<16xi32>
          %parallel_loop3A_175 = vector.bitcast %parallel_loop3A_174 : vector<16xi32> to vector<16xf32>
          %parallel_loop3A_176 = arith.andi %parallel_loop3A_173, %broadcast_in_dim3A_19 : vector<16xi32>
          %parallel_loop3A_177 = vector.bitcast %parallel_loop3A_176 : vector<16xi32> to vector<16xf32>
          %parallel_loop3A_178 = arith.mulf %parallel_loop3A_169, %parallel_loop3A_175 : vector<16xf32>
          %parallel_loop3A_179 = arith.addf %parallel_loop3A_163, %parallel_loop3A_178 : vector<16xf32>
          %parallel_loop3A_180 = arith.mulf %parallel_loop3A_169, %parallel_loop3A_177 : vector<16xf32>
          %parallel_loop3A_181 = arith.addf %parallel_loop3A_165, %parallel_loop3A_180 : vector<16xf32>
          %parallel_loop3A_182 = arith.constant 768 : i32
          %parallel_loop3A_183 = arith.addi %parallel_loop3A_182, %parallel_loop3A_133 : i32
          %parallel_loop3A_184 = arith.index_cast %parallel_loop3A_183 : i32 to index
          %parallel_loop3A_185 = tpu.vector_load %arg21[%parallel_loop3A_184] {strides = array<i32>} : memref<1024xf32, #tpu.memory_space<vmem>>, vector<16xf32>,
          %parallel_loop3A_186 = arith.constant 768 : i32
          %parallel_loop3A_187 = arith.addi %parallel_loop3A_186, %parallel_loop3A_133 : i32
          %parallel_loop3A_188 = arith.index_cast %parallel_loop3A_187 : i32 to index
          %parallel_loop3A_189 = tpu.vector_load %arg25[%parallel_loop3A_188] {strides = array<i32>} : memref<1024xi32, #tpu.memory_space<vmem>>, vector<16xi32>,
          %parallel_loop3A_190 = arith.shli %parallel_loop3A_189, %broadcast_in_dim3A_17 : vector<16xi32>
          %parallel_loop3A_191 = vector.bitcast %parallel_loop3A_190 : vector<16xi32> to vector<16xf32>
          %parallel_loop3A_192 = arith.andi %parallel_loop3A_189, %broadcast_in_dim3A_19 : vector<16xi32>
          %parallel_loop3A_193 = vector.bitcast %parallel_loop3A_192 : vector<16xi32> to vector<16xf32>
          %parallel_loop3A_194 = arith.mulf %parallel_loop3A_185, %parallel_loop3A_191 : vector<16xf32>
          %parallel_loop3A_195 = arith.addf %parallel_loop3A_179, %parallel_loop3A_194 : vector<16xf32>
          %parallel_loop3A_196 = arith.mulf %parallel_loop3A_185, %parallel_loop3A_193 : vector<16xf32>
          %parallel_loop3A_197 = arith.addf %parallel_loop3A_181, %parallel_loop3A_196 : vector<16xf32>
          %parallel_loop3A_198 = arith.constant 768 : i32
          %parallel_loop3A_199 = arith.addi %parallel_loop3A_198, %parallel_loop3A_133 : i32
          %parallel_loop3A_200 = arith.index_cast %parallel_loop3A_199 : i32 to index
          %parallel_loop3A_201 = tpu.vector_load %arg26[%parallel_loop3A_200] {strides = array<i32>} : memref<1024xf32, #tpu.memory_space<vmem>>, vector<16xf32>,
          tpu.vector_store %arg26[%parallel_loop3A_200], %parallel_loop3A_195 {strides = array<i32>} : memref<1024xf32, #tpu.memory_space<vmem>>, vector<16xf32>,
          %parallel_loop3A_202 = arith.constant 768 : i32
          %parallel_loop3A_203 = arith.addi %parallel_loop3A_202, %parallel_loop3A_133 : i32
          %parallel_loop3A_204 = arith.index_cast %parallel_loop3A_203 : i32 to index
          %parallel_loop3A_205 = tpu.vector_load %arg27[%parallel_loop3A_204] {strides = array<i32>} : memref<1024xf32, #tpu.memory_space<vmem>>, vector<16xf32>,
          tpu.vector_store %arg27[%parallel_loop3A_204], %parallel_loop3A_197 {strides = array<i32>} : memref<1024xf32, #tpu.memory_space<vmem>>, vector<16xf32>,
        } {sc.loop_unroll_factor = 2 : i64, sc.parallel_access}
        %add3A_118 = arith.addi %mul3A_2, %mul3A_72 : i32
        %mul3A_119 = arith.constant 2 : i32
        %mul3A_120 = arith.muli %mul3A_119, %scan3A_37 : i32
        %mul3A_121 = arith.constant 262144 : i32
        %mul3A_122 = arith.muli %mul3A_120, %mul3A_121 : i32
        %add3A_123 = arith.addi %mul3A_122, %add3A_118 : i32
        "tpu.region"() ({
          %run_scoped3A = tpu.sem_alloc : memref<!tpu.dma_semaphore, #tpu.memory_space<semaphore_mem>>
          %dma_start3A_131 = tpu.memref_slice %arg8[%add3A_123] : memref<8388608xf32, #tpu.memory_space<hbm>> -> memref<1024xf32, #tpu.memory_space<hbm>>
          %dma_start3A_132 = tpu.memref_slice %arg8[%add3A_123] : memref<8388608xf32, #tpu.memory_space<hbm>> -> memref<1024xf32, #tpu.memory_space<hbm>>
          tpu.enqueue_dma source(%arg26 : memref<1024xf32, #tpu.memory_space<vmem>>) target(%dma_start3A_132 : memref<1024xf32, #tpu.memory_space<hbm>>) target_semaphore(%run_scoped3A : memref<!tpu.dma_semaphore, #tpu.memory_space<semaphore_mem>>)
          %dma_wait3A_133 = tpu.memref_slice %arg8[%add3A_123] : memref<8388608xf32, #tpu.memory_space<hbm>> -> memref<1024xf32, #tpu.memory_space<hbm>>
          %dma_wait3A_134 = tpu.memref_slice %arg8[%add3A_123] : memref<8388608xf32, #tpu.memory_space<hbm>> -> memref<1024xf32, #tpu.memory_space<hbm>>
          tpu.wait_dma2 semaphore(%run_scoped3A : memref<!tpu.dma_semaphore, #tpu.memory_space<semaphore_mem>>) src(%arg26 : memref<1024xf32, #tpu.memory_space<vmem>>) dst(%dma_wait3A_134 : memref<1024xf32, #tpu.memory_space<hbm>>)
          tpu.yield
        }) : () -> ()
        %mul3A_124 = arith.constant 2 : i32
        %mul3A_125 = arith.muli %mul3A_124, %scan3A_37 : i32
        %add3A_126 = arith.constant 1 : i32
        %add3A_127 = arith.addi %mul3A_125, %add3A_126 : i32
        %mul3A_128 = arith.constant 262144 : i32
        %mul3A_129 = arith.muli %add3A_127, %mul3A_128 : i32
        %add3A_130 = arith.addi %mul3A_129, %add3A_118 : i32
        "tpu.region"() ({
          %run_scoped3A = tpu.sem_alloc : memref<!tpu.dma_semaphore, #tpu.memory_space<semaphore_mem>>
          %dma_start3A_131 = tpu.memref_slice %arg8[%add3A_130] : memref<8388608xf32, #tpu.memory_space<hbm>> -> memref<1024xf32, #tpu.memory_space<hbm>>
          %dma_start3A_132 = tpu.memref_slice %arg8[%add3A_130] : memref<8388608xf32, #tpu.memory_space<hbm>> -> memref<1024xf32, #tpu.memory_space<hbm>>
          tpu.enqueue_dma source(%arg27 : memref<1024xf32, #tpu.memory_space<vmem>>) target(%dma_start3A_132 : memref<1024xf32, #tpu.memory_space<hbm>>) target_semaphore(%run_scoped3A : memref<!tpu.dma_semaphore, #tpu.memory_space<semaphore_mem>>)
          %dma_wait3A_133 = tpu.memref_slice %arg8[%add3A_130] : memref<8388608xf32, #tpu.memory_space<hbm>> -> memref<1024xf32, #tpu.memory_space<hbm>>
          %dma_wait3A_134 = tpu.memref_slice %arg8[%add3A_130] : memref<8388608xf32, #tpu.memory_space<hbm>> -> memref<1024xf32, #tpu.memory_space<hbm>>
          tpu.wait_dma2 semaphore(%run_scoped3A : memref<!tpu.dma_semaphore, #tpu.memory_space<semaphore_mem>>) src(%arg27 : memref<1024xf32, #tpu.memory_space<vmem>>) dst(%dma_wait3A_134 : memref<1024xf32, #tpu.memory_space<hbm>>)
          tpu.yield
        }) : () -> ()
      }
      %scan3A_68 = arith.constant 8 : i32
      %barrier3A_69 = arith.constant 0 : index
      tpu.barrier barrier_id(%barrier3A_69)
    }
    %scan3A_36 = arith.constant 16 : i32
    return
  }
}

</mosaic_0001>

<sc_bundles>
// kernel: _encode.3.cloned.1.call-start
scs
__scs_entry_jumppad:
0x0: {  	(pc) =	sbr.rel $0x88, $3  }
0x1: {  	(tag) =	ssettag $0x0;
	lr =	simm.s32 $0x1  }
0x2: {  	[smem:$0x3F9B] =	sst lr;
	_ =	strace $0xD0000000  }
0x3: {  	_ = 	snop  }
0x4: {  	_ = 	snop  }
0x5: {  	_ = 	snop  }
0x6: {  	_ = 	snop  }
0x7: {  	_ = 	snop  }
__scs_overlays_trampoline_lowered:
0x8: {  	[smem:$0x3FAA] =	sst s0  }
0x9: {  	[smem:$0x3FAB] =	sst s1  }
0xa: {  	[smem:$0x3FAC] =	sst s2  }
0xb: {  	[smem:$0x3FAD] =	sst s3  }
0xc: {  	[smem:$0x3FAE] =	sst s4  }
0xd: {  	[smem:$0x3FAF] =	sst s5  }
0xe: {  	[smem:$0x3FB0] =	sst s6  }
0xf: {  	[smem:$0x3FB1] =	sst s7  }
0x10: {  	[smem:$0x3FB2] =	sst s8  }
0x11: {  	[smem:$0x3FB3] =	sst s9;
	s0 =	simm.s32 @!p0 $0x0  }
0x12: {  	s1 =	sld [smem:$0x3F99];
	s0 =	simm.s32 @p0 $0x1  }
0x13: {  	[smem:$0x3FB4] =	sst s0;
	s0 =	simm.s32 @!p1 $0x0  }
0x14: {  	s2 =	sld [smem:$0x3F98];
	s0 =	simm.s32 @p1 $0x1  }
0x15: {  	[smem:$0x3FB5] =	sst s0;
	s0 =	simm.s32 @!p2 $0x0  }
0x16: {  	s3 =	sld [smem:$0x3FDB];
	s0 =	simm.s32 @p2 $0x1  }
0x17: {  	s4 =	simm.s32 $0x1BF5;
	[smem:$0x3FB7] =	sst s0  }
0x18: {  	s0 =	sld [smem:$0x3F9A];
	_ =	swait.ge [sflag:s4], $0x0  }
0x19: {  	s7 =	sld [smem:$0x3F9B]  }
0x1a: {  	s8 =	sadd.s32 $0xFFFFE003, lr  }
0x1b: {  	s9 =	sadd.s32 $0xFFFFFEF7, lr;
	s5 =	simm.s32 $0xFFFFFFFF;
	p2 =	slt.u32 s8, $0xFFFFF086  }
0x1c: {  	p1 =	slt.u32 s9, $0xF7A;
	s5 =	simm.s32 @!p2 $0x0  }
0x1d: {  	s5 =	simm.s32 @p1 $0x1;
	p0 =	seq.s32 s7, s2  }
0x1e: {  	s7 =	smul.u32 @!p0 $0xF7A, s2;
	p2 =	seq.s32 @!p0 s5, $0x0  }
0x1f: {  	s9 =	smul.u32 $0xF7A, s1;
	s8 =	simm.s32 @!p0 $0x1BF5;
	p2 =	por !p2, p0  }
0x20: {  	[sflag:s8] =	ssyncset.s32 @!p0 $0xFFFFF086;
	s6 =	sadd.s32 @!p0 s3, s7;
	s7 =	simm.s32 @!p0 $0x108  }
0x21: {  	s3 =	sadd.s32 s3, s9;
	s6 =	sadd.s32 @!p0 $0x88, s6;
	s7 =	simm.s32 @p2 $0x1082  }
0x22: {  	[simem:s7], [sflag:s8] =	dma.local @!p0 [hbm:s6], $0xF7A  }
0x23: {  	s9 =	sor.u32 $0xD0000000, s2;
	s6 =	simm.s32 $0x108;
	_ =	swait.ge @!p0 [sflag:s8], $0x0  }
0x24: {  	s3 =	sadd.s32 $0x88, s3;
	s6 =	simm.s32 @!p1 $0x1082;
	[sflag:s4] =	ssyncset.s32 $0xFFFFF086  }
0x25: {  	[simem:s6], [sflag:s4] =	dma.local [hbm:s3], $0xF7A  }
0x26: {  	[smem:$0x3F9B] =	sst s1;
	(tag) =	ssettag s2;
	_ =	strace s9  }
0x27: {  	s1 =	sld [smem:$0x3FAB]  }
0x28: {  	s2 =	sld [smem:$0x3FAC]  }
0x29: {  	s4 =	sld [smem:$0x3FAE]  }
0x2a: {  	p0 =	seq.s32 s5, $0x0;
	s5 =	sld [smem:$0x3FAF]  }
0x2b: {  	s6 =	sld [smem:$0x3FB0]  }
0x2c: {  	s7 =	sld [smem:$0x3FB1]  }
0x2d: {  	s3 =	simm.s32 $0x108;
	s8 =	sld [smem:$0x3FB2]  }
0x2e: {  	s3 =	simm.s32 @!p0 $0x1082;
	s9 =	sld [smem:$0x3FB3]  }
0x2f: {  	lr =	sadd.s32 s0, s3;
	s0 =	sld [smem:$0x3FAA]  }
0x30: {  	s3 =	sld [smem:$0x3FAD]  }
0x31: {  	[smem:$0x3FB6] =	sst s10  }
0x32: {  	s10 =	sld [smem:$0x3FB4];
	_ =	sdelay $0x3  }
0x33: {  	p0 =	seq.s32 s10, $0x1;
	s10 =	sld [smem:$0x3FB6];
	_ =	sdelay $0x3  }
0x34: {  	[smem:$0x3FB6] =	sst s10  }
0x35: {  	s10 =	sld [smem:$0x3FB5];
	_ =	sdelay $0x3  }
0x36: {  	p1 =	seq.s32 s10, $0x1;
	s10 =	sld [smem:$0x3FB6];
	_ =	sdelay $0x3  }
0x37: {  	[smem:$0x3FB6] =	sst s10  }
0x38: {  	s10 =	sld [smem:$0x3FB7]  }
0x39: {  	_ = 	snop;
	(pc) =	sbr.ind lr, $3  }
0x3a: {  	_ = 	snop  }
0x3b: {  	_ = 	snop  }
0x3c: {  	p2 =	seq.s32 s10, $0x1;
	s10 =	sld [smem:$0x3FB6]  }
0x3d: {  	_ =	shalt  }
0x3e: {  	_ =	shalt  }
0x3f: {  	_ =	shalt  }
0x40: {  	_ =	shalt  }
0x41: {  	_ =	shalt  }
0x42: {  	_ =	shalt  }
0x43: {  	_ =	shalt  }
0x44: {  	_ =	shalt  }
0x45: {  	_ =	shalt  }
0x46: {  	_ =	shalt  }
0x47: {  	_ =	shalt  }
0x48: {  	_ =	shalt  }
0x49: {  	_ =	shalt  }
0x4a: {  	_ =	shalt  }
0x4b: {  	_ =	shalt  }
0x4c: {  	_ =	shalt  }
0x4d: {  	_ =	shalt  }
0x4e: {  	_ =	shalt  }
0x4f: {  	_ =	shalt  }
0x50: {  	_ =	shalt  }
0x51: {  	_ =	shalt  }
0x52: {  	_ =	shalt  }
0x53: {  	_ =	shalt  }
0x54: {  	_ =	shalt  }
0x55: {  	_ =	shalt  }
0x56: {  	_ =	shalt  }
0x57: {  	_ =	shalt  }
0x58: {  	_ =	shalt  }
0x59: {  	_ =	shalt  }
0x5a: {  	_ =	shalt  }
0x5b: {  	_ =	shalt  }
0x5c: {  	_ =	shalt  }
0x5d: {  	_ =	shalt  }
0x5e: {  	_ =	shalt  }
0x5f: {  	_ =	shalt  }
0x60: {  	_ =	shalt  }
0x61: {  	_ =	shalt  }
0x62: {  	_ =	shalt  }
0x63: {  	_ =	shalt  }
0x64: {  	_ =	shalt  }
0x65: {  	_ =	shalt  }
0x66: {  	_ =	shalt  }
0x67: {  	_ =	shalt  }
0x68: {  	_ =	shalt  }
0x69: {  	_ =	shalt  }
0x6a: {  	_ =	shalt  }
0x6b: {  	_ =	shalt  }
0x6c: {  	_ =	shalt  }
0x6d: {  	_ =	shalt  }
0x6e: {  	_ =	shalt  }
0x6f: {  	_ =	shalt  }
0x70: {  	_ =	shalt  }
0x71: {  	_ =	shalt  }
0x72: {  	_ =	shalt  }
0x73: {  	_ =	shalt  }
0x74: {  	_ =	shalt  }
0x75: {  	_ =	shalt  }
0x76: {  	_ =	shalt  }
0x77: {  	_ =	shalt  }
0x78: {  	_ =	shalt  }
0x79: {  	_ =	shalt  }
0x7a: {  	_ =	shalt  }
0x7b: {  	_ =	shalt  }
0x7c: {  	_ =	shalt  }
0x7d: {  	_ =	shalt  }
0x7e: {  	_ =	shalt  }
0x7f: {  	_ =	shalt  }
0x80: {  	_ =	shalt  }
0x81: {  	_ =	shalt  }
0x82: {  	_ =	shalt  }
0x83: {  	_ =	shalt  }
0x84: {  	_ =	shalt  }
0x85: {  	_ =	shalt  }
0x86: {  	_ =	shalt  }
0x87: {  	_ =	shalt  }
.Lfunc_end0:
.L_simem_size_0:
called_computation_lowered:
.L_overlay_start_0:
0x88: {  	s2 =	sld [smem:$0x3FD9]  }
0x89: {  	s3 =	sld [smem:$0x3FFE];
	_ =	sdelay $0x1  }
0x8a: {  	s1 =	srdreg.scid  }
0x8b: {  	s0 =	sand.u32 $0x1, s1  }
0x8c: {  	s18 =	sshll.u32 s0, $0xA;
	s2 =	sadd.s32 s3, s2  }
0x8d: {  	s2 =	sadd.s32 s2, s18  }
0x8e: {  	[smem:$0x3FC2] =	sst s2  }
0x8f: {  	_ = 	snop  }
0x90: {  	s2 =	sld [smem:$0x3FC9]  }
0x91: {  	s19 =	sld [smem:$0x3FC8]  }
0x92: {  	s4 =	sld [smem:$0x3FC7]  }
0x93: {  	s5 =	sld [smem:$0x3FC6]  }
0x94: {  	s6 =	sld [smem:$0x3FC5]  }
0x95: {  	s7 =	sld [smem:$0x3FC4]  }
0x96: {  	s8 =	sld [smem:$0x3FD0];
	(tm) =	ssettm $0x1  }
0x97: {  	s9 =	sld [smem:$0x3FFB];
	_ =	sdelay $0x3  }
0x98: {  	_ =	strace s9  }
0x99: {  	s9 =	sld [smem:$0x3FFC];
	_ =	sdelay $0x3  }
0x9a: {  	_ =	strace s9  }
0x9b: {  	s9 =	sld [smem:$0x3FFD];
	_ =	sdelay $0x3  }
0x9c: {  	_ =	strace s9  }
0x9d: {  	_ =	strace $0x8FFFFFFF  }
0x9e: {  	s20 =	sld [smem:$0x3FDB];
	_ =	sdelay $0x1  }
0x9f: {  	s10 =	simm.s32 $_scs_section_size  }
0xa0: {  	s11 =	simm.s32 $_size__tile_overlayer_lowered;
	s12 =	simm.s32 $_tile_overlayer_lowered  }
0xa1: {  	s23 =	simm.s32 $0x1BFF;
	s22 =	sshll.u32 s12, $0x1;
	s9 =	sadd.s32 s10, s20  }
0xa2: {  	s13 =	simm.s32 $0x0;
	s21 =	sshll.u32 s11, $0x1;
	s11 =	sadd.s32 s22, s9  }
0xa3: {  	[timem:s13], [sflag:s23] =	dma.local [hbm:s11], s21  }
0xa4: {  	_ =	swait.ge [sflag:s23], s21  }
0xa5: {  	s10 =	ssub.s32 $0x0, s21;
	[sflag:s23] =	ssyncset.done $0x0  }
0xa6: {  	[sflag:s23] =	ssyncadd.s32 s10;
	_ =	sdelay $0x1  }
0xa7: {  	s24 =	simm.s32 $0x1B8B  }
0xa8: {  	_ =	swait.ge [sflag:s24], $0x1  }
0xa9: {  	[sflag:s24] =	ssyncset.done $0x0  }
0xaa: {  	s25 =	simm.s32 $0x1B8E;
	[sflag:s24] =	ssyncadd.s32 $0xFFFFFFFF  }
0xab: {  	s26 =	simm.s32 $execute0_lowered;
	[smem:$0x3FD2] =	sst s25  }
0xac: {  	s10 =	sshll.u32 s26, $0x1;
	_ =	strace $0x80000046;
	[dreg:$0x1] =	wrdreg $0xFFFFFFFF  }
0xad: {  	s28 =	simm.s32 $_size_execute0_lowered;
	s9 =	sadd.s32 s9, s10;
	[dreg:$0x0] =	wrdreg $0x0  }
0xae: {  	s10 =	sshll.u32 s28, $0x1;
	[dreg:$0x2] =	wrdreg s9  }
0xaf: {  	[dreg:$0x3] =	wrdreg s10  }
0xb0: {  	[dreg:$0x4] =	wrdreg $0xC0  }
0xb1: {  	_ =	task [dreg:s13], $0x5FFFF  }
0xb2: {  	[dreg:$0x1] =	wrdreg $0xFFFFFFFF  }
0xb3: {  	[dreg:$0x0] =	wrdreg $0x60  }
0xb4: {  	[dreg:$0x2] =	wrdreg s2  }
0xb5: {  	[dreg:$0x3] =	wrdreg s19  }
0xb6: {  	[dreg:$0x4] =	wrdreg s4  }
0xb7: {  	[dreg:$0x5] =	wrdreg s5  }
0xb8: {  	[dreg:$0x6] =	wrdreg s6  }
0xb9: {  	[dreg:$0x7] =	wrdreg s7  }
0xba: {  	[dreg:$0x8] =	wrdreg s8  }
0xbb: {  	[dreg:$0x9] =	wrdreg $0x98600  }
0xbc: {  	[dreg:$0xa] =	wrdreg $0x9  }
0xbd: {  	_ =	task.clear_ibuf [dreg:s13], $0xBFFFF;
	_ =	strace $0x90000046  }
0xbe: {  	s29 =	simm.s32 $0x9;
	_ =	strace $0x80000048  }
0xbf: {  	_ =	swait.ge [sflag:s29], $0x1  }
0xc0: {  	[sflag:s29] =	ssyncadd.s32 $0xFFFFFFFF  }
0xc1: {  	_ =	strace $0x90000048  }
0xc2: {  	_ =	sfence  }
0xc3: {  	s30 =	sld [smem:$0x0];
	_ =	sdelay $0x2  }
0xc4: {  	s31 =	sshll.u32 s1, $0xD;
	s1 =	sshrl.u32 s1, $0x2  }
0xc5: {  	s3 =	sand.u32 $0x4000, s31;
	s1 =	sadd.s32 s1, s30  }
0xc6: {  	s0 =	sor.u32 s3, s0;
	s1 =	sshll.u32 s1, $0x11  }
0xc7: {  	s0 =	sor.u32 s1, s0  }
0xc8: {  	s0 =	sadd.s32 $0x8F2B, s0  }
0xc9: {  	[sflag:s0] =	ssyncadd.remote.s32 $0x1  }
0xca: {  	_ =	sfence.sel $0xFFFF  }
0xcb: {  	[dreg:$0x0] =	wrdreg $0xFFFFFFFF;
	(pc) =	sbr.abs _section_cstart, $3  }
0xcc: {  	[dreg:$0x1] =	wrdreg $0xFFFFFFFF  }
0xcd: {  	_ =	task.clear_ibuf [dreg:s13], $0x2FFFF;
	_ =	strace $0x9FFFFFFF  }
0xce: {  	(tm) =	ssettm $0x7FFFFFFF  }
0xcf: {  	_ =	shalt  }
tec
execute0_lowered:
.L_overlay_start_1:
0x0: {  	(tag) =	ssettag $0x1  }
0x1: {  	s0 =	rddreg [dreg:$0x0]  }
0x2: {  	s1 =	rddreg [dreg:$0x1]  }
0x3: {  	s2 =	rddreg [dreg:$0x2]  }
0x4: {  	s6 =	rddreg [dreg:$0x7];
	s3 =	srdreg.scid  }
0x5: {  	s7 =	simm.s32 $0x0;
	s9 =	stileid.u32;
	s15 =	simm.s32 $0x5  }
0x6: {  	s21 =	simm.s32 $0x400;
	s31 =	simm.s32 $0x1;
	s3 =	sand.u32 $0x1, s3  }
0x7: {  	s5 =	sshll.u32 s9, $0xE;
	s4 =	ssub.s32 $0x2, s3;
	s3 =	sshll.u32 s3, $0xD  }
0x8: {  	[smem:$0x7FF] =	sst s7;
	s26 =	sshll.u32 s9, $0xF;
	s5 =	sor.u32 s3, s5  }
0x9: {  	_ =	strace $0x80000047;
	[dreg:$0xc] =	wrdreg s26;
	s24 =	sshrl.u32 s5, $0x3  }
0xa: {  	s30 =	sshll.u32 s9, $0x6;
	[dreg:$0x9] =	wrdreg s5;
	s0 =	sadd.s32 s0, s24  }
0xb: {  	s8 =	sshrl.u32 s4, $0x1;
	s25 =	sadd.s32 s1, s24;
	[dreg:$0xa] =	wrdreg s0  }
0xc: {  	s23 =	ssub.s32 s4, s8;
	s28 =	sadd.s32 s2, s24;
	[dreg:$0xb] =	wrdreg s25  }
0xd: {  	s3 =	simm.s32 $0x0;
	s29 =	smax.u32 s23, $0x1;
	[dreg:$0xd] =	wrdreg s28  }
0xe: {  	s1 =	sor.u32 $0x1C05, s30;
	s0 =	sadd.s32 s26, s6;
	[dreg:$0xe] =	wrdreg s29  }
0xf: {  	v0 =	vimm.f32 $0.0e+00;
	v1 =	vimm.s32 $0x0;
	s5 =	simm.s32 $0x3;
	[dreg:$0xf] =	wrdreg s1;
	s0 =	sshrl.u32 s0, $0x3  }
0x10: {  	v2 =	vimm.s32 $0x3;
	v3 =	vimm.s32 $0x1;
	v4 =	vimm.s32 $0x7FFFE;
	s2 =	simm.s32 $0x4;
	[dreg:$0x10] =	wrdreg s0;
	s0 =	simm.s32 $0x2  }
.LBB2_1:
0x11: {  	[dreg:$0x11] =	wrdreg s3  }
0x12: {  	s1 =	rddreg [dreg:$0x4];
	s22 =	simm.s32 $0x6000  }
0x13: {  	[tilespmem:s22], [sflag:$0x5] =	stream.linear.gather [hbm4b:s1+s7], $0x30, $0x38;
	[tilespmem:$0x11860] =	vst v63  }
0x14: {  	_ =	swait.ge [sflag:s15], $0x30  }
0x15: {  	[sflag:s15] =	ssyncset.done $0x0  }
0x16: {  	[sflag:s15] =	ssyncadd.s32 $0xFFFFFFD0  }
0x17: {  	s24 =	simm.s32 $0x6030;
	s23 =	rddreg [dreg:$0x5]  }
0x18: {  	[tilespmem:s24], [sflag:$0x5] =	stream.linear.gather [hbm4b:s23+s7], $0x30, $0x38;
	[tilespmem:$0x11860] =	vst v63  }
0x19: {  	_ =	swait.ge [sflag:s15], $0x30  }
0x1a: {  	[sflag:s15] =	ssyncset.done $0x0  }
0x1b: {  	s25 =	rddreg [dreg:$0xa];
	[sflag:s15] =	ssyncadd.s32 $0xFFFFFFD0  }
0x1c: {  	[tilespmem:s7], [sflag:$0x5] =	stream.linear.gather [hbm4b:s25+s7], $0x2000, $0x38;
	[tilespmem:$0x11860] =	vst v63  }
0x1d: {  	_ =	swait.ge [sflag:s15], $0x2000  }
0x1e: {  	[sflag:s15] =	ssyncset.done $0x0  }
0x1f: {  	s28 =	simm.s32 $0x2000;
	s26 =	rddreg [dreg:$0xb];
	[sflag:s15] =	ssyncadd.s32 $0xFFFFE000  }
0x20: {  	[tilespmem:s28], [sflag:$0x5] =	stream.linear.gather [hbm4b:s26+s7], $0x2000, $0x38;
	[tilespmem:$0x11860] =	vst v63  }
0x21: {  	_ =	swait.ge [sflag:s15], $0x2000  }
0x22: {  	[sflag:s15] =	ssyncset.done $0x0  }
0x23: {  	s30 =	simm.s32 $0x4000;
	s29 =	rddreg [dreg:$0xd];
	[sflag:s15] =	ssyncadd.s32 $0xFFFFE000  }
0x24: {  	[tilespmem:s30], [sflag:$0x5] =	stream.linear.gather [hbm4b:s29+s7], $0x2000, $0x38;
	[tilespmem:$0x11860] =	vst v63  }
0x25: {  	_ =	swait.ge [sflag:s15], $0x2000  }
0x26: {  	[sflag:s15] =	ssyncset.done $0x0  }
0x27: {  	s9 =	simm.s32 $0x0;
	[sflag:s15] =	ssyncadd.s32 $0xFFFFE000  }
.LBB2_2:
0x28: {  	s1 =	sshll.u32 s9, $0x13;
	s3 =	rddreg [dreg:$0xc]  }
0x29: {  	s4 =	rddreg [dreg:$0x3];
	s3 =	sor.u32 s3, s1  }
0x2a: {  	s26 =	rddreg [dreg:$0xf];
	s3 =	sshrl.u32 s3, $0x3  }
0x2b: {  	s8 =	rddreg [dreg:$0x10];
	s3 =	sadd.s32 s4, s3  }
0x2c: {  	[spmem:s8], [sflag:s26] =	dma.local [hbm:s3], $0x1000  }
0x2d: {  	v8 =	vmov s9;
	[dreg:$0x12] =	wrdreg s9  }
0x2e: {  	v9 =	vor.u32 $0x10, v8;
	_ =	swait.ge [sflag:s15], $0x1000  }
0x2f: {  	v10 =	vor.u32 $0x20, v8;
	[sflag:s15] =	ssyncset.done $0x0  }
0x30: {  	[sflag:s15] =	ssyncadd.s32 $0xFFFFF000  }
0x31: {  	s28 =	simm.s32 $0x6000;
	[bflag:$0x0] =	sbarrier.arrive $0xFFFF  }
0x32: {  	s12 =	simm.s32 $0x0;
	v5 =	vld.idx.msk [tilespmem:v8+s28+$0x0], $0xffff  }
0x33: {  	s17 =	simm.s32 $0x2010;
	s30 =	simm.s32 $0x6030;
	s11 =	simm.s32 $0x2110;
	v6 =	vld.idx.msk [tilespmem:v9+s28+$0x0], $0xffff  }
0x34: {  	s19 =	simm.s32 $0x110;
	s20 =	simm.s32 $0x4210;
	s14 =	simm.s32 $0x2210;
	v7 =	vld.idx.msk [tilespmem:v10+s28+$0x0], $0xffff  }
0x35: {  	s16 =	simm.s32 $0x210;
	s22 =	simm.s32 $0x2310;
	s23 =	simm.s32 $0x310;
	v8 =	vld.idx.msk [tilespmem:v8+s30+$0x0], $0xffff  }
0x36: {  	s4 =	simm.s32 $0x4010;
	s8 =	simm.s32 $0x4110;
	s29 =	rddreg [dreg:$0x9];
	v9 =	vld.idx.msk [tilespmem:v9+s30+$0x0], $0xffff  }
0x37: {  	s9 =	simm.s32 $0x4310;
	v10 =	vld.idx.msk [tilespmem:v10+s30+$0x0], $0xffff;
	s10 =	sor.u32 s29, s1;
	s1 =	simm.s32 $0x10  }
.LBB2_3:
0x38: {  	v11 =	vld [tilespmem:s1+$0x0]  }
0x39: {  	v12 =	vld [tilespmem:s17+$0x0]  }
0x3a: {  	v13 =	vld [tilespmem:s4+$0x0];
	_ =	sdelay $0x3  }
0x3b: {  	v12 =	vmul.f32 v12, v6  }
0x3c: {  	v11 =	vmul.f32 v11, v5;
	v13 =	vmul.f32 v13, v7  }
0x3d: {  	v14 =	vld [tilespmem:s17+$0xFFFFFFF0];
	v12 =	vadd.f32 v12, v9  }
0x3e: {  	v15 =	vld [tilespmem:s4+$0xFFFFFFF0];
	v11 =	vadd.f32 v11, v8;
	v13 =	vadd.f32 v13, v10  }
0x3f: {  	v16 =	vadd.f32 v12, v12  }
0x40: {  	v19 =	vld [tilespmem:s1+$0xFFFFFFF0];
	v17 =	vadd.f32 v12, v11;
	v18 =	vadd.f32 v13, v13  }
0x41: {  	v12 =	vadd.f32 v13, v12;
	v16 =	vsub.f32 v13, v16  }
0x42: {  	v17 =	vadd.f32 v13, v17;
	v13 =	vadd.f32 v18, v13  }
0x43: {  	v14 =	vmul.f32 v14, v6;
	v20 =	vmul.f32 v15, v7;
	v18 =	vsub.f32 v12, v11  }
0x44: {  	v11 =	vmul.f32 $2.500000000e-01, v16;
	v15 =	vsub.f32 $0.0e+00, v13;
	v13 =	vmul.f32 $2.500000000e-01, v17  }
0x45: {  	v14 =	vadd.f32 v14, v9;
	v12 =	vmul.f32 v19, v5;
	v19 =	vmul.f32 $2.500000000e-01, v18  }
0x46: {  	v20 =	vadd.f32 v20, v10;
	v21 =	vtrunc.f32 v11;
	v22 =	vtrunc.f32 v13  }
0x47: {  	v24 =	vadd.f32 v12, v8;
	v23 =	vmul.f32 $2.500000000e-01, v15;
	v12 =	vtrunc.f32 v19  }
0x48: {  	v27 =	vadd.f32 v20, v14;
	v21 =	vcvt.f32.s32 v21;
	v22 =	vcvt.f32.s32 v22  }
0x49: {  	v25 =	vcvt.f32.s32 v12;
	v12 =	vadd.f32 v14, v24;
	v26 =	vtrunc.f32 v23  }
0x4a: {  	v14 =	vadd.f32 v14, v14;
	v21 =	vcvt.s32.f32 v21;
	v22 =	vcvt.s32.f32 v22  }
0x4b: {  	v26 =	vcvt.f32.s32 v26;
	v12 =	vadd.f32 v20, v12;
	v25 =	vcvt.s32.f32 v25  }
0x4c: {  	v14 =	vsub.f32 v20, v14;
	vm0 =	vlt.f32 v11, v21;
	vm1 =	vlt.f32 v13, v22  }
0x4d: {  	v26 =	vcvt.s32.f32 v26;
	v48 =	vmul.f32 $2.500000000e-01, v12;
	v11 =	vsel vm0, $0x3F800000, v0  }
0x4e: {  	v13 =	vsel vm1, $0x3F800000, v0;
	vm0 =	vlt.f32 v19, v25;
	v11 =	vsub.f32 v21, v11  }
0x4f: {  	v19 =	vsub.f32 v22, v13;
	v13 =	vsel vm0, $0x3F800000, v0;
	vm0 =	vlt.f32 v23, v26  }
0x50: {  	v21 =	vsub.f32 v25, v13;
	v22 =	vsel vm0, $0x3F800000, v0;
	v11 =	vmul.f32 $4.000000000e+00, v11  }
0x51: {  	v50 =	vtrunc.f32 v48;
	v19 =	vmul.f32 $4.000000000e+00, v19;
	v22 =	vsub.f32 v26, v22  }
0x52: {  	v13 =	vsub.f32 v27, v24;
	v21 =	vmul.f32 $4.000000000e+00, v21;
	v23 =	vsub.f32 v16, v11  }
0x53: {  	v24 =	vadd.f32 v20, v20;
	v25 =	vsub.f32 v17, v19;
	v22 =	vmul.f32 $4.000000000e+00, v22  }
0x54: {  	v49 =	vmul.f32 $2.500000000e-01, v13;
	v26 =	vsub.f32 v18, v21;
	vm0 =	vgt.f32 v23, $2.000000000e+00  }
0x55: {  	vm1 =	vgt.f32 v25, $2.000000000e+00;
	v25 =	vsub.f32 v15, v22;
	v23 =	vsel vm0, $0x40800000, v0  }
0x56: {  	v27 =	vsel vm1, $0x40800000, v0;
	vm0 =	vgt.f32 v26, $2.000000000e+00;
	v23 =	vadd.f32 v23, v11  }
0x57: {  	v19 =	vadd.f32 v27, v19;
	v26 =	vsel vm0, $0x40800000, v0;
	vm0 =	vgt.f32 v25, $2.000000000e+00  }
0x58: {  	v11 =	vadd.f32 v24, v20;
	v20 =	vadd.f32 v26, v21;
	v21 =	vsel vm0, $0x40800000, v0  }
0x59: {  	v24 =	vtrunc.f32 v23;
	v25 =	vsub.f32 v17, v19;
	v26 =	vsub.f32 v16, v23  }
0x5a: {  	v27 =	vtrunc.f32 v19;
	v21 =	vadd.f32 v21, v22;
	v22 =	vsub.f32 v18, v20  }
0x5b: {  	v28 =	vtrunc.f32 v20;
	v19 =	vadd.f32 v20, v19;
	v20 =	vcvt.f32.s32 v27  }
0x5c: {  	v24 =	vcvt.f32.s32 v24;
	vm0 =	vlt.f32 v25, v26;
	v27 =	vcvt.f32.s32 v28  }
0x5d: {  	v28 =	vtrunc.f32 v21;
	v29 =	vsub.f32 v15, v21;
	vm1 =	vlt.f32 v25, v22  }
0x5e: {  	vm2 =	vlt.f32 v22, v26;
	v19 =	vadd.f32 v19, v23;
	v23 =	vsel vm0, $0x1, v1  }
0x5f: {  	vm0 =	vmneg vm0;
	v28 =	vcvt.f32.s32 v28;
	v30 =	vsel vm1, $0x1, v1  }
0x60: {  	v31 =	vsel vm0, $0x1, v1;
	vm0 =	vmneg vm2;
	vm1 =	vmneg vm1  }
0x61: {  	v32 =	vsel vm2, $0x1, v1;
	vm2 =	vlt.f32 v25, v29;
	v23 =	vadd.s32 v23, v30  }
0x62: {  	v53 =	vsel vm0, $0x1, v1;
	vm0 =	vlt.f32 v26, v29;
	v19 =	vadd.f32 v19, v21  }
0x63: {  	v21 =	vsel vm1, $0x1, v1;
	vm1 =	vmneg vm2;
	v25 =	vsel vm2, $0x1, v1  }
0x64: {  	vm2 =	vlt.f32 v22, v29;
	v22 =	vsel vm0, $0x1, v1;
	vm0 =	vmneg vm0  }
0x65: {  	v26 =	vsel vm2, $0x1, v1;
	vm2 =	vmneg vm2;
	v19 =	vmul.f32 $2.500000000e-01, v19  }
0x66: {  	v29 =	vadd.s32 v31, v53;
	v54 =	vsel vm1, $0x1, v1;
	v21 =	vadd.s32 v21, v32  }
0x67: {  	v23 =	vadd.s32 v25, v23;
	v55 =	vsel vm2, $0x1, v1;
	v19 =	vtrunc.f32 v19  }
0x68: {  	v33 =	vsel vm0, $0x1, v1;
	v30 =	vadd.s32 v54, v55;
	v19 =	vcvt.f32.s32 v19  }
0x69: {  	v22 =	vadd.s32 v22, v29;
	v21 =	vadd.s32 v26, v21;
	v29 =	vadd.s32 v33, v30  }
0x6a: {  	v25 =	vadd.s32 v19, v29;
	v23 =	vadd.s32 v19, v23;
	v22 =	vadd.s32 v19, v22  }
0x6b: {  	v19 =	vadd.s32 v19, v21;
	vm0 =	vlt.s32 v22, $0x0;
	vm1 =	vgt.s32 v25, $0x3  }
0x6c: {  	vm2 =	vgt.s32 v23, $0x3;
	v21 =	vsel vm1, $0xFFFFFFFC, v1;
	vm1 =	vgt.s32 v19, $0x3  }
0x6d: {  	v26 =	vsel vm2, $0xFFFFFFFC, v1;
	vm2 =	vgt.s32 v22, $0x3;
	v29 =	vsel vm1, $0xFFFFFFFC, v1  }
0x6e: {  	vm1 =	vlt.s32 v25, $0x0;
	v56 =	vsel vm2, $0xFFFFFFFC, v1;
	vm2 =	vlt.s32 v23, $0x0  }
0x6f: {  	v26 =	vsel vm2, $0x4, v26;
	vm2 =	vlt.s32 v19, $0x0;
	v30 =	vsel vm0, $0x4, v56  }
0x70: {  	v21 =	vsel vm1, $0x4, v21;
	v29 =	vsel vm2, $0x4, v29;
	v22 =	vadd.s32 v22, v30  }
0x71: {  	v25 =	vadd.s32 v25, v21;
	v23 =	vadd.s32 v23, v26;
	v21 =	vadd.s32 v28, v21  }
0x72: {  	v20 =	vadd.s32 v20, v26;
	v24 =	vadd.s32 v24, v30;
	v19 =	vadd.s32 v19, v29  }
0x73: {  	v26 =	vadd.s32 v27, v29;
	vm0 =	veq.s32 v25, $0x0;
	v28 =	vmul.u32 $0x25795, v24  }
0x74: {  	vm1 =	vgt.s32 v23, $0x2;
	vm2 =	vlt.s32 v23, $0x2;
	v34 =	vcvt.s32.f32 v20  }
0x75: {  	v35 =	vcvt.s32.f32 v24;
	v21 =	vcvt.s32.f32 v21;
	v27 =	vmul.u32 $0x779B1, v26  }
0x76: {  	v29 =	vsel vm1, $0x7FFFD, v3;
	vm1 =	vgt.s32 v22, $0x2;
	v57 =	vsel vm2, $0x2, v4  }
0x77: {  	vm2 =	vgt.s32 v23, $0x0;
	v37 =	vcvt.s32.f32 v26;
	vm3 =	veq.s32 v19, $0x1  }
0x78: {  	v58 =	vsel vm1, $0x7FFFD, v3;
	vm1 =	vlt.s32 v22, $0x2;
	v60 =	vsel vm2, $0x7FFFF, v2  }
0x79: {  	vm2 =	vgt.s32 v19, $0x2;
	v16 =	vsub.f32 v16, v35;
	v17 =	vsub.f32 v17, v34  }
0x7a: {  	v15 =	vsub.f32 v15, v21;
	v29 =	vadd.s32 v20, v29;
	v30 =	vadd.s32 v20, v57  }
0x7b: {  	v59 =	vsel vm1, $0x2, v4;
	vm1 =	vgt.s32 v22, $0x0;
	v36 =	vsel vm2, $0x7FFFD, v3  }
0x7c: {  	vm2 =	vlt.s32 v19, $0x2;
	v18 =	vsub.f32 v18, v37;
	v52 =	vadd.s32 v20, v60  }
0x7d: {  	v38 =	vsel vm2, $0x2, v4;
	vm2 =	veq.s32 v22, $0x0;
	v61 =	vsel vm1, $0x7FFFF, v2  }
0x7e: {  	vm1 =	vgt.s32 v19, $0x0;
	v16 =	vmul.f32 $2.500000000e-01, v16;
	v17 =	vmul.f32 $2.500000000e-01, v17  }
0x7f: {  	v15 =	vmul.f32 $2.500000000e-01, v15;
	v46 =	vadd.s32 v26, v36;
	v62 =	vsel vm1, $0x7FFFF, v2  }
0x80: {  	vm1 =	veq.s32 v23, $0x3;
	v18 =	vmul.f32 $2.500000000e-01, v18;
	v47 =	vadd.s32 v26, v38  }
0x81: {  	v32 =	vmul.u32 $0x779B1, v46;
	v63 =	vnsel vm2, $0x0, v16;
	vm2 =	veq.s32 v19, $0x3  }
0x82: {  	v39 =	vnsel vm1, $0x0, v17;
	vm1 =	veq.s32 v23, $0x0;
	v26 =	vadd.s32 v26, v62  }
0x83: {  	v34 =	vmul.u32 $0x779B1, v47;
	v40 =	vnsel vm2, $0x0, v18;
	vm2 =	veq.s32 v22, $0x2  }
0x84: {  	v41 =	vnsel vm1, $0x0, v17;
	vm1 =	veq.s32 v19, $0x0;
	v26 =	vmul.u32 $0x779B1, v26  }
0x85: {  	v42 =	vnsel vm2, $0x0, v16;
	vm2 =	veq.s32 v23, $0x2;
	v21 =	vnsel vm1, $0x0, v18  }
0x86: {  	vm1 =	veq.s32 v22, $0x3;
	v45 =	vadd.f32 v40, v39;
	v43 =	vnsel vm2, $0x0, v17  }
0x87: {  	vm2 =	veq.s32 v19, $0x2;
	v44 =	vnsel vm1, $0x0, v16;
	vm1 =	veq.s32 v23, $0x1  }
0x88: {  	v21 =	vadd.f32 v21, v41;
	v23 =	vnsel vm2, $0x0, v18;
	vm2 =	veq.s32 v25, $0x3  }
0x89: {  	v17 =	vnsel vm1, $0x0, v17;
	vm1 =	veq.s32 v25, $0x1;
	v18 =	vnsel vm3, $0x0, v18  }
0x8a: {  	v31 =	vadd.f32 v45, v44;
	v19 =	vnsel vm2, $0x0, v15;
	vm2 =	veq.s32 v25, $0x2  }
0x8b: {  	v25 =	vnsel vm0, $0x0, v15;
	vm0 =	veq.s32 v22, $0x1;
	v22 =	vxor.u32 v27, v28  }
0x8c: {  	v27 =	vadd.s32 v24, v58;
	v28 =	vadd.s32 v24, v59;
	v23 =	vadd.f32 v23, v43  }
0x8d: {  	v24 =	vadd.s32 v24, v61;
	v21 =	vadd.f32 v21, v63;
	v17 =	vadd.f32 v18, v17  }
0x8e: {  	v22 =	vxor.u32 v20, v22;
	v27 =	vmul.u32 $0x25795, v27;
	v28 =	vmul.u32 $0x25795, v28  }
0x8f: {  	v31 =	vadd.f32 v31, v19;
	v16 =	vnsel vm0, $0x0, v16;
	v18 =	vadd.f32 v23, v42  }
0x90: {  	v24 =	vmul.u32 $0x25795, v24;
	v23 =	vadd.f32 v21, v25;
	v16 =	vadd.f32 v17, v16  }
0x91: {  	v17 =	vnsel vm2, $0x0, v15;
	v19 =	vand.u32 $0x7FFFF, v22;
	v22 =	vxor.u32 v29, v32  }
0x92: {  	v15 =	vnsel vm1, $0x0, v15;
	v25 =	vsub.f32 $0.0e+00, v11;
	v11 =	vtrunc.f32 v49  }
0x93: {  	v29 =	vcvt.f32.s32 v50;
	v21 =	vadd.f32 $1.000000000e+00, v31;
	v11 =	vcvt.f32.s32 v11  }
0x94: {  	v17 =	vadd.f32 v18, v17;
	v16 =	vadd.f32 v16, v15;
	v51 =	vmul.f32 $2.500000000e-01, v25  }
0x95: {  	v18 =	vsub.f32 v21, v23;
	v21 =	vxor.u32 v27, v22;
	v27 =	vmul.f32 $2.500000000e-01, v14  }
0x96: {  	v29 =	vcvt.s32.f32 v29;
	v22 =	vxor.u32 v30, v34;
	v11 =	vcvt.s32.f32 v11  }
0x97: {  	v15 =	vsub.f32 v17, v31;
	v22 =	vxor.u32 v28, v22;
	v28 =	vtrunc.f32 v27  }
0x98: {  	v20 =	vsub.f32 v16, v17;
	vm0 =	vlt.f32 v48, v29;
	v17 =	vcvt.f32.s32 v28  }
0x99: {  	vm1 =	vlt.f32 v49, v11;
	v53 =	vsel vm0, $0x3F800000, v0;
	v28 =	vtrunc.f32 v51  }
0x9a: {  	v54 =	vsel vm1, $0x3F800000, v0;
	v28 =	vcvt.f32.s32 v28;
	v17 =	vcvt.s32.f32 v17  }
0x9b: {  	v26 =	vxor.u32 v52, v26;
	v29 =	vsub.f32 v29, v53;
	v11 =	vsub.f32 v11, v54  }
0x9c: {  	v24 =	vxor.u32 v24, v26;
	v28 =	vcvt.s32.f32 v28;
	vm0 =	vlt.f32 v27, v17  }
0x9d: {  	v11 =	vmul.f32 $4.000000000e+00, v11;
	v27 =	vmul.f32 $4.000000000e+00, v29;
	v29 =	vsel vm0, $0x3F800000, v0  }
0x9e: {  	v24 =	vand.u32 $0x7FFFF, v24;
	vm0 =	vlt.f32 v51, v28;
	v17 =	vsub.f32 v17, v29  }
0x9f: {  	v55 =	vsub.f32 v13, v11;
	v29 =	vsub.f32 v12, v27;
	v56 =	vsel vm0, $0x3F800000, v0  }
0xa0: {  	v21 =	vand.u32 $0x7FFFF, v21;
	v26 =	vsub.f32 v28, v56;
	v17 =	vmul.f32 $4.000000000e+00, v17  }
0xa1: {  	v23 =	vsub.f32 v23, v16;
	vm1 =	vgt.f32 v55, $2.000000000e+00;
	vm0 =	vgt.f32 v29, $2.000000000e+00  }
0xa2: {  	v16 =	vsel vm0, $0x40800000, v0;
	v26 =	vmul.f32 $4.000000000e+00, v26;
	v28 =	vsub.f32 v14, v17  }
0xa3: {  	v22 =	vand.u32 $0x7FFFF, v22;
	v16 =	vadd.f32 v16, v27;
	v27 =	vsel vm1, $0x40800000, v0  }
0xa4: {  	v11 =	vadd.f32 v27, v11;
	v27 =	vsub.f32 v25, v26;
	vm0 =	vgt.f32 v28, $2.000000000e+00  }
0xa5: {  	v29 =	vsub.f32 v12, v16;
	v57 =	vtrunc.f32 v16;
	v28 =	vsel vm0, $0x40800000, v0  }
0xa6: {  	vm0 =	vgt.f32 v27, $2.000000000e+00;
	v16 =	vadd.f32 v11, v16;
	v17 =	vadd.f32 v28, v17  }
0xa7: {  	v27 =	vsel vm0, $0x40800000, v0;
	v28 =	vsub.f32 v13, v11;
	v11 =	vtrunc.f32 v11  }
0xa8: {  	v26 =	vadd.f32 v27, v26;
	v27 =	vcvt.f32.s32 v57;
	v59 =	vcvt.f32.s32 v11  }
0xa9: {  	v16 =	vadd.f32 v16, v17;
	v58 =	vsub.f32 v14, v17;
	vm0 =	vlt.f32 v29, v28  }
0xaa: {  	v17 =	vtrunc.f32 v17;
	vm1 =	vmneg vm0;
	v61 =	vsel vm0, $0x1, v1  }
0xab: {  	v17 =	vcvt.f32.s32 v17;
	v11 =	vadd.f32 v16, v26;
	v16 =	vsub.f32 v25, v26  }
0xac: {  	v60 =	vsel vm1, $0x1, v1;
	vm1 =	vlt.f32 v29, v58;
	vm2 =	vlt.f32 v28, v58  }
0xad: {  	v26 =	vtrunc.f32 v26;
	vm0 =	vmneg vm1;
	v62 =	vsel vm1, $0x1, v1  }
0xae: {  	v26 =	vcvt.f32.s32 v26;
	v11 =	vmul.f32 $2.500000000e-01, v11;
	vm1 =	vlt.f32 v29, v16  }
0xaf: {  	v29 =	vsel vm0, $0x1, v1;
	vm0 =	vlt.f32 v28, v16;
	v28 =	vsel vm2, $0x1, v1  }
0xb0: {  	vm2 =	vmneg vm2;
	v63 =	vsel vm1, $0x1, v1;
	v40 =	vsel vm0, $0x1, v1  }
0xb1: {  	v28 =	vadd.s32 v60, v28;
	v42 =	vsel vm2, $0x1, v1;
	vm2 =	vlt.f32 v58, v16  }
0xb2: {  	vm1 =	vmneg vm1;
	vm0 =	vmneg vm0;
	v11 =	vtrunc.f32 v11  }
0xb3: {  	v16 =	vadd.s32 v29, v42;
	v41 =	vcvt.f32.s32 v11;
	v11 =	vadd.s32 v62, v61  }
0xb4: {  	v29 =	vsel vm1, $0x1, v1;
	v44 =	vsel vm0, $0x1, v1;
	v11 =	vadd.s32 v63, v11  }
0xb5: {  	v28 =	vadd.s32 v40, v28;
	v29 =	vadd.s32 v29, v44;
	v43 =	vadd.s32 v41, v11  }
0xb6: {  	v28 =	vadd.s32 v41, v28;
	v11 =	vsel vm2, $0x1, v1;
	vm2 =	vmneg vm2  }
0xb7: {  	vm1 =	vgt.s32 v43, $0x3;
	vm0 =	vgt.s32 v28, $0x3;
	v11 =	vadd.s32 v11, v16  }
0xb8: {  	v16 =	vsel vm1, $0xFFFFFFFC, v1;
	v45 =	vsel vm0, $0xFFFFFFFC, v1;
	v46 =	vadd.s32 v41, v11  }
0xb9: {  	vm0 =	vlt.s32 v43, $0x0;
	vm1 =	vlt.s32 v28, $0x0;
	v11 =	vsel vm2, $0x1, v1  }
0xba: {  	v47 =	vsel vm0, $0x4, v16;
	v29 =	vadd.s32 v11, v29;
	v32 =	vsel vm1, $0x4, v45  }
0xbb: {  	vm0 =	vgt.s32 v46, $0x3;
	vm1 =	vlt.s32 v46, $0x0;
	v11 =	vadd.s32 v27, v47  }
0xbc: {  	v16 =	vadd.s32 v59, v32;
	v27 =	vadd.s32 v41, v29;
	v29 =	vsel vm0, $0xFFFFFFFC, v1  }
0xbd: {  	v30 =	vadd.s32 v43, v47;
	v28 =	vadd.s32 v28, v32;
	v29 =	vsel vm1, $0x4, v29  }
0xbe: {  	v48 =	vcvt.s32.f32 v11;
	vm0 =	vgt.s32 v27, $0x3;
	v49 =	vcvt.s32.f32 v16  }
0xbf: {  	vm1 =	vlt.s32 v27, $0x0;
	vm2 =	veq.s32 v30, $0x1;
	v17 =	vadd.s32 v17, v29  }
0xc0: {  	v50 =	vsel vm0, $0xFFFFFFFC, v1;
	v29 =	vadd.s32 v46, v29;
	v12 =	vsub.f32 v12, v48  }
0xc1: {  	v13 =	vsub.f32 v13, v49;
	v51 =	vsel vm1, $0x4, v50;
	v52 =	vcvt.s32.f32 v17  }
0xc2: {  	vm0 =	veq.s32 v30, $0x3;
	v26 =	vadd.s32 v26, v51;
	v31 =	vadd.s32 v27, v51  }
0xc3: {  	v12 =	vmul.f32 $2.500000000e-01, v12;
	v13 =	vmul.f32 $2.500000000e-01, v13;
	v14 =	vsub.f32 v14, v52  }
0xc4: {  	vm1 =	veq.s32 v28, $0x3;
	v26 =	vcvt.s32.f32 v26;
	vm3 =	veq.s32 v31, $0x2  }
0xc5: {  	v14 =	vmul.f32 $2.500000000e-01, v14;
	v53 =	vnsel vm0, $0x0, v12;
	v54 =	vnsel vm1, $0x0, v13  }
0xc6: {  	v25 =	vsub.f32 v25, v26;
	vm0 =	veq.s32 v30, $0x0;
	vm1 =	veq.s32 v28, $0x0  }
0xc7: {  	v57 =	vnsel vm2, $0x0, v12;
	vm2 =	veq.s32 v28, $0x2;
	v26 =	vadd.f32 v54, v53  }
0xc8: {  	v55 =	vnsel vm0, $0x0, v12;
	vm0 =	veq.s32 v28, $0x1;
	v56 =	vnsel vm1, $0x0, v13  }
0xc9: {  	s25 =	simm.s32 $0x6260;
	vm1 =	veq.s32 v30, $0x2;
	v58 =	vnsel vm0, $0x0, v13;
	vm0 =	veq.s32 v29, $0x3  }
0xca: {  	s29 =	simm.s32 $0x7260;
	[tilespmem:s25+$0xFFFFFE10] =	vst v19;
	v12 =	vnsel vm1, $0x0, v12;
	v13 =	vnsel vm2, $0x0, v13;
	v59 =	vmul.f32 $2.500000000e-01, v25  }
0xcb: {  	[tilespmem:s29+$0xFFFFFE10] =	vst v18;
	v27 =	vadd.f32 v56, v55;
	vm1 =	veq.s32 v29, $0x1;
	vm2 =	veq.s32 v29, $0x2  }
0xcc: {  	[tilespmem:s25+$0xFFFFFF10] =	vst v21;
	v25 =	vnsel vm0, $0x0, v14;
	vm0 =	veq.s32 v29, $0x0;
	v12 =	vadd.f32 v13, v12  }
0xcd: {  	[tilespmem:s29+$0xFFFFFF10] =	vst v15;
	v60 =	vnsel vm1, $0x0, v14;
	vm1 =	vgt.s32 v28, $0x2;
	v61 =	vnsel vm2, $0x0, v14  }
0xce: {  	[tilespmem:s25+$0x10] =	vst v22;
	vm2 =	vlt.s32 v28, $0x2;
	v25 =	vadd.f32 v26, v25;
	v26 =	vadd.f32 v58, v57  }
0xcf: {  	[tilespmem:s29+$0x10] =	vst v20;
	v13 =	vnsel vm0, $0x0, v14;
	vm0 =	veq.s32 v31, $0x3;
	v62 =	vsel vm2, $0x2, v4  }
0xd0: {  	[tilespmem:s25+$0x110] =	vst v24;
	vm2 =	vgt.s32 v29, $0x0;
	v24 =	vnsel vm3, $0x0, v59;
	v14 =	vnsel vm0, $0x0, v59  }
0xd1: {  	vm0 =	vgt.s32 v28, $0x0;
	v28 =	vsel vm1, $0x7FFFD, v3;
	vm1 =	vlt.s32 v29, $0x2  }
0xd2: {  	v13 =	vadd.f32 v27, v13;
	v12 =	vadd.f32 v12, v61;
	v22 =	vsel vm2, $0x7FFFF, v2  }
0xd3: {  	vm2 =	vlt.s32 v30, $0x2;
	v63 =	vsel vm0, $0x7FFFF, v2;
	vm0 =	vgt.s32 v29, $0x2  }
0xd4: {  	v14 =	vadd.f32 v25, v14;
	v19 =	vadd.s32 v16, v28;
	v18 =	vadd.f32 v26, v60  }
0xd5: {  	v28 =	vadd.s32 v16, v62;
	v26 =	vsel vm1, $0x2, v4;
	vm1 =	veq.s32 v31, $0x1  }
0xd6: {  	s24 =	sshll.u32 s12, $0xA;
	v25 =	vsel vm0, $0x7FFFD, v3;
	v27 =	vadd.s32 v16, v63;
	vm0 =	veq.s32 v31, $0x0  }
0xd7: {  	s30 =	simm.s32 $0x0;
	s3 =	sadd.s32 $0x20, s1;
	s18 =	smov.u32 s17;
	v20 =	vnsel vm1, $0x0, v59;
	vm1 =	vgt.s32 v30, $0x0;
	v19 =	vmul.u32 $0x779B1, v19  }
0xd8: {  	s13 =	smov.u32 s4;
	s26 =	simm.s32 $0x6260;
	s28 =	simm.s32 $0x7260;
	[tilespmem:s29+$0x110] =	vst v23;
	v15 =	vmul.u32 $0x779B1, v28;
	v21 =	vnsel vm0, $0x0, v59;
	vm0 =	vgt.s32 v30, $0x2  }
.LBB2_4:
0xd9: {  	v23 =	vld [tilespmem:s3+$0x0];
	v25 =	vadd.s32 v17, v25;
	s18 =	sadd.s32 $0x20, s18  }
0xda: {  	v26 =	vadd.s32 v17, v26;
	v27 =	vmul.u32 $0x779B1, v27;
	v29 =	vsel vm0, $0x7FFFD, v3;
	s13 =	sadd.s32 $0x20, s13;
	v28 =	vld [tilespmem:s18+$0x0]  }
0xdb: {  	v30 =	vsel vm2, $0x2, v4;
	v31 =	vadd.s32 v17, v22;
	v34 =	vmul.u32 $0x25795, v17;
	v32 =	vld [tilespmem:s13+$0x0]  }
0xdc: {  	v35 =	vsel vm1, $0x7FFFF, v2;
	v22 =	vadd.f32 $1.000000000e+00, v14;
	v36 =	vld [tilespmem:s18+$0xFFFFFFF0];
	v17 =	vadd.f32 v13, v21  }
0xdd: {  	v13 =	vmul.u32 $0x25795, v25;
	v21 =	vld [tilespmem:s13+$0xFFFFFFF0];
	v18 =	vadd.f32 v18, v20;
	v20 =	vadd.f32 v12, v24  }
0xde: {  	v12 =	vmul.u32 $0x25795, v26;
	v25 =	vadd.s32 v11, v29;
	v26 =	vadd.s32 v11, v30  }
0xdf: {  	v25 =	vxor.u32 v25, v19;
	v19 =	vadd.s32 v11, v35;
	v15 =	vxor.u32 v26, v15  }
0xe0: {  	v19 =	vxor.u32 v19, v27;
	v22 =	vsub.f32 v22, v17;
	v23 =	vmul.f32 v23, v5  }
0xe1: {  	v24 =	vld [tilespmem:s3+$0xFFFFFFF0];
	v14 =	vsub.f32 v20, v14;
	v28 =	vmul.f32 v28, v6;
	v29 =	vmul.f32 v32, v7  }
0xe2: {  	v26 =	vmul.f32 v36, v6;
	v27 =	vmul.f32 v21, v7;
	v48 =	vadd.f32 v23, v8  }
0xe3: {  	v28 =	vadd.f32 v28, v9;
	v21 =	vadd.f32 v29, v10  }
0xe4: {  	v33 =	vmul.u32 $0x779B1, v16;
	v26 =	vadd.f32 v26, v9;
	v27 =	vadd.f32 v27, v10  }
0xe5: {  	v16 =	vmul.u32 $0x25795, v31;
	v23 =	vadd.f32 v28, v28;
	v29 =	vadd.f32 v28, v48  }
0xe6: {  	v49 =	vmul.f32 v24, v5;
	v50 =	vadd.f32 v21, v21;
	v28 =	vadd.f32 v21, v28  }
0xe7: {  	v24 =	vxor.u32 v33, v34;
	v30 =	vsub.f32 v21, v23;
	v29 =	vadd.f32 v21, v29  }
0xe8: {  	v23 =	vxor.u32 v13, v25;
	v13 =	vadd.f32 v50, v21;
	v31 =	vsub.f32 v28, v48  }
0xe9: {  	v21 =	vxor.u32 v12, v15;
	v28 =	vmul.f32 $2.500000000e-01, v30;
	v51 =	vmul.f32 $2.500000000e-01, v29  }
0xea: {  	v15 =	vadd.f32 v49, v8;
	v32 =	vsub.f32 $0.0e+00, v13;
	v52 =	vmul.f32 $2.500000000e-01, v31  }
0xeb: {  	v25 =	vadd.f32 v27, v26;
	v13 =	vtrunc.f32 v28;
	v53 =	vtrunc.f32 v51  }
0xec: {  	v12 =	vadd.f32 v26, v15;
	v54 =	vmul.f32 $2.500000000e-01, v32;
	v37 =	vtrunc.f32 v52  }
0xed: {  	v38 =	vcvt.f32.s32 v13;
	v13 =	vsub.f32 v25, v15;
	v15 =	vcvt.f32.s32 v53  }
0xee: {  	v56 =	vadd.f32 v26, v26;
	v55 =	vcvt.f32.s32 v37;
	v25 =	vtrunc.f32 v54  }
0xef: {  	v12 =	vadd.f32 v27, v12;
	v26 =	vcvt.s32.f32 v38;
	v15 =	vcvt.s32.f32 v15  }
0xf0: {  	v57 =	vadd.f32 v27, v27;
	v39 =	vcvt.f32.s32 v25;
	v35 =	vcvt.s32.f32 v55  }
0xf1: {  	v25 =	vmul.f32 $2.500000000e-01, v12;
	vm0 =	vlt.f32 v28, v26;
	vm1 =	vlt.f32 v51, v15  }
0xf2: {  	v58 =	vcvt.s32.f32 v39;
	v28 =	vsel vm0, $0x3F800000, v0;
	vm0 =	vlt.f32 v52, v35  }
0xf3: {  	v59 =	vsel vm1, $0x3F800000, v0;
	v26 =	vsub.f32 v26, v28;
	v28 =	vsel vm0, $0x3F800000, v0  }
0xf4: {  	v15 =	vsub.f32 v15, v59;
	vm0 =	vlt.f32 v54, v58;
	v28 =	vsub.f32 v35, v28  }
0xf5: {  	v61 =	vsel vm0, $0x3F800000, v0;
	v60 =	vmul.f32 $4.000000000e+00, v26;
	v26 =	vmul.f32 $2.500000000e-01, v13  }
0xf6: {  	v62 =	vmul.f32 $4.000000000e+00, v15;
	v33 =	vsub.f32 v58, v61;
	v15 =	vsub.f32 v27, v56  }
0xf7: {  	v63 =	vmul.f32 $4.000000000e+00, v28;
	v28 =	vadd.f32 v57, v27;
	v27 =	vtrunc.f32 v25  }
0xf8: {  	v42 =	vsub.f32 v30, v60;
	v43 =	vsub.f32 v29, v62;
	v33 =	vmul.f32 $4.000000000e+00, v33  }
0xf9: {  	v27 =	vcvt.f32.s32 v27;
	v44 =	vsub.f32 v31, v63;
	v28 =	vsub.f32 $0.0e+00, v28  }
0xfa: {  	vm0 =	vgt.f32 v42, $2.000000000e+00;
	vm1 =	vgt.f32 v43, $2.000000000e+00;
	v45 =	vsub.f32 v32, v33  }
0xfb: {  	v37 =	vsel vm0, $0x40800000, v0;
	v40 =	vsel vm1, $0x40800000, v0;
	vm0 =	vgt.f32 v44, $2.000000000e+00  }
0xfc: {  	v34 =	vadd.f32 v37, v60;
	v36 =	vadd.f32 v40, v62;
	v46 =	vsel vm0, $0x40800000, v0  }
0xfd: {  	v27 =	vcvt.s32.f32 v27;
	vm0 =	vgt.f32 v45, $2.000000000e+00;
	v35 =	vadd.f32 v46, v63  }
0xfe: {  	v47 =	vsel vm0, $0x40800000, v0;
	v48 =	vtrunc.f32 v34;
	v49 =	vsub.f32 v29, v36  }
0xff: {  	v50 =	vsub.f32 v30, v34;
	v41 =	vtrunc.f32 v36;
	v33 =	vadd.f32 v47, v33  }
0x100: {  	v51 =	vsub.f32 v31, v35;
	v42 =	vtrunc.f32 v35;
	v35 =	vadd.f32 v35, v36  }
0x101: {  	v36 =	vcvt.f32.s32 v41;
	v38 =	vcvt.f32.s32 v48;
	vm0 =	vlt.f32 v49, v50  }
0x102: {  	v41 =	vcvt.f32.s32 v42;
	v52 =	vtrunc.f32 v33;
	v43 =	vsub.f32 v32, v33  }
0x103: {  	vm1 =	vlt.f32 v49, v51;
	vm2 =	vlt.f32 v51, v50;
	v34 =	vadd.f32 v35, v34  }
0x104: {  	vm3 =	vmneg vm0;
	v53 =	vcvt.f32.s32 v52;
	v44 =	vsel vm0, $0x1, v1  }
0x105: {  	v54 =	vsel vm1, $0x1, v1;
	vm0 =	vmneg vm2;
	vm1 =	vmneg vm1  }
0x106: {  	v45 =	vsel vm3, $0x1, v1;
	v46 =	vsel vm2, $0x1, v1;
	vm3 =	vlt.f32 v51, v43  }
0x107: {  	v42 =	vadd.s32 v44, v54;
	v55 =	vsel vm0, $0x1, v1;
	vm0 =	vlt.f32 v50, v43  }
0x108: {  	v33 =	vadd.f32 v34, v33;
	v56 =	vsel vm1, $0x1, v1;
	vm1 =	vlt.f32 v49, v43  }
0x109: {  	vm5 =	vmneg vm3;
	v58 =	vsel vm3, $0x1, v1;
	v54 =	vimm.s32 $0x0  }
0x10a: {  	vm2 =	vmneg vm1;
	vm4 =	vmneg vm0;
	v57 =	vsel vm0, $0x1, v1  }
0x10b: {  	v39 =	vsel vm1, $0x1, v1;
	v59 =	vadd.s32 v45, v55;
	v61 =	vsel vm5, $0x1, v1  }
0x10c: {  	v34 =	vadd.s32 v56, v46;
	v55 =	vimm.s32 $0x0;
	v33 =	vmul.f32 $2.500000000e-01, v33  }
0x10d: {  	v56 =	vimm.s32 $0x0;
	v60 =	vsel vm2, $0x1, v1;
	v47 =	vsel vm4, $0x1, v1  }
0x10e: {  	v37 =	vadd.s32 v57, v59;
	v39 =	vadd.s32 v39, v42;
	v33 =	vtrunc.f32 v33  }
0x10f: {  	v34 =	vadd.s32 v58, v34;
	v44 =	vadd.s32 v60, v61;
	v33 =	vcvt.f32.s32 v33  }
0x110: {  	v57 =	vimm.s32 $0x0;
	v58 =	vimm.s32 $0x0;
	v62 =	vadd.s32 v47, v44  }
0x111: {  	v59 =	vimm.s32 $0x0;
	v60 =	vimm.s32 $0x0;
	v63 =	vadd.s32 v33, v62  }
0x112: {  	v39 =	vadd.s32 v33, v39;
	v34 =	vadd.s32 v33, v34;
	v33 =	vadd.s32 v33, v37  }
0x113: {  	v61 =	vimm.s32 $0x0;
	vm0 =	vlt.s32 v33, $0x0;
	vm1 =	vlt.s32 v63, $0x0  }
0x114: {  	vm2 =	vgt.s32 v63, $0x3;
	vm3 =	vlt.s32 v39, $0x0;
	vm13 =	vlt.s32 v34, $0x0  }
0x115: {  	vm14 =	vgt.s32 v33, $0x3;
	vm6 =	vgt.s32 v39, $0x3;
	vm7 =	vgt.s32 v34, $0x3  }
0x116: {  	v48 =	vsel vm2, $0xFFFFFFFC, v1;
	v49 =	vsel vm6, $0xFFFFFFFC, v1;
	v51 =	vsel vm14, $0xFFFFFFFC, v1  }
0x117: {  	v50 =	vsel vm7, $0xFFFFFFFC, v1;
	v42 =	vsel vm3, $0x4, v49;
	v44 =	vsel vm0, $0x4, v51  }
0x118: {  	v37 =	vsel vm1, $0x4, v48;
	v43 =	vsel vm13, $0x4, v50;
	v52 =	vadd.s32 v33, v44  }
0x119: {  	v40 =	vadd.s32 v63, v37;
	v39 =	vadd.s32 v39, v42;
	v34 =	vadd.s32 v34, v43  }
0x11a: {  	v35 =	vadd.s32 v53, v37;
	v33 =	vadd.s32 v36, v42;
	v36 =	vadd.s32 v41, v43  }
0x11b: {  	v37 =	vadd.s32 v38, v44;
	v53 =	vimm.s32 $0x0;
	vm0 =	veq.s32 v40, $0x0  }
0x11c: {  	v41 =	vmul.u32 $0x25795, v37;
	vm5 =	vgt.s32 v39, $0x2;
	vm6 =	vgt.s32 v52, $0x2  }
0x11d: {  	vm4 =	vlt.s32 v39, $0x2;
	vm7 =	vgt.s32 v39, $0x0;
	vm2 =	vlt.s32 v52, $0x2  }
0x11e: {  	vm8 =	vgt.s32 v52, $0x0;
	vm1 =	vlt.s32 v34, $0x2;
	vm3 =	vgt.s32 v34, $0x0  }
0x11f: {  	vm11 =	veq.s32 v39, $0x0;
	vm9 =	veq.s32 v34, $0x0;
	vm10 =	veq.s32 v39, $0x1  }
0x120: {  	vm15 =	veq.s32 v34, $0x1;
	vm12 =	veq.s32 v39, $0x2;
	v35 =	vcvt.s32.f32 v35  }
0x121: {  	vm14 =	veq.s32 v39, $0x3;
	vm13 =	veq.s32 v52, $0x3;
	v62 =	vcvt.s32.f32 v33  }
0x122: {  	v63 =	vcvt.s32.f32 v37;
	v38 =	vsel vm0, $0xFFFFFFFF, v53;
	vm0 =	veq.s32 v40, $0x1  }
0x123: {  	v53 =	vsel vm5, $0x7FFFD, v3;
	v46 =	vsel vm7, $0x7FFFF, v2;
	v48 =	vsel vm1, $0x2, v4  }
0x124: {  	v49 =	vsel vm8, $0x7FFFF, v2;
	[tilespmem:$0x1FFC0] =	vst v38;
	v38 =	vmul.u32 $0x779B1, v36;
	v42 =	vsel vm0, $0xFFFFFFFF, v54  }
0x125: {  	vm0 =	veq.s32 v40, $0x2;
	v54 =	vsel vm4, $0x2, v4;
	v30 =	vsub.f32 v30, v63  }
0x126: {  	v48 =	vadd.s32 v36, v48;
	v32 =	vsub.f32 v32, v35;
	v29 =	vsub.f32 v29, v62  }
0x127: {  	[tilespmem:$0x1FFF0] =	vst v42;
	v42 =	vsel vm0, $0xFFFFFFFF, v55;
	vm0 =	veq.s32 v52, $0x0;
	v55 =	vsel vm6, $0x7FFFD, v3  }
0x128: {  	v43 =	vadd.s32 v33, v54;
	[tilespmem:$0x1FFE0] =	vst v42;
	v42 =	vsel vm0, $0xFFFFFFFF, v56;
	vm0 =	veq.s32 v52, $0x1  }
0x129: {  	v56 =	vsel vm2, $0x2, v4;
	v38 =	vxor.u32 v38, v41;
	v41 =	vadd.s32 v33, v53  }
0x12a: {  	v44 =	vadd.s32 v37, v55;
	v30 =	vmul.f32 $2.500000000e-01, v30;
	v29 =	vmul.f32 $2.500000000e-01, v29  }
0x12b: {  	v32 =	vmul.f32 $2.500000000e-01, v32;
	[tilespmem:$0x1FF70] =	vst v42;
	v42 =	vsel vm0, $0xFFFFFFFF, v57;
	vm0 =	veq.s32 v52, $0x2  }
0x12c: {  	v52 =	vcvt.s32.f32 v36;
	v45 =	vadd.s32 v37, v56;
	v37 =	vadd.s32 v37, v49  }
0x12d: {  	[tilespmem:$0x1FFD0] =	vst v42;
	v42 =	vsel vm0, $0xFFFFFFFF, v58;
	vm0 =	veq.s32 v40, $0x3;
	v58 =	vsel vm3, $0x7FFFF, v2  }
0x12e: {  	v63 =	vnsel vm11, $0x0, v29;
	v54 =	vnsel vm12, $0x0, v29;
	v50 =	vnsel vm13, $0x0, v30  }
0x12f: {  	[tilespmem:$0x1FF80] =	vst v42;
	v40 =	vsel vm0, $0xFFFFFFFF, v59;
	vm0 =	vgt.s32 v34, $0x2;
	v59 =	vadd.s32 v36, v58  }
0x130: {  	v31 =	vsub.f32 v31, v52;
	[tilespmem:$0x1FFA0] =	vst v40;
	v40 =	vsel vm10, $0xFFFFFFFF, v60;
	vm10 =	veq.s32 v34, $0x2  }
0x131: {  	v57 =	vsel vm0, $0x7FFFD, v3;
	v35 =	vmul.u32 $0x779B1, v59;
	v60 =	vld [tilespmem:$0x1FF70];
	[tilespmem:$0x1FF90] =	vst v40;
	v40 =	vsel vm15, $0xFFFFFFFF, v61  }
0x132: {  	v52 =	vld [tilespmem:$0x1FF80];
	vm15 =	veq.s32 v34, $0x3;
	v47 =	vadd.s32 v36, v57;
	v34 =	vxor.u32 v33, v38  }
0x133: {  	v36 =	vmul.u32 $0x25795, v44;
	v38 =	vmul.u32 $0x25795, v45;
	v31 =	vmul.f32 $2.500000000e-01, v31;
	v56 =	vld [tilespmem:$0x1FF90]  }
0x134: {  	v61 =	vnsel vm14, $0x0, v29;
	v57 =	vld [tilespmem:$0x1FFA0];
	v33 =	vadd.s32 v33, v46;
	[tilespmem:$0x1FFB0] =	vst v40;
	v39 =	vmul.u32 $0x779B1, v47  }
0x135: {  	v40 =	vmul.u32 $0x779B1, v48;
	v62 =	vnsel vm15, $0x0, v31;
	v53 =	vnsel vm9, $0x0, v31;
	v58 =	vld [tilespmem:$0x1FFB0]  }
0x136: {  	v59 =	vld [tilespmem:$0x1FFC0];
	v55 =	vnsel vm10, $0x0, v31;
	v44 =	vadd.f32 v62, v61;
	vm0 =	vnez.u8 v60  }
0x137: {  	v45 =	vadd.f32 v53, v63;
	v42 =	vnsel vm0, $0x0, v30;
	vm0 =	vnez.u8 v52  }
0x138: {  	v47 =	vadd.f32 v55, v54;
	v61 =	vld [tilespmem:$0x1FFD0];
	v48 =	vnsel vm0, $0x0, v30;
	vm0 =	vnez.u8 v56  }
0x139: {  	v63 =	vld [tilespmem:$0x1FFE0];
	v44 =	vadd.f32 v44, v50;
	v29 =	vnsel vm0, $0x0, v29;
	vm0 =	vnez.u8 v57  }
0x13a: {  	v42 =	vadd.f32 v45, v42;
	v49 =	vnsel vm0, $0x0, v32;
	vm0 =	vnez.u8 v58  }
0x13b: {  	v60 =	vadd.f32 v47, v48;
	v48 =	vld [tilespmem:$0x1FFF0];
	v31 =	vnsel vm0, $0x0, v31;
	vm0 =	vnez.u8 v59  }
0x13c: {  	v34 =	vand.u32 $0x7FFFF, v34;
	v44 =	vadd.f32 v44, v49;
	v45 =	vnsel vm0, $0x0, v32  }
0x13d: {  	v29 =	vadd.f32 v31, v29;
	vm0 =	vnez.u8 v61;
	v42 =	vadd.f32 v42, v45  }
0x13e: {  	v30 =	vnsel vm0, $0x0, v30;
	v62 =	vadd.f32 $1.000000000e+00, v44;
	vm0 =	vnez.u8 v63  }
0x13f: {  	v39 =	vxor.u32 v41, v39;
	v29 =	vadd.f32 v29, v30;
	v30 =	vnsel vm0, $0x0, v32  }
0x140: {  	s25 =	sadd.s32 $0x20, s25;
	vm0 =	vnez.u8 v48;
	v30 =	vadd.f32 v60, v30;
	v47 =	vsub.f32 v62, v42  }
0x141: {  	s29 =	sadd.s32 $0x20, s29;
	[tilespmem:s25+$0xFFFFFE10] =	vst v34;
	v50 =	vxor.u32 v43, v40;
	v49 =	vxor.u32 v36, v39;
	v32 =	vnsel vm0, $0x0, v32  }
0x142: {  	v52 =	vand.u32 $0x7FFFF, v49;
	v29 =	vadd.f32 v29, v32;
	v51 =	vsub.f32 v30, v44;
	[tilespmem:s29+$0xFFFFFE10] =	vst v47  }
0x143: {  	v54 =	vmul.u32 $0x25795, v37;
	v55 =	vxor.u32 v33, v35;
	v53 =	vxor.u32 v38, v50;
	[tilespmem:s25+$0xFFFFFF10] =	vst v52  }
0x144: {  	v56 =	vtrunc.f32 v26;
	v31 =	vand.u32 $0x7FFFF, v53;
	v30 =	vsub.f32 v29, v30;
	[tilespmem:s29+$0xFFFFFF10] =	vst v51  }
0x145: {  	v57 =	vxor.u32 v54, v55;
	v58 =	vmul.f32 $2.500000000e-01, v15;
	v62 =	vmul.f32 $2.500000000e-01, v28;
	[tilespmem:s25+$0x10] =	vst v31  }
0x146: {  	v59 =	vand.u32 $0x7FFFF, v57;
	v60 =	vcvt.f32.s32 v56;
	v29 =	vsub.f32 v42, v29;
	[tilespmem:s29+$0x10] =	vst v30  }
0x147: {  	v20 =	vsub.f32 v18, v20;
	v61 =	vtrunc.f32 v58;
	v63 =	vtrunc.f32 v62;
	[tilespmem:s25+$0x110] =	vst v59  }
0x148: {  	v17 =	vsub.f32 v17, v18;
	v30 =	vcvt.f32.s32 v61;
	[tilespmem:s29+$0x110] =	vst v29;
	v29 =	vcvt.s32.f32 v60  }
0x149: {  	v16 =	vxor.u32 v16, v19;
	vm0 =	vlt.f32 v25, v27;
	v18 =	vcvt.f32.s32 v63  }
0x14a: {  	v25 =	vsel vm0, $0x3F800000, v0;
	v30 =	vcvt.s32.f32 v30;
	vm1 =	vlt.f32 v26, v29  }
0x14b: {  	v25 =	vsub.f32 v27, v25;
	v18 =	vcvt.s32.f32 v18;
	v26 =	vsel vm1, $0x3F800000, v0  }
0x14c: {  	v11 =	vxor.u32 v11, v24;
	vm0 =	vlt.f32 v58, v30;
	v26 =	vsub.f32 v29, v26  }
0x14d: {  	v19 =	vmul.f32 $4.000000000e+00, v25;
	v25 =	vsel vm0, $0x3F800000, v0;
	vm0 =	vlt.f32 v62, v18  }
0x14e: {  	v25 =	vsub.f32 v30, v25;
	v29 =	vsel vm0, $0x3F800000, v0;
	v24 =	vmul.f32 $4.000000000e+00, v26  }
0x14f: {  	v16 =	vand.u32 $0x7FFFF, v16;
	v18 =	vsub.f32 v18, v29;
	v26 =	vsub.f32 v12, v19  }
0x150: {  	v11 =	vand.u32 $0x7FFFF, v11;
	v25 =	vmul.f32 $4.000000000e+00, v25;
	v27 =	vsub.f32 v13, v24  }
0x151: {  	v23 =	vand.u32 $0x7FFFF, v23;
	v18 =	vmul.f32 $4.000000000e+00, v18;
	vm0 =	vgt.f32 v26, $2.000000000e+00  }
0x152: {  	v26 =	vsel vm0, $0x40800000, v0;
	vm1 =	vgt.f32 v27, $2.000000000e+00;
	v27 =	vsub.f32 v15, v25  }
0x153: {  	v21 =	vand.u32 $0x7FFFF, v21;
	v19 =	vadd.f32 v26, v19;
	v26 =	vsel vm1, $0x40800000, v0  }
0x154: {  	v24 =	vadd.f32 v26, v24;
	vm0 =	vgt.f32 v27, $2.000000000e+00;
	v26 =	vsub.f32 v28, v18  }
0x155: {  	[tilespmem:s26+$0xFFFFFE00] =	vst v11;
	v27 =	vsub.f32 v12, v19;
	v29 =	vtrunc.f32 v19;
	v11 =	vsel vm0, $0x40800000, v0  }
0x156: {  	[tilespmem:s28+$0xFFFFFE00] =	vst v22;
	v11 =	vadd.f32 v11, v25;
	vm0 =	vgt.f32 v26, $2.000000000e+00;
	v19 =	vadd.f32 v24, v19  }
0x157: {  	[tilespmem:s26+$0xFFFFFF00] =	vst v23;
	v23 =	vsub.f32 v13, v24;
	v24 =	vtrunc.f32 v24;
	v22 =	vsel vm0, $0x40800000, v0  }
0x158: {  	[tilespmem:s28+$0xFFFFFF00] =	vst v14;
	v14 =	vadd.f32 v22, v18;
	v18 =	vadd.f32 v19, v11;
	v19 =	vcvt.f32.s32 v29  }
0x159: {  	[tilespmem:s26+$0x0] =	vst v21;
	v21 =	vsub.f32 v15, v11;
	vm0 =	vlt.f32 v27, v23;
	v22 =	vcvt.f32.s32 v24  }
0x15a: {  	[tilespmem:s28+$0x0] =	vst v20;
	vm1 =	vmneg vm0;
	v18 =	vadd.f32 v18, v14;
	v20 =	vsub.f32 v28, v14  }
0x15b: {  	[tilespmem:s26+$0x100] =	vst v16;
	v16 =	vsel vm1, $0x1, v1;
	vm2 =	vlt.f32 v23, v21;
	v14 =	vtrunc.f32 v14  }
0x15c: {  	vm1 =	vlt.f32 v27, v21;
	v24 =	vsel vm2, $0x1, v1;
	v14 =	vcvt.f32.s32 v14  }
0x15d: {  	[tilespmem:s28+$0x100] =	vst v17;
	v17 =	vmul.f32 $2.500000000e-01, v18;
	vm3 =	vlt.f32 v27, v20;
	vm8 =	vlt.f32 v23, v20  }
0x15e: {  	v18 =	vsel vm0, $0x1, v1;
	v23 =	vsel vm1, $0x1, v1;
	v16 =	vadd.s32 v16, v24  }
0x15f: {  	vm0 =	vmneg vm1;
	vm1 =	vmneg vm2;
	v25 =	vsel vm3, $0x1, v1  }
0x160: {  	v26 =	vsel vm8, $0x1, v1;
	v18 =	vadd.s32 v23, v18;
	v23 =	vsel vm0, $0x1, v1  }
0x161: {  	v24 =	vsel vm1, $0x1, v1;
	vm0 =	vlt.f32 v21, v20;
	vm1 =	vmneg vm3  }
0x162: {  	vm2 =	vmneg vm8;
	v17 =	vtrunc.f32 v17;
	v20 =	vadd.s32 v23, v24  }
0x163: {  	v21 =	vsel vm1, $0x1, v1;
	v23 =	vsel vm2, $0x1, v1;
	v17 =	vcvt.f32.s32 v17  }
0x164: {  	v18 =	vadd.s32 v25, v18;
	v16 =	vadd.s32 v26, v16;
	v21 =	vadd.s32 v21, v23  }
0x165: {  	v18 =	vadd.s32 v17, v18;
	v25 =	vadd.s32 v17, v16;
	v16 =	vsel vm0, $0x1, v1  }
0x166: {  	vm0 =	vmneg vm0;
	vm3 =	vgt.s32 v18, $0x3;
	vm9 =	vgt.s32 v25, $0x3  }
0x167: {  	v16 =	vadd.s32 v16, v20;
	vm1 =	vlt.s32 v18, $0x0;
	vm2 =	vlt.s32 v25, $0x0  }
0x168: {  	v20 =	vsel vm3, $0xFFFFFFFC, v1;
	v26 =	vadd.s32 v17, v16;
	v16 =	vsel vm0, $0x1, v1  }
0x169: {  	v24 =	vsel vm9, $0xFFFFFFFC, v1;
	v20 =	vsel vm1, $0x4, v20;
	v21 =	vadd.s32 v16, v21  }
0x16a: {  	v23 =	vsel vm2, $0x4, v24;
	vm0 =	vgt.s32 v26, $0x3;
	v24 =	vtrunc.f32 v11  }
0x16b: {  	vm1 =	vlt.s32 v26, $0x0;
	v11 =	vadd.s32 v19, v20;
	v16 =	vadd.s32 v22, v23  }
0x16c: {  	v19 =	vadd.s32 v17, v21;
	v17 =	vsel vm0, $0xFFFFFFFC, v1;
	v21 =	vcvt.f32.s32 v24  }
0x16d: {  	v22 =	vsel vm1, $0x4, v17;
	v24 =	vcvt.s32.f32 v11;
	v27 =	vcvt.s32.f32 v16  }
0x16e: {  	vm0 =	vgt.s32 v19, $0x3;
	vm1 =	vlt.s32 v19, $0x0;
	v17 =	vadd.s32 v21, v22  }
0x16f: {  	v21 =	vsel vm0, $0xFFFFFFFC, v1;
	v12 =	vsub.f32 v12, v24;
	v13 =	vsub.f32 v13, v27  }
0x170: {  	v24 =	vadd.s32 v18, v20;
	v18 =	vsel vm1, $0x4, v21;
	v20 =	vcvt.s32.f32 v17  }
0x171: {  	v21 =	vadd.s32 v25, v23;
	v14 =	vadd.s32 v14, v18;
	vm0 =	veq.s32 v24, $0x3  }
0x172: {  	vm1 =	veq.s32 v21, $0x3;
	vm2 =	veq.s32 v24, $0x1;
	vm3 =	veq.s32 v21, $0x1  }
0x173: {  	vm10 =	veq.s32 v24, $0x2;
	vm11 =	veq.s32 v21, $0x2;
	v19 =	vadd.s32 v19, v18  }
0x174: {  	vm13 =	vgt.s32 v21, $0x2;
	vm14 =	vgt.s32 v21, $0x0;
	v12 =	vmul.f32 $2.500000000e-01, v12  }
0x175: {  	v13 =	vmul.f32 $2.500000000e-01, v13;
	v15 =	vsub.f32 v15, v20;
	v20 =	vadd.s32 v26, v22  }
0x176: {  	v14 =	vcvt.s32.f32 v14;
	vm15 =	veq.s32 v19, $0x2;
	vm12 =	veq.s32 v20, $0x3  }
0x177: {  	v15 =	vmul.f32 $2.500000000e-01, v15;
	v22 =	vnsel vm0, $0x0, v12;
	v23 =	vnsel vm1, $0x0, v13  }
0x178: {  	v14 =	vsub.f32 v28, v14;
	vm0 =	veq.s32 v24, $0x0;
	vm1 =	veq.s32 v21, $0x0  }
0x179: {  	v26 =	vnsel vm2, $0x0, v12;
	v27 =	vnsel vm3, $0x0, v13;
	vm2 =	veq.s32 v20, $0x2  }
0x17a: {  	vm3 =	veq.s32 v19, $0x3;
	v22 =	vadd.f32 v23, v22;
	v23 =	vnsel vm0, $0x0, v12  }
0x17b: {  	v25 =	vnsel vm1, $0x0, v13;
	v12 =	vnsel vm10, $0x0, v12;
	v13 =	vnsel vm11, $0x0, v13  }
0x17c: {  	vm0 =	veq.s32 v20, $0x0;
	vm1 =	veq.s32 v20, $0x1;
	v28 =	vmul.f32 $2.500000000e-01, v14  }
0x17d: {  	v14 =	vnsel vm12, $0x0, v15;
	v18 =	vadd.f32 v25, v23;
	v12 =	vadd.f32 v13, v12  }
0x17e: {  	v13 =	vnsel vm0, $0x0, v15;
	vm0 =	vlt.s32 v21, $0x2;
	v21 =	vnsel vm1, $0x0, v15  }
0x17f: {  	v15 =	vnsel vm2, $0x0, v15;
	v25 =	vsel vm13, $0x7FFFD, v3;
	vm1 =	vlt.s32 v20, $0x2  }
0x180: {  	vm2 =	vgt.s32 v20, $0x0;
	v14 =	vadd.f32 v22, v14;
	v22 =	vadd.f32 v27, v26  }
0x181: {  	v26 =	vsel vm0, $0x2, v4;
	v27 =	vsel vm14, $0x7FFFF, v2;
	vm0 =	vgt.s32 v20, $0x2  }
0x182: {  	s30 =	sadd.s32 $0x2, s30;
	v23 =	vnsel vm3, $0x0, v28;
	v13 =	vadd.f32 v18, v13;
	v12 =	vadd.f32 v12, v15  }
0x183: {  	p0 =	slt.u32 s30, $0xE;
	v15 =	vadd.s32 v16, v26;
	v26 =	vsel vm1, $0x2, v4;
	v27 =	vadd.s32 v16, v27  }
.Ltmp0:
0x184: {  	vm1 =	veq.s32 v19, $0x0;
	vm3 =	veq.s32 v19, $0x1;
	v14 =	vadd.f32 v14, v23;
	(pc) =	sbr.rel @p0 .LBB2_4-.Ltmp0, $4  }
0x185: {  	v23 =	vadd.s32 v16, v25;
	v18 =	vadd.f32 v22, v21;
	v25 =	vsel vm0, $0x7FFFD, v3  }
0x186: {  	v22 =	vsel vm2, $0x7FFFF, v2;
	vm0 =	vgt.s32 v24, $0x2;
	vm2 =	vlt.s32 v24, $0x2  }
0x187: {  	v21 =	vnsel vm1, $0x0, v28;
	v20 =	vnsel vm3, $0x0, v28;
	vm1 =	vgt.s32 v24, $0x0  }
0x188: {  	s3 =	sadd.s32 $0x20, s3;
	s26 =	smov.u32 s25;
	s28 =	smov.u32 s29;
	v24 =	vnsel vm15, $0x0, v28;
	v15 =	vmul.u32 $0x779B1, v15;
	v19 =	vmul.u32 $0x779B1, v23  }
0x189: {  	v23 =	vadd.s32 v17, v25;
	v25 =	vadd.s32 v17, v26  }
0x18a: {  	v26 =	vmul.u32 $0x779B1, v27;
	v27 =	vsel vm0, $0x7FFFD, v3;
	v28 =	vsel vm2, $0x2, v4  }
0x18b: {  	v22 =	vadd.s32 v17, v22;
	v16 =	vmul.u32 $0x779B1, v16;
	v17 =	vmul.u32 $0x25795, v17  }
0x18c: {  	v29 =	vsel vm1, $0x7FFFF, v2;
	v13 =	vadd.f32 v13, v21;
	v21 =	vadd.f32 $1.000000000e+00, v14  }
0x18d: {  	v18 =	vadd.f32 v18, v20;
	v12 =	vadd.f32 v12, v24;
	v16 =	vxor.u32 v16, v17  }
0x18e: {  	v23 =	vmul.u32 $0x25795, v23;
	v17 =	vadd.s32 v11, v27;
	v16 =	vxor.u32 v11, v16  }
0x18f: {  	v17 =	vxor.u32 v17, v19;
	v19 =	vsub.f32 v21, v13;
	v16 =	vand.u32 $0x7FFFF, v16  }
0x190: {  	v20 =	vmul.u32 $0x25795, v25;
	v21 =	vadd.s32 v11, v28;
	v17 =	vxor.u32 v23, v17;
	[tilespmem:s26+$0xFFFFFE00] =	vst v16  }
0x191: {  	v14 =	vsub.f32 v12, v14;
	v15 =	vxor.u32 v21, v15;
	v16 =	vand.u32 $0x7FFFF, v17;
	[tilespmem:s28+$0xFFFFFE00] =	vst v19  }
0x192: {  	v11 =	vadd.s32 v11, v29;
	v17 =	vmul.u32 $0x25795, v22;
	v15 =	vxor.u32 v20, v15;
	[tilespmem:s26+$0xFFFFFF00] =	vst v16  }
0x193: {  	v12 =	vsub.f32 v18, v12;
	v11 =	vxor.u32 v11, v26;
	v15 =	vand.u32 $0x7FFFF, v15;
	[tilespmem:s28+$0xFFFFFF00] =	vst v14  }
0x194: {  	v11 =	vxor.u32 v17, v11;
	[tilespmem:s26+$0x0] =	vst v15  }
0x195: {  	v13 =	vsub.f32 v13, v18;
	v11 =	vand.u32 $0x7FFFF, v11;
	[tilespmem:s28+$0x0] =	vst v12  }
0x196: {  	[tilespmem:s26+$0x100] =	vst v11  }
0x197: {  	s3 =	simm.s32 $0x6060;
	s13 =	simm.s32 $0x8060;
	[tilespmem:s28+$0x100] =	vst v13  }
0x198: {  	[tilespmem:s13], [sflag:$0x1] =	stream.indirect.gather [spmem:s6], $0x1, s3, s21, $0xb8;
	[tilespmem:$0x11860] =	vst v63  }
0x199: {  	v11 =	vld [tilespmem:s19+$0x0]  }
0x19a: {  	v12 =	vld [tilespmem:s11+$0x0]  }
0x19b: {  	v13 =	vld [tilespmem:s8+$0x0];
	_ =	sdelay $0x3  }
0x19c: {  	v12 =	vmul.f32 v12, v6  }
0x19d: {  	v11 =	vmul.f32 v11, v5;
	v13 =	vmul.f32 v13, v7  }
0x19e: {  	v14 =	vld [tilespmem:s11+$0xFFFFFFF0];
	v12 =	vadd.f32 v12, v9  }
0x19f: {  	v15 =	vld [tilespmem:s8+$0xFFFFFFF0];
	v11 =	vadd.f32 v11, v8;
	v13 =	vadd.f32 v13, v10  }
0x1a0: {  	v16 =	vadd.f32 v12, v12  }
0x1a1: {  	v19 =	vld [tilespmem:s19+$0xFFFFFFF0];
	v17 =	vadd.f32 v12, v11;
	v18 =	vadd.f32 v13, v13  }
0x1a2: {  	v12 =	vadd.f32 v13, v12;
	v16 =	vsub.f32 v13, v16  }
0x1a3: {  	v17 =	vadd.f32 v13, v17;
	v13 =	vadd.f32 v18, v13  }
0x1a4: {  	v14 =	vmul.f32 v14, v6;
	v20 =	vmul.f32 v15, v7;
	v18 =	vsub.f32 v12, v11  }
0x1a5: {  	v11 =	vmul.f32 $2.500000000e-01, v16;
	v15 =	vsub.f32 $0.0e+00, v13;
	v13 =	vmul.f32 $2.500000000e-01, v17  }
0x1a6: {  	v14 =	vadd.f32 v14, v9;
	v12 =	vmul.f32 v19, v5;
	v19 =	vmul.f32 $2.500000000e-01, v18  }
0x1a7: {  	v20 =	vadd.f32 v20, v10;
	v21 =	vtrunc.f32 v11;
	v22 =	vtrunc.f32 v13  }
0x1a8: {  	v24 =	vadd.f32 v12, v8;
	v23 =	vmul.f32 $2.500000000e-01, v15;
	v12 =	vtrunc.f32 v19  }
0x1a9: {  	v27 =	vadd.f32 v20, v14;
	v21 =	vcvt.f32.s32 v21;
	v22 =	vcvt.f32.s32 v22  }
0x1aa: {  	v25 =	vcvt.f32.s32 v12;
	v12 =	vadd.f32 v14, v24;
	v26 =	vtrunc.f32 v23  }
0x1ab: {  	v14 =	vadd.f32 v14, v14;
	v21 =	vcvt.s32.f32 v21;
	v22 =	vcvt.s32.f32 v22  }
0x1ac: {  	v26 =	vcvt.f32.s32 v26;
	v12 =	vadd.f32 v20, v12;
	v25 =	vcvt.s32.f32 v25  }
0x1ad: {  	v14 =	vsub.f32 v20, v14;
	vm0 =	vlt.f32 v11, v21;
	vm1 =	vlt.f32 v13, v22  }
0x1ae: {  	v26 =	vcvt.s32.f32 v26;
	v61 =	vmul.f32 $2.500000000e-01, v12;
	v11 =	vsel vm0, $0x3F800000, v0  }
0x1af: {  	v13 =	vsel vm1, $0x3F800000, v0;
	vm0 =	vlt.f32 v19, v25;
	v11 =	vsub.f32 v21, v11  }
0x1b0: {  	v19 =	vsub.f32 v22, v13;
	v13 =	vsel vm0, $0x3F800000, v0;
	vm0 =	vlt.f32 v23, v26  }
0x1b1: {  	v21 =	vsub.f32 v25, v13;
	v22 =	vsel vm0, $0x3F800000, v0;
	v11 =	vmul.f32 $4.000000000e+00, v11  }
0x1b2: {  	v63 =	vtrunc.f32 v61;
	v19 =	vmul.f32 $4.000000000e+00, v19;
	v22 =	vsub.f32 v26, v22  }
0x1b3: {  	v13 =	vsub.f32 v27, v24;
	v21 =	vmul.f32 $4.000000000e+00, v21;
	v23 =	vsub.f32 v16, v11  }
0x1b4: {  	v24 =	vadd.f32 v20, v20;
	v25 =	vsub.f32 v17, v19;
	v22 =	vmul.f32 $4.000000000e+00, v22  }
0x1b5: {  	v62 =	vmul.f32 $2.500000000e-01, v13;
	v26 =	vsub.f32 v18, v21;
	vm0 =	vgt.f32 v23, $2.000000000e+00  }
0x1b6: {  	vm1 =	vgt.f32 v25, $2.000000000e+00;
	v25 =	vsub.f32 v15, v22;
	v23 =	vsel vm0, $0x40800000, v0  }
0x1b7: {  	v27 =	vsel vm1, $0x40800000, v0;
	vm0 =	vgt.f32 v26, $2.000000000e+00;
	v23 =	vadd.f32 v23, v11  }
0x1b8: {  	v19 =	vadd.f32 v27, v19;
	v26 =	vsel vm0, $0x40800000, v0;
	vm0 =	vgt.f32 v25, $2.000000000e+00  }
0x1b9: {  	v11 =	vadd.f32 v24, v20;
	v20 =	vadd.f32 v26, v21;
	v21 =	vsel vm0, $0x40800000, v0  }
0x1ba: {  	v24 =	vtrunc.f32 v23;
	v25 =	vsub.f32 v17, v19;
	v26 =	vsub.f32 v16, v23  }
0x1bb: {  	v27 =	vtrunc.f32 v19;
	v21 =	vadd.f32 v21, v22;
	v22 =	vsub.f32 v18, v20  }
0x1bc: {  	v28 =	vtrunc.f32 v20;
	v19 =	vadd.f32 v20, v19;
	v20 =	vcvt.f32.s32 v27  }
0x1bd: {  	v24 =	vcvt.f32.s32 v24;
	vm0 =	vlt.f32 v25, v26;
	v27 =	vcvt.f32.s32 v28  }
0x1be: {  	v28 =	vtrunc.f32 v21;
	v29 =	vsub.f32 v15, v21;
	vm1 =	vlt.f32 v25, v22  }
0x1bf: {  	vm2 =	vlt.f32 v22, v26;
	v19 =	vadd.f32 v19, v23;
	v23 =	vsel vm0, $0x1, v1  }
0x1c0: {  	vm0 =	vmneg vm0;
	v28 =	vcvt.f32.s32 v28;
	v30 =	vsel vm1, $0x1, v1  }
0x1c1: {  	v31 =	vsel vm0, $0x1, v1;
	vm0 =	vmneg vm2;
	vm1 =	vmneg vm1  }
0x1c2: {  	v32 =	vsel vm2, $0x1, v1;
	vm2 =	vlt.f32 v25, v29;
	v23 =	vadd.s32 v23, v30  }
0x1c3: {  	v30 =	vsel vm0, $0x1, v1;
	vm0 =	vlt.f32 v26, v29;
	v19 =	vadd.f32 v19, v21  }
0x1c4: {  	v21 =	vsel vm1, $0x1, v1;
	vm1 =	vmneg vm2;
	v25 =	vsel vm2, $0x1, v1  }
0x1c5: {  	vm2 =	vlt.f32 v22, v29;
	v22 =	vsel vm0, $0x1, v1;
	vm0 =	vmneg vm0  }
0x1c6: {  	v26 =	vsel vm2, $0x1, v1;
	vm2 =	vmneg vm2;
	v19 =	vmul.f32 $2.500000000e-01, v19  }
0x1c7: {  	v29 =	vadd.s32 v31, v30;
	v30 =	vsel vm1, $0x1, v1;
	v21 =	vadd.s32 v21, v32  }
0x1c8: {  	v23 =	vadd.s32 v25, v23;
	v31 =	vsel vm2, $0x1, v1;
	v19 =	vtrunc.f32 v19  }
0x1c9: {  	v33 =	vsel vm0, $0x1, v1;
	v30 =	vadd.s32 v30, v31;
	v19 =	vcvt.f32.s32 v19  }
0x1ca: {  	v22 =	vadd.s32 v22, v29;
	v21 =	vadd.s32 v26, v21;
	v29 =	vadd.s32 v33, v30  }
0x1cb: {  	v25 =	vadd.s32 v19, v29;
	v23 =	vadd.s32 v19, v23;
	v22 =	vadd.s32 v19, v22  }
0x1cc: {  	v19 =	vadd.s32 v19, v21;
	vm0 =	vlt.s32 v22, $0x0;
	vm1 =	vgt.s32 v25, $0x3  }
0x1cd: {  	vm2 =	vgt.s32 v23, $0x3;
	v21 =	vsel vm1, $0xFFFFFFFC, v1;
	vm1 =	vgt.s32 v19, $0x3  }
0x1ce: {  	v26 =	vsel vm2, $0xFFFFFFFC, v1;
	vm2 =	vgt.s32 v22, $0x3;
	v29 =	vsel vm1, $0xFFFFFFFC, v1  }
0x1cf: {  	vm1 =	vlt.s32 v25, $0x0;
	v30 =	vsel vm2, $0xFFFFFFFC, v1;
	vm2 =	vlt.s32 v23, $0x0  }
0x1d0: {  	v26 =	vsel vm2, $0x4, v26;
	vm2 =	vlt.s32 v19, $0x0;
	v30 =	vsel vm0, $0x4, v30  }
0x1d1: {  	v21 =	vsel vm1, $0x4, v21;
	v29 =	vsel vm2, $0x4, v29;
	v22 =	vadd.s32 v22, v30  }
0x1d2: {  	v25 =	vadd.s32 v25, v21;
	v23 =	vadd.s32 v23, v26;
	v21 =	vadd.s32 v28, v21  }
0x1d3: {  	v20 =	vadd.s32 v20, v26;
	v24 =	vadd.s32 v24, v30;
	v19 =	vadd.s32 v19, v29  }
0x1d4: {  	v26 =	vadd.s32 v27, v29;
	vm0 =	veq.s32 v25, $0x0;
	v28 =	vmul.u32 $0x25795, v24  }
0x1d5: {  	vm1 =	vgt.s32 v23, $0x2;
	vm2 =	vlt.s32 v23, $0x2;
	v34 =	vcvt.s32.f32 v20  }
0x1d6: {  	v35 =	vcvt.s32.f32 v24;
	v21 =	vcvt.s32.f32 v21;
	v27 =	vmul.u32 $0x779B1, v26  }
0x1d7: {  	v29 =	vsel vm1, $0x7FFFD, v3;
	vm1 =	vgt.s32 v22, $0x2;
	v30 =	vsel vm2, $0x2, v4  }
0x1d8: {  	vm2 =	vgt.s32 v23, $0x0;
	v37 =	vcvt.s32.f32 v26;
	vm3 =	veq.s32 v19, $0x1  }
0x1d9: {  	v31 =	vsel vm1, $0x7FFFD, v3;
	vm1 =	vlt.s32 v22, $0x2;
	v55 =	vsel vm2, $0x7FFFF, v2  }
0x1da: {  	vm2 =	vgt.s32 v19, $0x2;
	v16 =	vsub.f32 v16, v35;
	v17 =	vsub.f32 v17, v34  }
0x1db: {  	v15 =	vsub.f32 v15, v21;
	v29 =	vadd.s32 v20, v29;
	v30 =	vadd.s32 v20, v30  }
0x1dc: {  	v54 =	vsel vm1, $0x2, v4;
	v36 =	vsel vm2, $0x7FFFD, v3;
	vm2 =	vlt.s32 v19, $0x2  }
0x1dd: {  	vm1 =	vgt.s32 v22, $0x0;
	v18 =	vsub.f32 v18, v37;
	v38 =	vsel vm2, $0x2, v4  }
0x1de: {  	vm2 =	veq.s32 v22, $0x0;
	v56 =	vsel vm1, $0x7FFFF, v2;
	v16 =	vmul.f32 $2.500000000e-01, v16  }
0x1df: {  	vm1 =	vgt.s32 v19, $0x0;
	v17 =	vmul.f32 $2.500000000e-01, v17;
	v15 =	vmul.f32 $2.500000000e-01, v15  }
0x1e0: {  	v59 =	vadd.s32 v26, v36;
	v57 =	vsel vm1, $0x7FFFF, v2;
	vm1 =	veq.s32 v23, $0x3  }
0x1e1: {  	v18 =	vmul.f32 $2.500000000e-01, v18;
	v60 =	vadd.s32 v26, v38;
	v32 =	vmul.u32 $0x779B1, v59  }
0x1e2: {  	v58 =	vnsel vm2, $0x0, v16;
	vm2 =	veq.s32 v19, $0x3;
	v39 =	vnsel vm1, $0x0, v17  }
0x1e3: {  	vm1 =	veq.s32 v23, $0x0;
	v26 =	vadd.s32 v26, v57;
	v34 =	vmul.u32 $0x779B1, v60  }
0x1e4: {  	v40 =	vnsel vm2, $0x0, v18;
	vm2 =	veq.s32 v22, $0x2;
	v41 =	vnsel vm1, $0x0, v17  }
0x1e5: {  	vm1 =	veq.s32 v19, $0x0;
	v26 =	vmul.u32 $0x779B1, v26;
	v42 =	vnsel vm2, $0x0, v16  }
0x1e6: {  	vm2 =	veq.s32 v23, $0x2;
	v21 =	vnsel vm1, $0x0, v18;
	vm1 =	veq.s32 v22, $0x3  }
0x1e7: {  	v43 =	vnsel vm2, $0x0, v17;
	vm2 =	veq.s32 v19, $0x2;
	v44 =	vnsel vm1, $0x0, v16  }
0x1e8: {  	vm1 =	veq.s32 v23, $0x1;
	v21 =	vadd.f32 v21, v41;
	v23 =	vnsel vm2, $0x0, v18  }
0x1e9: {  	vm2 =	veq.s32 v25, $0x3;
	v17 =	vnsel vm1, $0x0, v17;
	vm1 =	veq.s32 v25, $0x1  }
0x1ea: {  	v18 =	vnsel vm3, $0x0, v18;
	v19 =	vnsel vm2, $0x0, v15;
	vm2 =	veq.s32 v25, $0x2  }
0x1eb: {  	v25 =	vnsel vm0, $0x0, v15;
	vm0 =	veq.s32 v22, $0x1;
	v22 =	vxor.u32 v27, v28  }
0x1ec: {  	v27 =	vadd.s32 v24, v31;
	v28 =	vadd.s32 v24, v54;
	v31 =	vadd.f32 v40, v39  }
0x1ed: {  	v24 =	vadd.s32 v24, v56;
	v23 =	vadd.f32 v23, v43;
	v21 =	vadd.f32 v21, v58  }
0x1ee: {  	v17 =	vadd.f32 v18, v17;
	v22 =	vxor.u32 v20, v22;
	v27 =	vmul.u32 $0x25795, v27  }
0x1ef: {  	v28 =	vmul.u32 $0x25795, v28;
	v16 =	vnsel vm0, $0x0, v16;
	v31 =	vadd.f32 v31, v44  }
0x1f0: {  	v24 =	vmul.u32 $0x25795, v24;
	v18 =	vadd.f32 v23, v42;
	v23 =	vadd.f32 v21, v25  }
0x1f1: {  	v16 =	vadd.f32 v17, v16;
	v17 =	vnsel vm2, $0x0, v15;
	v15 =	vnsel vm1, $0x0, v15  }
0x1f2: {  	v25 =	vsub.f32 $0.0e+00, v11;
	v11 =	vtrunc.f32 v62;
	v31 =	vadd.f32 v31, v19  }
0x1f3: {  	v11 =	vcvt.f32.s32 v11;
	v19 =	vand.u32 $0x7FFFF, v22;
	v17 =	vadd.f32 v18, v17  }
0x1f4: {  	v22 =	vxor.u32 v29, v32;
	v16 =	vadd.f32 v16, v15;
	v21 =	vadd.f32 $1.000000000e+00, v31  }
0x1f5: {  	v29 =	vcvt.f32.s32 v63;
	v11 =	vcvt.s32.f32 v11;
	v15 =	vsub.f32 v17, v31  }
0x1f6: {  	v18 =	vsub.f32 v21, v23;
	v21 =	vxor.u32 v27, v22;
	v27 =	vmul.f32 $2.500000000e-01, v14  }
0x1f7: {  	v31 =	vadd.s32 v20, v55;
	v29 =	vcvt.s32.f32 v29;
	v22 =	vxor.u32 v30, v34  }
0x1f8: {  	v30 =	vmul.f32 $2.500000000e-01, v25;
	v22 =	vxor.u32 v28, v22;
	v28 =	vtrunc.f32 v27  }
0x1f9: {  	v20 =	vsub.f32 v16, v17;
	vm1 =	vlt.f32 v62, v11;
	v17 =	vcvt.f32.s32 v28  }
0x1fa: {  	vm0 =	vlt.f32 v61, v29;
	v39 =	vsel vm1, $0x3F800000, v0;
	v28 =	vtrunc.f32 v30  }
0x1fb: {  	v38 =	vsel vm0, $0x3F800000, v0;
	v28 =	vcvt.f32.s32 v28;
	v17 =	vcvt.s32.f32 v17  }
0x1fc: {  	v26 =	vxor.u32 v31, v26;
	v11 =	vsub.f32 v11, v39;
	v29 =	vsub.f32 v29, v38  }
0x1fd: {  	v24 =	vxor.u32 v24, v26;
	v28 =	vcvt.s32.f32 v28;
	vm0 =	vlt.f32 v27, v17  }
0x1fe: {  	v11 =	vmul.f32 $4.000000000e+00, v11;
	v27 =	vmul.f32 $4.000000000e+00, v29;
	v29 =	vsel vm0, $0x3F800000, v0  }
0x1ff: {  	v23 =	vsub.f32 v23, v16;
	vm0 =	vlt.f32 v30, v28;
	v17 =	vsub.f32 v17, v29  }
0x200: {  	v30 =	vsub.f32 v13, v11;
	v29 =	vsub.f32 v12, v27;
	v31 =	vsel vm0, $0x3F800000, v0  }
0x201: {  	v21 =	vand.u32 $0x7FFFF, v21;
	v26 =	vsub.f32 v28, v31;
	v17 =	vmul.f32 $4.000000000e+00, v17  }
0x202: {  	v24 =	vand.u32 $0x7FFFF, v24;
	vm1 =	vgt.f32 v30, $2.000000000e+00;
	vm0 =	vgt.f32 v29, $2.000000000e+00  }
0x203: {  	v16 =	vsel vm0, $0x40800000, v0;
	v26 =	vmul.f32 $4.000000000e+00, v26;
	v28 =	vsub.f32 v14, v17  }
0x204: {  	v22 =	vand.u32 $0x7FFFF, v22;
	v16 =	vadd.f32 v16, v27;
	v27 =	vsel vm1, $0x40800000, v0  }
0x205: {  	v11 =	vadd.f32 v27, v11;
	v27 =	vsub.f32 v25, v26;
	vm0 =	vgt.f32 v28, $2.000000000e+00  }
0x206: {  	v29 =	vsub.f32 v12, v16;
	v30 =	vtrunc.f32 v16;
	v28 =	vsel vm0, $0x40800000, v0  }
0x207: {  	vm0 =	vgt.f32 v27, $2.000000000e+00;
	v16 =	vadd.f32 v11, v16;
	v17 =	vadd.f32 v28, v17  }
0x208: {  	v27 =	vsel vm0, $0x40800000, v0;
	v28 =	vsub.f32 v13, v11;
	v11 =	vtrunc.f32 v11  }
0x209: {  	v26 =	vadd.f32 v27, v26;
	v27 =	vcvt.f32.s32 v30;
	v31 =	vcvt.f32.s32 v11  }
0x20a: {  	v16 =	vadd.f32 v16, v17;
	v30 =	vsub.f32 v14, v17;
	vm0 =	vlt.f32 v29, v28  }
0x20b: {  	v17 =	vtrunc.f32 v17;
	vm1 =	vmneg vm0;
	v41 =	vsel vm0, $0x1, v1  }
0x20c: {  	v17 =	vcvt.f32.s32 v17;
	v11 =	vadd.f32 v16, v26;
	v16 =	vsub.f32 v25, v26  }
0x20d: {  	v40 =	vsel vm1, $0x1, v1;
	vm1 =	vlt.f32 v29, v30;
	vm2 =	vlt.f32 v28, v30  }
0x20e: {  	v26 =	vtrunc.f32 v26;
	vm0 =	vmneg vm1;
	v42 =	vsel vm1, $0x1, v1  }
0x20f: {  	v26 =	vcvt.f32.s32 v26;
	v11 =	vmul.f32 $2.500000000e-01, v11;
	vm1 =	vlt.f32 v29, v16  }
0x210: {  	v29 =	vsel vm0, $0x1, v1;
	vm0 =	vlt.f32 v28, v16;
	v28 =	vsel vm2, $0x1, v1  }
0x211: {  	vm2 =	vmneg vm2;
	v43 =	vsel vm1, $0x1, v1;
	v44 =	vsel vm0, $0x1, v1  }
0x212: {  	v28 =	vadd.s32 v40, v28;
	v46 =	vsel vm2, $0x1, v1;
	vm2 =	vlt.f32 v30, v16  }
0x213: {  	vm1 =	vmneg vm1;
	vm0 =	vmneg vm0;
	v11 =	vtrunc.f32 v11  }
0x214: {  	v16 =	vadd.s32 v29, v46;
	v45 =	vcvt.f32.s32 v11;
	v11 =	vadd.s32 v42, v41  }
0x215: {  	v29 =	vsel vm1, $0x1, v1;
	v30 =	vsel vm0, $0x1, v1;
	v11 =	vadd.s32 v43, v11  }
0x216: {  	v28 =	vadd.s32 v44, v28;
	v29 =	vadd.s32 v29, v30;
	v47 =	vadd.s32 v45, v11  }
0x217: {  	v28 =	vadd.s32 v45, v28;
	v11 =	vsel vm2, $0x1, v1;
	vm2 =	vmneg vm2  }
0x218: {  	vm1 =	vgt.s32 v47, $0x3;
	vm0 =	vgt.s32 v28, $0x3;
	v11 =	vadd.s32 v11, v16  }
0x219: {  	v16 =	vsel vm1, $0xFFFFFFFC, v1;
	v48 =	vsel vm0, $0xFFFFFFFC, v1;
	v49 =	vadd.s32 v45, v11  }
0x21a: {  	vm0 =	vlt.s32 v47, $0x0;
	vm1 =	vlt.s32 v28, $0x0;
	v11 =	vsel vm2, $0x1, v1  }
0x21b: {  	v30 =	vsel vm0, $0x4, v16;
	v29 =	vadd.s32 v11, v29;
	v32 =	vsel vm1, $0x4, v48  }
0x21c: {  	vm0 =	vgt.s32 v49, $0x3;
	vm1 =	vlt.s32 v49, $0x0;
	v11 =	vadd.s32 v27, v30  }
0x21d: {  	v16 =	vadd.s32 v31, v32;
	v27 =	vadd.s32 v45, v29;
	v29 =	vsel vm0, $0xFFFFFFFC, v1  }
0x21e: {  	v30 =	vadd.s32 v47, v30;
	v28 =	vadd.s32 v28, v32;
	v29 =	vsel vm1, $0x4, v29  }
0x21f: {  	v31 =	vcvt.s32.f32 v11;
	vm0 =	vgt.s32 v27, $0x3;
	v50 =	vcvt.s32.f32 v16  }
0x220: {  	vm1 =	vlt.s32 v27, $0x0;
	vm2 =	veq.s32 v30, $0x1;
	v17 =	vadd.s32 v17, v29  }
0x221: {  	v51 =	vsel vm0, $0xFFFFFFFC, v1;
	v29 =	vadd.s32 v49, v29;
	vm0 =	veq.s32 v30, $0x3  }
0x222: {  	v12 =	vsub.f32 v12, v31;
	v31 =	vsel vm1, $0x4, v51;
	v52 =	vcvt.s32.f32 v17  }
0x223: {  	v13 =	vsub.f32 v13, v50;
	vm1 =	veq.s32 v28, $0x3;
	v26 =	vadd.s32 v26, v31  }
0x224: {  	v31 =	vadd.s32 v27, v31;
	v12 =	vmul.f32 $2.500000000e-01, v12;
	v14 =	vsub.f32 v14, v52  }
0x225: {  	v13 =	vmul.f32 $2.500000000e-01, v13;
	v26 =	vcvt.s32.f32 v26;
	vm3 =	veq.s32 v31, $0x1  }
0x226: {  	vm4 =	veq.s32 v31, $0x2;
	v14 =	vmul.f32 $2.500000000e-01, v14;
	v53 =	vnsel vm0, $0x0, v12  }
0x227: {  	v54 =	vnsel vm1, $0x0, v13;
	v25 =	vsub.f32 v25, v26;
	vm0 =	veq.s32 v30, $0x0  }
0x228: {  	vm1 =	veq.s32 v28, $0x0;
	v57 =	vnsel vm2, $0x0, v12;
	vm2 =	veq.s32 v28, $0x2  }
0x229: {  	v26 =	vadd.f32 v54, v53;
	v55 =	vnsel vm0, $0x0, v12;
	vm0 =	veq.s32 v28, $0x1  }
0x22a: {  	v56 =	vnsel vm1, $0x0, v13;
	vm1 =	veq.s32 v30, $0x2;
	v58 =	vnsel vm0, $0x0, v13  }
0x22b: {  	s28 =	simm.s32 $0x6660;
	vm0 =	veq.s32 v29, $0x3;
	v12 =	vnsel vm1, $0x0, v12;
	v13 =	vnsel vm2, $0x0, v13  }
0x22c: {  	s29 =	simm.s32 $0x7660;
	[tilespmem:s28+$0xFFFFFE10] =	vst v19;
	v59 =	vmul.f32 $2.500000000e-01, v25;
	v27 =	vadd.f32 v56, v55;
	vm1 =	veq.s32 v29, $0x1  }
0x22d: {  	[tilespmem:s29+$0xFFFFFE10] =	vst v18;
	vm2 =	veq.s32 v29, $0x2;
	v25 =	vnsel vm0, $0x0, v14;
	vm0 =	veq.s32 v29, $0x0  }
0x22e: {  	[tilespmem:s28+$0xFFFFFF10] =	vst v21;
	v12 =	vadd.f32 v13, v12;
	v60 =	vnsel vm1, $0x0, v14;
	vm1 =	vgt.s32 v28, $0x2  }
0x22f: {  	[tilespmem:s29+$0xFFFFFF10] =	vst v15;
	v61 =	vnsel vm2, $0x0, v14;
	vm2 =	vlt.s32 v28, $0x2;
	v25 =	vadd.f32 v26, v25  }
0x230: {  	[tilespmem:s28+$0x10] =	vst v22;
	v26 =	vadd.f32 v58, v57;
	v13 =	vnsel vm0, $0x0, v14;
	vm0 =	veq.s32 v31, $0x3  }
0x231: {  	[tilespmem:s29+$0x10] =	vst v20;
	v62 =	vsel vm2, $0x2, v4;
	vm2 =	vgt.s32 v29, $0x0;
	v20 =	vnsel vm3, $0x0, v59  }
0x232: {  	v21 =	vnsel vm4, $0x0, v59;
	v14 =	vnsel vm0, $0x0, v59;
	vm0 =	vgt.s32 v28, $0x0  }
0x233: {  	v28 =	vsel vm1, $0x7FFFD, v3;
	vm1 =	vlt.s32 v29, $0x2;
	v13 =	vadd.f32 v27, v13  }
0x234: {  	v12 =	vadd.f32 v12, v61;
	v63 =	vsel vm0, $0x7FFFF, v2;
	vm0 =	vgt.s32 v29, $0x2  }
0x235: {  	v14 =	vadd.f32 v25, v14;
	v19 =	vadd.s32 v16, v28;
	v18 =	vadd.f32 v26, v60  }
0x236: {  	v29 =	vadd.s32 v16, v62;
	v27 =	vsel vm1, $0x2, v4;
	v25 =	vsel vm2, $0x7FFFF, v2  }
0x237: {  	vm1 =	vgt.s32 v30, $0x2;
	vm2 =	vlt.s32 v30, $0x2;
	v26 =	vsel vm0, $0x7FFFD, v3  }
0x238: {  	s30 =	simm.s32 $0x0;
	s18 =	smov.u32 s11;
	s25 =	simm.s32 $0x6660;
	[tilespmem:s28+$0x110] =	vst v24;
	v28 =	vadd.s32 v16, v63;
	vm0 =	veq.s32 v31, $0x0;
	v19 =	vmul.u32 $0x779B1, v19  }
0x239: {  	s26 =	simm.s32 $0x7660;
	s3 =	sadd.s32 $0x20, s19;
	s13 =	smov.u32 s8;
	[tilespmem:s29+$0x110] =	vst v23;
	v15 =	vmul.u32 $0x779B1, v29;
	v22 =	vnsel vm0, $0x0, v59;
	vm0 =	vgt.s32 v30, $0x0  }
.LBB2_6:
0x23a: {  	v23 =	vld [tilespmem:s3+$0x0];
	v24 =	vadd.s32 v17, v26;
	s18 =	sadd.s32 $0x20, s18  }
0x23b: {  	v26 =	vadd.s32 v17, v27;
	v27 =	vmul.u32 $0x779B1, v28;
	v29 =	vsel vm1, $0x7FFFD, v3;
	s13 =	sadd.s32 $0x20, s13;
	v28 =	vld [tilespmem:s18+$0x0]  }
0x23c: {  	v30 =	vsel vm2, $0x2, v4;
	v25 =	vadd.s32 v17, v25;
	v32 =	vmul.u32 $0x779B1, v16;
	v31 =	vld [tilespmem:s13+$0x0]  }
0x23d: {  	v33 =	vmul.u32 $0x25795, v17;
	v34 =	vsel vm0, $0x7FFFF, v2;
	v35 =	vld [tilespmem:s18+$0xFFFFFFF0];
	v17 =	vadd.f32 v13, v22  }
0x23e: {  	v13 =	vmul.u32 $0x25795, v24;
	v18 =	vadd.f32 v18, v20;
	v20 =	vadd.f32 v12, v21  }
0x23f: {  	v12 =	vmul.u32 $0x25795, v26;
	v21 =	vld [tilespmem:s3+$0xFFFFFFF0];
	v26 =	vadd.s32 v11, v29;
	v29 =	vadd.s32 v11, v30  }
0x240: {  	v24 =	vld [tilespmem:s13+$0xFFFFFFF0];
	v16 =	vmul.u32 $0x25795, v25;
	v26 =	vxor.u32 v26, v19;
	v25 =	vmul.f32 v28, v6  }
0x241: {  	v19 =	vadd.s32 v11, v34;
	v23 =	vmul.f32 v23, v5;
	v28 =	vmul.f32 v31, v7  }
0x242: {  	v15 =	vxor.u32 v29, v15;
	v29 =	vmul.f32 v35, v6;
	v25 =	vadd.f32 v25, v9  }
0x243: {  	v19 =	vxor.u32 v19, v27;
	v31 =	vadd.f32 v23, v8;
	v28 =	vadd.f32 v28, v10  }
0x244: {  	v43 =	vmul.f32 v21, v5;
	v35 =	vadd.f32 v29, v9;
	v21 =	vadd.f32 v25, v25  }
0x245: {  	v27 =	vmul.f32 v24, v7;
	v29 =	vadd.f32 v25, v31;
	v36 =	vadd.f32 v28, v28  }
0x246: {  	v24 =	vxor.u32 v32, v33;
	v25 =	vadd.f32 v28, v25;
	v30 =	vsub.f32 v28, v21  }
0x247: {  	v23 =	vxor.u32 v13, v26;
	v29 =	vadd.f32 v28, v29;
	v13 =	vadd.f32 v36, v28  }
0x248: {  	v27 =	vadd.f32 v27, v10;
	v31 =	vsub.f32 v25, v31;
	v26 =	vmul.f32 $2.500000000e-01, v30  }
0x249: {  	v21 =	vxor.u32 v12, v15;
	v32 =	vsub.f32 $0.0e+00, v13;
	v28 =	vmul.f32 $2.500000000e-01, v29  }
0x24a: {  	v15 =	vadd.f32 v43, v8;
	v44 =	vmul.f32 $2.500000000e-01, v31;
	v13 =	vtrunc.f32 v26  }
0x24b: {  	v25 =	vadd.f32 v27, v35;
	v45 =	vtrunc.f32 v28;
	v46 =	vmul.f32 $2.500000000e-01, v32  }
0x24c: {  	v12 =	vadd.f32 v35, v15;
	v37 =	vtrunc.f32 v44;
	v38 =	vcvt.f32.s32 v13  }
0x24d: {  	v13 =	vsub.f32 v25, v15;
	v15 =	vcvt.f32.s32 v45;
	v47 =	vcvt.f32.s32 v37  }
0x24e: {  	v25 =	vtrunc.f32 v46;
	v48 =	vcvt.s32.f32 v38  }
0x24f: {  	v15 =	vcvt.s32.f32 v15;
	v39 =	vcvt.f32.s32 v25  }
0x250: {  	v22 =	vadd.f32 $1.000000000e+00, v14;
	v34 =	vcvt.s32.f32 v47;
	vm0 =	vlt.f32 v26, v48  }
0x251: {  	vm1 =	vlt.f32 v28, v15;
	v28 =	vcvt.s32.f32 v39;
	v26 =	vsel vm0, $0x3F800000, v0  }
0x252: {  	v50 =	vsel vm1, $0x3F800000, v0;
	vm0 =	vlt.f32 v44, v34;
	v26 =	vsub.f32 v48, v26  }
0x253: {  	v15 =	vsub.f32 v15, v50;
	v33 =	vsel vm0, $0x3F800000, v0;
	vm0 =	vlt.f32 v46, v28  }
0x254: {  	v49 =	vadd.f32 v27, v27;
	v33 =	vsub.f32 v34, v33;
	v36 =	vsel vm0, $0x3F800000, v0  }
0x255: {  	v51 =	vmul.f32 $4.000000000e+00, v26;
	v52 =	vmul.f32 $4.000000000e+00, v15;
	v36 =	vsub.f32 v28, v36  }
0x256: {  	v35 =	vadd.f32 v35, v35;
	v12 =	vadd.f32 v27, v12;
	v33 =	vmul.f32 $4.000000000e+00, v33  }
0x257: {  	v53 =	vsub.f32 v30, v51;
	v54 =	vsub.f32 v29, v52;
	v36 =	vmul.f32 $4.000000000e+00, v36  }
0x258: {  	v25 =	vmul.f32 $2.500000000e-01, v12;
	v15 =	vsub.f32 v27, v35;
	v55 =	vsub.f32 v31, v33  }
0x259: {  	vm0 =	vgt.f32 v53, $2.000000000e+00;
	vm1 =	vgt.f32 v54, $2.000000000e+00;
	v56 =	vsub.f32 v32, v36  }
0x25a: {  	v35 =	vsel vm0, $0x40800000, v0;
	v40 =	vsel vm1, $0x40800000, v0;
	vm0 =	vgt.f32 v55, $2.000000000e+00  }
0x25b: {  	v34 =	vadd.f32 v35, v51;
	v57 =	vadd.f32 v40, v52;
	v58 =	vsel vm0, $0x40800000, v0  }
0x25c: {  	v28 =	vadd.f32 v49, v27;
	vm0 =	vgt.f32 v56, $2.000000000e+00;
	v33 =	vadd.f32 v58, v33  }
0x25d: {  	v59 =	vsel vm0, $0x40800000, v0;
	v60 =	vtrunc.f32 v34;
	v61 =	vsub.f32 v29, v57  }
0x25e: {  	v62 =	vsub.f32 v30, v34;
	v41 =	vtrunc.f32 v57;
	v36 =	vadd.f32 v59, v36  }
0x25f: {  	v63 =	vsub.f32 v31, v33;
	v42 =	vtrunc.f32 v33;
	v33 =	vadd.f32 v33, v57  }
0x260: {  	v35 =	vcvt.f32.s32 v41;
	v38 =	vcvt.f32.s32 v60;
	vm0 =	vlt.f32 v61, v62  }
0x261: {  	v41 =	vcvt.f32.s32 v42;
	v47 =	vtrunc.f32 v36;
	v43 =	vsub.f32 v32, v36  }
0x262: {  	vm1 =	vlt.f32 v61, v63;
	vm2 =	vlt.f32 v63, v62;
	v33 =	vadd.f32 v33, v34  }
0x263: {  	vm3 =	vmneg vm0;
	v48 =	vcvt.f32.s32 v47;
	v44 =	vsel vm0, $0x1, v1  }
0x264: {  	v49 =	vsel vm1, $0x1, v1;
	vm0 =	vmneg vm2;
	vm1 =	vmneg vm1  }
0x265: {  	v45 =	vsel vm3, $0x1, v1;
	v46 =	vsel vm2, $0x1, v1;
	vm3 =	vlt.f32 v63, v43  }
0x266: {  	v42 =	vadd.s32 v44, v49;
	v50 =	vsel vm0, $0x1, v1;
	vm0 =	vlt.f32 v62, v43  }
0x267: {  	v33 =	vadd.f32 v33, v36;
	v51 =	vsel vm1, $0x1, v1;
	vm1 =	vlt.f32 v61, v43  }
0x268: {  	vm5 =	vmneg vm3;
	v53 =	vsel vm3, $0x1, v1;
	v49 =	vimm.s32 $0x0  }
0x269: {  	vm2 =	vmneg vm1;
	vm4 =	vmneg vm0;
	v52 =	vsel vm0, $0x1, v1  }
0x26a: {  	v39 =	vsel vm1, $0x1, v1;
	v54 =	vadd.s32 v45, v50;
	v56 =	vsel vm5, $0x1, v1  }
0x26b: {  	v36 =	vadd.s32 v51, v46;
	v50 =	vimm.s32 $0x0;
	v33 =	vmul.f32 $2.500000000e-01, v33  }
0x26c: {  	v51 =	vimm.s32 $0x0;
	v55 =	vsel vm2, $0x1, v1;
	v47 =	vsel vm4, $0x1, v1  }
0x26d: {  	v37 =	vadd.s32 v52, v54;
	v39 =	vadd.s32 v39, v42;
	v33 =	vtrunc.f32 v33  }
0x26e: {  	v36 =	vadd.s32 v53, v36;
	v44 =	vadd.s32 v55, v56;
	v33 =	vcvt.f32.s32 v33  }
0x26f: {  	v52 =	vimm.s32 $0x0;
	v53 =	vimm.s32 $0x0;
	v57 =	vadd.s32 v47, v44  }
0x270: {  	v54 =	vimm.s32 $0x0;
	v55 =	vimm.s32 $0x0;
	v58 =	vadd.s32 v33, v57  }
0x271: {  	v39 =	vadd.s32 v33, v39;
	v36 =	vadd.s32 v33, v36;
	v33 =	vadd.s32 v33, v37  }
0x272: {  	v47 =	vimm.s32 $0x0;
	vm0 =	vlt.s32 v33, $0x0;
	vm1 =	vlt.s32 v58, $0x0  }
0x273: {  	vm2 =	vgt.s32 v58, $0x3;
	vm3 =	vlt.s32 v39, $0x0;
	vm13 =	vlt.s32 v36, $0x0  }
0x274: {  	vm14 =	vgt.s32 v33, $0x3;
	vm6 =	vgt.s32 v39, $0x3;
	vm7 =	vgt.s32 v36, $0x3  }
0x275: {  	v59 =	vsel vm2, $0xFFFFFFFC, v1;
	v60 =	vsel vm6, $0xFFFFFFFC, v1;
	v62 =	vsel vm14, $0xFFFFFFFC, v1  }
0x276: {  	v61 =	vsel vm7, $0xFFFFFFFC, v1;
	v42 =	vsel vm3, $0x4, v60;
	v44 =	vsel vm0, $0x4, v62  }
0x277: {  	v37 =	vsel vm1, $0x4, v59;
	v43 =	vsel vm13, $0x4, v61;
	v63 =	vadd.s32 v33, v44  }
0x278: {  	v40 =	vadd.s32 v58, v37;
	v39 =	vadd.s32 v39, v42;
	v36 =	vadd.s32 v36, v43  }
0x279: {  	v34 =	vadd.s32 v48, v37;
	v33 =	vadd.s32 v35, v42;
	v35 =	vadd.s32 v41, v43  }
0x27a: {  	v37 =	vadd.s32 v38, v44;
	v48 =	vimm.s32 $0x0;
	vm0 =	veq.s32 v40, $0x0  }
0x27b: {  	v41 =	vmul.u32 $0x25795, v37;
	vm5 =	vgt.s32 v39, $0x2;
	vm6 =	vgt.s32 v63, $0x2  }
0x27c: {  	vm4 =	vlt.s32 v39, $0x2;
	vm2 =	vlt.s32 v63, $0x2;
	vm8 =	vgt.s32 v63, $0x0  }
0x27d: {  	vm1 =	vlt.s32 v36, $0x2;
	vm3 =	vgt.s32 v36, $0x0;
	vm11 =	veq.s32 v39, $0x0  }
0x27e: {  	vm9 =	veq.s32 v36, $0x0;
	vm10 =	veq.s32 v39, $0x1;
	vm15 =	veq.s32 v36, $0x1  }
0x27f: {  	vm12 =	veq.s32 v39, $0x2;
	v34 =	vcvt.s32.f32 v34;
	vm14 =	veq.s32 v39, $0x3  }
0x280: {  	vm13 =	veq.s32 v63, $0x3;
	v56 =	vcvt.s32.f32 v33;
	v57 =	vcvt.s32.f32 v37  }
0x281: {  	v58 =	vcvt.s32.f32 v35;
	v38 =	vsel vm0, $0xFFFFFFFF, v47;
	vm0 =	veq.s32 v40, $0x1  }
0x282: {  	v59 =	vsel vm5, $0x7FFFD, v3;
	v60 =	vsel vm4, $0x2, v4;
	v61 =	vsel vm6, $0x7FFFD, v3  }
0x283: {  	v62 =	vsel vm2, $0x2, v4;
	[tilespmem:$0x1FF30] =	vst v38;
	v38 =	vmul.u32 $0x779B1, v35;
	v42 =	vsel vm0, $0xFFFFFFFF, v48  }
0x284: {  	vm0 =	veq.s32 v40, $0x2;
	v48 =	vsel vm1, $0x2, v4;
	v44 =	vadd.s32 v37, v61  }
0x285: {  	v43 =	vadd.s32 v33, v60;
	v30 =	vsub.f32 v30, v57;
	v32 =	vsub.f32 v32, v34  }
0x286: {  	v45 =	vadd.s32 v37, v62;
	v29 =	vsub.f32 v29, v56;
	v31 =	vsub.f32 v31, v58  }
0x287: {  	[tilespmem:$0x1FF60] =	vst v42;
	v42 =	vsel vm0, $0xFFFFFFFF, v49;
	vm0 =	veq.s32 v63, $0x0;
	v49 =	vsel vm8, $0x7FFFF, v2  }
0x288: {  	v48 =	vadd.s32 v35, v48;
	[tilespmem:$0x1FF50] =	vst v42;
	v42 =	vsel vm0, $0xFFFFFFFF, v50;
	vm0 =	veq.s32 v63, $0x1  }
0x289: {  	v38 =	vxor.u32 v38, v41;
	v41 =	vadd.s32 v33, v59;
	v37 =	vadd.s32 v37, v49  }
0x28a: {  	v30 =	vmul.f32 $2.500000000e-01, v30;
	[tilespmem:$0x1FEE0] =	vst v42;
	v42 =	vsel vm0, $0xFFFFFFFF, v51;
	vm0 =	veq.s32 v63, $0x2  }
0x28b: {  	v29 =	vmul.f32 $2.500000000e-01, v29;
	[tilespmem:$0x1FF40] =	vst v42;
	v42 =	vsel vm0, $0xFFFFFFFF, v52;
	vm0 =	veq.s32 v40, $0x3  }
0x28c: {  	v31 =	vmul.f32 $2.500000000e-01, v31;
	v32 =	vmul.f32 $2.500000000e-01, v32;
	[tilespmem:$0x1FEF0] =	vst v42;
	v40 =	vsel vm0, $0xFFFFFFFF, v53  }
0x28d: {  	v52 =	vsel vm3, $0x7FFFF, v2;
	v57 =	vnsel vm11, $0x0, v29;
	[tilespmem:$0x1FF10] =	vst v40;
	v40 =	vsel vm10, $0xFFFFFFFF, v54;
	v54 =	vld [tilespmem:$0x1FEE0]  }
0x28e: {  	v59 =	vnsel vm9, $0x0, v31;
	v60 =	vnsel vm12, $0x0, v29;
	vm0 =	vgt.s32 v36, $0x2;
	v58 =	vld [tilespmem:$0x1FEF0];
	[tilespmem:$0x1FF00] =	vst v40  }
0x28f: {  	v50 =	vnsel vm13, $0x0, v30;
	v63 =	vsel vm0, $0x7FFFD, v3;
	v40 =	vsel vm15, $0xFFFFFFFF, v55;
	v62 =	vld [tilespmem:$0x1FF00]  }
0x290: {  	v53 =	vadd.s32 v35, v52;
	vm10 =	veq.s32 v36, $0x2;
	v47 =	vadd.s32 v35, v63;
	v63 =	vld [tilespmem:$0x1FF10];
	[tilespmem:$0x1FF20] =	vst v40  }
0x291: {  	v34 =	vmul.u32 $0x779B1, v53;
	vm15 =	veq.s32 v36, $0x3;
	v35 =	vxor.u32 v33, v38;
	v51 =	vld [tilespmem:$0x1FF20]  }
0x292: {  	v52 =	vld [tilespmem:$0x1FF30];
	v38 =	vmul.u32 $0x25795, v45;
	v55 =	vnsel vm14, $0x0, v29;
	vm0 =	vnez.u8 v54  }
0x293: {  	v53 =	vld [tilespmem:$0x1FF40];
	v45 =	vadd.f32 v59, v57;
	v42 =	vnsel vm0, $0x0, v30;
	vm0 =	vnez.u8 v58  }
0x294: {  	v40 =	vmul.u32 $0x779B1, v48;
	v48 =	vnsel vm0, $0x0, v30;
	vm0 =	vnez.u8 v62  }
0x295: {  	v61 =	vnsel vm10, $0x0, v31;
	v29 =	vnsel vm0, $0x0, v29;
	vm0 =	vnez.u8 v63  }
0x296: {  	v56 =	vnsel vm15, $0x0, v31;
	v49 =	vnsel vm0, $0x0, v32;
	vm0 =	vnez.u8 v51  }
0x297: {  	v42 =	vadd.f32 v45, v42;
	v31 =	vnsel vm0, $0x0, v31;
	vm0 =	vnez.u8 v52  }
0x298: {  	v45 =	vnsel vm0, $0x0, v32;
	v29 =	vadd.f32 v31, v29;
	vm0 =	vnez.u8 v53  }
0x299: {  	v36 =	vmul.u32 $0x25795, v44;
	v44 =	vadd.f32 v56, v55;
	v30 =	vnsel vm0, $0x0, v30  }
0x29a: {  	v22 =	vsub.f32 v22, v17;
	v29 =	vadd.f32 v29, v30;
	v30 =	vld [tilespmem:$0x1FF50]  }
0x29b: {  	v14 =	vsub.f32 v20, v14;
	v27 =	vtrunc.f32 v25;
	v44 =	vadd.f32 v44, v50  }
0x29c: {  	vm7 =	vgt.s32 v39, $0x0;
	v39 =	vmul.u32 $0x779B1, v47;
	v47 =	vadd.f32 v61, v60;
	v55 =	vld [tilespmem:$0x1FF60]  }
0x29d: {  	v26 =	vmul.f32 $2.500000000e-01, v13;
	v27 =	vcvt.f32.s32 v27;
	v44 =	vadd.f32 v44, v49  }
0x29e: {  	v28 =	vsub.f32 $0.0e+00, v28;
	v46 =	vsel vm7, $0x7FFFF, v2;
	v31 =	vadd.f32 v47, v48  }
0x29f: {  	v42 =	vadd.f32 v42, v45;
	v54 =	vadd.f32 $1.000000000e+00, v44;
	vm0 =	vnez.u8 v30  }
0x2a0: {  	v35 =	vand.u32 $0x7FFFF, v35;
	v39 =	vxor.u32 v41, v39;
	v30 =	vnsel vm0, $0x0, v32  }
0x2a1: {  	s28 =	sadd.s32 $0x20, s28;
	vm0 =	vnez.u8 v55;
	v30 =	vadd.f32 v31, v30;
	v31 =	vsub.f32 v54, v42  }
0x2a2: {  	s29 =	sadd.s32 $0x20, s29;
	[tilespmem:s28+$0xFFFFFE10] =	vst v35;
	v57 =	vxor.u32 v43, v40;
	v56 =	vxor.u32 v36, v39;
	v32 =	vnsel vm0, $0x0, v32  }
0x2a3: {  	v29 =	vadd.f32 v29, v32;
	v58 =	vsub.f32 v30, v44;
	[tilespmem:s29+$0xFFFFFE10] =	vst v31;
	v31 =	vand.u32 $0x7FFFF, v56  }
0x2a4: {  	v33 =	vadd.s32 v33, v46;
	v59 =	vmul.u32 $0x25795, v37;
	[tilespmem:s28+$0xFFFFFF10] =	vst v31;
	v31 =	vxor.u32 v38, v57  }
0x2a5: {  	v60 =	vxor.u32 v33, v34;
	v30 =	vsub.f32 v29, v30;
	[tilespmem:s29+$0xFFFFFF10] =	vst v58;
	v31 =	vand.u32 $0x7FFFF, v31  }
0x2a6: {  	v61 =	vtrunc.f32 v26;
	v62 =	vmul.f32 $2.500000000e-01, v15;
	[tilespmem:s28+$0x10] =	vst v31;
	v31 =	vxor.u32 v59, v60  }
0x2a7: {  	v29 =	vsub.f32 v42, v29;
	[tilespmem:s29+$0x10] =	vst v30;
	v30 =	vand.u32 $0x7FFFF, v31;
	v31 =	vcvt.f32.s32 v61  }
0x2a8: {  	v20 =	vsub.f32 v18, v20;
	v27 =	vcvt.s32.f32 v27;
	v63 =	vmul.f32 $2.500000000e-01, v28;
	[tilespmem:s28+$0x110] =	vst v30  }
0x2a9: {  	v17 =	vsub.f32 v17, v18;
	v30 =	vtrunc.f32 v62;
	[tilespmem:s29+$0x110] =	vst v29;
	v29 =	vcvt.s32.f32 v31  }
0x2aa: {  	vm0 =	vlt.f32 v25, v27;
	v30 =	vcvt.f32.s32 v30;
	v31 =	vtrunc.f32 v63  }
0x2ab: {  	v25 =	vsel vm0, $0x3F800000, v0;
	v18 =	vcvt.f32.s32 v31;
	vm1 =	vlt.f32 v26, v29  }
0x2ac: {  	v25 =	vsub.f32 v27, v25;
	v30 =	vcvt.s32.f32 v30;
	v26 =	vsel vm1, $0x3F800000, v0  }
0x2ad: {  	v16 =	vxor.u32 v16, v19;
	v18 =	vcvt.s32.f32 v18;
	v26 =	vsub.f32 v29, v26  }
0x2ae: {  	v11 =	vxor.u32 v11, v24;
	v19 =	vmul.f32 $4.000000000e+00, v25;
	vm0 =	vlt.f32 v62, v30  }
0x2af: {  	v25 =	vsel vm0, $0x3F800000, v0;
	vm0 =	vlt.f32 v63, v18;
	v24 =	vmul.f32 $4.000000000e+00, v26  }
0x2b0: {  	v25 =	vsub.f32 v30, v25;
	v26 =	vsub.f32 v12, v19;
	v29 =	vsel vm0, $0x3F800000, v0  }
0x2b1: {  	v16 =	vand.u32 $0x7FFFF, v16;
	v18 =	vsub.f32 v18, v29  }
0x2b2: {  	v27 =	vsub.f32 v13, v24;
	v25 =	vmul.f32 $4.000000000e+00, v25;
	vm0 =	vgt.f32 v26, $2.000000000e+00  }
0x2b3: {  	v23 =	vand.u32 $0x7FFFF, v23;
	v11 =	vand.u32 $0x7FFFF, v11;
	v26 =	vsel vm0, $0x40800000, v0  }
0x2b4: {  	v18 =	vmul.f32 $4.000000000e+00, v18;
	vm1 =	vgt.f32 v27, $2.000000000e+00;
	v27 =	vsub.f32 v15, v25  }
0x2b5: {  	v21 =	vand.u32 $0x7FFFF, v21;
	v19 =	vadd.f32 v26, v19;
	v26 =	vsel vm1, $0x40800000, v0  }
0x2b6: {  	v24 =	vadd.f32 v26, v24;
	vm0 =	vgt.f32 v27, $2.000000000e+00;
	v26 =	vsub.f32 v28, v18  }
0x2b7: {  	[tilespmem:s25+$0xFFFFFE00] =	vst v11;
	v27 =	vsub.f32 v12, v19;
	v29 =	vtrunc.f32 v19;
	v11 =	vsel vm0, $0x40800000, v0  }
0x2b8: {  	[tilespmem:s26+$0xFFFFFE00] =	vst v22;
	v11 =	vadd.f32 v11, v25;
	vm0 =	vgt.f32 v26, $2.000000000e+00;
	v19 =	vadd.f32 v24, v19  }
0x2b9: {  	[tilespmem:s25+$0xFFFFFF00] =	vst v23;
	v23 =	vsub.f32 v13, v24;
	v24 =	vtrunc.f32 v24;
	v22 =	vsel vm0, $0x40800000, v0  }
0x2ba: {  	[tilespmem:s26+$0xFFFFFF00] =	vst v14;
	v14 =	vadd.f32 v22, v18;
	v18 =	vadd.f32 v19, v11;
	v19 =	vcvt.f32.s32 v29  }
0x2bb: {  	[tilespmem:s25+$0x0] =	vst v21;
	v21 =	vsub.f32 v15, v11;
	vm0 =	vlt.f32 v27, v23;
	v22 =	vcvt.f32.s32 v24  }
0x2bc: {  	[tilespmem:s26+$0x0] =	vst v20;
	vm1 =	vmneg vm0;
	v18 =	vadd.f32 v18, v14;
	v20 =	vsub.f32 v28, v14  }
0x2bd: {  	[tilespmem:s25+$0x100] =	vst v16;
	v16 =	vsel vm1, $0x1, v1;
	vm2 =	vlt.f32 v23, v21;
	v14 =	vtrunc.f32 v14  }
0x2be: {  	vm1 =	vlt.f32 v27, v21;
	v24 =	vsel vm2, $0x1, v1;
	v14 =	vcvt.f32.s32 v14  }
0x2bf: {  	[tilespmem:s26+$0x100] =	vst v17;
	v17 =	vmul.f32 $2.500000000e-01, v18;
	vm3 =	vlt.f32 v27, v20;
	vm8 =	vlt.f32 v23, v20  }
0x2c0: {  	v18 =	vsel vm0, $0x1, v1;
	v23 =	vsel vm1, $0x1, v1;
	v16 =	vadd.s32 v16, v24  }
0x2c1: {  	vm0 =	vmneg vm1;
	vm1 =	vmneg vm2;
	v25 =	vsel vm3, $0x1, v1  }
0x2c2: {  	v26 =	vsel vm8, $0x1, v1;
	v18 =	vadd.s32 v23, v18;
	v23 =	vsel vm0, $0x1, v1  }
0x2c3: {  	v24 =	vsel vm1, $0x1, v1;
	vm0 =	vlt.f32 v21, v20;
	vm1 =	vmneg vm3  }
0x2c4: {  	vm2 =	vmneg vm8;
	v17 =	vtrunc.f32 v17;
	v20 =	vadd.s32 v23, v24  }
0x2c5: {  	v21 =	vsel vm1, $0x1, v1;
	v23 =	vsel vm2, $0x1, v1;
	v17 =	vcvt.f32.s32 v17  }
0x2c6: {  	v18 =	vadd.s32 v25, v18;
	v16 =	vadd.s32 v26, v16;
	v21 =	vadd.s32 v21, v23  }
0x2c7: {  	v18 =	vadd.s32 v17, v18;
	v25 =	vadd.s32 v17, v16;
	v16 =	vsel vm0, $0x1, v1  }
0x2c8: {  	vm0 =	vmneg vm0;
	vm3 =	vgt.s32 v18, $0x3;
	vm9 =	vgt.s32 v25, $0x3  }
0x2c9: {  	v16 =	vadd.s32 v16, v20;
	vm1 =	vlt.s32 v18, $0x0;
	vm2 =	vlt.s32 v25, $0x0  }
0x2ca: {  	v20 =	vsel vm3, $0xFFFFFFFC, v1;
	v26 =	vadd.s32 v17, v16;
	v16 =	vsel vm0, $0x1, v1  }
0x2cb: {  	v24 =	vsel vm9, $0xFFFFFFFC, v1;
	v20 =	vsel vm1, $0x4, v20;
	v21 =	vadd.s32 v16, v21  }
0x2cc: {  	v23 =	vsel vm2, $0x4, v24;
	vm0 =	vgt.s32 v26, $0x3;
	v24 =	vtrunc.f32 v11  }
0x2cd: {  	vm1 =	vlt.s32 v26, $0x0;
	v11 =	vadd.s32 v19, v20;
	v16 =	vadd.s32 v22, v23  }
0x2ce: {  	v19 =	vadd.s32 v17, v21;
	v17 =	vsel vm0, $0xFFFFFFFC, v1;
	v21 =	vcvt.f32.s32 v24  }
0x2cf: {  	v22 =	vsel vm1, $0x4, v17;
	v24 =	vcvt.s32.f32 v11;
	v27 =	vcvt.s32.f32 v16  }
0x2d0: {  	vm0 =	vgt.s32 v19, $0x3;
	vm1 =	vlt.s32 v19, $0x0;
	v17 =	vadd.s32 v21, v22  }
0x2d1: {  	v21 =	vsel vm0, $0xFFFFFFFC, v1;
	v12 =	vsub.f32 v12, v24;
	v13 =	vsub.f32 v13, v27  }
0x2d2: {  	v24 =	vadd.s32 v18, v20;
	v18 =	vsel vm1, $0x4, v21;
	v20 =	vcvt.s32.f32 v17  }
0x2d3: {  	v21 =	vadd.s32 v25, v23;
	v14 =	vadd.s32 v14, v18;
	vm0 =	veq.s32 v24, $0x3  }
0x2d4: {  	vm1 =	veq.s32 v21, $0x3;
	vm2 =	veq.s32 v24, $0x1;
	vm3 =	veq.s32 v21, $0x1  }
0x2d5: {  	vm10 =	veq.s32 v24, $0x2;
	vm11 =	veq.s32 v21, $0x2;
	v19 =	vadd.s32 v19, v18  }
0x2d6: {  	vm13 =	vgt.s32 v21, $0x2;
	vm14 =	vgt.s32 v21, $0x0;
	v12 =	vmul.f32 $2.500000000e-01, v12  }
0x2d7: {  	v13 =	vmul.f32 $2.500000000e-01, v13;
	v15 =	vsub.f32 v15, v20;
	v20 =	vadd.s32 v26, v22  }
0x2d8: {  	v14 =	vcvt.s32.f32 v14;
	vm15 =	veq.s32 v19, $0x2;
	vm12 =	veq.s32 v20, $0x3  }
0x2d9: {  	v15 =	vmul.f32 $2.500000000e-01, v15;
	v22 =	vnsel vm0, $0x0, v12;
	v23 =	vnsel vm1, $0x0, v13  }
0x2da: {  	v14 =	vsub.f32 v28, v14;
	vm0 =	veq.s32 v24, $0x0;
	vm1 =	veq.s32 v21, $0x0  }
0x2db: {  	v26 =	vnsel vm2, $0x0, v12;
	v27 =	vnsel vm3, $0x0, v13;
	vm2 =	veq.s32 v20, $0x2  }
0x2dc: {  	vm3 =	veq.s32 v19, $0x3;
	v28 =	vsel vm14, $0x7FFFF, v2;
	v22 =	vadd.f32 v23, v22  }
0x2dd: {  	v23 =	vnsel vm0, $0x0, v12;
	v25 =	vnsel vm1, $0x0, v13;
	v12 =	vnsel vm10, $0x0, v12  }
0x2de: {  	v13 =	vnsel vm11, $0x0, v13;
	vm0 =	veq.s32 v20, $0x0;
	vm1 =	veq.s32 v20, $0x1  }
0x2df: {  	v28 =	vadd.s32 v16, v28;
	v29 =	vmul.f32 $2.500000000e-01, v14;
	v14 =	vnsel vm12, $0x0, v15  }
0x2e0: {  	v18 =	vadd.f32 v25, v23;
	v12 =	vadd.f32 v13, v12;
	v13 =	vnsel vm0, $0x0, v15  }
0x2e1: {  	vm0 =	vlt.s32 v21, $0x2;
	v21 =	vnsel vm1, $0x0, v15;
	v15 =	vnsel vm2, $0x0, v15  }
0x2e2: {  	v25 =	vsel vm13, $0x7FFFD, v3;
	vm1 =	vlt.s32 v20, $0x2;
	vm2 =	vgt.s32 v20, $0x0  }
0x2e3: {  	v14 =	vadd.f32 v22, v14;
	v22 =	vadd.f32 v27, v26;
	v26 =	vsel vm0, $0x2, v4  }
0x2e4: {  	s30 =	sadd.s32 $0x2, s30;
	vm0 =	vgt.s32 v20, $0x2;
	v27 =	vsel vm1, $0x2, v4;
	vm1 =	vgt.s32 v24, $0x2  }
0x2e5: {  	p0 =	slt.u32 s30, $0xE;
	v23 =	vnsel vm3, $0x0, v29;
	v13 =	vadd.f32 v18, v13;
	v12 =	vadd.f32 v12, v15  }
.Ltmp1:
0x2e6: {  	v15 =	vadd.s32 v16, v26;
	v26 =	vsel vm0, $0x7FFFD, v3;
	vm0 =	veq.s32 v19, $0x0;
	(pc) =	sbr.rel @p0 .LBB2_6-.Ltmp1, $4  }
0x2e7: {  	vm3 =	veq.s32 v19, $0x1;
	v14 =	vadd.f32 v14, v23;
	v23 =	vadd.s32 v16, v25  }
0x2e8: {  	v18 =	vadd.f32 v22, v21;
	v25 =	vsel vm2, $0x7FFFF, v2;
	vm2 =	vlt.s32 v24, $0x2  }
0x2e9: {  	v22 =	vnsel vm0, $0x0, v29;
	v20 =	vnsel vm3, $0x0, v29;
	vm0 =	vgt.s32 v24, $0x0  }
0x2ea: {  	s3 =	sadd.s32 $0x20, s3;
	s25 =	smov.u32 s28;
	s26 =	smov.u32 s29;
	v21 =	vnsel vm15, $0x0, v29;
	v15 =	vmul.u32 $0x779B1, v15;
	v19 =	vmul.u32 $0x779B1, v23  }
0x2eb: {  	v23 =	vadd.s32 v17, v26;
	v24 =	vadd.s32 v17, v27  }
0x2ec: {  	v26 =	vmul.u32 $0x779B1, v28;
	v27 =	vsel vm1, $0x7FFFD, v3;
	v28 =	vsel vm2, $0x2, v4  }
0x2ed: {  	v25 =	vadd.s32 v17, v25;
	v16 =	vmul.u32 $0x779B1, v16;
	v17 =	vmul.u32 $0x25795, v17  }
0x2ee: {  	v29 =	vsel vm0, $0x7FFFF, v2;
	v13 =	vadd.f32 v13, v22;
	v22 =	vadd.f32 $1.000000000e+00, v14  }
0x2ef: {  	v18 =	vadd.f32 v18, v20;
	v12 =	vadd.f32 v12, v21;
	v16 =	vxor.u32 v16, v17  }
0x2f0: {  	v23 =	vmul.u32 $0x25795, v23;
	v17 =	vadd.s32 v11, v27;
	v16 =	vxor.u32 v11, v16  }
0x2f1: {  	v17 =	vxor.u32 v17, v19;
	v19 =	vsub.f32 v22, v13;
	v16 =	vand.u32 $0x7FFFF, v16  }
0x2f2: {  	v20 =	vmul.u32 $0x25795, v24;
	v21 =	vadd.s32 v11, v28;
	v17 =	vxor.u32 v23, v17;
	[tilespmem:s25+$0xFFFFFE00] =	vst v16  }
0x2f3: {  	v15 =	vxor.u32 v21, v15;
	v14 =	vsub.f32 v12, v14;
	v16 =	vand.u32 $0x7FFFF, v17;
	[tilespmem:s26+$0xFFFFFE00] =	vst v19  }
0x2f4: {  	v11 =	vadd.s32 v11, v29;
	v15 =	vxor.u32 v20, v15;
	v17 =	vmul.u32 $0x25795, v25;
	[tilespmem:s25+$0xFFFFFF00] =	vst v16  }
0x2f5: {  	v12 =	vsub.f32 v18, v12;
	v11 =	vxor.u32 v11, v26;
	v15 =	vand.u32 $0x7FFFF, v15;
	[tilespmem:s26+$0xFFFFFF00] =	vst v14  }
0x2f6: {  	v11 =	vxor.u32 v17, v11;
	[tilespmem:s25+$0x0] =	vst v15  }
0x2f7: {  	v13 =	vsub.f32 v13, v18;
	v11 =	vand.u32 $0x7FFFF, v11;
	[tilespmem:s26+$0x0] =	vst v12  }
0x2f8: {  	[tilespmem:s25+$0x100] =	vst v11  }
0x2f9: {  	s3 =	simm.s32 $0x6460;
	s13 =	simm.s32 $0x8460;
	[tilespmem:s26+$0x100] =	vst v13  }
0x2fa: {  	[tilespmem:s13], [sflag:$0x2] =	stream.indirect.gather [spmem:s6], $0x1, s3, s21, $0xb8;
	[tilespmem:$0x11860] =	vst v63  }
0x2fb: {  	v11 =	vld [tilespmem:s16+$0x0]  }
0x2fc: {  	v12 =	vld [tilespmem:s14+$0x0]  }
0x2fd: {  	v13 =	vld [tilespmem:s20+$0x0];
	_ =	sdelay $0x3  }
0x2fe: {  	v12 =	vmul.f32 v12, v6  }
0x2ff: {  	v11 =	vmul.f32 v11, v5;
	v13 =	vmul.f32 v13, v7  }
0x300: {  	v14 =	vld [tilespmem:s14+$0xFFFFFFF0];
	v12 =	vadd.f32 v12, v9  }
0x301: {  	v15 =	vld [tilespmem:s20+$0xFFFFFFF0];
	v11 =	vadd.f32 v11, v8;
	v13 =	vadd.f32 v13, v10  }
0x302: {  	v16 =	vadd.f32 v12, v12  }
0x303: {  	v19 =	vld [tilespmem:s16+$0xFFFFFFF0];
	v17 =	vadd.f32 v12, v11;
	v18 =	vadd.f32 v13, v13  }
0x304: {  	v12 =	vadd.f32 v13, v12;
	v16 =	vsub.f32 v13, v16  }
0x305: {  	v17 =	vadd.f32 v13, v17;
	v13 =	vadd.f32 v18, v13  }
0x306: {  	v14 =	vmul.f32 v14, v6;
	v20 =	vmul.f32 v15, v7;
	v18 =	vsub.f32 v12, v11  }
0x307: {  	v11 =	vmul.f32 $2.500000000e-01, v16;
	v15 =	vsub.f32 $0.0e+00, v13;
	v13 =	vmul.f32 $2.500000000e-01, v17  }
0x308: {  	v14 =	vadd.f32 v14, v9;
	v12 =	vmul.f32 v19, v5;
	v19 =	vmul.f32 $2.500000000e-01, v18  }
0x309: {  	v20 =	vadd.f32 v20, v10;
	v21 =	vtrunc.f32 v11;
	v22 =	vtrunc.f32 v13  }
0x30a: {  	v24 =	vadd.f32 v12, v8;
	v23 =	vmul.f32 $2.500000000e-01, v15;
	v12 =	vtrunc.f32 v19  }
0x30b: {  	v27 =	vadd.f32 v20, v14;
	v21 =	vcvt.f32.s32 v21;
	v22 =	vcvt.f32.s32 v22  }
0x30c: {  	v25 =	vcvt.f32.s32 v12;
	v12 =	vadd.f32 v14, v24;
	v26 =	vtrunc.f32 v23  }
0x30d: {  	v14 =	vadd.f32 v14, v14;
	v21 =	vcvt.s32.f32 v21;
	v22 =	vcvt.s32.f32 v22  }
0x30e: {  	v26 =	vcvt.f32.s32 v26;
	v12 =	vadd.f32 v20, v12;
	v25 =	vcvt.s32.f32 v25  }
0x30f: {  	v14 =	vsub.f32 v20, v14;
	vm0 =	vlt.f32 v11, v21;
	vm1 =	vlt.f32 v13, v22  }
0x310: {  	v26 =	vcvt.s32.f32 v26;
	v61 =	vmul.f32 $2.500000000e-01, v12;
	v11 =	vsel vm0, $0x3F800000, v0  }
0x311: {  	v13 =	vsel vm1, $0x3F800000, v0;
	vm0 =	vlt.f32 v19, v25;
	v11 =	vsub.f32 v21, v11  }
0x312: {  	v19 =	vsub.f32 v22, v13;
	v13 =	vsel vm0, $0x3F800000, v0;
	vm0 =	vlt.f32 v23, v26  }
0x313: {  	v21 =	vsub.f32 v25, v13;
	v22 =	vsel vm0, $0x3F800000, v0;
	v11 =	vmul.f32 $4.000000000e+00, v11  }
0x314: {  	v63 =	vtrunc.f32 v61;
	v19 =	vmul.f32 $4.000000000e+00, v19;
	v22 =	vsub.f32 v26, v22  }
0x315: {  	v13 =	vsub.f32 v27, v24;
	v21 =	vmul.f32 $4.000000000e+00, v21;
	v23 =	vsub.f32 v16, v11  }
0x316: {  	v24 =	vadd.f32 v20, v20;
	v25 =	vsub.f32 v17, v19;
	v22 =	vmul.f32 $4.000000000e+00, v22  }
0x317: {  	v62 =	vmul.f32 $2.500000000e-01, v13;
	v26 =	vsub.f32 v18, v21;
	vm0 =	vgt.f32 v23, $2.000000000e+00  }
0x318: {  	vm1 =	vgt.f32 v25, $2.000000000e+00;
	v25 =	vsub.f32 v15, v22;
	v23 =	vsel vm0, $0x40800000, v0  }
0x319: {  	v27 =	vsel vm1, $0x40800000, v0;
	vm0 =	vgt.f32 v26, $2.000000000e+00;
	v23 =	vadd.f32 v23, v11  }
0x31a: {  	v19 =	vadd.f32 v27, v19;
	v26 =	vsel vm0, $0x40800000, v0;
	vm0 =	vgt.f32 v25, $2.000000000e+00  }
0x31b: {  	v11 =	vadd.f32 v24, v20;
	v20 =	vadd.f32 v26, v21;
	v21 =	vsel vm0, $0x40800000, v0  }
0x31c: {  	v24 =	vtrunc.f32 v23;
	v25 =	vsub.f32 v17, v19;
	v26 =	vsub.f32 v16, v23  }
0x31d: {  	v27 =	vtrunc.f32 v19;
	v21 =	vadd.f32 v21, v22;
	v22 =	vsub.f32 v18, v20  }
0x31e: {  	v28 =	vtrunc.f32 v20;
	v19 =	vadd.f32 v20, v19;
	v20 =	vcvt.f32.s32 v27  }
0x31f: {  	v24 =	vcvt.f32.s32 v24;
	vm0 =	vlt.f32 v25, v26;
	v27 =	vcvt.f32.s32 v28  }
0x320: {  	v28 =	vtrunc.f32 v21;
	v29 =	vsub.f32 v15, v21;
	vm1 =	vlt.f32 v25, v22  }
0x321: {  	vm2 =	vlt.f32 v22, v26;
	v19 =	vadd.f32 v19, v23;
	v23 =	vsel vm0, $0x1, v1  }
0x322: {  	vm0 =	vmneg vm0;
	v28 =	vcvt.f32.s32 v28;
	v30 =	vsel vm1, $0x1, v1  }
0x323: {  	v31 =	vsel vm0, $0x1, v1;
	vm0 =	vmneg vm2;
	vm1 =	vmneg vm1  }
0x324: {  	v32 =	vsel vm2, $0x1, v1;
	vm2 =	vlt.f32 v25, v29;
	v23 =	vadd.s32 v23, v30  }
0x325: {  	v30 =	vsel vm0, $0x1, v1;
	vm0 =	vlt.f32 v26, v29;
	v19 =	vadd.f32 v19, v21  }
0x326: {  	v21 =	vsel vm1, $0x1, v1;
	vm1 =	vmneg vm2;
	v25 =	vsel vm2, $0x1, v1  }
0x327: {  	vm2 =	vlt.f32 v22, v29;
	v22 =	vsel vm0, $0x1, v1;
	vm0 =	vmneg vm0  }
0x328: {  	v26 =	vsel vm2, $0x1, v1;
	vm2 =	vmneg vm2;
	v19 =	vmul.f32 $2.500000000e-01, v19  }
0x329: {  	v29 =	vadd.s32 v31, v30;
	v30 =	vsel vm1, $0x1, v1;
	v21 =	vadd.s32 v21, v32  }
0x32a: {  	v23 =	vadd.s32 v25, v23;
	v31 =	vsel vm2, $0x1, v1;
	v19 =	vtrunc.f32 v19  }
0x32b: {  	v33 =	vsel vm0, $0x1, v1;
	v30 =	vadd.s32 v30, v31;
	v19 =	vcvt.f32.s32 v19  }
0x32c: {  	v22 =	vadd.s32 v22, v29;
	v21 =	vadd.s32 v26, v21;
	v29 =	vadd.s32 v33, v30  }
0x32d: {  	v25 =	vadd.s32 v19, v29;
	v23 =	vadd.s32 v19, v23;
	v22 =	vadd.s32 v19, v22  }
0x32e: {  	v19 =	vadd.s32 v19, v21;
	vm0 =	vlt.s32 v22, $0x0;
	vm1 =	vgt.s32 v25, $0x3  }
0x32f: {  	vm2 =	vgt.s32 v23, $0x3;
	v21 =	vsel vm1, $0xFFFFFFFC, v1;
	vm1 =	vgt.s32 v19, $0x3  }
0x330: {  	v26 =	vsel vm2, $0xFFFFFFFC, v1;
	vm2 =	vgt.s32 v22, $0x3;
	v29 =	vsel vm1, $0xFFFFFFFC, v1  }
0x331: {  	vm1 =	vlt.s32 v25, $0x0;
	v30 =	vsel vm2, $0xFFFFFFFC, v1;
	vm2 =	vlt.s32 v23, $0x0  }
0x332: {  	v26 =	vsel vm2, $0x4, v26;
	vm2 =	vlt.s32 v19, $0x0;
	v30 =	vsel vm0, $0x4, v30  }
0x333: {  	v21 =	vsel vm1, $0x4, v21;
	v29 =	vsel vm2, $0x4, v29;
	v22 =	vadd.s32 v22, v30  }
0x334: {  	v25 =	vadd.s32 v25, v21;
	v23 =	vadd.s32 v23, v26;
	v21 =	vadd.s32 v28, v21  }
0x335: {  	v20 =	vadd.s32 v20, v26;
	v24 =	vadd.s32 v24, v30;
	v19 =	vadd.s32 v19, v29  }
0x336: {  	v26 =	vadd.s32 v27, v29;
	vm0 =	veq.s32 v25, $0x0;
	v28 =	vmul.u32 $0x25795, v24  }
0x337: {  	vm1 =	vgt.s32 v23, $0x2;
	vm2 =	vlt.s32 v23, $0x2;
	v34 =	vcvt.s32.f32 v20  }
0x338: {  	v35 =	vcvt.s32.f32 v24;
	v21 =	vcvt.s32.f32 v21;
	v27 =	vmul.u32 $0x779B1, v26  }
0x339: {  	v29 =	vsel vm1, $0x7FFFD, v3;
	vm1 =	vgt.s32 v22, $0x2;
	v30 =	vsel vm2, $0x2, v4  }
0x33a: {  	vm2 =	vgt.s32 v23, $0x0;
	v37 =	vcvt.s32.f32 v26;
	vm3 =	veq.s32 v19, $0x1  }
0x33b: {  	v31 =	vsel vm1, $0x7FFFD, v3;
	vm1 =	vlt.s32 v22, $0x2;
	v55 =	vsel vm2, $0x7FFFF, v2  }
0x33c: {  	vm2 =	vgt.s32 v19, $0x2;
	v16 =	vsub.f32 v16, v35;
	v17 =	vsub.f32 v17, v34  }
0x33d: {  	v15 =	vsub.f32 v15, v21;
	v29 =	vadd.s32 v20, v29;
	v30 =	vadd.s32 v20, v30  }
0x33e: {  	v54 =	vsel vm1, $0x2, v4;
	v36 =	vsel vm2, $0x7FFFD, v3;
	vm2 =	vlt.s32 v19, $0x2  }
0x33f: {  	vm1 =	vgt.s32 v22, $0x0;
	v18 =	vsub.f32 v18, v37;
	v38 =	vsel vm2, $0x2, v4  }
0x340: {  	vm2 =	veq.s32 v22, $0x0;
	v56 =	vsel vm1, $0x7FFFF, v2;
	v16 =	vmul.f32 $2.500000000e-01, v16  }
0x341: {  	vm1 =	vgt.s32 v19, $0x0;
	v17 =	vmul.f32 $2.500000000e-01, v17;
	v15 =	vmul.f32 $2.500000000e-01, v15  }
0x342: {  	v59 =	vadd.s32 v26, v36;
	v57 =	vsel vm1, $0x7FFFF, v2;
	vm1 =	veq.s32 v23, $0x3  }
0x343: {  	v18 =	vmul.f32 $2.500000000e-01, v18;
	v60 =	vadd.s32 v26, v38;
	v32 =	vmul.u32 $0x779B1, v59  }
0x344: {  	v58 =	vnsel vm2, $0x0, v16;
	vm2 =	veq.s32 v19, $0x3;
	v39 =	vnsel vm1, $0x0, v17  }
0x345: {  	vm1 =	veq.s32 v23, $0x0;
	v26 =	vadd.s32 v26, v57;
	v34 =	vmul.u32 $0x779B1, v60  }
0x346: {  	v40 =	vnsel vm2, $0x0, v18;
	vm2 =	veq.s32 v22, $0x2;
	v41 =	vnsel vm1, $0x0, v17  }
0x347: {  	vm1 =	veq.s32 v19, $0x0;
	v26 =	vmul.u32 $0x779B1, v26;
	v42 =	vnsel vm2, $0x0, v16  }
0x348: {  	vm2 =	veq.s32 v23, $0x2;
	v21 =	vnsel vm1, $0x0, v18;
	vm1 =	veq.s32 v22, $0x3  }
0x349: {  	v43 =	vnsel vm2, $0x0, v17;
	vm2 =	veq.s32 v19, $0x2;
	v44 =	vnsel vm1, $0x0, v16  }
0x34a: {  	vm1 =	veq.s32 v23, $0x1;
	v21 =	vadd.f32 v21, v41;
	v23 =	vnsel vm2, $0x0, v18  }
0x34b: {  	vm2 =	veq.s32 v25, $0x3;
	v17 =	vnsel vm1, $0x0, v17;
	vm1 =	veq.s32 v25, $0x1  }
0x34c: {  	v18 =	vnsel vm3, $0x0, v18;
	v19 =	vnsel vm2, $0x0, v15;
	vm2 =	veq.s32 v25, $0x2  }
0x34d: {  	v25 =	vnsel vm0, $0x0, v15;
	vm0 =	veq.s32 v22, $0x1;
	v22 =	vxor.u32 v27, v28  }
0x34e: {  	v27 =	vadd.s32 v24, v31;
	v28 =	vadd.s32 v24, v54;
	v31 =	vadd.f32 v40, v39  }
0x34f: {  	v24 =	vadd.s32 v24, v56;
	v23 =	vadd.f32 v23, v43;
	v21 =	vadd.f32 v21, v58  }
0x350: {  	v17 =	vadd.f32 v18, v17;
	v22 =	vxor.u32 v20, v22;
	v27 =	vmul.u32 $0x25795, v27  }
0x351: {  	v28 =	vmul.u32 $0x25795, v28;
	v16 =	vnsel vm0, $0x0, v16;
	v31 =	vadd.f32 v31, v44  }
0x352: {  	v24 =	vmul.u32 $0x25795, v24;
	v18 =	vadd.f32 v23, v42;
	v23 =	vadd.f32 v21, v25  }
0x353: {  	v16 =	vadd.f32 v17, v16;
	v17 =	vnsel vm2, $0x0, v15;
	v15 =	vnsel vm1, $0x0, v15  }
0x354: {  	v25 =	vsub.f32 $0.0e+00, v11;
	v11 =	vtrunc.f32 v62;
	v31 =	vadd.f32 v31, v19  }
0x355: {  	v11 =	vcvt.f32.s32 v11;
	v19 =	vand.u32 $0x7FFFF, v22;
	v17 =	vadd.f32 v18, v17  }
0x356: {  	v22 =	vxor.u32 v29, v32;
	v16 =	vadd.f32 v16, v15;
	v21 =	vadd.f32 $1.000000000e+00, v31  }
0x357: {  	v29 =	vcvt.f32.s32 v63;
	v11 =	vcvt.s32.f32 v11;
	v15 =	vsub.f32 v17, v31  }
0x358: {  	v18 =	vsub.f32 v21, v23;
	v21 =	vxor.u32 v27, v22;
	v27 =	vmul.f32 $2.500000000e-01, v14  }
0x359: {  	v31 =	vadd.s32 v20, v55;
	v29 =	vcvt.s32.f32 v29;
	v22 =	vxor.u32 v30, v34  }
0x35a: {  	v30 =	vmul.f32 $2.500000000e-01, v25;
	v22 =	vxor.u32 v28, v22;
	v28 =	vtrunc.f32 v27  }
0x35b: {  	v20 =	vsub.f32 v16, v17;
	vm1 =	vlt.f32 v62, v11;
	v17 =	vcvt.f32.s32 v28  }
0x35c: {  	vm0 =	vlt.f32 v61, v29;
	v39 =	vsel vm1, $0x3F800000, v0;
	v28 =	vtrunc.f32 v30  }
0x35d: {  	v38 =	vsel vm0, $0x3F800000, v0;
	v28 =	vcvt.f32.s32 v28;
	v17 =	vcvt.s32.f32 v17  }
0x35e: {  	v26 =	vxor.u32 v31, v26;
	v11 =	vsub.f32 v11, v39;
	v29 =	vsub.f32 v29, v38  }
0x35f: {  	v24 =	vxor.u32 v24, v26;
	v28 =	vcvt.s32.f32 v28;
	vm0 =	vlt.f32 v27, v17  }
0x360: {  	v11 =	vmul.f32 $4.000000000e+00, v11;
	v27 =	vmul.f32 $4.000000000e+00, v29;
	v29 =	vsel vm0, $0x3F800000, v0  }
0x361: {  	v23 =	vsub.f32 v23, v16;
	vm0 =	vlt.f32 v30, v28;
	v17 =	vsub.f32 v17, v29  }
0x362: {  	v30 =	vsub.f32 v13, v11;
	v29 =	vsub.f32 v12, v27;
	v31 =	vsel vm0, $0x3F800000, v0  }
0x363: {  	v21 =	vand.u32 $0x7FFFF, v21;
	v26 =	vsub.f32 v28, v31;
	v17 =	vmul.f32 $4.000000000e+00, v17  }
0x364: {  	v24 =	vand.u32 $0x7FFFF, v24;
	vm1 =	vgt.f32 v30, $2.000000000e+00;
	vm0 =	vgt.f32 v29, $2.000000000e+00  }
0x365: {  	v16 =	vsel vm0, $0x40800000, v0;
	v26 =	vmul.f32 $4.000000000e+00, v26;
	v28 =	vsub.f32 v14, v17  }
0x366: {  	v22 =	vand.u32 $0x7FFFF, v22;
	v16 =	vadd.f32 v16, v27;
	v27 =	vsel vm1, $0x40800000, v0  }
0x367: {  	v11 =	vadd.f32 v27, v11;
	v27 =	vsub.f32 v25, v26;
	vm0 =	vgt.f32 v28, $2.000000000e+00  }
0x368: {  	v29 =	vsub.f32 v12, v16;
	v30 =	vtrunc.f32 v16;
	v28 =	vsel vm0, $0x40800000, v0  }
0x369: {  	vm0 =	vgt.f32 v27, $2.000000000e+00;
	v16 =	vadd.f32 v11, v16;
	v17 =	vadd.f32 v28, v17  }
0x36a: {  	v27 =	vsel vm0, $0x40800000, v0;
	v28 =	vsub.f32 v13, v11;
	v11 =	vtrunc.f32 v11  }
0x36b: {  	v26 =	vadd.f32 v27, v26;
	v27 =	vcvt.f32.s32 v30;
	v31 =	vcvt.f32.s32 v11  }
0x36c: {  	v16 =	vadd.f32 v16, v17;
	v30 =	vsub.f32 v14, v17;
	vm0 =	vlt.f32 v29, v28  }
0x36d: {  	v17 =	vtrunc.f32 v17;
	vm1 =	vmneg vm0;
	v41 =	vsel vm0, $0x1, v1  }
0x36e: {  	v17 =	vcvt.f32.s32 v17;
	v11 =	vadd.f32 v16, v26;
	v16 =	vsub.f32 v25, v26  }
0x36f: {  	v40 =	vsel vm1, $0x1, v1;
	vm1 =	vlt.f32 v29, v30;
	vm2 =	vlt.f32 v28, v30  }
0x370: {  	v26 =	vtrunc.f32 v26;
	vm0 =	vmneg vm1;
	v42 =	vsel vm1, $0x1, v1  }
0x371: {  	v26 =	vcvt.f32.s32 v26;
	v11 =	vmul.f32 $2.500000000e-01, v11;
	vm1 =	vlt.f32 v29, v16  }
0x372: {  	v29 =	vsel vm0, $0x1, v1;
	vm0 =	vlt.f32 v28, v16;
	v28 =	vsel vm2, $0x1, v1  }
0x373: {  	vm2 =	vmneg vm2;
	v43 =	vsel vm1, $0x1, v1;
	v44 =	vsel vm0, $0x1, v1  }
0x374: {  	v28 =	vadd.s32 v40, v28;
	v46 =	vsel vm2, $0x1, v1;
	vm2 =	vlt.f32 v30, v16  }
0x375: {  	vm1 =	vmneg vm1;
	vm0 =	vmneg vm0;
	v11 =	vtrunc.f32 v11  }
0x376: {  	v16 =	vadd.s32 v29, v46;
	v45 =	vcvt.f32.s32 v11;
	v11 =	vadd.s32 v42, v41  }
0x377: {  	v29 =	vsel vm1, $0x1, v1;
	v30 =	vsel vm0, $0x1, v1;
	v11 =	vadd.s32 v43, v11  }
0x378: {  	v28 =	vadd.s32 v44, v28;
	v29 =	vadd.s32 v29, v30;
	v47 =	vadd.s32 v45, v11  }
0x379: {  	v28 =	vadd.s32 v45, v28;
	v11 =	vsel vm2, $0x1, v1;
	vm2 =	vmneg vm2  }
0x37a: {  	vm1 =	vgt.s32 v47, $0x3;
	vm0 =	vgt.s32 v28, $0x3;
	v11 =	vadd.s32 v11, v16  }
0x37b: {  	v16 =	vsel vm1, $0xFFFFFFFC, v1;
	v48 =	vsel vm0, $0xFFFFFFFC, v1;
	v49 =	vadd.s32 v45, v11  }
0x37c: {  	vm0 =	vlt.s32 v47, $0x0;
	vm1 =	vlt.s32 v28, $0x0;
	v11 =	vsel vm2, $0x1, v1  }
0x37d: {  	v30 =	vsel vm0, $0x4, v16;
	v29 =	vadd.s32 v11, v29;
	v32 =	vsel vm1, $0x4, v48  }
0x37e: {  	vm0 =	vgt.s32 v49, $0x3;
	vm1 =	vlt.s32 v49, $0x0;
	v11 =	vadd.s32 v27, v30  }
0x37f: {  	v16 =	vadd.s32 v31, v32;
	v27 =	vadd.s32 v45, v29;
	v29 =	vsel vm0, $0xFFFFFFFC, v1  }
0x380: {  	v30 =	vadd.s32 v47, v30;
	v28 =	vadd.s32 v28, v32;
	v29 =	vsel vm1, $0x4, v29  }
0x381: {  	v31 =	vcvt.s32.f32 v11;
	vm0 =	vgt.s32 v27, $0x3;
	v50 =	vcvt.s32.f32 v16  }
0x382: {  	vm1 =	vlt.s32 v27, $0x0;
	vm2 =	veq.s32 v30, $0x1;
	v17 =	vadd.s32 v17, v29  }
0x383: {  	v51 =	vsel vm0, $0xFFFFFFFC, v1;
	v29 =	vadd.s32 v49, v29;
	vm0 =	veq.s32 v30, $0x3  }
0x384: {  	v12 =	vsub.f32 v12, v31;
	v31 =	vsel vm1, $0x4, v51;
	v52 =	vcvt.s32.f32 v17  }
0x385: {  	v13 =	vsub.f32 v13, v50;
	vm1 =	veq.s32 v28, $0x3;
	v26 =	vadd.s32 v26, v31  }
0x386: {  	v31 =	vadd.s32 v27, v31;
	v12 =	vmul.f32 $2.500000000e-01, v12;
	v14 =	vsub.f32 v14, v52  }
0x387: {  	v13 =	vmul.f32 $2.500000000e-01, v13;
	v26 =	vcvt.s32.f32 v26;
	vm3 =	veq.s32 v31, $0x1  }
0x388: {  	vm4 =	veq.s32 v31, $0x2;
	v14 =	vmul.f32 $2.500000000e-01, v14;
	v53 =	vnsel vm0, $0x0, v12  }
0x389: {  	v54 =	vnsel vm1, $0x0, v13;
	v25 =	vsub.f32 v25, v26;
	vm0 =	veq.s32 v30, $0x0  }
0x38a: {  	vm1 =	veq.s32 v28, $0x0;
	v57 =	vnsel vm2, $0x0, v12;
	vm2 =	veq.s32 v28, $0x2  }
0x38b: {  	v26 =	vadd.f32 v54, v53;
	v55 =	vnsel vm0, $0x0, v12;
	vm0 =	veq.s32 v28, $0x1  }
0x38c: {  	v56 =	vnsel vm1, $0x0, v13;
	vm1 =	veq.s32 v30, $0x2;
	v58 =	vnsel vm0, $0x0, v13  }
0x38d: {  	s28 =	simm.s32 $0x6A60;
	vm0 =	veq.s32 v29, $0x3;
	v12 =	vnsel vm1, $0x0, v12;
	v13 =	vnsel vm2, $0x0, v13  }
0x38e: {  	s29 =	simm.s32 $0x7A60;
	[tilespmem:s28+$0xFFFFFE10] =	vst v19;
	v59 =	vmul.f32 $2.500000000e-01, v25;
	v27 =	vadd.f32 v56, v55;
	vm1 =	veq.s32 v29, $0x1  }
0x38f: {  	[tilespmem:s29+$0xFFFFFE10] =	vst v18;
	vm2 =	veq.s32 v29, $0x2;
	v25 =	vnsel vm0, $0x0, v14;
	vm0 =	veq.s32 v29, $0x0  }
0x390: {  	[tilespmem:s28+$0xFFFFFF10] =	vst v21;
	v12 =	vadd.f32 v13, v12;
	v60 =	vnsel vm1, $0x0, v14;
	vm1 =	vgt.s32 v28, $0x2  }
0x391: {  	[tilespmem:s29+$0xFFFFFF10] =	vst v15;
	v61 =	vnsel vm2, $0x0, v14;
	vm2 =	vlt.s32 v28, $0x2;
	v25 =	vadd.f32 v26, v25  }
0x392: {  	[tilespmem:s28+$0x10] =	vst v22;
	v26 =	vadd.f32 v58, v57;
	v13 =	vnsel vm0, $0x0, v14;
	vm0 =	veq.s32 v31, $0x3  }
0x393: {  	[tilespmem:s29+$0x10] =	vst v20;
	v62 =	vsel vm2, $0x2, v4;
	vm2 =	vgt.s32 v29, $0x0;
	v20 =	vnsel vm3, $0x0, v59  }
0x394: {  	v21 =	vnsel vm4, $0x0, v59;
	v14 =	vnsel vm0, $0x0, v59;
	vm0 =	vgt.s32 v28, $0x0  }
0x395: {  	v28 =	vsel vm1, $0x7FFFD, v3;
	vm1 =	vlt.s32 v29, $0x2;
	v13 =	vadd.f32 v27, v13  }
0x396: {  	v12 =	vadd.f32 v12, v61;
	v63 =	vsel vm0, $0x7FFFF, v2;
	vm0 =	vgt.s32 v29, $0x2  }
0x397: {  	v14 =	vadd.f32 v25, v14;
	v19 =	vadd.s32 v16, v28;
	v18 =	vadd.f32 v26, v60  }
0x398: {  	v29 =	vadd.s32 v16, v62;
	v27 =	vsel vm1, $0x2, v4;
	v25 =	vsel vm2, $0x7FFFF, v2  }
0x399: {  	vm1 =	vgt.s32 v30, $0x2;
	vm2 =	vlt.s32 v30, $0x2;
	v26 =	vsel vm0, $0x7FFFD, v3  }
0x39a: {  	s30 =	simm.s32 $0x0;
	s18 =	smov.u32 s14;
	s25 =	simm.s32 $0x6A60;
	[tilespmem:s28+$0x110] =	vst v24;
	v28 =	vadd.s32 v16, v63;
	vm0 =	veq.s32 v31, $0x0;
	v19 =	vmul.u32 $0x779B1, v19  }
0x39b: {  	s26 =	simm.s32 $0x7A60;
	s3 =	sadd.s32 $0x20, s16;
	s13 =	smov.u32 s20;
	[tilespmem:s29+$0x110] =	vst v23;
	v15 =	vmul.u32 $0x779B1, v29;
	v22 =	vnsel vm0, $0x0, v59;
	vm0 =	vgt.s32 v30, $0x0  }
.LBB2_8:
0x39c: {  	v23 =	vld [tilespmem:s3+$0x0];
	v24 =	vadd.s32 v17, v26;
	s18 =	sadd.s32 $0x20, s18  }
0x39d: {  	v26 =	vadd.s32 v17, v27;
	v27 =	vmul.u32 $0x779B1, v28;
	v29 =	vsel vm1, $0x7FFFD, v3;
	s13 =	sadd.s32 $0x20, s13;
	v28 =	vld [tilespmem:s18+$0x0]  }
0x39e: {  	v30 =	vsel vm2, $0x2, v4;
	v25 =	vadd.s32 v17, v25;
	v32 =	vmul.u32 $0x779B1, v16;
	v31 =	vld [tilespmem:s13+$0x0]  }
0x39f: {  	v33 =	vmul.u32 $0x25795, v17;
	v34 =	vsel vm0, $0x7FFFF, v2;
	v35 =	vld [tilespmem:s18+$0xFFFFFFF0];
	v17 =	vadd.f32 v13, v22  }
0x3a0: {  	v13 =	vmul.u32 $0x25795, v24;
	v18 =	vadd.f32 v18, v20;
	v20 =	vadd.f32 v12, v21  }
0x3a1: {  	v12 =	vmul.u32 $0x25795, v26;
	v21 =	vld [tilespmem:s3+$0xFFFFFFF0];
	v26 =	vadd.s32 v11, v29;
	v29 =	vadd.s32 v11, v30  }
0x3a2: {  	v24 =	vld [tilespmem:s13+$0xFFFFFFF0];
	v16 =	vmul.u32 $0x25795, v25;
	v26 =	vxor.u32 v26, v19;
	v25 =	vmul.f32 v28, v6  }
0x3a3: {  	v19 =	vadd.s32 v11, v34;
	v23 =	vmul.f32 v23, v5;
	v28 =	vmul.f32 v31, v7  }
0x3a4: {  	v15 =	vxor.u32 v29, v15;
	v29 =	vmul.f32 v35, v6;
	v25 =	vadd.f32 v25, v9  }
0x3a5: {  	v19 =	vxor.u32 v19, v27;
	v31 =	vadd.f32 v23, v8;
	v28 =	vadd.f32 v28, v10  }
0x3a6: {  	v43 =	vmul.f32 v21, v5;
	v35 =	vadd.f32 v29, v9;
	v21 =	vadd.f32 v25, v25  }
0x3a7: {  	v27 =	vmul.f32 v24, v7;
	v29 =	vadd.f32 v25, v31;
	v36 =	vadd.f32 v28, v28  }
0x3a8: {  	v24 =	vxor.u32 v32, v33;
	v25 =	vadd.f32 v28, v25;
	v30 =	vsub.f32 v28, v21  }
0x3a9: {  	v23 =	vxor.u32 v13, v26;
	v29 =	vadd.f32 v28, v29;
	v13 =	vadd.f32 v36, v28  }
0x3aa: {  	v27 =	vadd.f32 v27, v10;
	v31 =	vsub.f32 v25, v31;
	v26 =	vmul.f32 $2.500000000e-01, v30  }
0x3ab: {  	v21 =	vxor.u32 v12, v15;
	v32 =	vsub.f32 $0.0e+00, v13;
	v28 =	vmul.f32 $2.500000000e-01, v29  }
0x3ac: {  	v15 =	vadd.f32 v43, v8;
	v44 =	vmul.f32 $2.500000000e-01, v31;
	v13 =	vtrunc.f32 v26  }
0x3ad: {  	v25 =	vadd.f32 v27, v35;
	v45 =	vtrunc.f32 v28;
	v46 =	vmul.f32 $2.500000000e-01, v32  }
0x3ae: {  	v12 =	vadd.f32 v35, v15;
	v37 =	vtrunc.f32 v44;
	v38 =	vcvt.f32.s32 v13  }
0x3af: {  	v13 =	vsub.f32 v25, v15;
	v15 =	vcvt.f32.s32 v45;
	v47 =	vcvt.f32.s32 v37  }
0x3b0: {  	v25 =	vtrunc.f32 v46;
	v48 =	vcvt.s32.f32 v38  }
0x3b1: {  	v15 =	vcvt.s32.f32 v15;
	v39 =	vcvt.f32.s32 v25  }
0x3b2: {  	v22 =	vadd.f32 $1.000000000e+00, v14;
	v34 =	vcvt.s32.f32 v47;
	vm0 =	vlt.f32 v26, v48  }
0x3b3: {  	vm1 =	vlt.f32 v28, v15;
	v28 =	vcvt.s32.f32 v39;
	v26 =	vsel vm0, $0x3F800000, v0  }
0x3b4: {  	v50 =	vsel vm1, $0x3F800000, v0;
	vm0 =	vlt.f32 v44, v34;
	v26 =	vsub.f32 v48, v26  }
0x3b5: {  	v15 =	vsub.f32 v15, v50;
	v33 =	vsel vm0, $0x3F800000, v0;
	vm0 =	vlt.f32 v46, v28  }
0x3b6: {  	v49 =	vadd.f32 v27, v27;
	v33 =	vsub.f32 v34, v33;
	v36 =	vsel vm0, $0x3F800000, v0  }
0x3b7: {  	v51 =	vmul.f32 $4.000000000e+00, v26;
	v52 =	vmul.f32 $4.000000000e+00, v15;
	v36 =	vsub.f32 v28, v36  }
0x3b8: {  	v35 =	vadd.f32 v35, v35;
	v12 =	vadd.f32 v27, v12;
	v33 =	vmul.f32 $4.000000000e+00, v33  }
0x3b9: {  	v53 =	vsub.f32 v30, v51;
	v54 =	vsub.f32 v29, v52;
	v36 =	vmul.f32 $4.000000000e+00, v36  }
0x3ba: {  	v25 =	vmul.f32 $2.500000000e-01, v12;
	v15 =	vsub.f32 v27, v35;
	v55 =	vsub.f32 v31, v33  }
0x3bb: {  	vm0 =	vgt.f32 v53, $2.000000000e+00;
	vm1 =	vgt.f32 v54, $2.000000000e+00;
	v56 =	vsub.f32 v32, v36  }
0x3bc: {  	v35 =	vsel vm0, $0x40800000, v0;
	v40 =	vsel vm1, $0x40800000, v0;
	vm0 =	vgt.f32 v55, $2.000000000e+00  }
0x3bd: {  	v34 =	vadd.f32 v35, v51;
	v57 =	vadd.f32 v40, v52;
	v58 =	vsel vm0, $0x40800000, v0  }
0x3be: {  	v28 =	vadd.f32 v49, v27;
	vm0 =	vgt.f32 v56, $2.000000000e+00;
	v33 =	vadd.f32 v58, v33  }
0x3bf: {  	v59 =	vsel vm0, $0x40800000, v0;
	v60 =	vtrunc.f32 v34;
	v61 =	vsub.f32 v29, v57  }
0x3c0: {  	v62 =	vsub.f32 v30, v34;
	v41 =	vtrunc.f32 v57;
	v36 =	vadd.f32 v59, v36  }
0x3c1: {  	v63 =	vsub.f32 v31, v33;
	v42 =	vtrunc.f32 v33;
	v33 =	vadd.f32 v33, v57  }
0x3c2: {  	v35 =	vcvt.f32.s32 v41;
	v38 =	vcvt.f32.s32 v60;
	vm0 =	vlt.f32 v61, v62  }
0x3c3: {  	v41 =	vcvt.f32.s32 v42;
	v47 =	vtrunc.f32 v36;
	v43 =	vsub.f32 v32, v36  }
0x3c4: {  	vm1 =	vlt.f32 v61, v63;
	vm2 =	vlt.f32 v63, v62;
	v33 =	vadd.f32 v33, v34  }
0x3c5: {  	vm3 =	vmneg vm0;
	v48 =	vcvt.f32.s32 v47;
	v44 =	vsel vm0, $0x1, v1  }
0x3c6: {  	v49 =	vsel vm1, $0x1, v1;
	vm0 =	vmneg vm2;
	vm1 =	vmneg vm1  }
0x3c7: {  	v45 =	vsel vm3, $0x1, v1;
	v46 =	vsel vm2, $0x1, v1;
	vm3 =	vlt.f32 v63, v43  }
0x3c8: {  	v42 =	vadd.s32 v44, v49;
	v50 =	vsel vm0, $0x1, v1;
	vm0 =	vlt.f32 v62, v43  }
0x3c9: {  	v33 =	vadd.f32 v33, v36;
	v51 =	vsel vm1, $0x1, v1;
	vm1 =	vlt.f32 v61, v43  }
0x3ca: {  	vm5 =	vmneg vm3;
	v53 =	vsel vm3, $0x1, v1;
	v49 =	vimm.s32 $0x0  }
0x3cb: {  	vm2 =	vmneg vm1;
	vm4 =	vmneg vm0;
	v52 =	vsel vm0, $0x1, v1  }
0x3cc: {  	v39 =	vsel vm1, $0x1, v1;
	v54 =	vadd.s32 v45, v50;
	v56 =	vsel vm5, $0x1, v1  }
0x3cd: {  	v36 =	vadd.s32 v51, v46;
	v50 =	vimm.s32 $0x0;
	v33 =	vmul.f32 $2.500000000e-01, v33  }
0x3ce: {  	v51 =	vimm.s32 $0x0;
	v55 =	vsel vm2, $0x1, v1;
	v47 =	vsel vm4, $0x1, v1  }
0x3cf: {  	v37 =	vadd.s32 v52, v54;
	v39 =	vadd.s32 v39, v42;
	v33 =	vtrunc.f32 v33  }
0x3d0: {  	v36 =	vadd.s32 v53, v36;
	v44 =	vadd.s32 v55, v56;
	v33 =	vcvt.f32.s32 v33  }
0x3d1: {  	v52 =	vimm.s32 $0x0;
	v53 =	vimm.s32 $0x0;
	v57 =	vadd.s32 v47, v44  }
0x3d2: {  	v54 =	vimm.s32 $0x0;
	v55 =	vimm.s32 $0x0;
	v58 =	vadd.s32 v33, v57  }
0x3d3: {  	v39 =	vadd.s32 v33, v39;
	v36 =	vadd.s32 v33, v36;
	v33 =	vadd.s32 v33, v37  }
0x3d4: {  	v47 =	vimm.s32 $0x0;
	vm0 =	vlt.s32 v33, $0x0;
	vm1 =	vlt.s32 v58, $0x0  }
0x3d5: {  	vm2 =	vgt.s32 v58, $0x3;
	vm3 =	vlt.s32 v39, $0x0;
	vm13 =	vlt.s32 v36, $0x0  }
0x3d6: {  	vm14 =	vgt.s32 v33, $0x3;
	vm6 =	vgt.s32 v39, $0x3;
	vm7 =	vgt.s32 v36, $0x3  }
0x3d7: {  	v59 =	vsel vm2, $0xFFFFFFFC, v1;
	v60 =	vsel vm6, $0xFFFFFFFC, v1;
	v62 =	vsel vm14, $0xFFFFFFFC, v1  }
0x3d8: {  	v61 =	vsel vm7, $0xFFFFFFFC, v1;
	v42 =	vsel vm3, $0x4, v60;
	v44 =	vsel vm0, $0x4, v62  }
0x3d9: {  	v37 =	vsel vm1, $0x4, v59;
	v43 =	vsel vm13, $0x4, v61;
	v63 =	vadd.s32 v33, v44  }
0x3da: {  	v40 =	vadd.s32 v58, v37;
	v39 =	vadd.s32 v39, v42;
	v36 =	vadd.s32 v36, v43  }
0x3db: {  	v34 =	vadd.s32 v48, v37;
	v33 =	vadd.s32 v35, v42;
	v35 =	vadd.s32 v41, v43  }
0x3dc: {  	v37 =	vadd.s32 v38, v44;
	v48 =	vimm.s32 $0x0;
	vm0 =	veq.s32 v40, $0x0  }
0x3dd: {  	v41 =	vmul.u32 $0x25795, v37;
	vm5 =	vgt.s32 v39, $0x2;
	vm6 =	vgt.s32 v63, $0x2  }
0x3de: {  	vm4 =	vlt.s32 v39, $0x2;
	vm2 =	vlt.s32 v63, $0x2;
	vm8 =	vgt.s32 v63, $0x0  }
0x3df: {  	vm1 =	vlt.s32 v36, $0x2;
	vm3 =	vgt.s32 v36, $0x0;
	vm11 =	veq.s32 v39, $0x0  }
0x3e0: {  	vm9 =	veq.s32 v36, $0x0;
	vm10 =	veq.s32 v39, $0x1;
	vm15 =	veq.s32 v36, $0x1  }
0x3e1: {  	vm12 =	veq.s32 v39, $0x2;
	v34 =	vcvt.s32.f32 v34;
	vm14 =	veq.s32 v39, $0x3  }
0x3e2: {  	vm13 =	veq.s32 v63, $0x3;
	v56 =	vcvt.s32.f32 v33;
	v57 =	vcvt.s32.f32 v37  }
0x3e3: {  	v58 =	vcvt.s32.f32 v35;
	v38 =	vsel vm0, $0xFFFFFFFF, v47;
	vm0 =	veq.s32 v40, $0x1  }
0x3e4: {  	v59 =	vsel vm5, $0x7FFFD, v3;
	v60 =	vsel vm4, $0x2, v4;
	v61 =	vsel vm6, $0x7FFFD, v3  }
0x3e5: {  	v62 =	vsel vm2, $0x2, v4;
	[tilespmem:$0x1FEA0] =	vst v38;
	v38 =	vmul.u32 $0x779B1, v35;
	v42 =	vsel vm0, $0xFFFFFFFF, v48  }
0x3e6: {  	vm0 =	veq.s32 v40, $0x2;
	v48 =	vsel vm1, $0x2, v4;
	v44 =	vadd.s32 v37, v61  }
0x3e7: {  	v43 =	vadd.s32 v33, v60;
	v30 =	vsub.f32 v30, v57;
	v32 =	vsub.f32 v32, v34  }
0x3e8: {  	v45 =	vadd.s32 v37, v62;
	v29 =	vsub.f32 v29, v56;
	v31 =	vsub.f32 v31, v58  }
0x3e9: {  	[tilespmem:$0x1FED0] =	vst v42;
	v42 =	vsel vm0, $0xFFFFFFFF, v49;
	vm0 =	veq.s32 v63, $0x0;
	v49 =	vsel vm8, $0x7FFFF, v2  }
0x3ea: {  	v48 =	vadd.s32 v35, v48;
	[tilespmem:$0x1FEC0] =	vst v42;
	v42 =	vsel vm0, $0xFFFFFFFF, v50;
	vm0 =	veq.s32 v63, $0x1  }
0x3eb: {  	v38 =	vxor.u32 v38, v41;
	v41 =	vadd.s32 v33, v59;
	v37 =	vadd.s32 v37, v49  }
0x3ec: {  	v30 =	vmul.f32 $2.500000000e-01, v30;
	[tilespmem:$0x1FE50] =	vst v42;
	v42 =	vsel vm0, $0xFFFFFFFF, v51;
	vm0 =	veq.s32 v63, $0x2  }
0x3ed: {  	v29 =	vmul.f32 $2.500000000e-01, v29;
	[tilespmem:$0x1FEB0] =	vst v42;
	v42 =	vsel vm0, $0xFFFFFFFF, v52;
	vm0 =	veq.s32 v40, $0x3  }
0x3ee: {  	v31 =	vmul.f32 $2.500000000e-01, v31;
	v32 =	vmul.f32 $2.500000000e-01, v32;
	[tilespmem:$0x1FE60] =	vst v42;
	v40 =	vsel vm0, $0xFFFFFFFF, v53  }
0x3ef: {  	v52 =	vsel vm3, $0x7FFFF, v2;
	v57 =	vnsel vm11, $0x0, v29;
	[tilespmem:$0x1FE80] =	vst v40;
	v40 =	vsel vm10, $0xFFFFFFFF, v54;
	v54 =	vld [tilespmem:$0x1FE50]  }
0x3f0: {  	v59 =	vnsel vm9, $0x0, v31;
	v60 =	vnsel vm12, $0x0, v29;
	vm0 =	vgt.s32 v36, $0x2;
	v58 =	vld [tilespmem:$0x1FE60];
	[tilespmem:$0x1FE70] =	vst v40  }
0x3f1: {  	v50 =	vnsel vm13, $0x0, v30;
	v63 =	vsel vm0, $0x7FFFD, v3;
	v40 =	vsel vm15, $0xFFFFFFFF, v55;
	v62 =	vld [tilespmem:$0x1FE70]  }
0x3f2: {  	v53 =	vadd.s32 v35, v52;
	vm10 =	veq.s32 v36, $0x2;
	v47 =	vadd.s32 v35, v63;
	v63 =	vld [tilespmem:$0x1FE80];
	[tilespmem:$0x1FE90] =	vst v40  }
0x3f3: {  	v34 =	vmul.u32 $0x779B1, v53;
	vm15 =	veq.s32 v36, $0x3;
	v35 =	vxor.u32 v33, v38;
	v51 =	vld [tilespmem:$0x1FE90]  }
0x3f4: {  	v52 =	vld [tilespmem:$0x1FEA0];
	v38 =	vmul.u32 $0x25795, v45;
	v55 =	vnsel vm14, $0x0, v29;
	vm0 =	vnez.u8 v54  }
0x3f5: {  	v53 =	vld [tilespmem:$0x1FEB0];
	v45 =	vadd.f32 v59, v57;
	v42 =	vnsel vm0, $0x0, v30;
	vm0 =	vnez.u8 v58  }
0x3f6: {  	v40 =	vmul.u32 $0x779B1, v48;
	v48 =	vnsel vm0, $0x0, v30;
	vm0 =	vnez.u8 v62  }
0x3f7: {  	v61 =	vnsel vm10, $0x0, v31;
	v29 =	vnsel vm0, $0x0, v29;
	vm0 =	vnez.u8 v63  }
0x3f8: {  	v56 =	vnsel vm15, $0x0, v31;
	v49 =	vnsel vm0, $0x0, v32;
	vm0 =	vnez.u8 v51  }
0x3f9: {  	v42 =	vadd.f32 v45, v42;
	v31 =	vnsel vm0, $0x0, v31;
	vm0 =	vnez.u8 v52  }
0x3fa: {  	v45 =	vnsel vm0, $0x0, v32;
	v29 =	vadd.f32 v31, v29;
	vm0 =	vnez.u8 v53  }
0x3fb: {  	v36 =	vmul.u32 $0x25795, v44;
	v44 =	vadd.f32 v56, v55;
	v30 =	vnsel vm0, $0x0, v30  }
0x3fc: {  	v22 =	vsub.f32 v22, v17;
	v29 =	vadd.f32 v29, v30;
	v30 =	vld [tilespmem:$0x1FEC0]  }
0x3fd: {  	v14 =	vsub.f32 v20, v14;
	v27 =	vtrunc.f32 v25;
	v44 =	vadd.f32 v44, v50  }
0x3fe: {  	vm7 =	vgt.s32 v39, $0x0;
	v39 =	vmul.u32 $0x779B1, v47;
	v47 =	vadd.f32 v61, v60;
	v55 =	vld [tilespmem:$0x1FED0]  }
0x3ff: {  	v26 =	vmul.f32 $2.500000000e-01, v13;
	v27 =	vcvt.f32.s32 v27;
	v44 =	vadd.f32 v44, v49  }
0x400: {  	v28 =	vsub.f32 $0.0e+00, v28;
	v46 =	vsel vm7, $0x7FFFF, v2;
	v31 =	vadd.f32 v47, v48  }
0x401: {  	v42 =	vadd.f32 v42, v45;
	v54 =	vadd.f32 $1.000000000e+00, v44;
	vm0 =	vnez.u8 v30  }
0x402: {  	v35 =	vand.u32 $0x7FFFF, v35;
	v39 =	vxor.u32 v41, v39;
	v30 =	vnsel vm0, $0x0, v32  }
0x403: {  	s28 =	sadd.s32 $0x20, s28;
	vm0 =	vnez.u8 v55;
	v30 =	vadd.f32 v31, v30;
	v31 =	vsub.f32 v54, v42  }
0x404: {  	s29 =	sadd.s32 $0x20, s29;
	[tilespmem:s28+$0xFFFFFE10] =	vst v35;
	v57 =	vxor.u32 v43, v40;
	v56 =	vxor.u32 v36, v39;
	v32 =	vnsel vm0, $0x0, v32  }
0x405: {  	v29 =	vadd.f32 v29, v32;
	v58 =	vsub.f32 v30, v44;
	[tilespmem:s29+$0xFFFFFE10] =	vst v31;
	v31 =	vand.u32 $0x7FFFF, v56  }
0x406: {  	v33 =	vadd.s32 v33, v46;
	v59 =	vmul.u32 $0x25795, v37;
	[tilespmem:s28+$0xFFFFFF10] =	vst v31;
	v31 =	vxor.u32 v38, v57  }
0x407: {  	v60 =	vxor.u32 v33, v34;
	v30 =	vsub.f32 v29, v30;
	[tilespmem:s29+$0xFFFFFF10] =	vst v58;
	v31 =	vand.u32 $0x7FFFF, v31  }
0x408: {  	v61 =	vtrunc.f32 v26;
	v62 =	vmul.f32 $2.500000000e-01, v15;
	[tilespmem:s28+$0x10] =	vst v31;
	v31 =	vxor.u32 v59, v60  }
0x409: {  	v29 =	vsub.f32 v42, v29;
	[tilespmem:s29+$0x10] =	vst v30;
	v30 =	vand.u32 $0x7FFFF, v31;
	v31 =	vcvt.f32.s32 v61  }
0x40a: {  	v20 =	vsub.f32 v18, v20;
	v27 =	vcvt.s32.f32 v27;
	v63 =	vmul.f32 $2.500000000e-01, v28;
	[tilespmem:s28+$0x110] =	vst v30  }
0x40b: {  	v17 =	vsub.f32 v17, v18;
	v30 =	vtrunc.f32 v62;
	[tilespmem:s29+$0x110] =	vst v29;
	v29 =	vcvt.s32.f32 v31  }
0x40c: {  	vm0 =	vlt.f32 v25, v27;
	v30 =	vcvt.f32.s32 v30;
	v31 =	vtrunc.f32 v63  }
0x40d: {  	v25 =	vsel vm0, $0x3F800000, v0;
	v18 =	vcvt.f32.s32 v31;
	vm1 =	vlt.f32 v26, v29  }
0x40e: {  	v25 =	vsub.f32 v27, v25;
	v30 =	vcvt.s32.f32 v30;
	v26 =	vsel vm1, $0x3F800000, v0  }
0x40f: {  	v16 =	vxor.u32 v16, v19;
	v18 =	vcvt.s32.f32 v18;
	v26 =	vsub.f32 v29, v26  }
0x410: {  	v11 =	vxor.u32 v11, v24;
	v19 =	vmul.f32 $4.000000000e+00, v25;
	vm0 =	vlt.f32 v62, v30  }
0x411: {  	v25 =	vsel vm0, $0x3F800000, v0;
	vm0 =	vlt.f32 v63, v18;
	v24 =	vmul.f32 $4.000000000e+00, v26  }
0x412: {  	v25 =	vsub.f32 v30, v25;
	v26 =	vsub.f32 v12, v19;
	v29 =	vsel vm0, $0x3F800000, v0  }
0x413: {  	v16 =	vand.u32 $0x7FFFF, v16;
	v18 =	vsub.f32 v18, v29  }
0x414: {  	v27 =	vsub.f32 v13, v24;
	v25 =	vmul.f32 $4.000000000e+00, v25;
	vm0 =	vgt.f32 v26, $2.000000000e+00  }
0x415: {  	v23 =	vand.u32 $0x7FFFF, v23;
	v11 =	vand.u32 $0x7FFFF, v11;
	v26 =	vsel vm0, $0x40800000, v0  }
0x416: {  	v18 =	vmul.f32 $4.000000000e+00, v18;
	vm1 =	vgt.f32 v27, $2.000000000e+00;
	v27 =	vsub.f32 v15, v25  }
0x417: {  	v21 =	vand.u32 $0x7FFFF, v21;
	v19 =	vadd.f32 v26, v19;
	v26 =	vsel vm1, $0x40800000, v0  }
0x418: {  	v24 =	vadd.f32 v26, v24;
	vm0 =	vgt.f32 v27, $2.000000000e+00;
	v26 =	vsub.f32 v28, v18  }
0x419: {  	[tilespmem:s25+$0xFFFFFE00] =	vst v11;
	v27 =	vsub.f32 v12, v19;
	v29 =	vtrunc.f32 v19;
	v11 =	vsel vm0, $0x40800000, v0  }
0x41a: {  	[tilespmem:s26+$0xFFFFFE00] =	vst v22;
	v11 =	vadd.f32 v11, v25;
	vm0 =	vgt.f32 v26, $2.000000000e+00;
	v19 =	vadd.f32 v24, v19  }
0x41b: {  	[tilespmem:s25+$0xFFFFFF00] =	vst v23;
	v23 =	vsub.f32 v13, v24;
	v24 =	vtrunc.f32 v24;
	v22 =	vsel vm0, $0x40800000, v0  }
0x41c: {  	[tilespmem:s26+$0xFFFFFF00] =	vst v14;
	v14 =	vadd.f32 v22, v18;
	v18 =	vadd.f32 v19, v11;
	v19 =	vcvt.f32.s32 v29  }
0x41d: {  	[tilespmem:s25+$0x0] =	vst v21;
	v21 =	vsub.f32 v15, v11;
	vm0 =	vlt.f32 v27, v23;
	v22 =	vcvt.f32.s32 v24  }
0x41e: {  	[tilespmem:s26+$0x0] =	vst v20;
	vm1 =	vmneg vm0;
	v18 =	vadd.f32 v18, v14;
	v20 =	vsub.f32 v28, v14  }
0x41f: {  	[tilespmem:s25+$0x100] =	vst v16;
	v16 =	vsel vm1, $0x1, v1;
	vm2 =	vlt.f32 v23, v21;
	v14 =	vtrunc.f32 v14  }
0x420: {  	vm1 =	vlt.f32 v27, v21;
	v24 =	vsel vm2, $0x1, v1;
	v14 =	vcvt.f32.s32 v14  }
0x421: {  	[tilespmem:s26+$0x100] =	vst v17;
	v17 =	vmul.f32 $2.500000000e-01, v18;
	vm3 =	vlt.f32 v27, v20;
	vm8 =	vlt.f32 v23, v20  }
0x422: {  	v18 =	vsel vm0, $0x1, v1;
	v23 =	vsel vm1, $0x1, v1;
	v16 =	vadd.s32 v16, v24  }
0x423: {  	vm0 =	vmneg vm1;
	vm1 =	vmneg vm2;
	v25 =	vsel vm3, $0x1, v1  }
0x424: {  	v26 =	vsel vm8, $0x1, v1;
	v18 =	vadd.s32 v23, v18;
	v23 =	vsel vm0, $0x1, v1  }
0x425: {  	v24 =	vsel vm1, $0x1, v1;
	vm0 =	vlt.f32 v21, v20;
	vm1 =	vmneg vm3  }
0x426: {  	vm2 =	vmneg vm8;
	v17 =	vtrunc.f32 v17;
	v20 =	vadd.s32 v23, v24  }
0x427: {  	v21 =	vsel vm1, $0x1, v1;
	v23 =	vsel vm2, $0x1, v1;
	v17 =	vcvt.f32.s32 v17  }
0x428: {  	v18 =	vadd.s32 v25, v18;
	v16 =	vadd.s32 v26, v16;
	v21 =	vadd.s32 v21, v23  }
0x429: {  	v18 =	vadd.s32 v17, v18;
	v25 =	vadd.s32 v17, v16;
	v16 =	vsel vm0, $0x1, v1  }
0x42a: {  	vm0 =	vmneg vm0;
	vm3 =	vgt.s32 v18, $0x3;
	vm9 =	vgt.s32 v25, $0x3  }
0x42b: {  	v16 =	vadd.s32 v16, v20;
	vm1 =	vlt.s32 v18, $0x0;
	vm2 =	vlt.s32 v25, $0x0  }
0x42c: {  	v20 =	vsel vm3, $0xFFFFFFFC, v1;
	v26 =	vadd.s32 v17, v16;
	v16 =	vsel vm0, $0x1, v1  }
0x42d: {  	v24 =	vsel vm9, $0xFFFFFFFC, v1;
	v20 =	vsel vm1, $0x4, v20;
	v21 =	vadd.s32 v16, v21  }
0x42e: {  	v23 =	vsel vm2, $0x4, v24;
	vm0 =	vgt.s32 v26, $0x3;
	v24 =	vtrunc.f32 v11  }
0x42f: {  	vm1 =	vlt.s32 v26, $0x0;
	v11 =	vadd.s32 v19, v20;
	v16 =	vadd.s32 v22, v23  }
0x430: {  	v19 =	vadd.s32 v17, v21;
	v17 =	vsel vm0, $0xFFFFFFFC, v1;
	v21 =	vcvt.f32.s32 v24  }
0x431: {  	v22 =	vsel vm1, $0x4, v17;
	v24 =	vcvt.s32.f32 v11;
	v27 =	vcvt.s32.f32 v16  }
0x432: {  	vm0 =	vgt.s32 v19, $0x3;
	vm1 =	vlt.s32 v19, $0x0;
	v17 =	vadd.s32 v21, v22  }
0x433: {  	v21 =	vsel vm0, $0xFFFFFFFC, v1;
	v12 =	vsub.f32 v12, v24;
	v13 =	vsub.f32 v13, v27  }
0x434: {  	v24 =	vadd.s32 v18, v20;
	v18 =	vsel vm1, $0x4, v21;
	v20 =	vcvt.s32.f32 v17  }
0x435: {  	v21 =	vadd.s32 v25, v23;
	v14 =	vadd.s32 v14, v18;
	vm0 =	veq.s32 v24, $0x3  }
0x436: {  	vm1 =	veq.s32 v21, $0x3;
	vm2 =	veq.s32 v24, $0x1;
	vm3 =	veq.s32 v21, $0x1  }
0x437: {  	vm10 =	veq.s32 v24, $0x2;
	vm11 =	veq.s32 v21, $0x2;
	v19 =	vadd.s32 v19, v18  }
0x438: {  	vm13 =	vgt.s32 v21, $0x2;
	vm14 =	vgt.s32 v21, $0x0;
	v12 =	vmul.f32 $2.500000000e-01, v12  }
0x439: {  	v13 =	vmul.f32 $2.500000000e-01, v13;
	v15 =	vsub.f32 v15, v20;
	v20 =	vadd.s32 v26, v22  }
0x43a: {  	v14 =	vcvt.s32.f32 v14;
	vm15 =	veq.s32 v19, $0x2;
	vm12 =	veq.s32 v20, $0x3  }
0x43b: {  	v15 =	vmul.f32 $2.500000000e-01, v15;
	v22 =	vnsel vm0, $0x0, v12;
	v23 =	vnsel vm1, $0x0, v13  }
0x43c: {  	v14 =	vsub.f32 v28, v14;
	vm0 =	veq.s32 v24, $0x0;
	vm1 =	veq.s32 v21, $0x0  }
0x43d: {  	v26 =	vnsel vm2, $0x0, v12;
	v27 =	vnsel vm3, $0x0, v13;
	vm2 =	veq.s32 v20, $0x2  }
0x43e: {  	vm3 =	veq.s32 v19, $0x3;
	v28 =	vsel vm14, $0x7FFFF, v2;
	v22 =	vadd.f32 v23, v22  }
0x43f: {  	v23 =	vnsel vm0, $0x0, v12;
	v25 =	vnsel vm1, $0x0, v13;
	v12 =	vnsel vm10, $0x0, v12  }
0x440: {  	v13 =	vnsel vm11, $0x0, v13;
	vm0 =	veq.s32 v20, $0x0;
	vm1 =	veq.s32 v20, $0x1  }
0x441: {  	v28 =	vadd.s32 v16, v28;
	v29 =	vmul.f32 $2.500000000e-01, v14;
	v14 =	vnsel vm12, $0x0, v15  }
0x442: {  	v18 =	vadd.f32 v25, v23;
	v12 =	vadd.f32 v13, v12;
	v13 =	vnsel vm0, $0x0, v15  }
0x443: {  	vm0 =	vlt.s32 v21, $0x2;
	v21 =	vnsel vm1, $0x0, v15;
	v15 =	vnsel vm2, $0x0, v15  }
0x444: {  	v25 =	vsel vm13, $0x7FFFD, v3;
	vm1 =	vlt.s32 v20, $0x2;
	vm2 =	vgt.s32 v20, $0x0  }
0x445: {  	v14 =	vadd.f32 v22, v14;
	v22 =	vadd.f32 v27, v26;
	v26 =	vsel vm0, $0x2, v4  }
0x446: {  	s30 =	sadd.s32 $0x2, s30;
	vm0 =	vgt.s32 v20, $0x2;
	v27 =	vsel vm1, $0x2, v4;
	vm1 =	vgt.s32 v24, $0x2  }
0x447: {  	p0 =	slt.u32 s30, $0xE;
	v23 =	vnsel vm3, $0x0, v29;
	v13 =	vadd.f32 v18, v13;
	v12 =	vadd.f32 v12, v15  }
.Ltmp2:
0x448: {  	v15 =	vadd.s32 v16, v26;
	v26 =	vsel vm0, $0x7FFFD, v3;
	vm0 =	veq.s32 v19, $0x0;
	(pc) =	sbr.rel @p0 .LBB2_8-.Ltmp2, $4  }
0x449: {  	vm3 =	veq.s32 v19, $0x1;
	v14 =	vadd.f32 v14, v23;
	v23 =	vadd.s32 v16, v25  }
0x44a: {  	v18 =	vadd.f32 v22, v21;
	v25 =	vsel vm2, $0x7FFFF, v2;
	vm2 =	vlt.s32 v24, $0x2  }
0x44b: {  	v22 =	vnsel vm0, $0x0, v29;
	v20 =	vnsel vm3, $0x0, v29;
	vm0 =	vgt.s32 v24, $0x0  }
0x44c: {  	s3 =	sadd.s32 $0x20, s3;
	s25 =	smov.u32 s28;
	s26 =	smov.u32 s29;
	v21 =	vnsel vm15, $0x0, v29;
	v15 =	vmul.u32 $0x779B1, v15;
	v19 =	vmul.u32 $0x779B1, v23  }
0x44d: {  	v23 =	vadd.s32 v17, v26;
	v24 =	vadd.s32 v17, v27  }
0x44e: {  	v26 =	vmul.u32 $0x779B1, v28;
	v27 =	vsel vm1, $0x7FFFD, v3;
	v28 =	vsel vm2, $0x2, v4  }
0x44f: {  	v25 =	vadd.s32 v17, v25;
	v16 =	vmul.u32 $0x779B1, v16;
	v17 =	vmul.u32 $0x25795, v17  }
0x450: {  	v29 =	vsel vm0, $0x7FFFF, v2;
	v13 =	vadd.f32 v13, v22;
	v22 =	vadd.f32 $1.000000000e+00, v14  }
0x451: {  	v18 =	vadd.f32 v18, v20;
	v12 =	vadd.f32 v12, v21;
	v16 =	vxor.u32 v16, v17  }
0x452: {  	v23 =	vmul.u32 $0x25795, v23;
	v17 =	vadd.s32 v11, v27;
	v16 =	vxor.u32 v11, v16  }
0x453: {  	v17 =	vxor.u32 v17, v19;
	v19 =	vsub.f32 v22, v13;
	v16 =	vand.u32 $0x7FFFF, v16  }
0x454: {  	v20 =	vmul.u32 $0x25795, v24;
	v21 =	vadd.s32 v11, v28;
	v17 =	vxor.u32 v23, v17;
	[tilespmem:s25+$0xFFFFFE00] =	vst v16  }
0x455: {  	v15 =	vxor.u32 v21, v15;
	v14 =	vsub.f32 v12, v14;
	v16 =	vand.u32 $0x7FFFF, v17;
	[tilespmem:s26+$0xFFFFFE00] =	vst v19  }
0x456: {  	v11 =	vadd.s32 v11, v29;
	v15 =	vxor.u32 v20, v15;
	v17 =	vmul.u32 $0x25795, v25;
	[tilespmem:s25+$0xFFFFFF00] =	vst v16  }
0x457: {  	v12 =	vsub.f32 v18, v12;
	v11 =	vxor.u32 v11, v26;
	v15 =	vand.u32 $0x7FFFF, v15;
	[tilespmem:s26+$0xFFFFFF00] =	vst v14  }
0x458: {  	v11 =	vxor.u32 v17, v11;
	[tilespmem:s25+$0x0] =	vst v15  }
0x459: {  	v13 =	vsub.f32 v13, v18;
	v11 =	vand.u32 $0x7FFFF, v11;
	[tilespmem:s26+$0x0] =	vst v12  }
0x45a: {  	[tilespmem:s25+$0x100] =	vst v11  }
0x45b: {  	s3 =	simm.s32 $0x6860;
	s13 =	simm.s32 $0x8860;
	[tilespmem:s26+$0x100] =	vst v13  }
0x45c: {  	[tilespmem:s13], [sflag:$0x3] =	stream.indirect.gather [spmem:s6], $0x1, s3, s21, $0xb8;
	[tilespmem:$0x11860] =	vst v63  }
0x45d: {  	v11 =	vld [tilespmem:s23+$0x0]  }
0x45e: {  	v12 =	vld [tilespmem:s22+$0x0]  }
0x45f: {  	v13 =	vld [tilespmem:s9+$0x0];
	_ =	sdelay $0x3  }
0x460: {  	v12 =	vmul.f32 v12, v6  }
0x461: {  	v11 =	vmul.f32 v11, v5;
	v13 =	vmul.f32 v13, v7  }
0x462: {  	v14 =	vld [tilespmem:s22+$0xFFFFFFF0];
	v12 =	vadd.f32 v12, v9  }
0x463: {  	v15 =	vld [tilespmem:s9+$0xFFFFFFF0];
	v11 =	vadd.f32 v11, v8;
	v13 =	vadd.f32 v13, v10  }
0x464: {  	v16 =	vadd.f32 v12, v12  }
0x465: {  	v19 =	vld [tilespmem:s23+$0xFFFFFFF0];
	v17 =	vadd.f32 v12, v11;
	v18 =	vadd.f32 v13, v13  }
0x466: {  	v12 =	vadd.f32 v13, v12;
	v16 =	vsub.f32 v13, v16  }
0x467: {  	v17 =	vadd.f32 v13, v17;
	v13 =	vadd.f32 v18, v13  }
0x468: {  	v14 =	vmul.f32 v14, v6;
	v20 =	vmul.f32 v15, v7;
	v18 =	vsub.f32 v12, v11  }
0x469: {  	v11 =	vmul.f32 $2.500000000e-01, v16;
	v15 =	vsub.f32 $0.0e+00, v13;
	v13 =	vmul.f32 $2.500000000e-01, v17  }
0x46a: {  	v14 =	vadd.f32 v14, v9;
	v12 =	vmul.f32 v19, v5;
	v19 =	vmul.f32 $2.500000000e-01, v18  }
0x46b: {  	v20 =	vadd.f32 v20, v10;
	v21 =	vtrunc.f32 v11;
	v22 =	vtrunc.f32 v13  }
0x46c: {  	v24 =	vadd.f32 v12, v8;
	v23 =	vmul.f32 $2.500000000e-01, v15;
	v12 =	vtrunc.f32 v19  }
0x46d: {  	v27 =	vadd.f32 v20, v14;
	v21 =	vcvt.f32.s32 v21;
	v22 =	vcvt.f32.s32 v22  }
0x46e: {  	v25 =	vcvt.f32.s32 v12;
	v12 =	vadd.f32 v14, v24;
	v26 =	vtrunc.f32 v23  }
0x46f: {  	v14 =	vadd.f32 v14, v14;
	v21 =	vcvt.s32.f32 v21;
	v22 =	vcvt.s32.f32 v22  }
0x470: {  	v26 =	vcvt.f32.s32 v26;
	v12 =	vadd.f32 v20, v12;
	v25 =	vcvt.s32.f32 v25  }
0x471: {  	v14 =	vsub.f32 v20, v14;
	vm0 =	vlt.f32 v11, v21;
	vm1 =	vlt.f32 v13, v22  }
0x472: {  	v26 =	vcvt.s32.f32 v26;
	v61 =	vmul.f32 $2.500000000e-01, v12;
	v11 =	vsel vm0, $0x3F800000, v0  }
0x473: {  	v13 =	vsel vm1, $0x3F800000, v0;
	vm0 =	vlt.f32 v19, v25;
	v11 =	vsub.f32 v21, v11  }
0x474: {  	v19 =	vsub.f32 v22, v13;
	v13 =	vsel vm0, $0x3F800000, v0;
	vm0 =	vlt.f32 v23, v26  }
0x475: {  	v21 =	vsub.f32 v25, v13;
	v22 =	vsel vm0, $0x3F800000, v0;
	v11 =	vmul.f32 $4.000000000e+00, v11  }
0x476: {  	v63 =	vtrunc.f32 v61;
	v19 =	vmul.f32 $4.000000000e+00, v19;
	v22 =	vsub.f32 v26, v22  }
0x477: {  	v13 =	vsub.f32 v27, v24;
	v21 =	vmul.f32 $4.000000000e+00, v21;
	v23 =	vsub.f32 v16, v11  }
0x478: {  	v24 =	vadd.f32 v20, v20;
	v25 =	vsub.f32 v17, v19;
	v22 =	vmul.f32 $4.000000000e+00, v22  }
0x479: {  	v62 =	vmul.f32 $2.500000000e-01, v13;
	v26 =	vsub.f32 v18, v21;
	vm0 =	vgt.f32 v23, $2.000000000e+00  }
0x47a: {  	vm1 =	vgt.f32 v25, $2.000000000e+00;
	v25 =	vsub.f32 v15, v22;
	v23 =	vsel vm0, $0x40800000, v0  }
0x47b: {  	v27 =	vsel vm1, $0x40800000, v0;
	vm0 =	vgt.f32 v26, $2.000000000e+00;
	v23 =	vadd.f32 v23, v11  }
0x47c: {  	v19 =	vadd.f32 v27, v19;
	v26 =	vsel vm0, $0x40800000, v0;
	vm0 =	vgt.f32 v25, $2.000000000e+00  }
0x47d: {  	v11 =	vadd.f32 v24, v20;
	v20 =	vadd.f32 v26, v21;
	v21 =	vsel vm0, $0x40800000, v0  }
0x47e: {  	v24 =	vtrunc.f32 v23;
	v25 =	vsub.f32 v17, v19;
	v26 =	vsub.f32 v16, v23  }
0x47f: {  	v27 =	vtrunc.f32 v19;
	v21 =	vadd.f32 v21, v22;
	v22 =	vsub.f32 v18, v20  }
0x480: {  	v28 =	vtrunc.f32 v20;
	v19 =	vadd.f32 v20, v19;
	v20 =	vcvt.f32.s32 v27  }
0x481: {  	v24 =	vcvt.f32.s32 v24;
	vm0 =	vlt.f32 v25, v26;
	v27 =	vcvt.f32.s32 v28  }
0x482: {  	v28 =	vtrunc.f32 v21;
	v29 =	vsub.f32 v15, v21;
	vm1 =	vlt.f32 v25, v22  }
0x483: {  	vm2 =	vlt.f32 v22, v26;
	v19 =	vadd.f32 v19, v23;
	v23 =	vsel vm0, $0x1, v1  }
0x484: {  	vm0 =	vmneg vm0;
	v28 =	vcvt.f32.s32 v28;
	v30 =	vsel vm1, $0x1, v1  }
0x485: {  	v31 =	vsel vm0, $0x1, v1;
	vm0 =	vmneg vm2;
	vm1 =	vmneg vm1  }
0x486: {  	v32 =	vsel vm2, $0x1, v1;
	vm2 =	vlt.f32 v25, v29;
	v23 =	vadd.s32 v23, v30  }
0x487: {  	v30 =	vsel vm0, $0x1, v1;
	vm0 =	vlt.f32 v26, v29;
	v19 =	vadd.f32 v19, v21  }
0x488: {  	v21 =	vsel vm1, $0x1, v1;
	vm1 =	vmneg vm2;
	v25 =	vsel vm2, $0x1, v1  }
0x489: {  	vm2 =	vlt.f32 v22, v29;
	v22 =	vsel vm0, $0x1, v1;
	vm0 =	vmneg vm0  }
0x48a: {  	v26 =	vsel vm2, $0x1, v1;
	vm2 =	vmneg vm2;
	v19 =	vmul.f32 $2.500000000e-01, v19  }
0x48b: {  	v29 =	vadd.s32 v31, v30;
	v30 =	vsel vm1, $0x1, v1;
	v21 =	vadd.s32 v21, v32  }
0x48c: {  	v23 =	vadd.s32 v25, v23;
	v31 =	vsel vm2, $0x1, v1;
	v19 =	vtrunc.f32 v19  }
0x48d: {  	v33 =	vsel vm0, $0x1, v1;
	v30 =	vadd.s32 v30, v31;
	v19 =	vcvt.f32.s32 v19  }
0x48e: {  	v22 =	vadd.s32 v22, v29;
	v21 =	vadd.s32 v26, v21;
	v29 =	vadd.s32 v33, v30  }
0x48f: {  	v25 =	vadd.s32 v19, v29;
	v23 =	vadd.s32 v19, v23;
	v22 =	vadd.s32 v19, v22  }
0x490: {  	v19 =	vadd.s32 v19, v21;
	vm0 =	vlt.s32 v22, $0x0;
	vm1 =	vgt.s32 v25, $0x3  }
0x491: {  	vm2 =	vgt.s32 v23, $0x3;
	v21 =	vsel vm1, $0xFFFFFFFC, v1;
	vm1 =	vgt.s32 v19, $0x3  }
0x492: {  	v26 =	vsel vm2, $0xFFFFFFFC, v1;
	vm2 =	vgt.s32 v22, $0x3;
	v29 =	vsel vm1, $0xFFFFFFFC, v1  }
0x493: {  	vm1 =	vlt.s32 v25, $0x0;
	v30 =	vsel vm2, $0xFFFFFFFC, v1;
	vm2 =	vlt.s32 v23, $0x0  }
0x494: {  	v26 =	vsel vm2, $0x4, v26;
	vm2 =	vlt.s32 v19, $0x0;
	v30 =	vsel vm0, $0x4, v30  }
0x495: {  	v21 =	vsel vm1, $0x4, v21;
	v29 =	vsel vm2, $0x4, v29;
	v22 =	vadd.s32 v22, v30  }
0x496: {  	v25 =	vadd.s32 v25, v21;
	v23 =	vadd.s32 v23, v26;
	v21 =	vadd.s32 v28, v21  }
0x497: {  	v20 =	vadd.s32 v20, v26;
	v24 =	vadd.s32 v24, v30;
	v19 =	vadd.s32 v19, v29  }
0x498: {  	v26 =	vadd.s32 v27, v29;
	vm0 =	veq.s32 v25, $0x0;
	v28 =	vmul.u32 $0x25795, v24  }
0x499: {  	vm1 =	vgt.s32 v23, $0x2;
	vm2 =	vlt.s32 v23, $0x2;
	v34 =	vcvt.s32.f32 v20  }
0x49a: {  	v35 =	vcvt.s32.f32 v24;
	v21 =	vcvt.s32.f32 v21;
	v27 =	vmul.u32 $0x779B1, v26  }
0x49b: {  	v29 =	vsel vm1, $0x7FFFD, v3;
	vm1 =	vgt.s32 v22, $0x2;
	v30 =	vsel vm2, $0x2, v4  }
0x49c: {  	vm2 =	vgt.s32 v23, $0x0;
	v37 =	vcvt.s32.f32 v26;
	vm3 =	veq.s32 v19, $0x1  }
0x49d: {  	v31 =	vsel vm1, $0x7FFFD, v3;
	vm1 =	vlt.s32 v22, $0x2;
	v55 =	vsel vm2, $0x7FFFF, v2  }
0x49e: {  	vm2 =	vgt.s32 v19, $0x2;
	v16 =	vsub.f32 v16, v35;
	v17 =	vsub.f32 v17, v34  }
0x49f: {  	v15 =	vsub.f32 v15, v21;
	v29 =	vadd.s32 v20, v29;
	v30 =	vadd.s32 v20, v30  }
0x4a0: {  	v54 =	vsel vm1, $0x2, v4;
	v36 =	vsel vm2, $0x7FFFD, v3;
	vm2 =	vlt.s32 v19, $0x2  }
0x4a1: {  	vm1 =	vgt.s32 v22, $0x0;
	v18 =	vsub.f32 v18, v37;
	v38 =	vsel vm2, $0x2, v4  }
0x4a2: {  	vm2 =	veq.s32 v22, $0x0;
	v56 =	vsel vm1, $0x7FFFF, v2;
	v16 =	vmul.f32 $2.500000000e-01, v16  }
0x4a3: {  	vm1 =	vgt.s32 v19, $0x0;
	v17 =	vmul.f32 $2.500000000e-01, v17;
	v15 =	vmul.f32 $2.500000000e-01, v15  }
0x4a4: {  	v59 =	vadd.s32 v26, v36;
	v57 =	vsel vm1, $0x7FFFF, v2;
	vm1 =	veq.s32 v23, $0x3  }
0x4a5: {  	v18 =	vmul.f32 $2.500000000e-01, v18;
	v60 =	vadd.s32 v26, v38;
	v32 =	vmul.u32 $0x779B1, v59  }
0x4a6: {  	v58 =	vnsel vm2, $0x0, v16;
	vm2 =	veq.s32 v19, $0x3;
	v39 =	vnsel vm1, $0x0, v17  }
0x4a7: {  	vm1 =	veq.s32 v23, $0x0;
	v26 =	vadd.s32 v26, v57;
	v34 =	vmul.u32 $0x779B1, v60  }
0x4a8: {  	v40 =	vnsel vm2, $0x0, v18;
	vm2 =	veq.s32 v22, $0x2;
	v41 =	vnsel vm1, $0x0, v17  }
0x4a9: {  	vm1 =	veq.s32 v19, $0x0;
	v26 =	vmul.u32 $0x779B1, v26;
	v42 =	vnsel vm2, $0x0, v16  }
0x4aa: {  	vm2 =	veq.s32 v23, $0x2;
	v21 =	vnsel vm1, $0x0, v18;
	vm1 =	veq.s32 v22, $0x3  }
0x4ab: {  	v43 =	vnsel vm2, $0x0, v17;
	vm2 =	veq.s32 v19, $0x2;
	v44 =	vnsel vm1, $0x0, v16  }
0x4ac: {  	vm1 =	veq.s32 v23, $0x1;
	v21 =	vadd.f32 v21, v41;
	v23 =	vnsel vm2, $0x0, v18  }
0x4ad: {  	vm2 =	veq.s32 v25, $0x3;
	v17 =	vnsel vm1, $0x0, v17;
	vm1 =	veq.s32 v25, $0x1  }
0x4ae: {  	v18 =	vnsel vm3, $0x0, v18;
	v19 =	vnsel vm2, $0x0, v15;
	vm2 =	veq.s32 v25, $0x2  }
0x4af: {  	v25 =	vnsel vm0, $0x0, v15;
	vm0 =	veq.s32 v22, $0x1;
	v22 =	vxor.u32 v27, v28  }
0x4b0: {  	v27 =	vadd.s32 v24, v31;
	v28 =	vadd.s32 v24, v54;
	v31 =	vadd.f32 v40, v39  }
0x4b1: {  	v24 =	vadd.s32 v24, v56;
	v23 =	vadd.f32 v23, v43;
	v21 =	vadd.f32 v21, v58  }
0x4b2: {  	v17 =	vadd.f32 v18, v17;
	v22 =	vxor.u32 v20, v22;
	v27 =	vmul.u32 $0x25795, v27  }
0x4b3: {  	v28 =	vmul.u32 $0x25795, v28;
	v16 =	vnsel vm0, $0x0, v16;
	v31 =	vadd.f32 v31, v44  }
0x4b4: {  	v24 =	vmul.u32 $0x25795, v24;
	v18 =	vadd.f32 v23, v42;
	v23 =	vadd.f32 v21, v25  }
0x4b5: {  	v16 =	vadd.f32 v17, v16;
	v17 =	vnsel vm2, $0x0, v15;
	v15 =	vnsel vm1, $0x0, v15  }
0x4b6: {  	v25 =	vsub.f32 $0.0e+00, v11;
	v11 =	vtrunc.f32 v62;
	v31 =	vadd.f32 v31, v19  }
0x4b7: {  	v11 =	vcvt.f32.s32 v11;
	v19 =	vand.u32 $0x7FFFF, v22;
	v17 =	vadd.f32 v18, v17  }
0x4b8: {  	v22 =	vxor.u32 v29, v32;
	v16 =	vadd.f32 v16, v15;
	v21 =	vadd.f32 $1.000000000e+00, v31  }
0x4b9: {  	v29 =	vcvt.f32.s32 v63;
	v11 =	vcvt.s32.f32 v11;
	v15 =	vsub.f32 v17, v31  }
0x4ba: {  	v18 =	vsub.f32 v21, v23;
	v21 =	vxor.u32 v27, v22;
	v27 =	vmul.f32 $2.500000000e-01, v14  }
0x4bb: {  	v31 =	vadd.s32 v20, v55;
	v29 =	vcvt.s32.f32 v29;
	v22 =	vxor.u32 v30, v34  }
0x4bc: {  	v30 =	vmul.f32 $2.500000000e-01, v25;
	v22 =	vxor.u32 v28, v22;
	v28 =	vtrunc.f32 v27  }
0x4bd: {  	v20 =	vsub.f32 v16, v17;
	vm1 =	vlt.f32 v62, v11;
	v17 =	vcvt.f32.s32 v28  }
0x4be: {  	vm0 =	vlt.f32 v61, v29;
	v39 =	vsel vm1, $0x3F800000, v0;
	v28 =	vtrunc.f32 v30  }
0x4bf: {  	v38 =	vsel vm0, $0x3F800000, v0;
	v28 =	vcvt.f32.s32 v28;
	v17 =	vcvt.s32.f32 v17  }
0x4c0: {  	v26 =	vxor.u32 v31, v26;
	v11 =	vsub.f32 v11, v39;
	v29 =	vsub.f32 v29, v38  }
0x4c1: {  	v24 =	vxor.u32 v24, v26;
	v28 =	vcvt.s32.f32 v28;
	vm0 =	vlt.f32 v27, v17  }
0x4c2: {  	v11 =	vmul.f32 $4.000000000e+00, v11;
	v27 =	vmul.f32 $4.000000000e+00, v29;
	v29 =	vsel vm0, $0x3F800000, v0  }
0x4c3: {  	v23 =	vsub.f32 v23, v16;
	vm0 =	vlt.f32 v30, v28;
	v17 =	vsub.f32 v17, v29  }
0x4c4: {  	v30 =	vsub.f32 v13, v11;
	v29 =	vsub.f32 v12, v27;
	v31 =	vsel vm0, $0x3F800000, v0  }
0x4c5: {  	v21 =	vand.u32 $0x7FFFF, v21;
	v26 =	vsub.f32 v28, v31;
	v17 =	vmul.f32 $4.000000000e+00, v17  }
0x4c6: {  	v24 =	vand.u32 $0x7FFFF, v24;
	vm1 =	vgt.f32 v30, $2.000000000e+00;
	vm0 =	vgt.f32 v29, $2.000000000e+00  }
0x4c7: {  	v16 =	vsel vm0, $0x40800000, v0;
	v26 =	vmul.f32 $4.000000000e+00, v26;
	v28 =	vsub.f32 v14, v17  }
0x4c8: {  	v22 =	vand.u32 $0x7FFFF, v22;
	v16 =	vadd.f32 v16, v27;
	v27 =	vsel vm1, $0x40800000, v0  }
0x4c9: {  	v11 =	vadd.f32 v27, v11;
	v27 =	vsub.f32 v25, v26;
	vm0 =	vgt.f32 v28, $2.000000000e+00  }
0x4ca: {  	v29 =	vsub.f32 v12, v16;
	v30 =	vtrunc.f32 v16;
	v28 =	vsel vm0, $0x40800000, v0  }
0x4cb: {  	vm0 =	vgt.f32 v27, $2.000000000e+00;
	v16 =	vadd.f32 v11, v16;
	v17 =	vadd.f32 v28, v17  }
0x4cc: {  	v27 =	vsel vm0, $0x40800000, v0;
	v28 =	vsub.f32 v13, v11;
	v11 =	vtrunc.f32 v11  }
0x4cd: {  	v26 =	vadd.f32 v27, v26;
	v27 =	vcvt.f32.s32 v30;
	v31 =	vcvt.f32.s32 v11  }
0x4ce: {  	v16 =	vadd.f32 v16, v17;
	v30 =	vsub.f32 v14, v17;
	vm0 =	vlt.f32 v29, v28  }
0x4cf: {  	v17 =	vtrunc.f32 v17;
	vm1 =	vmneg vm0;
	v41 =	vsel vm0, $0x1, v1  }
0x4d0: {  	v17 =	vcvt.f32.s32 v17;
	v11 =	vadd.f32 v16, v26;
	v16 =	vsub.f32 v25, v26  }
0x4d1: {  	v40 =	vsel vm1, $0x1, v1;
	vm1 =	vlt.f32 v29, v30;
	vm2 =	vlt.f32 v28, v30  }
0x4d2: {  	v26 =	vtrunc.f32 v26;
	vm0 =	vmneg vm1;
	v42 =	vsel vm1, $0x1, v1  }
0x4d3: {  	v26 =	vcvt.f32.s32 v26;
	v11 =	vmul.f32 $2.500000000e-01, v11;
	vm1 =	vlt.f32 v29, v16  }
0x4d4: {  	v29 =	vsel vm0, $0x1, v1;
	vm0 =	vlt.f32 v28, v16;
	v28 =	vsel vm2, $0x1, v1  }
0x4d5: {  	vm2 =	vmneg vm2;
	v43 =	vsel vm1, $0x1, v1;
	v44 =	vsel vm0, $0x1, v1  }
0x4d6: {  	v28 =	vadd.s32 v40, v28;
	v46 =	vsel vm2, $0x1, v1;
	vm2 =	vlt.f32 v30, v16  }
0x4d7: {  	vm1 =	vmneg vm1;
	vm0 =	vmneg vm0;
	v11 =	vtrunc.f32 v11  }
0x4d8: {  	v16 =	vadd.s32 v29, v46;
	v45 =	vcvt.f32.s32 v11;
	v11 =	vadd.s32 v42, v41  }
0x4d9: {  	v29 =	vsel vm1, $0x1, v1;
	v30 =	vsel vm0, $0x1, v1;
	v11 =	vadd.s32 v43, v11  }
0x4da: {  	v28 =	vadd.s32 v44, v28;
	v29 =	vadd.s32 v29, v30;
	v47 =	vadd.s32 v45, v11  }
0x4db: {  	v28 =	vadd.s32 v45, v28;
	v11 =	vsel vm2, $0x1, v1;
	vm2 =	vmneg vm2  }
0x4dc: {  	vm1 =	vgt.s32 v47, $0x3;
	vm0 =	vgt.s32 v28, $0x3;
	v11 =	vadd.s32 v11, v16  }
0x4dd: {  	v16 =	vsel vm1, $0xFFFFFFFC, v1;
	v48 =	vsel vm0, $0xFFFFFFFC, v1;
	v49 =	vadd.s32 v45, v11  }
0x4de: {  	vm0 =	vlt.s32 v47, $0x0;
	vm1 =	vlt.s32 v28, $0x0;
	v11 =	vsel vm2, $0x1, v1  }
0x4df: {  	v30 =	vsel vm0, $0x4, v16;
	v29 =	vadd.s32 v11, v29;
	v32 =	vsel vm1, $0x4, v48  }
0x4e0: {  	vm0 =	vgt.s32 v49, $0x3;
	vm1 =	vlt.s32 v49, $0x0;
	v11 =	vadd.s32 v27, v30  }
0x4e1: {  	v16 =	vadd.s32 v31, v32;
	v27 =	vadd.s32 v45, v29;
	v29 =	vsel vm0, $0xFFFFFFFC, v1  }
0x4e2: {  	v30 =	vadd.s32 v47, v30;
	v28 =	vadd.s32 v28, v32;
	v29 =	vsel vm1, $0x4, v29  }
0x4e3: {  	v31 =	vcvt.s32.f32 v11;
	vm0 =	vgt.s32 v27, $0x3;
	v50 =	vcvt.s32.f32 v16  }
0x4e4: {  	vm1 =	vlt.s32 v27, $0x0;
	vm2 =	veq.s32 v30, $0x1;
	v17 =	vadd.s32 v17, v29  }
0x4e5: {  	v51 =	vsel vm0, $0xFFFFFFFC, v1;
	v29 =	vadd.s32 v49, v29;
	vm0 =	veq.s32 v30, $0x3  }
0x4e6: {  	v12 =	vsub.f32 v12, v31;
	v31 =	vsel vm1, $0x4, v51;
	v52 =	vcvt.s32.f32 v17  }
0x4e7: {  	v13 =	vsub.f32 v13, v50;
	vm1 =	veq.s32 v28, $0x3;
	v26 =	vadd.s32 v26, v31  }
0x4e8: {  	v31 =	vadd.s32 v27, v31;
	v12 =	vmul.f32 $2.500000000e-01, v12;
	v14 =	vsub.f32 v14, v52  }
0x4e9: {  	v13 =	vmul.f32 $2.500000000e-01, v13;
	v26 =	vcvt.s32.f32 v26;
	vm3 =	veq.s32 v31, $0x1  }
0x4ea: {  	vm4 =	veq.s32 v31, $0x2;
	v14 =	vmul.f32 $2.500000000e-01, v14;
	v53 =	vnsel vm0, $0x0, v12  }
0x4eb: {  	v54 =	vnsel vm1, $0x0, v13;
	v25 =	vsub.f32 v25, v26;
	vm0 =	veq.s32 v30, $0x0  }
0x4ec: {  	vm1 =	veq.s32 v28, $0x0;
	v57 =	vnsel vm2, $0x0, v12;
	vm2 =	veq.s32 v28, $0x2  }
0x4ed: {  	v26 =	vadd.f32 v54, v53;
	v55 =	vnsel vm0, $0x0, v12;
	vm0 =	veq.s32 v28, $0x1  }
0x4ee: {  	v56 =	vnsel vm1, $0x0, v13;
	vm1 =	veq.s32 v30, $0x2;
	v58 =	vnsel vm0, $0x0, v13  }
0x4ef: {  	s28 =	simm.s32 $0x6E60;
	vm0 =	veq.s32 v29, $0x3;
	v12 =	vnsel vm1, $0x0, v12;
	v13 =	vnsel vm2, $0x0, v13  }
0x4f0: {  	s29 =	simm.s32 $0x7E60;
	[tilespmem:s28+$0xFFFFFE10] =	vst v19;
	v59 =	vmul.f32 $2.500000000e-01, v25;
	v27 =	vadd.f32 v56, v55;
	vm1 =	veq.s32 v29, $0x1  }
0x4f1: {  	[tilespmem:s29+$0xFFFFFE10] =	vst v18;
	vm2 =	veq.s32 v29, $0x2;
	v25 =	vnsel vm0, $0x0, v14;
	vm0 =	veq.s32 v29, $0x0  }
0x4f2: {  	[tilespmem:s28+$0xFFFFFF10] =	vst v21;
	v12 =	vadd.f32 v13, v12;
	v60 =	vnsel vm1, $0x0, v14;
	vm1 =	vgt.s32 v28, $0x2  }
0x4f3: {  	[tilespmem:s29+$0xFFFFFF10] =	vst v15;
	v61 =	vnsel vm2, $0x0, v14;
	vm2 =	vlt.s32 v28, $0x2;
	v25 =	vadd.f32 v26, v25  }
0x4f4: {  	[tilespmem:s28+$0x10] =	vst v22;
	v26 =	vadd.f32 v58, v57;
	v13 =	vnsel vm0, $0x0, v14;
	vm0 =	veq.s32 v31, $0x3  }
0x4f5: {  	[tilespmem:s29+$0x10] =	vst v20;
	v62 =	vsel vm2, $0x2, v4;
	vm2 =	vgt.s32 v29, $0x0;
	v20 =	vnsel vm3, $0x0, v59  }
0x4f6: {  	v21 =	vnsel vm4, $0x0, v59;
	v14 =	vnsel vm0, $0x0, v59;
	vm0 =	vgt.s32 v28, $0x0  }
0x4f7: {  	v28 =	vsel vm1, $0x7FFFD, v3;
	vm1 =	vlt.s32 v29, $0x2;
	v13 =	vadd.f32 v27, v13  }
0x4f8: {  	v12 =	vadd.f32 v12, v61;
	v63 =	vsel vm0, $0x7FFFF, v2;
	vm0 =	vgt.s32 v29, $0x2  }
0x4f9: {  	v14 =	vadd.f32 v25, v14;
	v19 =	vadd.s32 v16, v28;
	v18 =	vadd.f32 v26, v60  }
0x4fa: {  	v29 =	vadd.s32 v16, v62;
	v27 =	vsel vm1, $0x2, v4;
	v25 =	vsel vm2, $0x7FFFF, v2  }
0x4fb: {  	vm1 =	vgt.s32 v30, $0x2;
	vm2 =	vlt.s32 v30, $0x2;
	v26 =	vsel vm0, $0x7FFFD, v3  }
0x4fc: {  	s30 =	simm.s32 $0x0;
	s18 =	smov.u32 s22;
	s25 =	simm.s32 $0x6E60;
	[tilespmem:s28+$0x110] =	vst v24;
	v28 =	vadd.s32 v16, v63;
	vm0 =	veq.s32 v31, $0x0;
	v19 =	vmul.u32 $0x779B1, v19  }
0x4fd: {  	s26 =	simm.s32 $0x7E60;
	s3 =	sadd.s32 $0x20, s23;
	s13 =	smov.u32 s9;
	[tilespmem:s29+$0x110] =	vst v23;
	v15 =	vmul.u32 $0x779B1, v29;
	v22 =	vnsel vm0, $0x0, v59;
	vm0 =	vgt.s32 v30, $0x0  }
.LBB2_10:
0x4fe: {  	v23 =	vld [tilespmem:s3+$0x0];
	v24 =	vadd.s32 v17, v26;
	s18 =	sadd.s32 $0x20, s18  }
0x4ff: {  	v26 =	vadd.s32 v17, v27;
	v27 =	vmul.u32 $0x779B1, v28;
	v29 =	vsel vm1, $0x7FFFD, v3;
	s13 =	sadd.s32 $0x20, s13;
	v28 =	vld [tilespmem:s18+$0x0]  }
0x500: {  	v30 =	vsel vm2, $0x2, v4;
	v25 =	vadd.s32 v17, v25;
	v32 =	vmul.u32 $0x779B1, v16;
	v31 =	vld [tilespmem:s13+$0x0]  }
0x501: {  	v33 =	vmul.u32 $0x25795, v17;
	v34 =	vsel vm0, $0x7FFFF, v2;
	v35 =	vld [tilespmem:s18+$0xFFFFFFF0];
	v17 =	vadd.f32 v13, v22  }
0x502: {  	v13 =	vmul.u32 $0x25795, v24;
	v18 =	vadd.f32 v18, v20;
	v20 =	vadd.f32 v12, v21  }
0x503: {  	v12 =	vmul.u32 $0x25795, v26;
	v21 =	vld [tilespmem:s3+$0xFFFFFFF0];
	v26 =	vadd.s32 v11, v29;
	v29 =	vadd.s32 v11, v30  }
0x504: {  	v24 =	vld [tilespmem:s13+$0xFFFFFFF0];
	v16 =	vmul.u32 $0x25795, v25;
	v26 =	vxor.u32 v26, v19;
	v25 =	vmul.f32 v28, v6  }
0x505: {  	v19 =	vadd.s32 v11, v34;
	v23 =	vmul.f32 v23, v5;
	v28 =	vmul.f32 v31, v7  }
0x506: {  	v15 =	vxor.u32 v29, v15;
	v29 =	vmul.f32 v35, v6;
	v25 =	vadd.f32 v25, v9  }
0x507: {  	v19 =	vxor.u32 v19, v27;
	v31 =	vadd.f32 v23, v8;
	v28 =	vadd.f32 v28, v10  }
0x508: {  	v43 =	vmul.f32 v21, v5;
	v35 =	vadd.f32 v29, v9;
	v21 =	vadd.f32 v25, v25  }
0x509: {  	v27 =	vmul.f32 v24, v7;
	v29 =	vadd.f32 v25, v31;
	v36 =	vadd.f32 v28, v28  }
0x50a: {  	v24 =	vxor.u32 v32, v33;
	v25 =	vadd.f32 v28, v25;
	v30 =	vsub.f32 v28, v21  }
0x50b: {  	v23 =	vxor.u32 v13, v26;
	v29 =	vadd.f32 v28, v29;
	v13 =	vadd.f32 v36, v28  }
0x50c: {  	v27 =	vadd.f32 v27, v10;
	v31 =	vsub.f32 v25, v31;
	v26 =	vmul.f32 $2.500000000e-01, v30  }
0x50d: {  	v21 =	vxor.u32 v12, v15;
	v32 =	vsub.f32 $0.0e+00, v13;
	v28 =	vmul.f32 $2.500000000e-01, v29  }
0x50e: {  	v15 =	vadd.f32 v43, v8;
	v44 =	vmul.f32 $2.500000000e-01, v31;
	v13 =	vtrunc.f32 v26  }
0x50f: {  	v25 =	vadd.f32 v27, v35;
	v45 =	vtrunc.f32 v28;
	v46 =	vmul.f32 $2.500000000e-01, v32  }
0x510: {  	v12 =	vadd.f32 v35, v15;
	v37 =	vtrunc.f32 v44;
	v38 =	vcvt.f32.s32 v13  }
0x511: {  	v13 =	vsub.f32 v25, v15;
	v15 =	vcvt.f32.s32 v45;
	v47 =	vcvt.f32.s32 v37  }
0x512: {  	v25 =	vtrunc.f32 v46;
	v48 =	vcvt.s32.f32 v38  }
0x513: {  	v15 =	vcvt.s32.f32 v15;
	v39 =	vcvt.f32.s32 v25  }
0x514: {  	v22 =	vadd.f32 $1.000000000e+00, v14;
	v34 =	vcvt.s32.f32 v47;
	vm0 =	vlt.f32 v26, v48  }
0x515: {  	vm1 =	vlt.f32 v28, v15;
	v28 =	vcvt.s32.f32 v39;
	v26 =	vsel vm0, $0x3F800000, v0  }
0x516: {  	v50 =	vsel vm1, $0x3F800000, v0;
	vm0 =	vlt.f32 v44, v34;
	v26 =	vsub.f32 v48, v26  }
0x517: {  	v15 =	vsub.f32 v15, v50;
	v33 =	vsel vm0, $0x3F800000, v0;
	vm0 =	vlt.f32 v46, v28  }
0x518: {  	v49 =	vadd.f32 v27, v27;
	v33 =	vsub.f32 v34, v33;
	v36 =	vsel vm0, $0x3F800000, v0  }
0x519: {  	v51 =	vmul.f32 $4.000000000e+00, v26;
	v52 =	vmul.f32 $4.000000000e+00, v15;
	v36 =	vsub.f32 v28, v36  }
0x51a: {  	v35 =	vadd.f32 v35, v35;
	v12 =	vadd.f32 v27, v12;
	v33 =	vmul.f32 $4.000000000e+00, v33  }
0x51b: {  	v53 =	vsub.f32 v30, v51;
	v54 =	vsub.f32 v29, v52;
	v36 =	vmul.f32 $4.000000000e+00, v36  }
0x51c: {  	v25 =	vmul.f32 $2.500000000e-01, v12;
	v15 =	vsub.f32 v27, v35;
	v55 =	vsub.f32 v31, v33  }
0x51d: {  	vm0 =	vgt.f32 v53, $2.000000000e+00;
	vm1 =	vgt.f32 v54, $2.000000000e+00;
	v56 =	vsub.f32 v32, v36  }
0x51e: {  	v35 =	vsel vm0, $0x40800000, v0;
	v40 =	vsel vm1, $0x40800000, v0;
	vm0 =	vgt.f32 v55, $2.000000000e+00  }
0x51f: {  	v34 =	vadd.f32 v35, v51;
	v57 =	vadd.f32 v40, v52;
	v58 =	vsel vm0, $0x40800000, v0  }
0x520: {  	v28 =	vadd.f32 v49, v27;
	vm0 =	vgt.f32 v56, $2.000000000e+00;
	v33 =	vadd.f32 v58, v33  }
0x521: {  	v59 =	vsel vm0, $0x40800000, v0;
	v60 =	vtrunc.f32 v34;
	v61 =	vsub.f32 v29, v57  }
0x522: {  	v62 =	vsub.f32 v30, v34;
	v41 =	vtrunc.f32 v57;
	v36 =	vadd.f32 v59, v36  }
0x523: {  	v63 =	vsub.f32 v31, v33;
	v42 =	vtrunc.f32 v33;
	v33 =	vadd.f32 v33, v57  }
0x524: {  	v35 =	vcvt.f32.s32 v41;
	v38 =	vcvt.f32.s32 v60;
	vm0 =	vlt.f32 v61, v62  }
0x525: {  	v41 =	vcvt.f32.s32 v42;
	v47 =	vtrunc.f32 v36;
	v43 =	vsub.f32 v32, v36  }
0x526: {  	vm1 =	vlt.f32 v61, v63;
	vm2 =	vlt.f32 v63, v62;
	v33 =	vadd.f32 v33, v34  }
0x527: {  	vm3 =	vmneg vm0;
	v48 =	vcvt.f32.s32 v47;
	v44 =	vsel vm0, $0x1, v1  }
0x528: {  	v49 =	vsel vm1, $0x1, v1;
	vm0 =	vmneg vm2;
	vm1 =	vmneg vm1  }
0x529: {  	v45 =	vsel vm3, $0x1, v1;
	v46 =	vsel vm2, $0x1, v1;
	vm3 =	vlt.f32 v63, v43  }
0x52a: {  	v42 =	vadd.s32 v44, v49;
	v50 =	vsel vm0, $0x1, v1;
	vm0 =	vlt.f32 v62, v43  }
0x52b: {  	v33 =	vadd.f32 v33, v36;
	v51 =	vsel vm1, $0x1, v1;
	vm1 =	vlt.f32 v61, v43  }
0x52c: {  	vm5 =	vmneg vm3;
	v53 =	vsel vm3, $0x1, v1;
	v49 =	vimm.s32 $0x0  }
0x52d: {  	vm2 =	vmneg vm1;
	vm4 =	vmneg vm0;
	v52 =	vsel vm0, $0x1, v1  }
0x52e: {  	v39 =	vsel vm1, $0x1, v1;
	v54 =	vadd.s32 v45, v50;
	v56 =	vsel vm5, $0x1, v1  }
0x52f: {  	v36 =	vadd.s32 v51, v46;
	v50 =	vimm.s32 $0x0;
	v33 =	vmul.f32 $2.500000000e-01, v33  }
0x530: {  	v51 =	vimm.s32 $0x0;
	v55 =	vsel vm2, $0x1, v1;
	v47 =	vsel vm4, $0x1, v1  }
0x531: {  	v37 =	vadd.s32 v52, v54;
	v39 =	vadd.s32 v39, v42;
	v33 =	vtrunc.f32 v33  }
0x532: {  	v36 =	vadd.s32 v53, v36;
	v44 =	vadd.s32 v55, v56;
	v33 =	vcvt.f32.s32 v33  }
0x533: {  	v52 =	vimm.s32 $0x0;
	v53 =	vimm.s32 $0x0;
	v57 =	vadd.s32 v47, v44  }
0x534: {  	v54 =	vimm.s32 $0x0;
	v55 =	vimm.s32 $0x0;
	v58 =	vadd.s32 v33, v57  }
0x535: {  	v39 =	vadd.s32 v33, v39;
	v36 =	vadd.s32 v33, v36;
	v33 =	vadd.s32 v33, v37  }
0x536: {  	v47 =	vimm.s32 $0x0;
	vm0 =	vlt.s32 v33, $0x0;
	vm1 =	vlt.s32 v58, $0x0  }
0x537: {  	vm2 =	vgt.s32 v58, $0x3;
	vm3 =	vlt.s32 v39, $0x0;
	vm13 =	vlt.s32 v36, $0x0  }
0x538: {  	vm14 =	vgt.s32 v33, $0x3;
	vm6 =	vgt.s32 v39, $0x3;
	vm7 =	vgt.s32 v36, $0x3  }
0x539: {  	v59 =	vsel vm2, $0xFFFFFFFC, v1;
	v60 =	vsel vm6, $0xFFFFFFFC, v1;
	v62 =	vsel vm14, $0xFFFFFFFC, v1  }
0x53a: {  	v61 =	vsel vm7, $0xFFFFFFFC, v1;
	v42 =	vsel vm3, $0x4, v60;
	v44 =	vsel vm0, $0x4, v62  }
0x53b: {  	v37 =	vsel vm1, $0x4, v59;
	v43 =	vsel vm13, $0x4, v61;
	v63 =	vadd.s32 v33, v44  }
0x53c: {  	v40 =	vadd.s32 v58, v37;
	v39 =	vadd.s32 v39, v42;
	v36 =	vadd.s32 v36, v43  }
0x53d: {  	v34 =	vadd.s32 v48, v37;
	v33 =	vadd.s32 v35, v42;
	v35 =	vadd.s32 v41, v43  }
0x53e: {  	v37 =	vadd.s32 v38, v44;
	v48 =	vimm.s32 $0x0;
	vm0 =	veq.s32 v40, $0x0  }
0x53f: {  	v41 =	vmul.u32 $0x25795, v37;
	vm5 =	vgt.s32 v39, $0x2;
	vm6 =	vgt.s32 v63, $0x2  }
0x540: {  	vm4 =	vlt.s32 v39, $0x2;
	vm2 =	vlt.s32 v63, $0x2;
	vm8 =	vgt.s32 v63, $0x0  }
0x541: {  	vm1 =	vlt.s32 v36, $0x2;
	vm3 =	vgt.s32 v36, $0x0;
	vm11 =	veq.s32 v39, $0x0  }
0x542: {  	vm9 =	veq.s32 v36, $0x0;
	vm10 =	veq.s32 v39, $0x1;
	vm15 =	veq.s32 v36, $0x1  }
0x543: {  	vm12 =	veq.s32 v39, $0x2;
	v34 =	vcvt.s32.f32 v34;
	vm14 =	veq.s32 v39, $0x3  }
0x544: {  	vm13 =	veq.s32 v63, $0x3;
	v56 =	vcvt.s32.f32 v33;
	v57 =	vcvt.s32.f32 v37  }
0x545: {  	v58 =	vcvt.s32.f32 v35;
	v38 =	vsel vm0, $0xFFFFFFFF, v47;
	vm0 =	veq.s32 v40, $0x1  }
0x546: {  	v59 =	vsel vm5, $0x7FFFD, v3;
	v60 =	vsel vm4, $0x2, v4;
	v61 =	vsel vm6, $0x7FFFD, v3  }
0x547: {  	v62 =	vsel vm2, $0x2, v4;
	[tilespmem:$0x1FE10] =	vst v38;
	v38 =	vmul.u32 $0x779B1, v35;
	v42 =	vsel vm0, $0xFFFFFFFF, v48  }
0x548: {  	vm0 =	veq.s32 v40, $0x2;
	v48 =	vsel vm1, $0x2, v4;
	v44 =	vadd.s32 v37, v61  }
0x549: {  	v43 =	vadd.s32 v33, v60;
	v30 =	vsub.f32 v30, v57;
	v32 =	vsub.f32 v32, v34  }
0x54a: {  	v45 =	vadd.s32 v37, v62;
	v29 =	vsub.f32 v29, v56;
	v31 =	vsub.f32 v31, v58  }
0x54b: {  	[tilespmem:$0x1FE40] =	vst v42;
	v42 =	vsel vm0, $0xFFFFFFFF, v49;
	vm0 =	veq.s32 v63, $0x0;
	v49 =	vsel vm8, $0x7FFFF, v2  }
0x54c: {  	v48 =	vadd.s32 v35, v48;
	[tilespmem:$0x1FE30] =	vst v42;
	v42 =	vsel vm0, $0xFFFFFFFF, v50;
	vm0 =	veq.s32 v63, $0x1  }
0x54d: {  	v38 =	vxor.u32 v38, v41;
	v41 =	vadd.s32 v33, v59;
	v37 =	vadd.s32 v37, v49  }
0x54e: {  	v30 =	vmul.f32 $2.500000000e-01, v30;
	[tilespmem:$0x1FDC0] =	vst v42;
	v42 =	vsel vm0, $0xFFFFFFFF, v51;
	vm0 =	veq.s32 v63, $0x2  }
0x54f: {  	v29 =	vmul.f32 $2.500000000e-01, v29;
	[tilespmem:$0x1FE20] =	vst v42;
	v42 =	vsel vm0, $0xFFFFFFFF, v52;
	vm0 =	veq.s32 v40, $0x3  }
0x550: {  	v31 =	vmul.f32 $2.500000000e-01, v31;
	v32 =	vmul.f32 $2.500000000e-01, v32;
	[tilespmem:$0x1FDD0] =	vst v42;
	v40 =	vsel vm0, $0xFFFFFFFF, v53  }
0x551: {  	v52 =	vsel vm3, $0x7FFFF, v2;
	v57 =	vnsel vm11, $0x0, v29;
	[tilespmem:$0x1FDF0] =	vst v40;
	v40 =	vsel vm10, $0xFFFFFFFF, v54;
	v54 =	vld [tilespmem:$0x1FDC0]  }
0x552: {  	v59 =	vnsel vm9, $0x0, v31;
	v60 =	vnsel vm12, $0x0, v29;
	vm0 =	vgt.s32 v36, $0x2;
	v58 =	vld [tilespmem:$0x1FDD0];
	[tilespmem:$0x1FDE0] =	vst v40  }
0x553: {  	v50 =	vnsel vm13, $0x0, v30;
	v63 =	vsel vm0, $0x7FFFD, v3;
	v40 =	vsel vm15, $0xFFFFFFFF, v55;
	v62 =	vld [tilespmem:$0x1FDE0]  }
0x554: {  	v53 =	vadd.s32 v35, v52;
	vm10 =	veq.s32 v36, $0x2;
	v47 =	vadd.s32 v35, v63;
	v63 =	vld [tilespmem:$0x1FDF0];
	[tilespmem:$0x1FE00] =	vst v40  }
0x555: {  	v34 =	vmul.u32 $0x779B1, v53;
	vm15 =	veq.s32 v36, $0x3;
	v35 =	vxor.u32 v33, v38;
	v51 =	vld [tilespmem:$0x1FE00]  }
0x556: {  	v52 =	vld [tilespmem:$0x1FE10];
	v38 =	vmul.u32 $0x25795, v45;
	v55 =	vnsel vm14, $0x0, v29;
	vm0 =	vnez.u8 v54  }
0x557: {  	v53 =	vld [tilespmem:$0x1FE20];
	v45 =	vadd.f32 v59, v57;
	v42 =	vnsel vm0, $0x0, v30;
	vm0 =	vnez.u8 v58  }
0x558: {  	v40 =	vmul.u32 $0x779B1, v48;
	v48 =	vnsel vm0, $0x0, v30;
	vm0 =	vnez.u8 v62  }
0x559: {  	v61 =	vnsel vm10, $0x0, v31;
	v29 =	vnsel vm0, $0x0, v29;
	vm0 =	vnez.u8 v63  }
0x55a: {  	v56 =	vnsel vm15, $0x0, v31;
	v49 =	vnsel vm0, $0x0, v32;
	vm0 =	vnez.u8 v51  }
0x55b: {  	v42 =	vadd.f32 v45, v42;
	v31 =	vnsel vm0, $0x0, v31;
	vm0 =	vnez.u8 v52  }
0x55c: {  	v45 =	vnsel vm0, $0x0, v32;
	v29 =	vadd.f32 v31, v29;
	vm0 =	vnez.u8 v53  }
0x55d: {  	v36 =	vmul.u32 $0x25795, v44;
	v44 =	vadd.f32 v56, v55;
	v30 =	vnsel vm0, $0x0, v30  }
0x55e: {  	v22 =	vsub.f32 v22, v17;
	v29 =	vadd.f32 v29, v30;
	v30 =	vld [tilespmem:$0x1FE30]  }
0x55f: {  	v14 =	vsub.f32 v20, v14;
	v27 =	vtrunc.f32 v25;
	v44 =	vadd.f32 v44, v50  }
0x560: {  	vm7 =	vgt.s32 v39, $0x0;
	v39 =	vmul.u32 $0x779B1, v47;
	v47 =	vadd.f32 v61, v60;
	v55 =	vld [tilespmem:$0x1FE40]  }
0x561: {  	v26 =	vmul.f32 $2.500000000e-01, v13;
	v27 =	vcvt.f32.s32 v27;
	v44 =	vadd.f32 v44, v49  }
0x562: {  	v28 =	vsub.f32 $0.0e+00, v28;
	v46 =	vsel vm7, $0x7FFFF, v2;
	v31 =	vadd.f32 v47, v48  }
0x563: {  	v42 =	vadd.f32 v42, v45;
	v54 =	vadd.f32 $1.000000000e+00, v44;
	vm0 =	vnez.u8 v30  }
0x564: {  	v35 =	vand.u32 $0x7FFFF, v35;
	v39 =	vxor.u32 v41, v39;
	v30 =	vnsel vm0, $0x0, v32  }
0x565: {  	s28 =	sadd.s32 $0x20, s28;
	vm0 =	vnez.u8 v55;
	v30 =	vadd.f32 v31, v30;
	v31 =	vsub.f32 v54, v42  }
0x566: {  	s29 =	sadd.s32 $0x20, s29;
	[tilespmem:s28+$0xFFFFFE10] =	vst v35;
	v57 =	vxor.u32 v43, v40;
	v56 =	vxor.u32 v36, v39;
	v32 =	vnsel vm0, $0x0, v32  }
0x567: {  	v29 =	vadd.f32 v29, v32;
	v58 =	vsub.f32 v30, v44;
	[tilespmem:s29+$0xFFFFFE10] =	vst v31;
	v31 =	vand.u32 $0x7FFFF, v56  }
0x568: {  	v33 =	vadd.s32 v33, v46;
	v59 =	vmul.u32 $0x25795, v37;
	[tilespmem:s28+$0xFFFFFF10] =	vst v31;
	v31 =	vxor.u32 v38, v57  }
0x569: {  	v60 =	vxor.u32 v33, v34;
	v30 =	vsub.f32 v29, v30;
	[tilespmem:s29+$0xFFFFFF10] =	vst v58;
	v31 =	vand.u32 $0x7FFFF, v31  }
0x56a: {  	v61 =	vtrunc.f32 v26;
	v62 =	vmul.f32 $2.500000000e-01, v15;
	[tilespmem:s28+$0x10] =	vst v31;
	v31 =	vxor.u32 v59, v60  }
0x56b: {  	v29 =	vsub.f32 v42, v29;
	[tilespmem:s29+$0x10] =	vst v30;
	v30 =	vand.u32 $0x7FFFF, v31;
	v31 =	vcvt.f32.s32 v61  }
0x56c: {  	v20 =	vsub.f32 v18, v20;
	v27 =	vcvt.s32.f32 v27;
	v63 =	vmul.f32 $2.500000000e-01, v28;
	[tilespmem:s28+$0x110] =	vst v30  }
0x56d: {  	v17 =	vsub.f32 v17, v18;
	v30 =	vtrunc.f32 v62;
	[tilespmem:s29+$0x110] =	vst v29;
	v29 =	vcvt.s32.f32 v31  }
0x56e: {  	vm0 =	vlt.f32 v25, v27;
	v30 =	vcvt.f32.s32 v30;
	v31 =	vtrunc.f32 v63  }
0x56f: {  	v25 =	vsel vm0, $0x3F800000, v0;
	v18 =	vcvt.f32.s32 v31;
	vm1 =	vlt.f32 v26, v29  }
0x570: {  	v25 =	vsub.f32 v27, v25;
	v30 =	vcvt.s32.f32 v30;
	v26 =	vsel vm1, $0x3F800000, v0  }
0x571: {  	v16 =	vxor.u32 v16, v19;
	v18 =	vcvt.s32.f32 v18;
	v26 =	vsub.f32 v29, v26  }
0x572: {  	v11 =	vxor.u32 v11, v24;
	v19 =	vmul.f32 $4.000000000e+00, v25;
	vm0 =	vlt.f32 v62, v30  }
0x573: {  	v25 =	vsel vm0, $0x3F800000, v0;
	vm0 =	vlt.f32 v63, v18;
	v24 =	vmul.f32 $4.000000000e+00, v26  }
0x574: {  	v25 =	vsub.f32 v30, v25;
	v26 =	vsub.f32 v12, v19;
	v29 =	vsel vm0, $0x3F800000, v0  }
0x575: {  	v16 =	vand.u32 $0x7FFFF, v16;
	v18 =	vsub.f32 v18, v29  }
0x576: {  	v27 =	vsub.f32 v13, v24;
	v25 =	vmul.f32 $4.000000000e+00, v25;
	vm0 =	vgt.f32 v26, $2.000000000e+00  }
0x577: {  	v23 =	vand.u32 $0x7FFFF, v23;
	v11 =	vand.u32 $0x7FFFF, v11;
	v26 =	vsel vm0, $0x40800000, v0  }
0x578: {  	v18 =	vmul.f32 $4.000000000e+00, v18;
	vm1 =	vgt.f32 v27, $2.000000000e+00;
	v27 =	vsub.f32 v15, v25  }
0x579: {  	v21 =	vand.u32 $0x7FFFF, v21;
	v19 =	vadd.f32 v26, v19;
	v26 =	vsel vm1, $0x40800000, v0  }
0x57a: {  	v24 =	vadd.f32 v26, v24;
	vm0 =	vgt.f32 v27, $2.000000000e+00;
	v26 =	vsub.f32 v28, v18  }
0x57b: {  	[tilespmem:s25+$0xFFFFFE00] =	vst v11;
	v27 =	vsub.f32 v12, v19;
	v29 =	vtrunc.f32 v19;
	v11 =	vsel vm0, $0x40800000, v0  }
0x57c: {  	[tilespmem:s26+$0xFFFFFE00] =	vst v22;
	v11 =	vadd.f32 v11, v25;
	vm0 =	vgt.f32 v26, $2.000000000e+00;
	v19 =	vadd.f32 v24, v19  }
0x57d: {  	[tilespmem:s25+$0xFFFFFF00] =	vst v23;
	v23 =	vsub.f32 v13, v24;
	v24 =	vtrunc.f32 v24;
	v22 =	vsel vm0, $0x40800000, v0  }
0x57e: {  	[tilespmem:s26+$0xFFFFFF00] =	vst v14;
	v14 =	vadd.f32 v22, v18;
	v18 =	vadd.f32 v19, v11;
	v19 =	vcvt.f32.s32 v29  }
0x57f: {  	[tilespmem:s25+$0x0] =	vst v21;
	v21 =	vsub.f32 v15, v11;
	vm0 =	vlt.f32 v27, v23;
	v22 =	vcvt.f32.s32 v24  }
0x580: {  	[tilespmem:s26+$0x0] =	vst v20;
	vm1 =	vmneg vm0;
	v18 =	vadd.f32 v18, v14;
	v20 =	vsub.f32 v28, v14  }
0x581: {  	[tilespmem:s25+$0x100] =	vst v16;
	v16 =	vsel vm1, $0x1, v1;
	vm2 =	vlt.f32 v23, v21;
	v14 =	vtrunc.f32 v14  }
0x582: {  	vm1 =	vlt.f32 v27, v21;
	v24 =	vsel vm2, $0x1, v1;
	v14 =	vcvt.f32.s32 v14  }
0x583: {  	[tilespmem:s26+$0x100] =	vst v17;
	v17 =	vmul.f32 $2.500000000e-01, v18;
	vm3 =	vlt.f32 v27, v20;
	vm8 =	vlt.f32 v23, v20  }
0x584: {  	v18 =	vsel vm0, $0x1, v1;
	v23 =	vsel vm1, $0x1, v1;
	v16 =	vadd.s32 v16, v24  }
0x585: {  	vm0 =	vmneg vm1;
	vm1 =	vmneg vm2;
	v25 =	vsel vm3, $0x1, v1  }
0x586: {  	v26 =	vsel vm8, $0x1, v1;
	v18 =	vadd.s32 v23, v18;
	v23 =	vsel vm0, $0x1, v1  }
0x587: {  	v24 =	vsel vm1, $0x1, v1;
	vm0 =	vlt.f32 v21, v20;
	vm1 =	vmneg vm3  }
0x588: {  	vm2 =	vmneg vm8;
	v17 =	vtrunc.f32 v17;
	v20 =	vadd.s32 v23, v24  }
0x589: {  	v21 =	vsel vm1, $0x1, v1;
	v23 =	vsel vm2, $0x1, v1;
	v17 =	vcvt.f32.s32 v17  }
0x58a: {  	v18 =	vadd.s32 v25, v18;
	v16 =	vadd.s32 v26, v16;
	v21 =	vadd.s32 v21, v23  }
0x58b: {  	v18 =	vadd.s32 v17, v18;
	v25 =	vadd.s32 v17, v16;
	v16 =	vsel vm0, $0x1, v1  }
0x58c: {  	vm0 =	vmneg vm0;
	vm3 =	vgt.s32 v18, $0x3;
	vm9 =	vgt.s32 v25, $0x3  }
0x58d: {  	v16 =	vadd.s32 v16, v20;
	vm1 =	vlt.s32 v18, $0x0;
	vm2 =	vlt.s32 v25, $0x0  }
0x58e: {  	v20 =	vsel vm3, $0xFFFFFFFC, v1;
	v26 =	vadd.s32 v17, v16;
	v16 =	vsel vm0, $0x1, v1  }
0x58f: {  	v24 =	vsel vm9, $0xFFFFFFFC, v1;
	v20 =	vsel vm1, $0x4, v20;
	v21 =	vadd.s32 v16, v21  }
0x590: {  	v23 =	vsel vm2, $0x4, v24;
	vm0 =	vgt.s32 v26, $0x3;
	v24 =	vtrunc.f32 v11  }
0x591: {  	vm1 =	vlt.s32 v26, $0x0;
	v11 =	vadd.s32 v19, v20;
	v16 =	vadd.s32 v22, v23  }
0x592: {  	v19 =	vadd.s32 v17, v21;
	v17 =	vsel vm0, $0xFFFFFFFC, v1;
	v21 =	vcvt.f32.s32 v24  }
0x593: {  	v22 =	vsel vm1, $0x4, v17;
	v24 =	vcvt.s32.f32 v11;
	v27 =	vcvt.s32.f32 v16  }
0x594: {  	vm0 =	vgt.s32 v19, $0x3;
	vm1 =	vlt.s32 v19, $0x0;
	v17 =	vadd.s32 v21, v22  }
0x595: {  	v21 =	vsel vm0, $0xFFFFFFFC, v1;
	v12 =	vsub.f32 v12, v24;
	v13 =	vsub.f32 v13, v27  }
0x596: {  	v24 =	vadd.s32 v18, v20;
	v18 =	vsel vm1, $0x4, v21;
	v20 =	vcvt.s32.f32 v17  }
0x597: {  	v21 =	vadd.s32 v25, v23;
	v14 =	vadd.s32 v14, v18;
	vm0 =	veq.s32 v24, $0x3  }
0x598: {  	vm1 =	veq.s32 v21, $0x3;
	vm2 =	veq.s32 v24, $0x1;
	vm3 =	veq.s32 v21, $0x1  }
0x599: {  	vm10 =	veq.s32 v24, $0x2;
	vm11 =	veq.s32 v21, $0x2;
	v19 =	vadd.s32 v19, v18  }
0x59a: {  	vm13 =	vgt.s32 v21, $0x2;
	vm14 =	vgt.s32 v21, $0x0;
	v12 =	vmul.f32 $2.500000000e-01, v12  }
0x59b: {  	v13 =	vmul.f32 $2.500000000e-01, v13;
	v15 =	vsub.f32 v15, v20;
	v20 =	vadd.s32 v26, v22  }
0x59c: {  	v14 =	vcvt.s32.f32 v14;
	vm15 =	veq.s32 v19, $0x2;
	vm12 =	veq.s32 v20, $0x3  }
0x59d: {  	v15 =	vmul.f32 $2.500000000e-01, v15;
	v22 =	vnsel vm0, $0x0, v12;
	v23 =	vnsel vm1, $0x0, v13  }
0x59e: {  	v14 =	vsub.f32 v28, v14;
	vm0 =	veq.s32 v24, $0x0;
	vm1 =	veq.s32 v21, $0x0  }
0x59f: {  	v26 =	vnsel vm2, $0x0, v12;
	v27 =	vnsel vm3, $0x0, v13;
	vm2 =	veq.s32 v20, $0x2  }
0x5a0: {  	vm3 =	veq.s32 v19, $0x3;
	v28 =	vsel vm14, $0x7FFFF, v2;
	v22 =	vadd.f32 v23, v22  }
0x5a1: {  	v23 =	vnsel vm0, $0x0, v12;
	v25 =	vnsel vm1, $0x0, v13;
	v12 =	vnsel vm10, $0x0, v12  }
0x5a2: {  	v13 =	vnsel vm11, $0x0, v13;
	vm0 =	veq.s32 v20, $0x0;
	vm1 =	veq.s32 v20, $0x1  }
0x5a3: {  	v28 =	vadd.s32 v16, v28;
	v29 =	vmul.f32 $2.500000000e-01, v14;
	v14 =	vnsel vm12, $0x0, v15  }
0x5a4: {  	v18 =	vadd.f32 v25, v23;
	v12 =	vadd.f32 v13, v12;
	v13 =	vnsel vm0, $0x0, v15  }
0x5a5: {  	vm0 =	vlt.s32 v21, $0x2;
	v21 =	vnsel vm1, $0x0, v15;
	v15 =	vnsel vm2, $0x0, v15  }
0x5a6: {  	v25 =	vsel vm13, $0x7FFFD, v3;
	vm1 =	vlt.s32 v20, $0x2;
	vm2 =	vgt.s32 v20, $0x0  }
0x5a7: {  	v14 =	vadd.f32 v22, v14;
	v22 =	vadd.f32 v27, v26;
	v26 =	vsel vm0, $0x2, v4  }
0x5a8: {  	s30 =	sadd.s32 $0x2, s30;
	vm0 =	vgt.s32 v20, $0x2;
	v27 =	vsel vm1, $0x2, v4;
	vm1 =	vgt.s32 v24, $0x2  }
0x5a9: {  	p0 =	slt.u32 s30, $0xE;
	v23 =	vnsel vm3, $0x0, v29;
	v13 =	vadd.f32 v18, v13;
	v12 =	vadd.f32 v12, v15  }
.Ltmp3:
0x5aa: {  	v15 =	vadd.s32 v16, v26;
	v26 =	vsel vm0, $0x7FFFD, v3;
	vm0 =	veq.s32 v19, $0x0;
	(pc) =	sbr.rel @p0 .LBB2_10-.Ltmp3, $4  }
0x5ab: {  	vm3 =	veq.s32 v19, $0x1;
	v14 =	vadd.f32 v14, v23;
	v23 =	vadd.s32 v16, v25  }
0x5ac: {  	v18 =	vadd.f32 v22, v21;
	v25 =	vsel vm2, $0x7FFFF, v2;
	vm2 =	vlt.s32 v24, $0x2  }
0x5ad: {  	v22 =	vnsel vm0, $0x0, v29;
	v20 =	vnsel vm3, $0x0, v29;
	vm0 =	vgt.s32 v24, $0x0  }
0x5ae: {  	s3 =	sadd.s32 $0x20, s3;
	s25 =	smov.u32 s28;
	s26 =	smov.u32 s29;
	v21 =	vnsel vm15, $0x0, v29;
	v15 =	vmul.u32 $0x779B1, v15;
	v19 =	vmul.u32 $0x779B1, v23  }
0x5af: {  	v23 =	vadd.s32 v17, v26;
	v24 =	vadd.s32 v17, v27  }
0x5b0: {  	v54 =	vmul.u32 $0x779B1, v28;
	v55 =	vsel vm1, $0x7FFFD, v3;
	v56 =	vsel vm2, $0x2, v4  }
0x5b1: {  	v25 =	vadd.s32 v17, v25;
	v16 =	vmul.u32 $0x779B1, v16;
	v17 =	vmul.u32 $0x25795, v17  }
0x5b2: {  	v29 =	vsel vm0, $0x7FFFF, v2;
	v13 =	vadd.f32 v13, v22;
	v22 =	vadd.f32 $1.000000000e+00, v14  }
0x5b3: {  	v18 =	vadd.f32 v18, v20;
	v12 =	vadd.f32 v12, v21;
	v16 =	vxor.u32 v16, v17  }
0x5b4: {  	v23 =	vmul.u32 $0x25795, v23;
	v17 =	vadd.s32 v11, v55;
	v16 =	vxor.u32 v11, v16  }
0x5b5: {  	v17 =	vxor.u32 v17, v19;
	v19 =	vsub.f32 v22, v13;
	v16 =	vand.u32 $0x7FFFF, v16  }
0x5b6: {  	v20 =	vmul.u32 $0x25795, v24;
	v21 =	vadd.s32 v11, v56;
	v17 =	vxor.u32 v23, v17;
	[tilespmem:s25+$0xFFFFFE00] =	vst v16  }
0x5b7: {  	v15 =	vxor.u32 v21, v15;
	v14 =	vsub.f32 v12, v14;
	v16 =	vand.u32 $0x7FFFF, v17;
	[tilespmem:s26+$0xFFFFFE00] =	vst v19  }
0x5b8: {  	v11 =	vadd.s32 v11, v29;
	v15 =	vxor.u32 v20, v15;
	v17 =	vmul.u32 $0x25795, v25;
	[tilespmem:s25+$0xFFFFFF00] =	vst v16  }
0x5b9: {  	v12 =	vsub.f32 v18, v12;
	v11 =	vxor.u32 v11, v54;
	v15 =	vand.u32 $0x7FFFF, v15;
	[tilespmem:s26+$0xFFFFFF00] =	vst v14  }
0x5ba: {  	v11 =	vxor.u32 v17, v11;
	[tilespmem:s25+$0x0] =	vst v15  }
0x5bb: {  	v13 =	vsub.f32 v13, v18;
	v11 =	vand.u32 $0x7FFFF, v11;
	[tilespmem:s26+$0x0] =	vst v12  }
0x5bc: {  	[tilespmem:s25+$0x100] =	vst v11  }
0x5bd: {  	s3 =	simm.s32 $0x6C60;
	s13 =	simm.s32 $0x8C60;
	[tilespmem:s26+$0x100] =	vst v13  }
0x5be: {  	[tilespmem:s13], [sflag:$0x4] =	stream.indirect.gather [spmem:s6], $0x1, s3, s21, $0xb8;
	[tilespmem:$0x11860] =	vst v63  }
0x5bf: {  	_ =	swait.ge [sflag:s31], $0x400  }
0x5c0: {  	[sflag:s31] =	ssyncset.done $0x0  }
0x5c1: {  	s28 =	simm.s32 $0x8260;
	[sflag:s31] =	ssyncadd.s32 $0xFFFFFC00  }
0x5c2: {  	s29 =	simm.s32 $0x7260;
	v11 =	vld [tilespmem:s28+$0xFFFFFE10]  }
0x5c3: {  	v12 =	vld [tilespmem:s29+$0xFFFFFE10]  }
0x5c4: {  	v13 =	vld [tilespmem:s28+$0xFFFFFF10]  }
0x5c5: {  	v14 =	vld [tilespmem:s29+$0xFFFFFF10]  }
0x5c6: {  	v15 =	vld [tilespmem:s28+$0x10]  }
0x5c7: {  	v17 =	vld [tilespmem:s29+$0x10];
	v16 =	vshll.u32 v11, $0x10  }
0x5c8: {  	v18 =	vld [tilespmem:s28+$0x110];
	v11 =	vand.u32 $0xFFFF0000, v11;
	v16 =	vmul.f32 v16, v12  }
0x5c9: {  	v19 =	vld [tilespmem:s29+$0x110];
	v11 =	vmul.f32 v11, v12;
	v12 =	vshll.u32 v13, $0x10  }
0x5ca: {  	v20 =	vld [tilespmem:s28+$0xFFFFFE00];
	v13 =	vand.u32 $0xFFFF0000, v13;
	v12 =	vmul.f32 v12, v14;
	v16 =	vadd.f32 $0.0e+00, v16  }
0x5cb: {  	v21 =	vld [tilespmem:s29+$0xFFFFFE00];
	v13 =	vmul.f32 v13, v14;
	v14 =	vshll.u32 v15, $0x10;
	v11 =	vadd.f32 $0.0e+00, v11  }
0x5cc: {  	v22 =	vld [tilespmem:s28+$0xFFFFFF00];
	v15 =	vand.u32 $0xFFFF0000, v15;
	v14 =	vmul.f32 v14, v17;
	v12 =	vadd.f32 v12, v16  }
0x5cd: {  	v16 =	vld [tilespmem:s29+$0xFFFFFF00];
	v11 =	vadd.f32 v13, v11;
	v13 =	vmul.f32 v15, v17;
	v15 =	vshll.u32 v18, $0x10  }
0x5ce: {  	v17 =	vld [tilespmem:s28+$0x0];
	v15 =	vmul.f32 v15, v19;
	v12 =	vadd.f32 v14, v12;
	v14 =	vand.u32 $0xFFFF0000, v18  }
0x5cf: {  	v23 =	vld [tilespmem:s29+$0x0];
	v18 =	vshll.u32 v20, $0x10;
	v11 =	vadd.f32 v13, v11;
	v13 =	vmul.f32 v14, v19  }
0x5d0: {  	v14 =	vand.u32 $0xFFFF0000, v20;
	v18 =	vmul.f32 v18, v21;
	v19 =	vld [tilespmem:s28+$0x100];
	v12 =	vadd.f32 v15, v12  }
0x5d1: {  	s18 =	simm.s32 $0x8280;
	v20 =	vld [tilespmem:s29+$0x100];
	v14 =	vmul.f32 v14, v21;
	v15 =	vshll.u32 v22, $0x10;
	v21 =	vadd.f32 v13, v11  }
0x5d2: {  	s3 =	simm.s32 $0x7280;
	v11 =	vld [tilespmem:s18+$0xFFFFFE10];
	v13 =	vadd.f32 $0.0e+00, v18;
	v18 =	vand.u32 $0xFFFF0000, v22;
	v15 =	vmul.f32 v15, v16  }
0x5d3: {  	v22 =	vld [tilespmem:s3+$0xFFFFFE10];
	v14 =	vadd.f32 $0.0e+00, v14;
	v16 =	vmul.f32 v18, v16;
	v18 =	vshll.u32 v17, $0x10  }
0x5d4: {  	v57 =	vld [tilespmem:s18+$0xFFFFFF10];
	v13 =	vadd.f32 v15, v13;
	v15 =	vand.u32 $0xFFFF0000, v17;
	v17 =	vmul.f32 v18, v23  }
0x5d5: {  	v18 =	vld [tilespmem:s3+$0xFFFFFF10];
	v14 =	vadd.f32 v16, v14;
	v15 =	vmul.f32 v15, v23;
	v16 =	vshll.u32 v19, $0x10  }
0x5d6: {  	v23 =	vld [tilespmem:s18+$0x10];
	v13 =	vadd.f32 v17, v13;
	v17 =	vand.u32 $0xFFFF0000, v19;
	v16 =	vmul.f32 v16, v20  }
0x5d7: {  	v58 =	vld [tilespmem:s3+$0x10];
	v19 =	vshll.u32 v11, $0x10;
	v14 =	vadd.f32 v15, v14;
	v15 =	vmul.f32 v17, v20  }
0x5d8: {  	v11 =	vand.u32 $0xFFFF0000, v11;
	v17 =	vmul.f32 v19, v22;
	v19 =	vld [tilespmem:s18+$0x110];
	v16 =	vadd.f32 v16, v13  }
0x5d9: {  	v20 =	vld [tilespmem:s3+$0x110];
	v11 =	vmul.f32 v11, v22;
	v13 =	vshll.u32 v57, $0x10;
	v22 =	vadd.f32 v15, v14  }
0x5da: {  	v15 =	vld [tilespmem:s18+$0xFFFFFE00];
	v59 =	vmul.f32 v13, v18;
	v14 =	vadd.f32 $0.0e+00, v17;
	v17 =	vand.u32 $0xFFFF0000, v57  }
0x5db: {  	v60 =	vld [tilespmem:s3+$0xFFFFFE00];
	v61 =	vadd.f32 $0.0e+00, v11;
	v11 =	vshll.u32 v23, $0x10;
	v17 =	vmul.f32 v17, v18  }
0x5dc: {  	v13 =	vld [tilespmem:s18+$0xFFFFFF00];
	v18 =	vand.u32 $0xFFFF0000, v23;
	v23 =	vmul.f32 v11, v58;
	v14 =	vadd.f32 v59, v14  }
0x5dd: {  	s30 =	simm.s32 $0x9070;
	v11 =	vld [tilespmem:s3+$0xFFFFFF00];
	v18 =	vmul.f32 v18, v58;
	v17 =	vadd.f32 v17, v61;
	v62 =	vshll.u32 v19, $0x10  }
0x5de: {  	s13 =	simm.s32 $0x9470;
	[tilespmem:s30+$0x0] =	vst v12;
	v12 =	vld [tilespmem:s18+$0x0];
	v19 =	vand.u32 $0xFFFF0000, v19;
	v23 =	vadd.f32 v23, v14;
	v24 =	vmul.f32 v62, v20  }
0x5df: {  	[tilespmem:s13+$0x0] =	vst v21;
	v21 =	vshll.u32 v15, $0x10;
	v14 =	vld [tilespmem:s3+$0x0];
	v63 =	vmul.f32 v19, v20;
	v17 =	vadd.f32 v18, v17  }
0x5e0: {  	[tilespmem:s30+$0xFFFFFFF0] =	vst v16;
	v16 =	vand.u32 $0xFFFF0000, v15;
	v15 =	vld [tilespmem:s18+$0x100];
	v20 =	vmul.f32 v21, v60;
	v18 =	vadd.f32 v24, v23  }
0x5e1: {  	s25 =	simm.s32 $0x2;
	s26 =	simm.s32 $0x82A0;
	[tilespmem:s13+$0xFFFFFFF0] =	vst v22;
	s18 =	simm.s32 $0x9090;
	v19 =	vmul.f32 v16, v60;
	v21 =	vshll.u32 v13, $0x10;
	v16 =	vld [tilespmem:s3+$0x100];
	v17 =	vadd.f32 v63, v17  }
.LBB2_12:
0x5e2: {  	v22 =	vld [tilespmem:s26+$0xFFFFFE10];
	v20 =	vadd.f32 $0.0e+00, v20;
	v13 =	vand.u32 $0xFFFF0000, v13;
	v21 =	vmul.f32 v21, v11;
	[tilespmem:s18+$0x0] =	vst v18;
	s3 =	sadd.s32 $0x20, s3;
	s13 =	sadd.s32 $0x20, s13  }
0x5e3: {  	s25 =	sadd.s32 $0x2, s25;
	v18 =	vld [tilespmem:s3+$0xFFFFFE10];
	v19 =	vadd.f32 $0.0e+00, v19;
	v11 =	vmul.f32 v13, v11;
	v13 =	vshll.u32 v12, $0x10;
	[tilespmem:s13+$0x0] =	vst v17  }
0x5e4: {  	p0 =	slt.u32 s25, $0xE;
	v12 =	vand.u32 $0xFFFF0000, v12;
	v17 =	vld [tilespmem:s26+$0xFFFFFF10];
	v20 =	vadd.f32 v21, v20;
	v13 =	vmul.f32 v13, v14  }
0x5e5: {  	v12 =	vmul.f32 v12, v14;
	v21 =	vld [tilespmem:s3+$0xFFFFFF10];
	v11 =	vadd.f32 v11, v19;
	v14 =	vshll.u32 v15, $0x10  }
0x5e6: {  	v15 =	vand.u32 $0xFFFF0000, v15;
	v19 =	vld [tilespmem:s26+$0x10];
	v13 =	vadd.f32 v13, v20;
	v14 =	vmul.f32 v14, v16  }
0x5e7: {  	v20 =	vshll.u32 v22, $0x10;
	v23 =	vld [tilespmem:s3+$0x10];
	v11 =	vadd.f32 v12, v11;
	v12 =	vmul.f32 v15, v16  }
0x5e8: {  	v15 =	vand.u32 $0xFFFF0000, v22;
	v16 =	vmul.f32 v20, v18;
	v20 =	vld [tilespmem:s26+$0x110];
	v13 =	vadd.f32 v14, v13  }
0x5e9: {  	v14 =	vmul.f32 v15, v18;
	v15 =	vshll.u32 v17, $0x10;
	v18 =	vld [tilespmem:s3+$0x110];
	v11 =	vadd.f32 v12, v11  }
0x5ea: {  	v22 =	vld [tilespmem:s26+$0xFFFFFE00];
	v12 =	vadd.f32 $0.0e+00, v16;
	v16 =	vand.u32 $0xFFFF0000, v17;
	v15 =	vmul.f32 v15, v21;
	[tilespmem:s18+$0xFFFFFFF0] =	vst v13  }
0x5eb: {  	v14 =	vadd.f32 $0.0e+00, v14;
	v17 =	vld [tilespmem:s3+$0xFFFFFE00];
	v16 =	vmul.f32 v16, v21;
	v21 =	vshll.u32 v19, $0x10;
	[tilespmem:s13+$0xFFFFFFF0] =	vst v11  }
0x5ec: {  	v13 =	vld [tilespmem:s26+$0xFFFFFF00];
	v15 =	vadd.f32 v15, v12;
	v12 =	vand.u32 $0xFFFF0000, v19;
	v19 =	vmul.f32 v21, v23  }
.Ltmp4:
0x5ed: {  	v11 =	vld [tilespmem:s3+$0xFFFFFF00];
	v16 =	vadd.f32 v16, v14;
	v21 =	vmul.f32 v12, v23;
	v14 =	vshll.u32 v20, $0x10;
	(pc) =	sbr.rel @p0 .LBB2_12-.Ltmp4, $4  }
0x5ee: {  	v12 =	vld [tilespmem:s26+$0x0];
	v19 =	vadd.f32 v19, v15;
	v15 =	vand.u32 $0xFFFF0000, v20;
	v23 =	vmul.f32 v14, v18  }
0x5ef: {  	v20 =	vshll.u32 v22, $0x10;
	v14 =	vld [tilespmem:s3+$0x0];
	v24 =	vadd.f32 v21, v16;
	v25 =	vmul.f32 v15, v18  }
0x5f0: {  	v16 =	vand.u32 $0xFFFF0000, v22;
	v20 =	vmul.f32 v20, v17;
	v15 =	vld [tilespmem:s26+$0x100];
	v18 =	vadd.f32 v23, v19  }
0x5f1: {  	s18 =	sadd.s32 $0x20, s18;
	v19 =	vmul.f32 v16, v17;
	s26 =	sadd.s32 $0x20, s26;
	v21 =	vshll.u32 v13, $0x10;
	v16 =	vld [tilespmem:s3+$0x100];
	v17 =	vadd.f32 v25, v24  }
0x5f2: {  	v20 =	vadd.f32 $0.0e+00, v20;
	v13 =	vand.u32 $0xFFFF0000, v13;
	v21 =	vmul.f32 v21, v11  }
0x5f3: {  	v19 =	vadd.f32 $0.0e+00, v19;
	v11 =	vmul.f32 v13, v11;
	v13 =	vshll.u32 v12, $0x10  }
0x5f4: {  	v12 =	vand.u32 $0xFFFF0000, v12;
	v20 =	vadd.f32 v21, v20;
	v13 =	vmul.f32 v13, v14  }
0x5f5: {  	v12 =	vmul.f32 v12, v14;
	v11 =	vadd.f32 v11, v19;
	v14 =	vshll.u32 v15, $0x10  }
0x5f6: {  	v15 =	vand.u32 $0xFFFF0000, v15;
	v13 =	vadd.f32 v13, v20;
	v14 =	vmul.f32 v14, v16  }
0x5f7: {  	v11 =	vadd.f32 v12, v11;
	v12 =	vmul.f32 v15, v16  }
0x5f8: {  	[tilespmem:s18+$0x0] =	vst v18;
	s3 =	sadd.s32 $0x20, s13;
	v13 =	vadd.f32 v14, v13  }
0x5f9: {  	[tilespmem:s3+$0x0] =	vst v17;
	v11 =	vadd.f32 v12, v11  }
0x5fa: {  	[tilespmem:s18+$0xFFFFFFF0] =	vst v13  }
0x5fb: {  	[tilespmem:s3+$0xFFFFFFF0] =	vst v11  }
0x5fc: {  	_ =	swait.ge [sflag:s0], $0x400  }
0x5fd: {  	[sflag:s0] =	ssyncset.done $0x0  }
0x5fe: {  	s28 =	simm.s32 $0x8660;
	[sflag:s0] =	ssyncadd.s32 $0xFFFFFC00  }
0x5ff: {  	s29 =	simm.s32 $0x7660;
	v11 =	vld [tilespmem:s28+$0xFFFFFE10]  }
0x600: {  	v12 =	vld [tilespmem:s29+$0xFFFFFE10]  }
0x601: {  	v13 =	vld [tilespmem:s28+$0xFFFFFF10]  }
0x602: {  	v14 =	vld [tilespmem:s29+$0xFFFFFF10]  }
0x603: {  	v15 =	vld [tilespmem:s28+$0x10]  }
0x604: {  	v17 =	vld [tilespmem:s29+$0x10];
	v16 =	vshll.u32 v11, $0x10  }
0x605: {  	v18 =	vld [tilespmem:s28+$0x110];
	v11 =	vand.u32 $0xFFFF0000, v11;
	v16 =	vmul.f32 v16, v12  }
0x606: {  	v19 =	vld [tilespmem:s29+$0x110];
	v11 =	vmul.f32 v11, v12;
	v12 =	vshll.u32 v13, $0x10  }
0x607: {  	v20 =	vld [tilespmem:s28+$0xFFFFFE00];
	v13 =	vand.u32 $0xFFFF0000, v13;
	v12 =	vmul.f32 v12, v14;
	v16 =	vadd.f32 $0.0e+00, v16  }
0x608: {  	v21 =	vld [tilespmem:s29+$0xFFFFFE00];
	v13 =	vmul.f32 v13, v14;
	v14 =	vshll.u32 v15, $0x10;
	v11 =	vadd.f32 $0.0e+00, v11  }
0x609: {  	v22 =	vld [tilespmem:s28+$0xFFFFFF00];
	v15 =	vand.u32 $0xFFFF0000, v15;
	v14 =	vmul.f32 v14, v17;
	v12 =	vadd.f32 v12, v16  }
0x60a: {  	v16 =	vld [tilespmem:s29+$0xFFFFFF00];
	v11 =	vadd.f32 v13, v11;
	v13 =	vmul.f32 v15, v17;
	v15 =	vshll.u32 v18, $0x10  }
0x60b: {  	v17 =	vld [tilespmem:s28+$0x0];
	v15 =	vmul.f32 v15, v19;
	v12 =	vadd.f32 v14, v12;
	v14 =	vand.u32 $0xFFFF0000, v18  }
0x60c: {  	v23 =	vld [tilespmem:s29+$0x0];
	v18 =	vshll.u32 v20, $0x10;
	v11 =	vadd.f32 v13, v11;
	v13 =	vmul.f32 v14, v19  }
0x60d: {  	v14 =	vand.u32 $0xFFFF0000, v20;
	v18 =	vmul.f32 v18, v21;
	v19 =	vld [tilespmem:s28+$0x100];
	v12 =	vadd.f32 v15, v12  }
0x60e: {  	s30 =	simm.s32 $0x8680;
	v20 =	vld [tilespmem:s29+$0x100];
	v14 =	vmul.f32 v14, v21;
	v15 =	vshll.u32 v22, $0x10;
	v21 =	vadd.f32 v13, v11  }
0x60f: {  	s3 =	simm.s32 $0x7680;
	v11 =	vld [tilespmem:s30+$0xFFFFFE10];
	v13 =	vadd.f32 $0.0e+00, v18;
	v18 =	vand.u32 $0xFFFF0000, v22;
	v15 =	vmul.f32 v15, v16  }
0x610: {  	v22 =	vld [tilespmem:s3+$0xFFFFFE10];
	v14 =	vadd.f32 $0.0e+00, v14;
	v16 =	vmul.f32 v18, v16;
	v18 =	vshll.u32 v17, $0x10  }
0x611: {  	v24 =	vld [tilespmem:s30+$0xFFFFFF10];
	v13 =	vadd.f32 v15, v13;
	v15 =	vand.u32 $0xFFFF0000, v17;
	v17 =	vmul.f32 v18, v23  }
0x612: {  	v18 =	vld [tilespmem:s3+$0xFFFFFF10];
	v14 =	vadd.f32 v16, v14;
	v15 =	vmul.f32 v15, v23;
	v16 =	vshll.u32 v19, $0x10  }
0x613: {  	v23 =	vld [tilespmem:s30+$0x10];
	v13 =	vadd.f32 v17, v13;
	v17 =	vand.u32 $0xFFFF0000, v19;
	v16 =	vmul.f32 v16, v20  }
0x614: {  	v25 =	vld [tilespmem:s3+$0x10];
	v19 =	vshll.u32 v11, $0x10;
	v14 =	vadd.f32 v15, v14;
	v15 =	vmul.f32 v17, v20  }
0x615: {  	v11 =	vand.u32 $0xFFFF0000, v11;
	v17 =	vmul.f32 v19, v22;
	v19 =	vld [tilespmem:s30+$0x110];
	v16 =	vadd.f32 v16, v13  }
0x616: {  	v20 =	vld [tilespmem:s3+$0x110];
	v11 =	vmul.f32 v11, v22;
	v13 =	vshll.u32 v24, $0x10;
	v22 =	vadd.f32 v15, v14  }
0x617: {  	v15 =	vld [tilespmem:s30+$0xFFFFFE00];
	v13 =	vmul.f32 v13, v18;
	v14 =	vadd.f32 $0.0e+00, v17;
	v17 =	vand.u32 $0xFFFF0000, v24  }
0x618: {  	v62 =	vld [tilespmem:s3+$0xFFFFFE00];
	v11 =	vadd.f32 $0.0e+00, v11;
	v17 =	vmul.f32 v17, v18;
	v18 =	vshll.u32 v23, $0x10  }
0x619: {  	v23 =	vand.u32 $0xFFFF0000, v23;
	v14 =	vadd.f32 v13, v14;
	v13 =	vld [tilespmem:s30+$0xFFFFFF00];
	v18 =	vmul.f32 v18, v25  }
0x61a: {  	s25 =	simm.s32 $0x9170;
	v23 =	vmul.f32 v23, v25;
	v17 =	vadd.f32 v17, v11;
	v11 =	vld [tilespmem:s3+$0xFFFFFF00];
	v63 =	vshll.u32 v19, $0x10  }
0x61b: {  	s13 =	simm.s32 $0x9570;
	[tilespmem:s25+$0x0] =	vst v12;
	v12 =	vld [tilespmem:s30+$0x0];
	v18 =	vadd.f32 v18, v14;
	v14 =	vand.u32 $0xFFFF0000, v19;
	v19 =	vmul.f32 v63, v20  }
0x61c: {  	[tilespmem:s13+$0x0] =	vst v21;
	v21 =	vshll.u32 v15, $0x10;
	v17 =	vadd.f32 v23, v17;
	v23 =	vmul.f32 v14, v20;
	v14 =	vld [tilespmem:s3+$0x0]  }
0x61d: {  	[tilespmem:s25+$0xFFFFFFF0] =	vst v16;
	v16 =	vand.u32 $0xFFFF0000, v15;
	v15 =	vld [tilespmem:s30+$0x100];
	v20 =	vmul.f32 v21, v62;
	v18 =	vadd.f32 v19, v18  }
0x61e: {  	s26 =	simm.s32 $0x86A0;
	s18 =	simm.s32 $0x9190;
	s25 =	simm.s32 $0x2;
	[tilespmem:s13+$0xFFFFFFF0] =	vst v22;
	v19 =	vmul.f32 v16, v62;
	v16 =	vld [tilespmem:s3+$0x100];
	v21 =	vshll.u32 v13, $0x10;
	v17 =	vadd.f32 v23, v17  }
.LBB2_14:
0x61f: {  	v22 =	vld [tilespmem:s26+$0xFFFFFE10];
	v20 =	vadd.f32 $0.0e+00, v20;
	v13 =	vand.u32 $0xFFFF0000, v13;
	v21 =	vmul.f32 v21, v11;
	[tilespmem:s18+$0x0] =	vst v18;
	s3 =	sadd.s32 $0x20, s3;
	s13 =	sadd.s32 $0x20, s13  }
0x620: {  	s25 =	sadd.s32 $0x2, s25;
	v18 =	vld [tilespmem:s3+$0xFFFFFE10];
	v19 =	vadd.f32 $0.0e+00, v19;
	v11 =	vmul.f32 v13, v11;
	v13 =	vshll.u32 v12, $0x10;
	[tilespmem:s13+$0x0] =	vst v17  }
0x621: {  	p0 =	slt.u32 s25, $0xE;
	v12 =	vand.u32 $0xFFFF0000, v12;
	v17 =	vld [tilespmem:s26+$0xFFFFFF10];
	v20 =	vadd.f32 v21, v20;
	v13 =	vmul.f32 v13, v14  }
0x622: {  	v12 =	vmul.f32 v12, v14;
	v21 =	vld [tilespmem:s3+$0xFFFFFF10];
	v11 =	vadd.f32 v11, v19;
	v14 =	vshll.u32 v15, $0x10  }
0x623: {  	v15 =	vand.u32 $0xFFFF0000, v15;
	v19 =	vld [tilespmem:s26+$0x10];
	v13 =	vadd.f32 v13, v20;
	v14 =	vmul.f32 v14, v16  }
0x624: {  	v20 =	vshll.u32 v22, $0x10;
	v23 =	vld [tilespmem:s3+$0x10];
	v11 =	vadd.f32 v12, v11;
	v12 =	vmul.f32 v15, v16  }
0x625: {  	v15 =	vand.u32 $0xFFFF0000, v22;
	v16 =	vmul.f32 v20, v18;
	v20 =	vld [tilespmem:s26+$0x110];
	v13 =	vadd.f32 v14, v13  }
0x626: {  	v14 =	vmul.f32 v15, v18;
	v15 =	vshll.u32 v17, $0x10;
	v18 =	vld [tilespmem:s3+$0x110];
	v11 =	vadd.f32 v12, v11  }
0x627: {  	v22 =	vld [tilespmem:s26+$0xFFFFFE00];
	v12 =	vadd.f32 $0.0e+00, v16;
	v16 =	vand.u32 $0xFFFF0000, v17;
	v15 =	vmul.f32 v15, v21;
	[tilespmem:s18+$0xFFFFFFF0] =	vst v13  }
0x628: {  	v14 =	vadd.f32 $0.0e+00, v14;
	v17 =	vld [tilespmem:s3+$0xFFFFFE00];
	v16 =	vmul.f32 v16, v21;
	v21 =	vshll.u32 v19, $0x10;
	[tilespmem:s13+$0xFFFFFFF0] =	vst v11  }
0x629: {  	v13 =	vld [tilespmem:s26+$0xFFFFFF00];
	v15 =	vadd.f32 v15, v12;
	v12 =	vand.u32 $0xFFFF0000, v19;
	v19 =	vmul.f32 v21, v23  }
.Ltmp5:
0x62a: {  	v11 =	vld [tilespmem:s3+$0xFFFFFF00];
	v16 =	vadd.f32 v16, v14;
	v21 =	vmul.f32 v12, v23;
	v14 =	vshll.u32 v20, $0x10;
	(pc) =	sbr.rel @p0 .LBB2_14-.Ltmp5, $4  }
0x62b: {  	v12 =	vld [tilespmem:s26+$0x0];
	v19 =	vadd.f32 v19, v15;
	v15 =	vand.u32 $0xFFFF0000, v20;
	v23 =	vmul.f32 v14, v18  }
0x62c: {  	v20 =	vshll.u32 v22, $0x10;
	v14 =	vld [tilespmem:s3+$0x0];
	v24 =	vadd.f32 v21, v16;
	v25 =	vmul.f32 v15, v18  }
0x62d: {  	v16 =	vand.u32 $0xFFFF0000, v22;
	v20 =	vmul.f32 v20, v17;
	v15 =	vld [tilespmem:s26+$0x100];
	v18 =	vadd.f32 v23, v19  }
0x62e: {  	s18 =	sadd.s32 $0x20, s18;
	v19 =	vmul.f32 v16, v17;
	s26 =	sadd.s32 $0x20, s26;
	v21 =	vshll.u32 v13, $0x10;
	v16 =	vld [tilespmem:s3+$0x100];
	v17 =	vadd.f32 v25, v24  }
0x62f: {  	v20 =	vadd.f32 $0.0e+00, v20;
	v13 =	vand.u32 $0xFFFF0000, v13;
	v21 =	vmul.f32 v21, v11  }
0x630: {  	v19 =	vadd.f32 $0.0e+00, v19;
	v11 =	vmul.f32 v13, v11;
	v13 =	vshll.u32 v12, $0x10  }
0x631: {  	v12 =	vand.u32 $0xFFFF0000, v12;
	v20 =	vadd.f32 v21, v20;
	v13 =	vmul.f32 v13, v14  }
0x632: {  	v12 =	vmul.f32 v12, v14;
	v11 =	vadd.f32 v11, v19;
	v14 =	vshll.u32 v15, $0x10  }
0x633: {  	v15 =	vand.u32 $0xFFFF0000, v15;
	v13 =	vadd.f32 v13, v20;
	v14 =	vmul.f32 v14, v16  }
0x634: {  	v11 =	vadd.f32 v12, v11;
	v12 =	vmul.f32 v15, v16  }
0x635: {  	[tilespmem:s18+$0x0] =	vst v18;
	s3 =	sadd.s32 $0x20, s13;
	v13 =	vadd.f32 v14, v13  }
0x636: {  	[tilespmem:s3+$0x0] =	vst v17;
	v11 =	vadd.f32 v12, v11  }
0x637: {  	[tilespmem:s18+$0xFFFFFFF0] =	vst v13  }
0x638: {  	[tilespmem:s3+$0xFFFFFFF0] =	vst v11  }
0x639: {  	_ =	swait.ge [sflag:s5], $0x400  }
0x63a: {  	[sflag:s5] =	ssyncset.done $0x0  }
0x63b: {  	s28 =	simm.s32 $0x8A60;
	[sflag:s5] =	ssyncadd.s32 $0xFFFFFC00  }
0x63c: {  	s29 =	simm.s32 $0x7A60;
	v11 =	vld [tilespmem:s28+$0xFFFFFE10]  }
0x63d: {  	v12 =	vld [tilespmem:s29+$0xFFFFFE10]  }
0x63e: {  	v13 =	vld [tilespmem:s28+$0xFFFFFF10]  }
0x63f: {  	v14 =	vld [tilespmem:s29+$0xFFFFFF10]  }
0x640: {  	v15 =	vld [tilespmem:s28+$0x10]  }
0x641: {  	v17 =	vld [tilespmem:s29+$0x10];
	v16 =	vshll.u32 v11, $0x10  }
0x642: {  	v18 =	vld [tilespmem:s28+$0x110];
	v11 =	vand.u32 $0xFFFF0000, v11;
	v16 =	vmul.f32 v16, v12  }
0x643: {  	v19 =	vld [tilespmem:s29+$0x110];
	v11 =	vmul.f32 v11, v12;
	v12 =	vshll.u32 v13, $0x10  }
0x644: {  	v20 =	vld [tilespmem:s28+$0xFFFFFE00];
	v13 =	vand.u32 $0xFFFF0000, v13;
	v12 =	vmul.f32 v12, v14;
	v16 =	vadd.f32 $0.0e+00, v16  }
0x645: {  	v21 =	vld [tilespmem:s29+$0xFFFFFE00];
	v13 =	vmul.f32 v13, v14;
	v14 =	vshll.u32 v15, $0x10;
	v11 =	vadd.f32 $0.0e+00, v11  }
0x646: {  	v22 =	vld [tilespmem:s28+$0xFFFFFF00];
	v15 =	vand.u32 $0xFFFF0000, v15;
	v14 =	vmul.f32 v14, v17;
	v12 =	vadd.f32 v12, v16  }
0x647: {  	v16 =	vld [tilespmem:s29+$0xFFFFFF00];
	v11 =	vadd.f32 v13, v11;
	v13 =	vmul.f32 v15, v17;
	v15 =	vshll.u32 v18, $0x10  }
0x648: {  	v17 =	vld [tilespmem:s28+$0x0];
	v15 =	vmul.f32 v15, v19;
	v12 =	vadd.f32 v14, v12;
	v14 =	vand.u32 $0xFFFF0000, v18  }
0x649: {  	v23 =	vld [tilespmem:s29+$0x0];
	v18 =	vshll.u32 v20, $0x10;
	v11 =	vadd.f32 v13, v11;
	v13 =	vmul.f32 v14, v19  }
0x64a: {  	v14 =	vand.u32 $0xFFFF0000, v20;
	v18 =	vmul.f32 v18, v21;
	v19 =	vld [tilespmem:s28+$0x100];
	v12 =	vadd.f32 v15, v12  }
0x64b: {  	s30 =	simm.s32 $0x8A80;
	v20 =	vld [tilespmem:s29+$0x100];
	v14 =	vmul.f32 v14, v21;
	v15 =	vshll.u32 v22, $0x10;
	v21 =	vadd.f32 v13, v11  }
0x64c: {  	s3 =	simm.s32 $0x7A80;
	v11 =	vld [tilespmem:s30+$0xFFFFFE10];
	v13 =	vadd.f32 $0.0e+00, v18;
	v18 =	vand.u32 $0xFFFF0000, v22;
	v15 =	vmul.f32 v15, v16  }
0x64d: {  	v22 =	vld [tilespmem:s3+$0xFFFFFE10];
	v14 =	vadd.f32 $0.0e+00, v14;
	v16 =	vmul.f32 v18, v16;
	v18 =	vshll.u32 v17, $0x10  }
0x64e: {  	v24 =	vld [tilespmem:s30+$0xFFFFFF10];
	v13 =	vadd.f32 v15, v13;
	v15 =	vand.u32 $0xFFFF0000, v17;
	v17 =	vmul.f32 v18, v23  }
0x64f: {  	v18 =	vld [tilespmem:s3+$0xFFFFFF10];
	v14 =	vadd.f32 v16, v14;
	v15 =	vmul.f32 v15, v23;
	v16 =	vshll.u32 v19, $0x10  }
0x650: {  	v23 =	vld [tilespmem:s30+$0x10];
	v13 =	vadd.f32 v17, v13;
	v17 =	vand.u32 $0xFFFF0000, v19;
	v16 =	vmul.f32 v16, v20  }
0x651: {  	v25 =	vld [tilespmem:s3+$0x10];
	v19 =	vshll.u32 v11, $0x10;
	v14 =	vadd.f32 v15, v14;
	v15 =	vmul.f32 v17, v20  }
0x652: {  	v11 =	vand.u32 $0xFFFF0000, v11;
	v17 =	vmul.f32 v19, v22;
	v19 =	vld [tilespmem:s30+$0x110];
	v16 =	vadd.f32 v16, v13  }
0x653: {  	v20 =	vld [tilespmem:s3+$0x110];
	v11 =	vmul.f32 v11, v22;
	v13 =	vshll.u32 v24, $0x10;
	v22 =	vadd.f32 v15, v14  }
0x654: {  	v15 =	vld [tilespmem:s30+$0xFFFFFE00];
	v13 =	vmul.f32 v13, v18;
	v14 =	vadd.f32 $0.0e+00, v17;
	v17 =	vand.u32 $0xFFFF0000, v24  }
0x655: {  	v62 =	vld [tilespmem:s3+$0xFFFFFE00];
	v11 =	vadd.f32 $0.0e+00, v11;
	v17 =	vmul.f32 v17, v18;
	v18 =	vshll.u32 v23, $0x10  }
0x656: {  	v23 =	vand.u32 $0xFFFF0000, v23;
	v14 =	vadd.f32 v13, v14;
	v13 =	vld [tilespmem:s30+$0xFFFFFF00];
	v18 =	vmul.f32 v18, v25  }
0x657: {  	s25 =	simm.s32 $0x9270;
	v23 =	vmul.f32 v23, v25;
	v17 =	vadd.f32 v17, v11;
	v11 =	vld [tilespmem:s3+$0xFFFFFF00];
	v63 =	vshll.u32 v19, $0x10  }
0x658: {  	s13 =	simm.s32 $0x9670;
	[tilespmem:s25+$0x0] =	vst v12;
	v12 =	vld [tilespmem:s30+$0x0];
	v18 =	vadd.f32 v18, v14;
	v14 =	vand.u32 $0xFFFF0000, v19;
	v19 =	vmul.f32 v63, v20  }
0x659: {  	[tilespmem:s13+$0x0] =	vst v21;
	v21 =	vshll.u32 v15, $0x10;
	v17 =	vadd.f32 v23, v17;
	v23 =	vmul.f32 v14, v20;
	v14 =	vld [tilespmem:s3+$0x0]  }
0x65a: {  	[tilespmem:s25+$0xFFFFFFF0] =	vst v16;
	v16 =	vand.u32 $0xFFFF0000, v15;
	v15 =	vld [tilespmem:s30+$0x100];
	v20 =	vmul.f32 v21, v62;
	v18 =	vadd.f32 v19, v18  }
0x65b: {  	s26 =	simm.s32 $0x8AA0;
	s18 =	simm.s32 $0x9290;
	s25 =	simm.s32 $0x2;
	[tilespmem:s13+$0xFFFFFFF0] =	vst v22;
	v19 =	vmul.f32 v16, v62;
	v16 =	vld [tilespmem:s3+$0x100];
	v21 =	vshll.u32 v13, $0x10;
	v17 =	vadd.f32 v23, v17  }
.LBB2_16:
0x65c: {  	v22 =	vld [tilespmem:s26+$0xFFFFFE10];
	v20 =	vadd.f32 $0.0e+00, v20;
	v13 =	vand.u32 $0xFFFF0000, v13;
	v21 =	vmul.f32 v21, v11;
	[tilespmem:s18+$0x0] =	vst v18;
	s3 =	sadd.s32 $0x20, s3;
	s13 =	sadd.s32 $0x20, s13  }
0x65d: {  	s25 =	sadd.s32 $0x2, s25;
	v18 =	vld [tilespmem:s3+$0xFFFFFE10];
	v19 =	vadd.f32 $0.0e+00, v19;
	v11 =	vmul.f32 v13, v11;
	v13 =	vshll.u32 v12, $0x10;
	[tilespmem:s13+$0x0] =	vst v17  }
0x65e: {  	p0 =	slt.u32 s25, $0xE;
	v12 =	vand.u32 $0xFFFF0000, v12;
	v17 =	vld [tilespmem:s26+$0xFFFFFF10];
	v20 =	vadd.f32 v21, v20;
	v13 =	vmul.f32 v13, v14  }
0x65f: {  	v12 =	vmul.f32 v12, v14;
	v21 =	vld [tilespmem:s3+$0xFFFFFF10];
	v11 =	vadd.f32 v11, v19;
	v14 =	vshll.u32 v15, $0x10  }
0x660: {  	v15 =	vand.u32 $0xFFFF0000, v15;
	v19 =	vld [tilespmem:s26+$0x10];
	v13 =	vadd.f32 v13, v20;
	v14 =	vmul.f32 v14, v16  }
0x661: {  	v20 =	vshll.u32 v22, $0x10;
	v23 =	vld [tilespmem:s3+$0x10];
	v11 =	vadd.f32 v12, v11;
	v12 =	vmul.f32 v15, v16  }
0x662: {  	v15 =	vand.u32 $0xFFFF0000, v22;
	v16 =	vmul.f32 v20, v18;
	v20 =	vld [tilespmem:s26+$0x110];
	v13 =	vadd.f32 v14, v13  }
0x663: {  	v14 =	vmul.f32 v15, v18;
	v15 =	vshll.u32 v17, $0x10;
	v18 =	vld [tilespmem:s3+$0x110];
	v11 =	vadd.f32 v12, v11  }
0x664: {  	v22 =	vld [tilespmem:s26+$0xFFFFFE00];
	v12 =	vadd.f32 $0.0e+00, v16;
	v16 =	vand.u32 $0xFFFF0000, v17;
	v15 =	vmul.f32 v15, v21;
	[tilespmem:s18+$0xFFFFFFF0] =	vst v13  }
0x665: {  	v14 =	vadd.f32 $0.0e+00, v14;
	v17 =	vld [tilespmem:s3+$0xFFFFFE00];
	v16 =	vmul.f32 v16, v21;
	v21 =	vshll.u32 v19, $0x10;
	[tilespmem:s13+$0xFFFFFFF0] =	vst v11  }
0x666: {  	v13 =	vld [tilespmem:s26+$0xFFFFFF00];
	v15 =	vadd.f32 v15, v12;
	v12 =	vand.u32 $0xFFFF0000, v19;
	v19 =	vmul.f32 v21, v23  }
.Ltmp6:
0x667: {  	v11 =	vld [tilespmem:s3+$0xFFFFFF00];
	v16 =	vadd.f32 v16, v14;
	v21 =	vmul.f32 v12, v23;
	v14 =	vshll.u32 v20, $0x10;
	(pc) =	sbr.rel @p0 .LBB2_16-.Ltmp6, $4  }
0x668: {  	v12 =	vld [tilespmem:s26+$0x0];
	v19 =	vadd.f32 v19, v15;
	v15 =	vand.u32 $0xFFFF0000, v20;
	v23 =	vmul.f32 v14, v18  }
0x669: {  	v20 =	vshll.u32 v22, $0x10;
	v14 =	vld [tilespmem:s3+$0x0];
	v24 =	vadd.f32 v21, v16;
	v25 =	vmul.f32 v15, v18  }
0x66a: {  	v16 =	vand.u32 $0xFFFF0000, v22;
	v20 =	vmul.f32 v20, v17;
	v15 =	vld [tilespmem:s26+$0x100];
	v18 =	vadd.f32 v23, v19  }
0x66b: {  	s18 =	sadd.s32 $0x20, s18;
	v19 =	vmul.f32 v16, v17;
	s26 =	sadd.s32 $0x20, s26;
	v21 =	vshll.u32 v13, $0x10;
	v16 =	vld [tilespmem:s3+$0x100];
	v17 =	vadd.f32 v25, v24  }
0x66c: {  	v20 =	vadd.f32 $0.0e+00, v20;
	v13 =	vand.u32 $0xFFFF0000, v13;
	v21 =	vmul.f32 v21, v11  }
0x66d: {  	v19 =	vadd.f32 $0.0e+00, v19;
	v11 =	vmul.f32 v13, v11;
	v13 =	vshll.u32 v12, $0x10  }
0x66e: {  	v12 =	vand.u32 $0xFFFF0000, v12;
	v20 =	vadd.f32 v21, v20;
	v13 =	vmul.f32 v13, v14  }
0x66f: {  	v12 =	vmul.f32 v12, v14;
	v11 =	vadd.f32 v11, v19;
	v14 =	vshll.u32 v15, $0x10  }
0x670: {  	v15 =	vand.u32 $0xFFFF0000, v15;
	v13 =	vadd.f32 v13, v20;
	v14 =	vmul.f32 v14, v16  }
0x671: {  	v11 =	vadd.f32 v12, v11;
	v12 =	vmul.f32 v15, v16  }
0x672: {  	[tilespmem:s18+$0x0] =	vst v18;
	s3 =	sadd.s32 $0x20, s13;
	v13 =	vadd.f32 v14, v13  }
0x673: {  	[tilespmem:s3+$0x0] =	vst v17;
	v11 =	vadd.f32 v12, v11  }
0x674: {  	[tilespmem:s18+$0xFFFFFFF0] =	vst v13  }
0x675: {  	[tilespmem:s3+$0xFFFFFFF0] =	vst v11  }
0x676: {  	_ =	swait.ge [sflag:s2], $0x400  }
0x677: {  	[sflag:s2] =	ssyncset.done $0x0  }
0x678: {  	s28 =	simm.s32 $0x8E60;
	[sflag:s2] =	ssyncadd.s32 $0xFFFFFC00  }
0x679: {  	s29 =	simm.s32 $0x7E60;
	v11 =	vld [tilespmem:s28+$0xFFFFFE10]  }
0x67a: {  	v12 =	vld [tilespmem:s29+$0xFFFFFE10]  }
0x67b: {  	v13 =	vld [tilespmem:s28+$0xFFFFFF10]  }
0x67c: {  	v14 =	vld [tilespmem:s29+$0xFFFFFF10]  }
0x67d: {  	v15 =	vld [tilespmem:s28+$0x10]  }
0x67e: {  	v17 =	vld [tilespmem:s29+$0x10];
	v16 =	vshll.u32 v11, $0x10  }
0x67f: {  	v18 =	vld [tilespmem:s28+$0x110];
	v11 =	vand.u32 $0xFFFF0000, v11;
	v16 =	vmul.f32 v16, v12  }
0x680: {  	v19 =	vld [tilespmem:s29+$0x110];
	v11 =	vmul.f32 v11, v12;
	v12 =	vshll.u32 v13, $0x10  }
0x681: {  	v20 =	vld [tilespmem:s28+$0xFFFFFE00];
	v13 =	vand.u32 $0xFFFF0000, v13;
	v12 =	vmul.f32 v12, v14;
	v16 =	vadd.f32 $0.0e+00, v16  }
0x682: {  	v21 =	vld [tilespmem:s29+$0xFFFFFE00];
	v13 =	vmul.f32 v13, v14;
	v14 =	vshll.u32 v15, $0x10;
	v11 =	vadd.f32 $0.0e+00, v11  }
0x683: {  	v22 =	vld [tilespmem:s28+$0xFFFFFF00];
	v15 =	vand.u32 $0xFFFF0000, v15;
	v14 =	vmul.f32 v14, v17;
	v12 =	vadd.f32 v12, v16  }
0x684: {  	v16 =	vld [tilespmem:s29+$0xFFFFFF00];
	v11 =	vadd.f32 v13, v11;
	v13 =	vmul.f32 v15, v17;
	v15 =	vshll.u32 v18, $0x10  }
0x685: {  	v17 =	vld [tilespmem:s28+$0x0];
	v15 =	vmul.f32 v15, v19;
	v12 =	vadd.f32 v14, v12;
	v14 =	vand.u32 $0xFFFF0000, v18  }
0x686: {  	v23 =	vld [tilespmem:s29+$0x0];
	v18 =	vshll.u32 v20, $0x10;
	v11 =	vadd.f32 v13, v11;
	v13 =	vmul.f32 v14, v19  }
0x687: {  	v14 =	vand.u32 $0xFFFF0000, v20;
	v18 =	vmul.f32 v18, v21;
	v19 =	vld [tilespmem:s28+$0x100];
	v12 =	vadd.f32 v15, v12  }
0x688: {  	s30 =	simm.s32 $0x8E80;
	v20 =	vld [tilespmem:s29+$0x100];
	v14 =	vmul.f32 v14, v21;
	v15 =	vshll.u32 v22, $0x10;
	v21 =	vadd.f32 v13, v11  }
0x689: {  	s3 =	simm.s32 $0x7E80;
	v11 =	vld [tilespmem:s30+$0xFFFFFE10];
	v13 =	vadd.f32 $0.0e+00, v18;
	v18 =	vand.u32 $0xFFFF0000, v22;
	v15 =	vmul.f32 v15, v16  }
0x68a: {  	v22 =	vld [tilespmem:s3+$0xFFFFFE10];
	v14 =	vadd.f32 $0.0e+00, v14;
	v16 =	vmul.f32 v18, v16;
	v18 =	vshll.u32 v17, $0x10  }
0x68b: {  	v24 =	vld [tilespmem:s30+$0xFFFFFF10];
	v13 =	vadd.f32 v15, v13;
	v15 =	vand.u32 $0xFFFF0000, v17;
	v17 =	vmul.f32 v18, v23  }
0x68c: {  	v18 =	vld [tilespmem:s3+$0xFFFFFF10];
	v14 =	vadd.f32 v16, v14;
	v15 =	vmul.f32 v15, v23;
	v16 =	vshll.u32 v19, $0x10  }
0x68d: {  	v23 =	vld [tilespmem:s30+$0x10];
	v13 =	vadd.f32 v17, v13;
	v17 =	vand.u32 $0xFFFF0000, v19;
	v16 =	vmul.f32 v16, v20  }
0x68e: {  	v25 =	vld [tilespmem:s3+$0x10];
	v19 =	vshll.u32 v11, $0x10;
	v14 =	vadd.f32 v15, v14;
	v15 =	vmul.f32 v17, v20  }
0x68f: {  	v11 =	vand.u32 $0xFFFF0000, v11;
	v17 =	vmul.f32 v19, v22;
	v19 =	vld [tilespmem:s30+$0x110];
	v16 =	vadd.f32 v16, v13  }
0x690: {  	v20 =	vld [tilespmem:s3+$0x110];
	v11 =	vmul.f32 v11, v22;
	v13 =	vshll.u32 v24, $0x10;
	v22 =	vadd.f32 v15, v14  }
0x691: {  	v15 =	vld [tilespmem:s30+$0xFFFFFE00];
	v13 =	vmul.f32 v13, v18;
	v14 =	vadd.f32 $0.0e+00, v17;
	v17 =	vand.u32 $0xFFFF0000, v24  }
0x692: {  	v62 =	vld [tilespmem:s3+$0xFFFFFE00];
	v11 =	vadd.f32 $0.0e+00, v11;
	v17 =	vmul.f32 v17, v18;
	v18 =	vshll.u32 v23, $0x10  }
0x693: {  	v23 =	vand.u32 $0xFFFF0000, v23;
	v14 =	vadd.f32 v13, v14;
	v13 =	vld [tilespmem:s30+$0xFFFFFF00];
	v18 =	vmul.f32 v18, v25  }
0x694: {  	s25 =	simm.s32 $0x9370;
	v23 =	vmul.f32 v23, v25;
	v17 =	vadd.f32 v17, v11;
	v11 =	vld [tilespmem:s3+$0xFFFFFF00];
	v63 =	vshll.u32 v19, $0x10  }
0x695: {  	s13 =	simm.s32 $0x9770;
	[tilespmem:s25+$0x0] =	vst v12;
	v12 =	vld [tilespmem:s30+$0x0];
	v18 =	vadd.f32 v18, v14;
	v14 =	vand.u32 $0xFFFF0000, v19;
	v19 =	vmul.f32 v63, v20  }
0x696: {  	[tilespmem:s13+$0x0] =	vst v21;
	v21 =	vshll.u32 v15, $0x10;
	v17 =	vadd.f32 v23, v17;
	v23 =	vmul.f32 v14, v20;
	v14 =	vld [tilespmem:s3+$0x0]  }
0x697: {  	[tilespmem:s25+$0xFFFFFFF0] =	vst v16;
	v16 =	vand.u32 $0xFFFF0000, v15;
	v15 =	vld [tilespmem:s30+$0x100];
	v20 =	vmul.f32 v21, v62;
	v18 =	vadd.f32 v19, v18  }
0x698: {  	s26 =	simm.s32 $0x8EA0;
	s18 =	simm.s32 $0x9390;
	s25 =	simm.s32 $0x2;
	[tilespmem:s13+$0xFFFFFFF0] =	vst v22;
	v19 =	vmul.f32 v16, v62;
	v16 =	vld [tilespmem:s3+$0x100];
	v21 =	vshll.u32 v13, $0x10;
	v17 =	vadd.f32 v23, v17  }
.LBB2_18:
0x699: {  	v22 =	vld [tilespmem:s26+$0xFFFFFE10];
	v20 =	vadd.f32 $0.0e+00, v20;
	v13 =	vand.u32 $0xFFFF0000, v13;
	v21 =	vmul.f32 v21, v11;
	[tilespmem:s18+$0x0] =	vst v18;
	s3 =	sadd.s32 $0x20, s3;
	s13 =	sadd.s32 $0x20, s13  }
0x69a: {  	s25 =	sadd.s32 $0x2, s25;
	v18 =	vld [tilespmem:s3+$0xFFFFFE10];
	v19 =	vadd.f32 $0.0e+00, v19;
	v11 =	vmul.f32 v13, v11;
	v13 =	vshll.u32 v12, $0x10;
	[tilespmem:s13+$0x0] =	vst v17  }
0x69b: {  	p0 =	slt.u32 s25, $0xE;
	v12 =	vand.u32 $0xFFFF0000, v12;
	v17 =	vld [tilespmem:s26+$0xFFFFFF10];
	v20 =	vadd.f32 v21, v20;
	v13 =	vmul.f32 v13, v14  }
0x69c: {  	v12 =	vmul.f32 v12, v14;
	v21 =	vld [tilespmem:s3+$0xFFFFFF10];
	v11 =	vadd.f32 v11, v19;
	v14 =	vshll.u32 v15, $0x10  }
0x69d: {  	v15 =	vand.u32 $0xFFFF0000, v15;
	v19 =	vld [tilespmem:s26+$0x10];
	v13 =	vadd.f32 v13, v20;
	v14 =	vmul.f32 v14, v16  }
0x69e: {  	v20 =	vshll.u32 v22, $0x10;
	v23 =	vld [tilespmem:s3+$0x10];
	v11 =	vadd.f32 v12, v11;
	v12 =	vmul.f32 v15, v16  }
0x69f: {  	v15 =	vand.u32 $0xFFFF0000, v22;
	v16 =	vmul.f32 v20, v18;
	v20 =	vld [tilespmem:s26+$0x110];
	v13 =	vadd.f32 v14, v13  }
0x6a0: {  	v14 =	vmul.f32 v15, v18;
	v15 =	vshll.u32 v17, $0x10;
	v18 =	vld [tilespmem:s3+$0x110];
	v11 =	vadd.f32 v12, v11  }
0x6a1: {  	v22 =	vld [tilespmem:s26+$0xFFFFFE00];
	v12 =	vadd.f32 $0.0e+00, v16;
	v16 =	vand.u32 $0xFFFF0000, v17;
	v15 =	vmul.f32 v15, v21;
	[tilespmem:s18+$0xFFFFFFF0] =	vst v13  }
0x6a2: {  	v14 =	vadd.f32 $0.0e+00, v14;
	v17 =	vld [tilespmem:s3+$0xFFFFFE00];
	v16 =	vmul.f32 v16, v21;
	v21 =	vshll.u32 v19, $0x10;
	[tilespmem:s13+$0xFFFFFFF0] =	vst v11  }
0x6a3: {  	v13 =	vld [tilespmem:s26+$0xFFFFFF00];
	v15 =	vadd.f32 v15, v12;
	v12 =	vand.u32 $0xFFFF0000, v19;
	v19 =	vmul.f32 v21, v23  }
.Ltmp7:
0x6a4: {  	v11 =	vld [tilespmem:s3+$0xFFFFFF00];
	v16 =	vadd.f32 v16, v14;
	v21 =	vmul.f32 v12, v23;
	v14 =	vshll.u32 v20, $0x10;
	(pc) =	sbr.rel @p0 .LBB2_18-.Ltmp7, $4  }
0x6a5: {  	v12 =	vld [tilespmem:s26+$0x0];
	v19 =	vadd.f32 v19, v15;
	v15 =	vand.u32 $0xFFFF0000, v20;
	v23 =	vmul.f32 v14, v18  }
0x6a6: {  	v20 =	vshll.u32 v22, $0x10;
	v14 =	vld [tilespmem:s3+$0x0];
	v24 =	vadd.f32 v21, v16;
	v25 =	vmul.f32 v15, v18  }
0x6a7: {  	v16 =	vand.u32 $0xFFFF0000, v22;
	v20 =	vmul.f32 v20, v17;
	v15 =	vld [tilespmem:s26+$0x100];
	v18 =	vadd.f32 v23, v19  }
0x6a8: {  	s18 =	sadd.s32 $0x20, s18;
	v19 =	vmul.f32 v16, v17;
	s26 =	sadd.s32 $0x20, s26;
	v21 =	vshll.u32 v13, $0x10;
	v16 =	vld [tilespmem:s3+$0x100];
	v17 =	vadd.f32 v25, v24  }
0x6a9: {  	v20 =	vadd.f32 $0.0e+00, v20;
	v13 =	vand.u32 $0xFFFF0000, v13;
	v21 =	vmul.f32 v21, v11  }
0x6aa: {  	v19 =	vadd.f32 $0.0e+00, v19;
	v11 =	vmul.f32 v13, v11;
	v59 =	vshll.u32 v12, $0x10  }
0x6ab: {  	v60 =	vand.u32 $0xFFFF0000, v12;
	v20 =	vadd.f32 v21, v20;
	v13 =	vmul.f32 v59, v14  }
0x6ac: {  	v12 =	vmul.f32 v60, v14;
	v11 =	vadd.f32 v11, v19;
	v61 =	vshll.u32 v15, $0x10  }
0x6ad: {  	v62 =	vand.u32 $0xFFFF0000, v15;
	v13 =	vadd.f32 v13, v20;
	v14 =	vmul.f32 v61, v16  }
0x6ae: {  	v63 =	vmul.f32 v62, v16;
	v11 =	vadd.f32 v12, v11  }
0x6af: {  	[tilespmem:s18+$0x0] =	vst v18;
	s3 =	sadd.s32 $0x20, s13;
	s24 =	sor.u32 s24, s10;
	s25 =	rddreg [dreg:$0x6];
	v13 =	vadd.f32 v14, v13  }
0x6b0: {  	s28 =	simm.s32 $0x9060;
	s30 =	simm.s32 $0x9460;
	s12 =	sadd.s32 $0x1, s12;
	[tilespmem:s3+$0x0] =	vst v17;
	v11 =	vadd.f32 v63, v11  }
0x6b1: {  	s4 =	sadd.s32 $0x400, s4;
	s17 =	sadd.s32 $0x400, s17;
	s13 =	sshrl.u32 s24, $0x3;
	[tilespmem:s18+$0xFFFFFFF0] =	vst v13  }
0x6b2: {  	s1 =	sadd.s32 $0x400, s1;
	s8 =	sadd.s32 $0x400, s8;
	s26 =	sadd.s32 s25, s13;
	[tilespmem:s3+$0xFFFFFFF0] =	vst v11  }
0x6b3: {  	[hbm4b:s26+s7] =	stream.linear.scatter [tilespmem:s28], [sflag:$0x5], $0x400, $0x38;
	[tilespmem:$0x11860] =	vst v63  }
0x6b4: {  	s11 =	sadd.s32 $0x400, s11;
	s19 =	sadd.s32 $0x400, s19;
	_ =	swait.ge [sflag:s15], $0x400  }
0x6b5: {  	p0 =	sne.s32 s12, $0x8;
	s29 =	sor.u32 $0x8000, s13;
	[sflag:s15] =	ssyncset.done $0x0  }
.Ltmp8:
0x6b6: {  	s3 =	sadd.s32 s25, s29;
	[sflag:s15] =	ssyncadd.s32 $0xFFFFFC00;
	(pc) =	sbr.rel @p0 .LBB2_3-.Ltmp8, $4  }
0x6b7: {  	[hbm4b:s3+s7] =	stream.linear.scatter [tilespmem:s30], [sflag:$0x5], $0x400, $0x38;
	[tilespmem:$0x11860] =	vst v63  }
0x6b8: {  	s20 =	sadd.s32 $0x400, s20;
	s14 =	sadd.s32 $0x400, s14;
	_ =	swait.ge [sflag:s15], $0x400  }
0x6b9: {  	s16 =	sadd.s32 $0x400, s16;
	s9 =	sadd.s32 $0x400, s9;
	[sflag:s15] =	ssyncset.done $0x0  }
0x6ba: {  	s22 =	sadd.s32 $0x400, s22;
	s23 =	sadd.s32 $0x400, s23;
	[sflag:s15] =	ssyncadd.s32 $0xFFFFFC00  }
0x6bb: {  	s9 =	rddreg [dreg:$0x12]  }
0x6bc: {  	s9 =	sadd.s32 $0x1, s9  }
0x6bd: {  	p0 =	sne.s32 s9, $0x10  }
.Ltmp9:
0x6be: {  	_ = 	snop;
	(pc) =	sbr.rel @p0 .LBB2_2-.Ltmp9, $2  }
0x6bf: {  	_ =	sdelay $0x1  }
0x6c0: {  	[bflag:$0x0] =	sbarrier.arrive $0xFFFF;
	_ =	sdelay $0x1  }
0x6c1: {  	s3 =	rddreg [dreg:$0x11]  }
0x6c2: {  	s1 =	rddreg [dreg:$0xe];
	s3 =	sadd.s32 $0x1, s3  }
0x6c3: {  	p0 =	sne.s32 s3, s1  }
.Ltmp10:
0x6c4: {  	_ = 	snop;
	(pc) =	sbr.rel @p0 .LBB2_1-.Ltmp10, $1  }
0x6c5: {  	_ =	sdelay $0x3  }
0x6c6: {  	_ =	sfence.sel $0x180000  }
0x6c7: {  	[bflag:$0x0] =	sbarrier.arrive $0xFFFF  }
0x6c8: {  	_ =	strace $0x90000047  }
0x6c9: {  	s0 =	stileid.u32;
	[bflag:$0x2] =	sbarrier.arrive $0xFFFF  }
0x6ca: {  	p0 =	sne.s32 s0, $0x0;
	s0 =	rddreg [dreg:$0x8]  }
0x6cb: {  	s0 =	sadd.s32 @!p0 $0x100000, s0  }
0x6cc: {  	[sflag:s0] =	ssyncadd.tile.s32 @!p0 $0x1;
	_ =	shalt  }
.Lfunc_end2:
_tile_overlayer_lowered:
.L_overlay_start_2:
0x6cd: {  	(tag) =	ssettag $0x2  }
0x6ce: {  	s0 =	rddreg [dreg:$0x0];
	s2 =	stileid.u32  }
0x6cf: {  	s1 =	rddreg [dreg:$0x1];
	p0 =	sne.s32 s2, $0x0  }
0x6d0: {  	s3 =	rddreg [dreg:$0x2];
	[bflag:$0x3] =	sbarrier.arrive $0xFFFF;
	s2 =	simm.s32 @!p0 $0x1C05  }
0x6d1: {  	[timem:s3], [sflag:s2] =	dma.local @!p0 [hbm:s0], s1  }
0x6d2: {  	s0 =	simm.s32 @!p0 $0x5  }
0x6d3: {  	_ =	swait.ge @!p0 [sflag:s0], s1  }
0x6d4: {  	s1 =	ssub.s32 @!p0 $0x0, s1;
	[sflag:s0] =	ssyncset.done @!p0 $0x0  }
0x6d5: {  	[sflag:s0] =	ssyncadd.s32 @!p0 s1  }
0x6d6: {  	[bflag:$0x3] =	sbarrier.arrive $0xFFFF  }
0x6d7: {  	_ =	shalt  }

</sc_bundles>
